<compile_context>
chip_gen: v7x
topology: tpu7x:2x2x1
jax: 0.10.2.dev20260603
libtpu: 0.0.44.dev20260713+nightly
codegen_flags: <defaults>
</compile_context>

<pallas_src>
import jax
import jax.numpy as jnp
from jax import lax
from jax.experimental import pallas as pl
from jax.experimental.pallas import tpu as pltpu
from jax.experimental.pallas import tpu_sc as plsc

B, H, W, R = 8, 256, 256, 5000
NW = 32
RPW = 160
RPAD = NW * RPW
GS = 4
NG = RPW // GS
NP = RPW // 16

_F32 = jnp.float32
_I32 = jnp.int32


def _roi_body(fmap_hbm, rois_hbm, out_hbm, params_v, XlS, XrS, YtS, YbS,
              rXS, rYS, colS, rowS, idx_v, buf_v, out_v, sem_a, sem_b):
    wid = lax.axis_index("s") * 2 + lax.axis_index("c")
    pltpu.sync_copy(rois_hbm.at[wid], params_v)

    lane = lax.iota(_I32, 16)
    inv7 = _F32(1.0) / _F32(7.0)
    zero16 = lane * 0

    i_st, j_st, tj64 = [], [], []
    for v in range(4):
        m = lane + (16 * v)
        j = jnp.minimum(m // 7, 6)
        i = jnp.minimum(m - 7 * j, 6)
        i_st.append(i)
        j_st.append(j)
        tj64.append(j * 64)

    r8j_st, off_st = [], []
    for n in range(7):
        e = lane + (16 * n)
        r_e = e // 28
        rem = e - 28 * r_e
        t_e = rem >> 1
        r8j_st.append(r_e * 8 + (t_e >> 1))
        off_st.append((t_e & 1) * 16 + (rem & 1))

    def precompute(p, carry, sem=None):
        qv = lane + p * 16
        pidx = qv * 5
        b = plsc.load_gather(params_v, [pidx]).astype(_I32)
        x1 = plsc.load_gather(params_v, [pidx + 1])
        y1 = plsc.load_gather(params_v, [pidx + 2])
        rw = plsc.load_gather(params_v, [pidx + 3])
        rh = plsc.load_gather(params_v, [pidx + 4])
        dx = (x1 + rw) - x1
        dy = (y1 + rh) - y1
        c0 = x1.astype(_I32) >> 4
        c016 = c0 << 4
        rowb = b * 4096 + c0
        sidx = qv * 8
        for i in range(7):
            ti = jnp.float32(i) * inv7
            ti1 = jnp.float32(i + 1) * inv7
            gx0 = x1 + dx * ti
            gx1 = x1 + dx * ti1
            xl = gx0.astype(_I32)
            xr = gx1.astype(_I32)
            xr = jnp.where(gx1 > xr.astype(_F32), xr + 1, xr)
            si = sidx + i
            Xl = gx0 - xl.astype(_F32)
            Xr = xr.astype(_F32) - gx0
            plsc.store_scatter(XlS, [si], Xl)
            plsc.store_scatter(XrS, [si], Xr)
            plsc.store_scatter(rXS, [si], 1.0 / (Xl + Xr))
            plsc.store_scatter(colS, [si], xl - c016)
        for j in range(7):
            tj = jnp.float32(j) * inv7
            tj1 = jnp.float32(j + 1) * inv7
            gy0 = y1 + dy * tj
            gy1 = y1 + dy * tj1
            yt = gy0.astype(_I32)
            yb = gy1.astype(_I32)
            yb = jnp.where(gy1 > yb.astype(_F32), yb + 1, yb)
            sj = sidx + j
            Yt = gy0 - yt.astype(_F32)
            Yb = yb.astype(_F32) - gy0
            plsc.store_scatter(YtS, [sj], Yt)
            plsc.store_scatter(YbS, [sj], Yb)
            plsc.store_scatter(rYS, [sj], 1.0 / (Yt + Yb))
            plsc.store_scatter(rowS, [sj], rowb + (yt << 4))
        for gg in range(4):
            gid = p * 4 + gg
            sbase = zero16 + (p * 128 + gg * 32)
            for n in range(7):
                row = plsc.load_gather(rowS, [sbase + r8j_st[n]])
                idx_v[gid, pl.ds(16 * n, 16)] = row + off_st[n]
            pltpu.async_copy(
                fmap_hbm.at[idx_v.at[gid]],
                buf_v.at[pl.ds(gid * 112, 112)],
                sem,
            )
        return carry

    import functools as _ft
    lax.fori_loop(0, NP // 2, _ft.partial(precompute, sem=sem_a), 0)
    lax.fori_loop(NP // 2, NP, _ft.partial(precompute, sem=sem_b), 0)

    HALF = RPW * 28 // 2

    def compute_roi(q, carry):
        q8 = q * 8
        bb = zero16 + q * 448
        for v in range(4):
            xidx = q8 + i_st[v]
            yidx = q8 + j_st[v]
            col = plsc.load_gather(colS, [xidx])
            Xl = plsc.load_gather(XlS, [xidx])
            Xr = plsc.load_gather(XrS, [xidx])
            rX = plsc.load_gather(rXS, [xidx])
            Yt = plsc.load_gather(YtS, [yidx])
            Yb = plsc.load_gather(YbS, [yidx])
            rY = plsc.load_gather(rYS, [yidx])
            b00 = (bb + tj64[v]) + col
            b01 = b00 + 1
            b10 = b00 + 32
            b11 = b00 + 33
            f00 = plsc.load_gather(buf_v, [b00 >> 4, b00 & 15])
            f01 = plsc.load_gather(buf_v, [b01 >> 4, b01 & 15])
            f10 = plsc.load_gather(buf_v, [b10 >> 4, b10 & 15])
            f11 = plsc.load_gather(buf_v, [b11 >> 4, b11 & 15])
            XrYb = Xr * Yb
            XlYb = Xl * Yb
            XrYt = Xr * Yt
            XlYt = Xl * Yt
            num = f00 * XrYb + f01 * XlYb + f10 * XrYt + f11 * XlYt
            out_v[q, pl.ds(16 * v, 16)] = (num * rX) * rY
        return carry

    pltpu.make_async_copy(
        fmap_hbm.at[pl.ds(0, HALF)], buf_v.at[pl.ds(0, HALF)], sem_a
    ).wait()
    lax.fori_loop(0, RPW // 2, compute_roi, 0, unroll=2)
    pltpu.make_async_copy(
        fmap_hbm.at[pl.ds(0, HALF)], buf_v.at[pl.ds(HALF, HALF)], sem_b
    ).wait()
    lax.fori_loop(RPW // 2, RPW, compute_roi, 0, unroll=2)
    pltpu.sync_copy(out_v, out_hbm.at[wid])


def _build_kernel():
    mesh = plsc.VectorSubcoreMesh(core_axis_name="c", subcore_axis_name="s")
    return pl.kernel(
        _roi_body,
        mesh=mesh,
        out_type=jax.ShapeDtypeStruct((NW, RPW, 64), _F32),
        scratch_types=[
            pltpu.VMEM((RPW * 5,), _F32),
            pltpu.VMEM((RPW * 8,), _F32),
            pltpu.VMEM((RPW * 8,), _F32),
            pltpu.VMEM((RPW * 8,), _F32),
            pltpu.VMEM((RPW * 8,), _F32),
            pltpu.VMEM((RPW * 8,), _F32),
            pltpu.VMEM((RPW * 8,), _F32),
            pltpu.VMEM((RPW * 8,), _I32),
            pltpu.VMEM((RPW * 8,), _I32),
            pltpu.VMEM((NG, GS * 28), _I32),
            pltpu.VMEM((RPW * 28, 16), _F32),
            pltpu.VMEM((RPW, 64), _F32),
            pltpu.SemaphoreType.DMA,
            pltpu.SemaphoreType.DMA,
        ],
        compiler_params=pltpu.CompilerParams(
            needs_layout_passes=False,
            use_tc_tiling_on_sc=False,
            disable_bounds_checks=True,
            disable_semaphore_checks=True,
        ),
    )


_sc_roi_align = _build_kernel()


def kernel(feature_map, rois):
    fm_chunks = feature_map.reshape(B * H * W // 16, 16)
    dummy = jnp.broadcast_to(
        jnp.array([0.0, 0.0, 0.0, 8.0, 8.0], _F32), (RPAD - R, 5)
    )
    rois_g = jnp.concatenate([rois, dummy], axis=0).reshape(NW, RPW * 5)
    out = _sc_roi_align(fm_chunks, rois_g)
    return out.reshape(RPAD, 64)[:R, :49].reshape(R, 7, 7)

# --- scband reference (transcript-rebuilt; emitter-appended) ---
"""Pipeline reference for scband-roi-align-43542378447408 (READ-ONLY COPY).

The authoritative reference and input builder live on the scoring server;
editing this copy changes nothing except your own understanding.
"""

import jax, jax.numpy as jnp
import numpy as np

B, H, W, R = 8, 256, 256, 5000
POOL = (7, 7)


def setup_inputs(seed: int = 0):
    key = jax.random.key(seed)
    k1, k2, k3, k4, k5, k6 = jax.random.split(key, 6)
    feature_map = jax.random.normal(k1, (B, H, W), dtype=jnp.float32)
    bidx = jax.random.randint(k2, (R,), 0, B).astype(jnp.float32)
    w = jax.random.uniform(k3, (R,), minval=8.0, maxval=16.0, dtype=jnp.float32)
    h = jax.random.uniform(k4, (R,), minval=8.0, maxval=16.0, dtype=jnp.float32)
    x1 = jax.random.uniform(k5, (R,), dtype=jnp.float32) * (W - 2.0 - w)
    y1 = jax.random.uniform(k6, (R,), dtype=jnp.float32) * (H - 2.0 - h)
    rois = jnp.stack([bidx, x1, y1, w, h], axis=1)
    return {"feature_map": feature_map, "rois": rois}


def _roi_align(feature_map, rois):
    px, py = POOL
    b_idx = rois[:, 0].astype(jnp.int32)
    r = rois[:, 1:]
    x1 = r[:, 0]
    y1 = r[:, 1]
    rw = r[:, 2]
    rh = r[:, 3]
    x2 = x1 + rw
    y2 = y1 + rh
    # tf.linspace(x1, x2, px+1) per roi
    tx = jnp.linspace(0.0, 1.0, px + 1, dtype=jnp.float32)
    ty = jnp.linspace(0.0, 1.0, py + 1, dtype=jnp.float32)
    grid_x = x1[:, None] + (x2 - x1)[:, None] * tx[None, :]
    grid_y = y1[:, None] + (y2 - y1)[:, None] * ty[None, :]
    gx0 = grid_x[:, :px]
    gx1 = grid_x[:, 1:]
    gy0 = grid_y[:, :py]
    gy1 = grid_y[:, 1:]
    x_left = jnp.floor(gx0).astype(jnp.int32)
    x_right = jnp.ceil(gx1).astype(jnp.int32)
    y_top = jnp.floor(gy0).astype(jnp.int32)
    y_bottom = jnp.ceil(gy1).astype(jnp.int32)
    x_l = gx0 - x_left.astype(jnp.float32)
    x_r = x_right.astype(jnp.float32) - gx0
    y_t = gy0 - y_top.astype(jnp.float32)
    y_b = y_bottom.astype(jnp.float32) - gy0
    bI = b_idx[:, None, None]
    yT = y_top[:, :, None]
    xL = x_left[:, None, :]
    # bin_features[0,0], [0,1], [1,0], [1,1] of feature_map[b, y_top:y_bottom, x_left:x_right]
    f00 = feature_map[bI, yT, xL]
    f01 = feature_map[bI, yT, xL + 1]
    f10 = feature_map[bI, yT + 1, xL]
    f11 = feature_map[bI, yT + 1, xL + 1]
    Xl = x_l[:, None, :]
    Xr = x_r[:, None, :]
    Yt = y_t[:, :, None]
    Yb = y_b[:, :, None]
    out = (f00 * Xr * Yb + f01 * Xl * Yb + f10 * Xr * Yt + f11 * Xl * Yt) / ((Xl + Xr) * (Yt + Yb))
    return out  # [R, py, px]


def reference(feature_map, rois):
    return _roi_align(feature_map, rois)

if __name__ == "__main__":
    import jax
    _d = setup_inputs()
    print(jax.jit(kernel)(*tuple(_d.values())))

</pallas_src>

<mosaic_0001>
#map = affine_map<(d0, d1) -> (0, 0)>
#map1 = affine_map<(d0, d1) -> (0, 0, 0)>
module attributes {stable_mosaic.version = 14 : i64} {
  func.func @_roi_body(%arg0: i32, %arg1: i32, %arg2: memref<32768x16xf32, #tpu.memory_space<hbm>>, %arg3: memref<32x800xf32, #tpu.memory_space<hbm>>, %arg4: memref<32x160x64xf32, #tpu.memory_space<hbm>>, %arg5: memref<800xf32, #tpu.memory_space<vmem>>, %arg6: memref<1280xf32, #tpu.memory_space<vmem>>, %arg7: memref<1280xf32, #tpu.memory_space<vmem>>, %arg8: memref<1280xf32, #tpu.memory_space<vmem>>, %arg9: memref<1280xf32, #tpu.memory_space<vmem>>, %arg10: memref<1280xf32, #tpu.memory_space<vmem>>, %arg11: memref<1280xf32, #tpu.memory_space<vmem>>, %arg12: memref<1280xi32, #tpu.memory_space<vmem>>, %arg13: memref<1280xi32, #tpu.memory_space<vmem>>, %arg14: memref<40x112xi32, #tpu.memory_space<vmem>>, %arg15: memref<4480x16xf32, #tpu.memory_space<vmem>>, %arg16: memref<160x64xf32, #tpu.memory_space<vmem>>, %arg17: memref<!tpu.dma_semaphore, #tpu.memory_space<semaphore_mem>>, %arg18: memref<!tpu.dma_semaphore, #tpu.memory_space<semaphore_mem>>) attributes {dimension_semantics = [#tpu.dimension_semantics<core_parallel>, #tpu.dimension_semantics<subcore_parallel>], iteration_bounds = array<i64: 2, 16>, scalar_prefetch = 0 : i64, scratch_operands = 14 : i64, tpu.core_type = #tpu.core_type<sc_vector_subcore>, window_params = [{transform_indices = #map}, {transform_indices = #map}, {transform_indices = #map1}]} {
    %mul3A = arith.constant 2 : i32
    %mul3A_0 = arith.muli %arg1, %mul3A : i32
    %add3A = arith.addi %mul3A_0, %arg0 : i32
    "tpu.region"() ({
      %run_scoped3A = tpu.sem_alloc : memref<!tpu.dma_semaphore, #tpu.memory_space<semaphore_mem>>
      %dma_start3A = arith.constant 0 : i32
      %dma_start3A_637 = tpu.memref_slice %arg3[%add3A, %dma_start3A] : memref<32x800xf32, #tpu.memory_space<hbm>> -> memref<1x800xf32, #tpu.memory_space<hbm>>
      %dma_start3A_638 = tpu.memref_squeeze %dma_start3A_637 : memref<1x800xf32, #tpu.memory_space<hbm>> -> memref<800xf32, #tpu.memory_space<hbm>>
      %dma_start3A_639 = arith.constant 0 : i32
      %dma_start3A_640 = tpu.memref_slice %arg3[%add3A, %dma_start3A_639] : memref<32x800xf32, #tpu.memory_space<hbm>> -> memref<1x800xf32, #tpu.memory_space<hbm>>
      %dma_start3A_641 = tpu.memref_squeeze %dma_start3A_640 : memref<1x800xf32, #tpu.memory_space<hbm>> -> memref<800xf32, #tpu.memory_space<hbm>>
      tpu.enqueue_dma source(%dma_start3A_641 : memref<800xf32, #tpu.memory_space<hbm>>) target(%arg5 : memref<800xf32, #tpu.memory_space<vmem>>) target_semaphore(%run_scoped3A : memref<!tpu.dma_semaphore, #tpu.memory_space<semaphore_mem>>)
      %dma_wait3A_642 = arith.constant 0 : i32
      %dma_wait3A_643 = tpu.memref_slice %arg3[%add3A, %dma_wait3A_642] : memref<32x800xf32, #tpu.memory_space<hbm>> -> memref<1x800xf32, #tpu.memory_space<hbm>>
      %dma_wait3A_644 = tpu.memref_squeeze %dma_wait3A_643 : memref<1x800xf32, #tpu.memory_space<hbm>> -> memref<800xf32, #tpu.memory_space<hbm>>
      %dma_wait3A_645 = arith.constant 0 : i32
      %dma_wait3A_646 = tpu.memref_slice %arg3[%add3A, %dma_wait3A_645] : memref<32x800xf32, #tpu.memory_space<hbm>> -> memref<1x800xf32, #tpu.memory_space<hbm>>
      %dma_wait3A_647 = tpu.memref_squeeze %dma_wait3A_646 : memref<1x800xf32, #tpu.memory_space<hbm>> -> memref<800xf32, #tpu.memory_space<hbm>>
      tpu.wait_dma2 semaphore(%run_scoped3A : memref<!tpu.dma_semaphore, #tpu.memory_space<semaphore_mem>>) src(%dma_wait3A_647 : memref<800xf32, #tpu.memory_space<hbm>>) dst(%arg5 : memref<800xf32, #tpu.memory_space<vmem>>)
      tpu.yield
    }) : () -> ()
    %iota3A = tpu.iota {dimensions = array<i32: 0>} : vector<16xi32>
    %div3A = arith.constant 1.000000e+00 : f32
    %div3A_1 = arith.constant 7.000000e+00 : f32
    %div3A_2 = arith.divf %div3A, %div3A_1 : f32
    %mul3A_3 = arith.constant 0 : i32
    %mul3A_4 = vector.broadcast %mul3A_3 : i32 to vector<16xi32>
    %mul3A_5 = arith.muli %iota3A, %mul3A_4 : vector<16xi32>
    %add3A_6 = arith.constant 0 : i32
    %add3A_7 = vector.broadcast %add3A_6 : i32 to vector<16xi32>
    %add3A_8 = arith.addi %iota3A, %add3A_7 : vector<16xi32>
    %jit3A = arith.constant 7 : i32
    %div3A_9 = vector.broadcast %jit3A : i32 to vector<16xi32>
    %div3A_10 = arith.divsi %add3A_8, %div3A_9 : vector<16xi32>
    %sign3A = arith.constant 0 : i32
    %sign3A_11 = vector.broadcast %sign3A : i32 to vector<16xi32>
    %sign3A_12 = arith.cmpi sgt, %add3A_8, %sign3A_11 : vector<16xi32>
    %sign3A_13 = arith.extui %sign3A_12 : vector<16xi1> to vector<16xi32>
    %sign3A_14 = arith.constant 0 : i32
    %sign3A_15 = vector.broadcast %sign3A_14 : i32 to vector<16xi32>
    %sign3A_16 = arith.cmpi slt, %add3A_8, %sign3A_15 : vector<16xi32>
    %sign3A_17 = arith.extui %sign3A_16 : vector<16xi1> to vector<16xi32>
    %sign3A_18 = arith.subi %sign3A_13, %sign3A_17 : vector<16xi32>
    %sign3A_19 = arith.constant 0 : i32
    %sign3A_20 = arith.cmpi sgt, %jit3A, %sign3A_19 : i32
    %sign3A_21 = arith.extui %sign3A_20 : i1 to i32
    %sign3A_22 = arith.constant 0 : i32
    %sign3A_23 = arith.cmpi slt, %jit3A, %sign3A_22 : i32
    %sign3A_24 = arith.extui %sign3A_23 : i1 to i32
    %sign3A_25 = arith.subi %sign3A_21, %sign3A_24 : i32
    %ne3A = vector.broadcast %sign3A_25 : i32 to vector<16xi32>
    %ne3A_26 = arith.cmpi ne, %sign3A_18, %ne3A : vector<16xi32>
    %rem3A = vector.broadcast %jit3A : i32 to vector<16xi32>
    %rem3A_27 = arith.remsi %add3A_8, %rem3A : vector<16xi32>
    %ne3A_28 = arith.constant 0 : i32
    %ne3A_29 = vector.broadcast %ne3A_28 : i32 to vector<16xi32>
    %ne3A_30 = arith.cmpi ne, %rem3A_27, %ne3A_29 : vector<16xi32>
    %and3A = arith.andi %ne3A_26, %ne3A_30 : vector<16xi1>
    %sub3A = arith.constant 1 : i32
    %sub3A_31 = vector.broadcast %sub3A : i32 to vector<16xi32>
    %sub3A_32 = arith.subi %div3A_10, %sub3A_31 : vector<16xi32>
    %select_n3A = arith.select %and3A, %sub3A_32, %div3A_10 : vector<16xi1>, vector<16xi32>
    %min3A = arith.constant 6 : i32
    %min3A_33 = vector.broadcast %min3A : i32 to vector<16xi32>
    %min3A_34 = arith.minsi %select_n3A, %min3A_33 : vector<16xi32>
    %mul3A_35 = arith.constant 7 : i32
    %mul3A_36 = vector.broadcast %mul3A_35 : i32 to vector<16xi32>
    %mul3A_37 = arith.muli %mul3A_36, %min3A_34 : vector<16xi32>
    %sub3A_38 = arith.subi %add3A_8, %mul3A_37 : vector<16xi32>
    %min3A_39 = arith.constant 6 : i32
    %min3A_40 = vector.broadcast %min3A_39 : i32 to vector<16xi32>
    %min3A_41 = arith.minsi %sub3A_38, %min3A_40 : vector<16xi32>
    %mul3A_42 = arith.constant 64 : i32
    %mul3A_43 = vector.broadcast %mul3A_42 : i32 to vector<16xi32>
    %mul3A_44 = arith.muli %min3A_34, %mul3A_43 : vector<16xi32>
    %add3A_45 = arith.constant 16 : i32
    %add3A_46 = vector.broadcast %add3A_45 : i32 to vector<16xi32>
    %add3A_47 = arith.addi %iota3A, %add3A_46 : vector<16xi32>
    %jit3A_48 = arith.constant 7 : i32
    %div3A_49 = vector.broadcast %jit3A_48 : i32 to vector<16xi32>
    %div3A_50 = arith.divsi %add3A_47, %div3A_49 : vector<16xi32>
    %sign3A_51 = arith.constant 0 : i32
    %sign3A_52 = vector.broadcast %sign3A_51 : i32 to vector<16xi32>
    %sign3A_53 = arith.cmpi sgt, %add3A_47, %sign3A_52 : vector<16xi32>
    %sign3A_54 = arith.extui %sign3A_53 : vector<16xi1> to vector<16xi32>
    %sign3A_55 = arith.constant 0 : i32
    %sign3A_56 = vector.broadcast %sign3A_55 : i32 to vector<16xi32>
    %sign3A_57 = arith.cmpi slt, %add3A_47, %sign3A_56 : vector<16xi32>
    %sign3A_58 = arith.extui %sign3A_57 : vector<16xi1> to vector<16xi32>
    %sign3A_59 = arith.subi %sign3A_54, %sign3A_58 : vector<16xi32>
    %sign3A_60 = arith.constant 0 : i32
    %sign3A_61 = arith.cmpi sgt, %jit3A_48, %sign3A_60 : i32
    %sign3A_62 = arith.extui %sign3A_61 : i1 to i32
    %sign3A_63 = arith.constant 0 : i32
    %sign3A_64 = arith.cmpi slt, %jit3A_48, %sign3A_63 : i32
    %sign3A_65 = arith.extui %sign3A_64 : i1 to i32
    %sign3A_66 = arith.subi %sign3A_62, %sign3A_65 : i32
    %ne3A_67 = vector.broadcast %sign3A_66 : i32 to vector<16xi32>
    %ne3A_68 = arith.cmpi ne, %sign3A_59, %ne3A_67 : vector<16xi32>
    %rem3A_69 = vector.broadcast %jit3A_48 : i32 to vector<16xi32>
    %rem3A_70 = arith.remsi %add3A_47, %rem3A_69 : vector<16xi32>
    %ne3A_71 = arith.constant 0 : i32
    %ne3A_72 = vector.broadcast %ne3A_71 : i32 to vector<16xi32>
    %ne3A_73 = arith.cmpi ne, %rem3A_70, %ne3A_72 : vector<16xi32>
    %and3A_74 = arith.andi %ne3A_68, %ne3A_73 : vector<16xi1>
    %sub3A_75 = arith.constant 1 : i32
    %sub3A_76 = vector.broadcast %sub3A_75 : i32 to vector<16xi32>
    %sub3A_77 = arith.subi %div3A_50, %sub3A_76 : vector<16xi32>
    %select_n3A_78 = arith.select %and3A_74, %sub3A_77, %div3A_50 : vector<16xi1>, vector<16xi32>
    %min3A_79 = arith.constant 6 : i32
    %min3A_80 = vector.broadcast %min3A_79 : i32 to vector<16xi32>
    %min3A_81 = arith.minsi %select_n3A_78, %min3A_80 : vector<16xi32>
    %mul3A_82 = arith.constant 7 : i32
    %mul3A_83 = vector.broadcast %mul3A_82 : i32 to vector<16xi32>
    %mul3A_84 = arith.muli %mul3A_83, %min3A_81 : vector<16xi32>
    %sub3A_85 = arith.subi %add3A_47, %mul3A_84 : vector<16xi32>
    %min3A_86 = arith.constant 6 : i32
    %min3A_87 = vector.broadcast %min3A_86 : i32 to vector<16xi32>
    %min3A_88 = arith.minsi %sub3A_85, %min3A_87 : vector<16xi32>
    %mul3A_89 = arith.constant 64 : i32
    %mul3A_90 = vector.broadcast %mul3A_89 : i32 to vector<16xi32>
    %mul3A_91 = arith.muli %min3A_81, %mul3A_90 : vector<16xi32>
    %add3A_92 = arith.constant 32 : i32
    %add3A_93 = vector.broadcast %add3A_92 : i32 to vector<16xi32>
    %add3A_94 = arith.addi %iota3A, %add3A_93 : vector<16xi32>
    %jit3A_95 = arith.constant 7 : i32
    %div3A_96 = vector.broadcast %jit3A_95 : i32 to vector<16xi32>
    %div3A_97 = arith.divsi %add3A_94, %div3A_96 : vector<16xi32>
    %sign3A_98 = arith.constant 0 : i32
    %sign3A_99 = vector.broadcast %sign3A_98 : i32 to vector<16xi32>
    %sign3A_100 = arith.cmpi sgt, %add3A_94, %sign3A_99 : vector<16xi32>
    %sign3A_101 = arith.extui %sign3A_100 : vector<16xi1> to vector<16xi32>
    %sign3A_102 = arith.constant 0 : i32
    %sign3A_103 = vector.broadcast %sign3A_102 : i32 to vector<16xi32>
    %sign3A_104 = arith.cmpi slt, %add3A_94, %sign3A_103 : vector<16xi32>
    %sign3A_105 = arith.extui %sign3A_104 : vector<16xi1> to vector<16xi32>
    %sign3A_106 = arith.subi %sign3A_101, %sign3A_105 : vector<16xi32>
    %sign3A_107 = arith.constant 0 : i32
    %sign3A_108 = arith.cmpi sgt, %jit3A_95, %sign3A_107 : i32
    %sign3A_109 = arith.extui %sign3A_108 : i1 to i32
    %sign3A_110 = arith.constant 0 : i32
    %sign3A_111 = arith.cmpi slt, %jit3A_95, %sign3A_110 : i32
    %sign3A_112 = arith.extui %sign3A_111 : i1 to i32
    %sign3A_113 = arith.subi %sign3A_109, %sign3A_112 : i32
    %ne3A_114 = vector.broadcast %sign3A_113 : i32 to vector<16xi32>
    %ne3A_115 = arith.cmpi ne, %sign3A_106, %ne3A_114 : vector<16xi32>
    %rem3A_116 = vector.broadcast %jit3A_95 : i32 to vector<16xi32>
    %rem3A_117 = arith.remsi %add3A_94, %rem3A_116 : vector<16xi32>
    %ne3A_118 = arith.constant 0 : i32
    %ne3A_119 = vector.broadcast %ne3A_118 : i32 to vector<16xi32>
    %ne3A_120 = arith.cmpi ne, %rem3A_117, %ne3A_119 : vector<16xi32>
    %and3A_121 = arith.andi %ne3A_115, %ne3A_120 : vector<16xi1>
    %sub3A_122 = arith.constant 1 : i32
    %sub3A_123 = vector.broadcast %sub3A_122 : i32 to vector<16xi32>
    %sub3A_124 = arith.subi %div3A_97, %sub3A_123 : vector<16xi32>
    %select_n3A_125 = arith.select %and3A_121, %sub3A_124, %div3A_97 : vector<16xi1>, vector<16xi32>
    %min3A_126 = arith.constant 6 : i32
    %min3A_127 = vector.broadcast %min3A_126 : i32 to vector<16xi32>
    %min3A_128 = arith.minsi %select_n3A_125, %min3A_127 : vector<16xi32>
    %mul3A_129 = arith.constant 7 : i32
    %mul3A_130 = vector.broadcast %mul3A_129 : i32 to vector<16xi32>
    %mul3A_131 = arith.muli %mul3A_130, %min3A_128 : vector<16xi32>
    %sub3A_132 = arith.subi %add3A_94, %mul3A_131 : vector<16xi32>
    %min3A_133 = arith.constant 6 : i32
    %min3A_134 = vector.broadcast %min3A_133 : i32 to vector<16xi32>
    %min3A_135 = arith.minsi %sub3A_132, %min3A_134 : vector<16xi32>
    %mul3A_136 = arith.constant 64 : i32
    %mul3A_137 = vector.broadcast %mul3A_136 : i32 to vector<16xi32>
    %mul3A_138 = arith.muli %min3A_128, %mul3A_137 : vector<16xi32>
    %add3A_139 = arith.constant 48 : i32
    %add3A_140 = vector.broadcast %add3A_139 : i32 to vector<16xi32>
    %add3A_141 = arith.addi %iota3A, %add3A_140 : vector<16xi32>
    %jit3A_142 = arith.constant 7 : i32
    %div3A_143 = vector.broadcast %jit3A_142 : i32 to vector<16xi32>
    %div3A_144 = arith.divsi %add3A_141, %div3A_143 : vector<16xi32>
    %sign3A_145 = arith.constant 0 : i32
    %sign3A_146 = vector.broadcast %sign3A_145 : i32 to vector<16xi32>
    %sign3A_147 = arith.cmpi sgt, %add3A_141, %sign3A_146 : vector<16xi32>
    %sign3A_148 = arith.extui %sign3A_147 : vector<16xi1> to vector<16xi32>
    %sign3A_149 = arith.constant 0 : i32
    %sign3A_150 = vector.broadcast %sign3A_149 : i32 to vector<16xi32>
    %sign3A_151 = arith.cmpi slt, %add3A_141, %sign3A_150 : vector<16xi32>
    %sign3A_152 = arith.extui %sign3A_151 : vector<16xi1> to vector<16xi32>
    %sign3A_153 = arith.subi %sign3A_148, %sign3A_152 : vector<16xi32>
    %sign3A_154 = arith.constant 0 : i32
    %sign3A_155 = arith.cmpi sgt, %jit3A_142, %sign3A_154 : i32
    %sign3A_156 = arith.extui %sign3A_155 : i1 to i32
    %sign3A_157 = arith.constant 0 : i32
    %sign3A_158 = arith.cmpi slt, %jit3A_142, %sign3A_157 : i32
    %sign3A_159 = arith.extui %sign3A_158 : i1 to i32
    %sign3A_160 = arith.subi %sign3A_156, %sign3A_159 : i32
    %ne3A_161 = vector.broadcast %sign3A_160 : i32 to vector<16xi32>
    %ne3A_162 = arith.cmpi ne, %sign3A_153, %ne3A_161 : vector<16xi32>
    %rem3A_163 = vector.broadcast %jit3A_142 : i32 to vector<16xi32>
    %rem3A_164 = arith.remsi %add3A_141, %rem3A_163 : vector<16xi32>
    %ne3A_165 = arith.constant 0 : i32
    %ne3A_166 = vector.broadcast %ne3A_165 : i32 to vector<16xi32>
    %ne3A_167 = arith.cmpi ne, %rem3A_164, %ne3A_166 : vector<16xi32>
    %and3A_168 = arith.andi %ne3A_162, %ne3A_167 : vector<16xi1>
    %sub3A_169 = arith.constant 1 : i32
    %sub3A_170 = vector.broadcast %sub3A_169 : i32 to vector<16xi32>
    %sub3A_171 = arith.subi %div3A_144, %sub3A_170 : vector<16xi32>
    %select_n3A_172 = arith.select %and3A_168, %sub3A_171, %div3A_144 : vector<16xi1>, vector<16xi32>
    %min3A_173 = arith.constant 6 : i32
    %min3A_174 = vector.broadcast %min3A_173 : i32 to vector<16xi32>
    %min3A_175 = arith.minsi %select_n3A_172, %min3A_174 : vector<16xi32>
    %mul3A_176 = arith.constant 7 : i32
    %mul3A_177 = vector.broadcast %mul3A_176 : i32 to vector<16xi32>
    %mul3A_178 = arith.muli %mul3A_177, %min3A_175 : vector<16xi32>
    %sub3A_179 = arith.subi %add3A_141, %mul3A_178 : vector<16xi32>
    %min3A_180 = arith.constant 6 : i32
    %min3A_181 = vector.broadcast %min3A_180 : i32 to vector<16xi32>
    %min3A_182 = arith.minsi %sub3A_179, %min3A_181 : vector<16xi32>
    %mul3A_183 = arith.constant 64 : i32
    %mul3A_184 = vector.broadcast %mul3A_183 : i32 to vector<16xi32>
    %mul3A_185 = arith.muli %min3A_175, %mul3A_184 : vector<16xi32>
    %add3A_186 = arith.constant 0 : i32
    %add3A_187 = vector.broadcast %add3A_186 : i32 to vector<16xi32>
    %add3A_188 = arith.addi %iota3A, %add3A_187 : vector<16xi32>
    %jit3A_189 = arith.constant 28 : i32
    %div3A_190 = vector.broadcast %jit3A_189 : i32 to vector<16xi32>
    %div3A_191 = arith.divsi %add3A_188, %div3A_190 : vector<16xi32>
    %sign3A_192 = arith.constant 0 : i32
    %sign3A_193 = vector.broadcast %sign3A_192 : i32 to vector<16xi32>
    %sign3A_194 = arith.cmpi sgt, %add3A_188, %sign3A_193 : vector<16xi32>
    %sign3A_195 = arith.extui %sign3A_194 : vector<16xi1> to vector<16xi32>
    %sign3A_196 = arith.constant 0 : i32
    %sign3A_197 = vector.broadcast %sign3A_196 : i32 to vector<16xi32>
    %sign3A_198 = arith.cmpi slt, %add3A_188, %sign3A_197 : vector<16xi32>
    %sign3A_199 = arith.extui %sign3A_198 : vector<16xi1> to vector<16xi32>
    %sign3A_200 = arith.subi %sign3A_195, %sign3A_199 : vector<16xi32>
    %sign3A_201 = arith.constant 0 : i32
    %sign3A_202 = arith.cmpi sgt, %jit3A_189, %sign3A_201 : i32
    %sign3A_203 = arith.extui %sign3A_202 : i1 to i32
    %sign3A_204 = arith.constant 0 : i32
    %sign3A_205 = arith.cmpi slt, %jit3A_189, %sign3A_204 : i32
    %sign3A_206 = arith.extui %sign3A_205 : i1 to i32
    %sign3A_207 = arith.subi %sign3A_203, %sign3A_206 : i32
    %ne3A_208 = vector.broadcast %sign3A_207 : i32 to vector<16xi32>
    %ne3A_209 = arith.cmpi ne, %sign3A_200, %ne3A_208 : vector<16xi32>
    %rem3A_210 = vector.broadcast %jit3A_189 : i32 to vector<16xi32>
    %rem3A_211 = arith.remsi %add3A_188, %rem3A_210 : vector<16xi32>
    %ne3A_212 = arith.constant 0 : i32
    %ne3A_213 = vector.broadcast %ne3A_212 : i32 to vector<16xi32>
    %ne3A_214 = arith.cmpi ne, %rem3A_211, %ne3A_213 : vector<16xi32>
    %and3A_215 = arith.andi %ne3A_209, %ne3A_214 : vector<16xi1>
    %sub3A_216 = arith.constant 1 : i32
    %sub3A_217 = vector.broadcast %sub3A_216 : i32 to vector<16xi32>
    %sub3A_218 = arith.subi %div3A_191, %sub3A_217 : vector<16xi32>
    %select_n3A_219 = arith.select %and3A_215, %sub3A_218, %div3A_191 : vector<16xi1>, vector<16xi32>
    %mul3A_220 = arith.constant 28 : i32
    %mul3A_221 = vector.broadcast %mul3A_220 : i32 to vector<16xi32>
    %mul3A_222 = arith.muli %mul3A_221, %select_n3A_219 : vector<16xi32>
    %sub3A_223 = arith.subi %add3A_188, %mul3A_222 : vector<16xi32>
    %shift_right_arithmetic3A = arith.constant 1 : i32
    %shift_right_arithmetic3A_224 = vector.broadcast %shift_right_arithmetic3A : i32 to vector<16xi32>
    %shift_right_arithmetic3A_225 = arith.shrsi %sub3A_223, %shift_right_arithmetic3A_224 : vector<16xi32>
    %mul3A_226 = arith.constant 8 : i32
    %mul3A_227 = vector.broadcast %mul3A_226 : i32 to vector<16xi32>
    %mul3A_228 = arith.muli %select_n3A_219, %mul3A_227 : vector<16xi32>
    %shift_right_arithmetic3A_229 = arith.constant 1 : i32
    %shift_right_arithmetic3A_230 = vector.broadcast %shift_right_arithmetic3A_229 : i32 to vector<16xi32>
    %shift_right_arithmetic3A_231 = arith.shrsi %shift_right_arithmetic3A_225, %shift_right_arithmetic3A_230 : vector<16xi32>
    %add3A_232 = arith.addi %mul3A_228, %shift_right_arithmetic3A_231 : vector<16xi32>
    %and3A_233 = arith.constant 1 : i32
    %and3A_234 = vector.broadcast %and3A_233 : i32 to vector<16xi32>
    %and3A_235 = arith.andi %shift_right_arithmetic3A_225, %and3A_234 : vector<16xi32>
    %mul3A_236 = arith.constant 16 : i32
    %mul3A_237 = vector.broadcast %mul3A_236 : i32 to vector<16xi32>
    %mul3A_238 = arith.muli %and3A_235, %mul3A_237 : vector<16xi32>
    %and3A_239 = arith.constant 1 : i32
    %and3A_240 = vector.broadcast %and3A_239 : i32 to vector<16xi32>
    %and3A_241 = arith.andi %sub3A_223, %and3A_240 : vector<16xi32>
    %add3A_242 = arith.addi %mul3A_238, %and3A_241 : vector<16xi32>
    %add3A_243 = arith.constant 16 : i32
    %add3A_244 = vector.broadcast %add3A_243 : i32 to vector<16xi32>
    %add3A_245 = arith.addi %iota3A, %add3A_244 : vector<16xi32>
    %jit3A_246 = arith.constant 28 : i32
    %div3A_247 = vector.broadcast %jit3A_246 : i32 to vector<16xi32>
    %div3A_248 = arith.divsi %add3A_245, %div3A_247 : vector<16xi32>
    %sign3A_249 = arith.constant 0 : i32
    %sign3A_250 = vector.broadcast %sign3A_249 : i32 to vector<16xi32>
    %sign3A_251 = arith.cmpi sgt, %add3A_245, %sign3A_250 : vector<16xi32>
    %sign3A_252 = arith.extui %sign3A_251 : vector<16xi1> to vector<16xi32>
    %sign3A_253 = arith.constant 0 : i32
    %sign3A_254 = vector.broadcast %sign3A_253 : i32 to vector<16xi32>
    %sign3A_255 = arith.cmpi slt, %add3A_245, %sign3A_254 : vector<16xi32>
    %sign3A_256 = arith.extui %sign3A_255 : vector<16xi1> to vector<16xi32>
    %sign3A_257 = arith.subi %sign3A_252, %sign3A_256 : vector<16xi32>
    %sign3A_258 = arith.constant 0 : i32
    %sign3A_259 = arith.cmpi sgt, %jit3A_246, %sign3A_258 : i32
    %sign3A_260 = arith.extui %sign3A_259 : i1 to i32
    %sign3A_261 = arith.constant 0 : i32
    %sign3A_262 = arith.cmpi slt, %jit3A_246, %sign3A_261 : i32
    %sign3A_263 = arith.extui %sign3A_262 : i1 to i32
    %sign3A_264 = arith.subi %sign3A_260, %sign3A_263 : i32
    %ne3A_265 = vector.broadcast %sign3A_264 : i32 to vector<16xi32>
    %ne3A_266 = arith.cmpi ne, %sign3A_257, %ne3A_265 : vector<16xi32>
    %rem3A_267 = vector.broadcast %jit3A_246 : i32 to vector<16xi32>
    %rem3A_268 = arith.remsi %add3A_245, %rem3A_267 : vector<16xi32>
    %ne3A_269 = arith.constant 0 : i32
    %ne3A_270 = vector.broadcast %ne3A_269 : i32 to vector<16xi32>
    %ne3A_271 = arith.cmpi ne, %rem3A_268, %ne3A_270 : vector<16xi32>
    %and3A_272 = arith.andi %ne3A_266, %ne3A_271 : vector<16xi1>
    %sub3A_273 = arith.constant 1 : i32
    %sub3A_274 = vector.broadcast %sub3A_273 : i32 to vector<16xi32>
    %sub3A_275 = arith.subi %div3A_248, %sub3A_274 : vector<16xi32>
    %select_n3A_276 = arith.select %and3A_272, %sub3A_275, %div3A_248 : vector<16xi1>, vector<16xi32>
    %mul3A_277 = arith.constant 28 : i32
    %mul3A_278 = vector.broadcast %mul3A_277 : i32 to vector<16xi32>
    %mul3A_279 = arith.muli %mul3A_278, %select_n3A_276 : vector<16xi32>
    %sub3A_280 = arith.subi %add3A_245, %mul3A_279 : vector<16xi32>
    %shift_right_arithmetic3A_281 = arith.constant 1 : i32
    %shift_right_arithmetic3A_282 = vector.broadcast %shift_right_arithmetic3A_281 : i32 to vector<16xi32>
    %shift_right_arithmetic3A_283 = arith.shrsi %sub3A_280, %shift_right_arithmetic3A_282 : vector<16xi32>
    %mul3A_284 = arith.constant 8 : i32
    %mul3A_285 = vector.broadcast %mul3A_284 : i32 to vector<16xi32>
    %mul3A_286 = arith.muli %select_n3A_276, %mul3A_285 : vector<16xi32>
    %shift_right_arithmetic3A_287 = arith.constant 1 : i32
    %shift_right_arithmetic3A_288 = vector.broadcast %shift_right_arithmetic3A_287 : i32 to vector<16xi32>
    %shift_right_arithmetic3A_289 = arith.shrsi %shift_right_arithmetic3A_283, %shift_right_arithmetic3A_288 : vector<16xi32>
    %add3A_290 = arith.addi %mul3A_286, %shift_right_arithmetic3A_289 : vector<16xi32>
    %and3A_291 = arith.constant 1 : i32
    %and3A_292 = vector.broadcast %and3A_291 : i32 to vector<16xi32>
    %and3A_293 = arith.andi %shift_right_arithmetic3A_283, %and3A_292 : vector<16xi32>
    %mul3A_294 = arith.constant 16 : i32
    %mul3A_295 = vector.broadcast %mul3A_294 : i32 to vector<16xi32>
    %mul3A_296 = arith.muli %and3A_293, %mul3A_295 : vector<16xi32>
    %and3A_297 = arith.constant 1 : i32
    %and3A_298 = vector.broadcast %and3A_297 : i32 to vector<16xi32>
    %and3A_299 = arith.andi %sub3A_280, %and3A_298 : vector<16xi32>
    %add3A_300 = arith.addi %mul3A_296, %and3A_299 : vector<16xi32>
    %add3A_301 = arith.constant 32 : i32
    %add3A_302 = vector.broadcast %add3A_301 : i32 to vector<16xi32>
    %add3A_303 = arith.addi %iota3A, %add3A_302 : vector<16xi32>
    %jit3A_304 = arith.constant 28 : i32
    %div3A_305 = vector.broadcast %jit3A_304 : i32 to vector<16xi32>
    %div3A_306 = arith.divsi %add3A_303, %div3A_305 : vector<16xi32>
    %sign3A_307 = arith.constant 0 : i32
    %sign3A_308 = vector.broadcast %sign3A_307 : i32 to vector<16xi32>
    %sign3A_309 = arith.cmpi sgt, %add3A_303, %sign3A_308 : vector<16xi32>
    %sign3A_310 = arith.extui %sign3A_309 : vector<16xi1> to vector<16xi32>
    %sign3A_311 = arith.constant 0 : i32
    %sign3A_312 = vector.broadcast %sign3A_311 : i32 to vector<16xi32>
    %sign3A_313 = arith.cmpi slt, %add3A_303, %sign3A_312 : vector<16xi32>
    %sign3A_314 = arith.extui %sign3A_313 : vector<16xi1> to vector<16xi32>
    %sign3A_315 = arith.subi %sign3A_310, %sign3A_314 : vector<16xi32>
    %sign3A_316 = arith.constant 0 : i32
    %sign3A_317 = arith.cmpi sgt, %jit3A_304, %sign3A_316 : i32
    %sign3A_318 = arith.extui %sign3A_317 : i1 to i32
    %sign3A_319 = arith.constant 0 : i32
    %sign3A_320 = arith.cmpi slt, %jit3A_304, %sign3A_319 : i32
    %sign3A_321 = arith.extui %sign3A_320 : i1 to i32
    %sign3A_322 = arith.subi %sign3A_318, %sign3A_321 : i32
    %ne3A_323 = vector.broadcast %sign3A_322 : i32 to vector<16xi32>
    %ne3A_324 = arith.cmpi ne, %sign3A_315, %ne3A_323 : vector<16xi32>
    %rem3A_325 = vector.broadcast %jit3A_304 : i32 to vector<16xi32>
    %rem3A_326 = arith.remsi %add3A_303, %rem3A_325 : vector<16xi32>
    %ne3A_327 = arith.constant 0 : i32
    %ne3A_328 = vector.broadcast %ne3A_327 : i32 to vector<16xi32>
    %ne3A_329 = arith.cmpi ne, %rem3A_326, %ne3A_328 : vector<16xi32>
    %and3A_330 = arith.andi %ne3A_324, %ne3A_329 : vector<16xi1>
    %sub3A_331 = arith.constant 1 : i32
    %sub3A_332 = vector.broadcast %sub3A_331 : i32 to vector<16xi32>
    %sub3A_333 = arith.subi %div3A_306, %sub3A_332 : vector<16xi32>
    %select_n3A_334 = arith.select %and3A_330, %sub3A_333, %div3A_306 : vector<16xi1>, vector<16xi32>
    %mul3A_335 = arith.constant 28 : i32
    %mul3A_336 = vector.broadcast %mul3A_335 : i32 to vector<16xi32>
    %mul3A_337 = arith.muli %mul3A_336, %select_n3A_334 : vector<16xi32>
    %sub3A_338 = arith.subi %add3A_303, %mul3A_337 : vector<16xi32>
    %shift_right_arithmetic3A_339 = arith.constant 1 : i32
    %shift_right_arithmetic3A_340 = vector.broadcast %shift_right_arithmetic3A_339 : i32 to vector<16xi32>
    %shift_right_arithmetic3A_341 = arith.shrsi %sub3A_338, %shift_right_arithmetic3A_340 : vector<16xi32>
    %mul3A_342 = arith.constant 8 : i32
    %mul3A_343 = vector.broadcast %mul3A_342 : i32 to vector<16xi32>
    %mul3A_344 = arith.muli %select_n3A_334, %mul3A_343 : vector<16xi32>
    %shift_right_arithmetic3A_345 = arith.constant 1 : i32
    %shift_right_arithmetic3A_346 = vector.broadcast %shift_right_arithmetic3A_345 : i32 to vector<16xi32>
    %shift_right_arithmetic3A_347 = arith.shrsi %shift_right_arithmetic3A_341, %shift_right_arithmetic3A_346 : vector<16xi32>
    %add3A_348 = arith.addi %mul3A_344, %shift_right_arithmetic3A_347 : vector<16xi32>
    %and3A_349 = arith.constant 1 : i32
    %and3A_350 = vector.broadcast %and3A_349 : i32 to vector<16xi32>
    %and3A_351 = arith.andi %shift_right_arithmetic3A_341, %and3A_350 : vector<16xi32>
    %mul3A_352 = arith.constant 16 : i32
    %mul3A_353 = vector.broadcast %mul3A_352 : i32 to vector<16xi32>
    %mul3A_354 = arith.muli %and3A_351, %mul3A_353 : vector<16xi32>
    %and3A_355 = arith.constant 1 : i32
    %and3A_356 = vector.broadcast %and3A_355 : i32 to vector<16xi32>
    %and3A_357 = arith.andi %sub3A_338, %and3A_356 : vector<16xi32>
    %add3A_358 = arith.addi %mul3A_354, %and3A_357 : vector<16xi32>
    %add3A_359 = arith.constant 48 : i32
    %add3A_360 = vector.broadcast %add3A_359 : i32 to vector<16xi32>
    %add3A_361 = arith.addi %iota3A, %add3A_360 : vector<16xi32>
    %jit3A_362 = arith.constant 28 : i32
    %div3A_363 = vector.broadcast %jit3A_362 : i32 to vector<16xi32>
    %div3A_364 = arith.divsi %add3A_361, %div3A_363 : vector<16xi32>
    %sign3A_365 = arith.constant 0 : i32
    %sign3A_366 = vector.broadcast %sign3A_365 : i32 to vector<16xi32>
    %sign3A_367 = arith.cmpi sgt, %add3A_361, %sign3A_366 : vector<16xi32>
    %sign3A_368 = arith.extui %sign3A_367 : vector<16xi1> to vector<16xi32>
    %sign3A_369 = arith.constant 0 : i32
    %sign3A_370 = vector.broadcast %sign3A_369 : i32 to vector<16xi32>
    %sign3A_371 = arith.cmpi slt, %add3A_361, %sign3A_370 : vector<16xi32>
    %sign3A_372 = arith.extui %sign3A_371 : vector<16xi1> to vector<16xi32>
    %sign3A_373 = arith.subi %sign3A_368, %sign3A_372 : vector<16xi32>
    %sign3A_374 = arith.constant 0 : i32
    %sign3A_375 = arith.cmpi sgt, %jit3A_362, %sign3A_374 : i32
    %sign3A_376 = arith.extui %sign3A_375 : i1 to i32
    %sign3A_377 = arith.constant 0 : i32
    %sign3A_378 = arith.cmpi slt, %jit3A_362, %sign3A_377 : i32
    %sign3A_379 = arith.extui %sign3A_378 : i1 to i32
    %sign3A_380 = arith.subi %sign3A_376, %sign3A_379 : i32
    %ne3A_381 = vector.broadcast %sign3A_380 : i32 to vector<16xi32>
    %ne3A_382 = arith.cmpi ne, %sign3A_373, %ne3A_381 : vector<16xi32>
    %rem3A_383 = vector.broadcast %jit3A_362 : i32 to vector<16xi32>
    %rem3A_384 = arith.remsi %add3A_361, %rem3A_383 : vector<16xi32>
    %ne3A_385 = arith.constant 0 : i32
    %ne3A_386 = vector.broadcast %ne3A_385 : i32 to vector<16xi32>
    %ne3A_387 = arith.cmpi ne, %rem3A_384, %ne3A_386 : vector<16xi32>
    %and3A_388 = arith.andi %ne3A_382, %ne3A_387 : vector<16xi1>
    %sub3A_389 = arith.constant 1 : i32
    %sub3A_390 = vector.broadcast %sub3A_389 : i32 to vector<16xi32>
    %sub3A_391 = arith.subi %div3A_364, %sub3A_390 : vector<16xi32>
    %select_n3A_392 = arith.select %and3A_388, %sub3A_391, %div3A_364 : vector<16xi1>, vector<16xi32>
    %mul3A_393 = arith.constant 28 : i32
    %mul3A_394 = vector.broadcast %mul3A_393 : i32 to vector<16xi32>
    %mul3A_395 = arith.muli %mul3A_394, %select_n3A_392 : vector<16xi32>
    %sub3A_396 = arith.subi %add3A_361, %mul3A_395 : vector<16xi32>
    %shift_right_arithmetic3A_397 = arith.constant 1 : i32
    %shift_right_arithmetic3A_398 = vector.broadcast %shift_right_arithmetic3A_397 : i32 to vector<16xi32>
    %shift_right_arithmetic3A_399 = arith.shrsi %sub3A_396, %shift_right_arithmetic3A_398 : vector<16xi32>
    %mul3A_400 = arith.constant 8 : i32
    %mul3A_401 = vector.broadcast %mul3A_400 : i32 to vector<16xi32>
    %mul3A_402 = arith.muli %select_n3A_392, %mul3A_401 : vector<16xi32>
    %shift_right_arithmetic3A_403 = arith.constant 1 : i32
    %shift_right_arithmetic3A_404 = vector.broadcast %shift_right_arithmetic3A_403 : i32 to vector<16xi32>
    %shift_right_arithmetic3A_405 = arith.shrsi %shift_right_arithmetic3A_399, %shift_right_arithmetic3A_404 : vector<16xi32>
    %add3A_406 = arith.addi %mul3A_402, %shift_right_arithmetic3A_405 : vector<16xi32>
    %and3A_407 = arith.constant 1 : i32
    %and3A_408 = vector.broadcast %and3A_407 : i32 to vector<16xi32>
    %and3A_409 = arith.andi %shift_right_arithmetic3A_399, %and3A_408 : vector<16xi32>
    %mul3A_410 = arith.constant 16 : i32
    %mul3A_411 = vector.broadcast %mul3A_410 : i32 to vector<16xi32>
    %mul3A_412 = arith.muli %and3A_409, %mul3A_411 : vector<16xi32>
    %and3A_413 = arith.constant 1 : i32
    %and3A_414 = vector.broadcast %and3A_413 : i32 to vector<16xi32>
    %and3A_415 = arith.andi %sub3A_396, %and3A_414 : vector<16xi32>
    %add3A_416 = arith.addi %mul3A_412, %and3A_415 : vector<16xi32>
    %add3A_417 = arith.constant 64 : i32
    %add3A_418 = vector.broadcast %add3A_417 : i32 to vector<16xi32>
    %add3A_419 = arith.addi %iota3A, %add3A_418 : vector<16xi32>
    %jit3A_420 = arith.constant 28 : i32
    %div3A_421 = vector.broadcast %jit3A_420 : i32 to vector<16xi32>
    %div3A_422 = arith.divsi %add3A_419, %div3A_421 : vector<16xi32>
    %sign3A_423 = arith.constant 0 : i32
    %sign3A_424 = vector.broadcast %sign3A_423 : i32 to vector<16xi32>
    %sign3A_425 = arith.cmpi sgt, %add3A_419, %sign3A_424 : vector<16xi32>
    %sign3A_426 = arith.extui %sign3A_425 : vector<16xi1> to vector<16xi32>
    %sign3A_427 = arith.constant 0 : i32
    %sign3A_428 = vector.broadcast %sign3A_427 : i32 to vector<16xi32>
    %sign3A_429 = arith.cmpi slt, %add3A_419, %sign3A_428 : vector<16xi32>
    %sign3A_430 = arith.extui %sign3A_429 : vector<16xi1> to vector<16xi32>
    %sign3A_431 = arith.subi %sign3A_426, %sign3A_430 : vector<16xi32>
    %sign3A_432 = arith.constant 0 : i32
    %sign3A_433 = arith.cmpi sgt, %jit3A_420, %sign3A_432 : i32
    %sign3A_434 = arith.extui %sign3A_433 : i1 to i32
    %sign3A_435 = arith.constant 0 : i32
    %sign3A_436 = arith.cmpi slt, %jit3A_420, %sign3A_435 : i32
    %sign3A_437 = arith.extui %sign3A_436 : i1 to i32
    %sign3A_438 = arith.subi %sign3A_434, %sign3A_437 : i32
    %ne3A_439 = vector.broadcast %sign3A_438 : i32 to vector<16xi32>
    %ne3A_440 = arith.cmpi ne, %sign3A_431, %ne3A_439 : vector<16xi32>
    %rem3A_441 = vector.broadcast %jit3A_420 : i32 to vector<16xi32>
    %rem3A_442 = arith.remsi %add3A_419, %rem3A_441 : vector<16xi32>
    %ne3A_443 = arith.constant 0 : i32
    %ne3A_444 = vector.broadcast %ne3A_443 : i32 to vector<16xi32>
    %ne3A_445 = arith.cmpi ne, %rem3A_442, %ne3A_444 : vector<16xi32>
    %and3A_446 = arith.andi %ne3A_440, %ne3A_445 : vector<16xi1>
    %sub3A_447 = arith.constant 1 : i32
    %sub3A_448 = vector.broadcast %sub3A_447 : i32 to vector<16xi32>
    %sub3A_449 = arith.subi %div3A_422, %sub3A_448 : vector<16xi32>
    %select_n3A_450 = arith.select %and3A_446, %sub3A_449, %div3A_422 : vector<16xi1>, vector<16xi32>
    %mul3A_451 = arith.constant 28 : i32
    %mul3A_452 = vector.broadcast %mul3A_451 : i32 to vector<16xi32>
    %mul3A_453 = arith.muli %mul3A_452, %select_n3A_450 : vector<16xi32>
    %sub3A_454 = arith.subi %add3A_419, %mul3A_453 : vector<16xi32>
    %shift_right_arithmetic3A_455 = arith.constant 1 : i32
    %shift_right_arithmetic3A_456 = vector.broadcast %shift_right_arithmetic3A_455 : i32 to vector<16xi32>
    %shift_right_arithmetic3A_457 = arith.shrsi %sub3A_454, %shift_right_arithmetic3A_456 : vector<16xi32>
    %mul3A_458 = arith.constant 8 : i32
    %mul3A_459 = vector.broadcast %mul3A_458 : i32 to vector<16xi32>
    %mul3A_460 = arith.muli %select_n3A_450, %mul3A_459 : vector<16xi32>
    %shift_right_arithmetic3A_461 = arith.constant 1 : i32
    %shift_right_arithmetic3A_462 = vector.broadcast %shift_right_arithmetic3A_461 : i32 to vector<16xi32>
    %shift_right_arithmetic3A_463 = arith.shrsi %shift_right_arithmetic3A_457, %shift_right_arithmetic3A_462 : vector<16xi32>
    %add3A_464 = arith.addi %mul3A_460, %shift_right_arithmetic3A_463 : vector<16xi32>
    %and3A_465 = arith.constant 1 : i32
    %and3A_466 = vector.broadcast %and3A_465 : i32 to vector<16xi32>
    %and3A_467 = arith.andi %shift_right_arithmetic3A_457, %and3A_466 : vector<16xi32>
    %mul3A_468 = arith.constant 16 : i32
    %mul3A_469 = vector.broadcast %mul3A_468 : i32 to vector<16xi32>
    %mul3A_470 = arith.muli %and3A_467, %mul3A_469 : vector<16xi32>
    %and3A_471 = arith.constant 1 : i32
    %and3A_472 = vector.broadcast %and3A_471 : i32 to vector<16xi32>
    %and3A_473 = arith.andi %sub3A_454, %and3A_472 : vector<16xi32>
    %add3A_474 = arith.addi %mul3A_470, %and3A_473 : vector<16xi32>
    %add3A_475 = arith.constant 80 : i32
    %add3A_476 = vector.broadcast %add3A_475 : i32 to vector<16xi32>
    %add3A_477 = arith.addi %iota3A, %add3A_476 : vector<16xi32>
    %jit3A_478 = arith.constant 28 : i32
    %div3A_479 = vector.broadcast %jit3A_478 : i32 to vector<16xi32>
    %div3A_480 = arith.divsi %add3A_477, %div3A_479 : vector<16xi32>
    %sign3A_481 = arith.constant 0 : i32
    %sign3A_482 = vector.broadcast %sign3A_481 : i32 to vector<16xi32>
    %sign3A_483 = arith.cmpi sgt, %add3A_477, %sign3A_482 : vector<16xi32>
    %sign3A_484 = arith.extui %sign3A_483 : vector<16xi1> to vector<16xi32>
    %sign3A_485 = arith.constant 0 : i32
    %sign3A_486 = vector.broadcast %sign3A_485 : i32 to vector<16xi32>
    %sign3A_487 = arith.cmpi slt, %add3A_477, %sign3A_486 : vector<16xi32>
    %sign3A_488 = arith.extui %sign3A_487 : vector<16xi1> to vector<16xi32>
    %sign3A_489 = arith.subi %sign3A_484, %sign3A_488 : vector<16xi32>
    %sign3A_490 = arith.constant 0 : i32
    %sign3A_491 = arith.cmpi sgt, %jit3A_478, %sign3A_490 : i32
    %sign3A_492 = arith.extui %sign3A_491 : i1 to i32
    %sign3A_493 = arith.constant 0 : i32
    %sign3A_494 = arith.cmpi slt, %jit3A_478, %sign3A_493 : i32
    %sign3A_495 = arith.extui %sign3A_494 : i1 to i32
    %sign3A_496 = arith.subi %sign3A_492, %sign3A_495 : i32
    %ne3A_497 = vector.broadcast %sign3A_496 : i32 to vector<16xi32>
    %ne3A_498 = arith.cmpi ne, %sign3A_489, %ne3A_497 : vector<16xi32>
    %rem3A_499 = vector.broadcast %jit3A_478 : i32 to vector<16xi32>
    %rem3A_500 = arith.remsi %add3A_477, %rem3A_499 : vector<16xi32>
    %ne3A_501 = arith.constant 0 : i32
    %ne3A_502 = vector.broadcast %ne3A_501 : i32 to vector<16xi32>
    %ne3A_503 = arith.cmpi ne, %rem3A_500, %ne3A_502 : vector<16xi32>
    %and3A_504 = arith.andi %ne3A_498, %ne3A_503 : vector<16xi1>
    %sub3A_505 = arith.constant 1 : i32
    %sub3A_506 = vector.broadcast %sub3A_505 : i32 to vector<16xi32>
    %sub3A_507 = arith.subi %div3A_480, %sub3A_506 : vector<16xi32>
    %select_n3A_508 = arith.select %and3A_504, %sub3A_507, %div3A_480 : vector<16xi1>, vector<16xi32>
    %mul3A_509 = arith.constant 28 : i32
    %mul3A_510 = vector.broadcast %mul3A_509 : i32 to vector<16xi32>
    %mul3A_511 = arith.muli %mul3A_510, %select_n3A_508 : vector<16xi32>
    %sub3A_512 = arith.subi %add3A_477, %mul3A_511 : vector<16xi32>
    %shift_right_arithmetic3A_513 = arith.constant 1 : i32
    %shift_right_arithmetic3A_514 = vector.broadcast %shift_right_arithmetic3A_513 : i32 to vector<16xi32>
    %shift_right_arithmetic3A_515 = arith.shrsi %sub3A_512, %shift_right_arithmetic3A_514 : vector<16xi32>
    %mul3A_516 = arith.constant 8 : i32
    %mul3A_517 = vector.broadcast %mul3A_516 : i32 to vector<16xi32>
    %mul3A_518 = arith.muli %select_n3A_508, %mul3A_517 : vector<16xi32>
    %shift_right_arithmetic3A_519 = arith.constant 1 : i32
    %shift_right_arithmetic3A_520 = vector.broadcast %shift_right_arithmetic3A_519 : i32 to vector<16xi32>
    %shift_right_arithmetic3A_521 = arith.shrsi %shift_right_arithmetic3A_515, %shift_right_arithmetic3A_520 : vector<16xi32>
    %add3A_522 = arith.addi %mul3A_518, %shift_right_arithmetic3A_521 : vector<16xi32>
    %and3A_523 = arith.constant 1 : i32
    %and3A_524 = vector.broadcast %and3A_523 : i32 to vector<16xi32>
    %and3A_525 = arith.andi %shift_right_arithmetic3A_515, %and3A_524 : vector<16xi32>
    %mul3A_526 = arith.constant 16 : i32
    %mul3A_527 = vector.broadcast %mul3A_526 : i32 to vector<16xi32>
    %mul3A_528 = arith.muli %and3A_525, %mul3A_527 : vector<16xi32>
    %and3A_529 = arith.constant 1 : i32
    %and3A_530 = vector.broadcast %and3A_529 : i32 to vector<16xi32>
    %and3A_531 = arith.andi %sub3A_512, %and3A_530 : vector<16xi32>
    %add3A_532 = arith.addi %mul3A_528, %and3A_531 : vector<16xi32>
    %add3A_533 = arith.constant 96 : i32
    %add3A_534 = vector.broadcast %add3A_533 : i32 to vector<16xi32>
    %add3A_535 = arith.addi %iota3A, %add3A_534 : vector<16xi32>
    %jit3A_536 = arith.constant 28 : i32
    %div3A_537 = vector.broadcast %jit3A_536 : i32 to vector<16xi32>
    %div3A_538 = arith.divsi %add3A_535, %div3A_537 : vector<16xi32>
    %sign3A_539 = arith.constant 0 : i32
    %sign3A_540 = vector.broadcast %sign3A_539 : i32 to vector<16xi32>
    %sign3A_541 = arith.cmpi sgt, %add3A_535, %sign3A_540 : vector<16xi32>
    %sign3A_542 = arith.extui %sign3A_541 : vector<16xi1> to vector<16xi32>
    %sign3A_543 = arith.constant 0 : i32
    %sign3A_544 = vector.broadcast %sign3A_543 : i32 to vector<16xi32>
    %sign3A_545 = arith.cmpi slt, %add3A_535, %sign3A_544 : vector<16xi32>
    %sign3A_546 = arith.extui %sign3A_545 : vector<16xi1> to vector<16xi32>
    %sign3A_547 = arith.subi %sign3A_542, %sign3A_546 : vector<16xi32>
    %sign3A_548 = arith.constant 0 : i32
    %sign3A_549 = arith.cmpi sgt, %jit3A_536, %sign3A_548 : i32
    %sign3A_550 = arith.extui %sign3A_549 : i1 to i32
    %sign3A_551 = arith.constant 0 : i32
    %sign3A_552 = arith.cmpi slt, %jit3A_536, %sign3A_551 : i32
    %sign3A_553 = arith.extui %sign3A_552 : i1 to i32
    %sign3A_554 = arith.subi %sign3A_550, %sign3A_553 : i32
    %ne3A_555 = vector.broadcast %sign3A_554 : i32 to vector<16xi32>
    %ne3A_556 = arith.cmpi ne, %sign3A_547, %ne3A_555 : vector<16xi32>
    %rem3A_557 = vector.broadcast %jit3A_536 : i32 to vector<16xi32>
    %rem3A_558 = arith.remsi %add3A_535, %rem3A_557 : vector<16xi32>
    %ne3A_559 = arith.constant 0 : i32
    %ne3A_560 = vector.broadcast %ne3A_559 : i32 to vector<16xi32>
    %ne3A_561 = arith.cmpi ne, %rem3A_558, %ne3A_560 : vector<16xi32>
    %and3A_562 = arith.andi %ne3A_556, %ne3A_561 : vector<16xi1>
    %sub3A_563 = arith.constant 1 : i32
    %sub3A_564 = vector.broadcast %sub3A_563 : i32 to vector<16xi32>
    %sub3A_565 = arith.subi %div3A_538, %sub3A_564 : vector<16xi32>
    %select_n3A_566 = arith.select %and3A_562, %sub3A_565, %div3A_538 : vector<16xi1>, vector<16xi32>
    %mul3A_567 = arith.constant 28 : i32
    %mul3A_568 = vector.broadcast %mul3A_567 : i32 to vector<16xi32>
    %mul3A_569 = arith.muli %mul3A_568, %select_n3A_566 : vector<16xi32>
    %sub3A_570 = arith.subi %add3A_535, %mul3A_569 : vector<16xi32>
    %shift_right_arithmetic3A_571 = arith.constant 1 : i32
    %shift_right_arithmetic3A_572 = vector.broadcast %shift_right_arithmetic3A_571 : i32 to vector<16xi32>
    %shift_right_arithmetic3A_573 = arith.shrsi %sub3A_570, %shift_right_arithmetic3A_572 : vector<16xi32>
    %mul3A_574 = arith.constant 8 : i32
    %mul3A_575 = vector.broadcast %mul3A_574 : i32 to vector<16xi32>
    %mul3A_576 = arith.muli %select_n3A_566, %mul3A_575 : vector<16xi32>
    %shift_right_arithmetic3A_577 = arith.constant 1 : i32
    %shift_right_arithmetic3A_578 = vector.broadcast %shift_right_arithmetic3A_577 : i32 to vector<16xi32>
    %shift_right_arithmetic3A_579 = arith.shrsi %shift_right_arithmetic3A_573, %shift_right_arithmetic3A_578 : vector<16xi32>
    %add3A_580 = arith.addi %mul3A_576, %shift_right_arithmetic3A_579 : vector<16xi32>
    %and3A_581 = arith.constant 1 : i32
    %and3A_582 = vector.broadcast %and3A_581 : i32 to vector<16xi32>
    %and3A_583 = arith.andi %shift_right_arithmetic3A_573, %and3A_582 : vector<16xi32>
    %mul3A_584 = arith.constant 16 : i32
    %mul3A_585 = vector.broadcast %mul3A_584 : i32 to vector<16xi32>
    %mul3A_586 = arith.muli %and3A_583, %mul3A_585 : vector<16xi32>
    %and3A_587 = arith.constant 1 : i32
    %and3A_588 = vector.broadcast %and3A_587 : i32 to vector<16xi32>
    %and3A_589 = arith.andi %sub3A_570, %and3A_588 : vector<16xi32>
    %add3A_590 = arith.addi %mul3A_586, %and3A_589 : vector<16xi32>
    %scan3A = arith.constant 0 : i32
    %scan3A_591 = arith.constant 0 : i32
    %scan3A_592 = arith.constant 5 : i32
    %scan3A_593 = arith.addi %scan3A_591, %scan3A_592 : i32
    %scan3A_594 = arith.constant 1 : i32
    scf.for %scan3A_637 = %scan3A_591 to %scan3A_593 step %scan3A_594  : i32 {
      %mul3A_638 = arith.constant 16 : i32
      %mul3A_639 = arith.muli %scan3A_637, %mul3A_638 : i32
      %add3A_640 = vector.broadcast %mul3A_639 : i32 to vector<16xi32>
      %add3A_641 = arith.addi %iota3A, %add3A_640 : vector<16xi32>
      %mul3A_642 = arith.constant 5 : i32
      %mul3A_643 = vector.broadcast %mul3A_642 : i32 to vector<16xi32>
      %mul3A_644 = arith.muli %add3A_641, %mul3A_643 : vector<16xi32>
      %gather3A = tpu.vector_load_idx %arg5[%mul3A_644] : memref<800xf32, #tpu.memory_space<vmem>>[vector<16xi32>], vector<16xf32>,
      %convert_element_type3A = arith.fptosi %gather3A : vector<16xf32> to vector<16xi32>
      %add3A_645 = arith.constant 1 : i32
      %add3A_646 = vector.broadcast %add3A_645 : i32 to vector<16xi32>
      %add3A_647 = arith.addi %mul3A_644, %add3A_646 : vector<16xi32>
      %gather3A_648 = tpu.vector_load_idx %arg5[%add3A_647] : memref<800xf32, #tpu.memory_space<vmem>>[vector<16xi32>], vector<16xf32>,
      %add3A_649 = arith.constant 2 : i32
      %add3A_650 = vector.broadcast %add3A_649 : i32 to vector<16xi32>
      %add3A_651 = arith.addi %mul3A_644, %add3A_650 : vector<16xi32>
      %gather3A_652 = tpu.vector_load_idx %arg5[%add3A_651] : memref<800xf32, #tpu.memory_space<vmem>>[vector<16xi32>], vector<16xf32>,
      %add3A_653 = arith.constant 3 : i32
      %add3A_654 = vector.broadcast %add3A_653 : i32 to vector<16xi32>
      %add3A_655 = arith.addi %mul3A_644, %add3A_654 : vector<16xi32>
      %gather3A_656 = tpu.vector_load_idx %arg5[%add3A_655] : memref<800xf32, #tpu.memory_space<vmem>>[vector<16xi32>], vector<16xf32>,
      %add3A_657 = arith.constant 4 : i32
      %add3A_658 = vector.broadcast %add3A_657 : i32 to vector<16xi32>
      %add3A_659 = arith.addi %mul3A_644, %add3A_658 : vector<16xi32>
      %gather3A_660 = tpu.vector_load_idx %arg5[%add3A_659] : memref<800xf32, #tpu.memory_space<vmem>>[vector<16xi32>], vector<16xf32>,
      %add3A_661 = arith.addf %gather3A_648, %gather3A_656 : vector<16xf32>
      %sub3A_662 = arith.subf %add3A_661, %gather3A_648 : vector<16xf32>
      %add3A_663 = arith.addf %gather3A_652, %gather3A_660 : vector<16xf32>
      %sub3A_664 = arith.subf %add3A_663, %gather3A_652 : vector<16xf32>
      %convert_element_type3A_665 = arith.fptosi %gather3A_648 : vector<16xf32> to vector<16xi32>
      %shift_right_arithmetic3A_666 = arith.constant 4 : i32
      %shift_right_arithmetic3A_667 = vector.broadcast %shift_right_arithmetic3A_666 : i32 to vector<16xi32>
      %shift_right_arithmetic3A_668 = arith.shrsi %convert_element_type3A_665, %shift_right_arithmetic3A_667 : vector<16xi32>
      %shift_left3A = arith.constant 4 : i32
      %shift_left3A_669 = vector.broadcast %shift_left3A : i32 to vector<16xi32>
      %shift_left3A_670 = arith.shli %shift_right_arithmetic3A_668, %shift_left3A_669 : vector<16xi32>
      %mul3A_671 = arith.constant 4096 : i32
      %mul3A_672 = vector.broadcast %mul3A_671 : i32 to vector<16xi32>
      %mul3A_673 = arith.muli %convert_element_type3A, %mul3A_672 : vector<16xi32>
      %add3A_674 = arith.addi %mul3A_673, %shift_right_arithmetic3A_668 : vector<16xi32>
      %mul3A_675 = arith.constant 8 : i32
      %mul3A_676 = vector.broadcast %mul3A_675 : i32 to vector<16xi32>
      %mul3A_677 = arith.muli %add3A_641, %mul3A_676 : vector<16xi32>
      %mul3A_678 = arith.constant 0.000000e+00 : f32
      %mul3A_679 = arith.mulf %mul3A_678, %div3A_2 : f32
      %mul3A_680 = arith.constant 1.000000e+00 : f32
      %mul3A_681 = arith.mulf %mul3A_680, %div3A_2 : f32
      %mul3A_682 = vector.broadcast %mul3A_679 : f32 to vector<16xf32>
      %mul3A_683 = arith.mulf %sub3A_662, %mul3A_682 : vector<16xf32>
      %add3A_684 = arith.addf %gather3A_648, %mul3A_683 : vector<16xf32>
      %mul3A_685 = vector.broadcast %mul3A_681 : f32 to vector<16xf32>
      %mul3A_686 = arith.mulf %sub3A_662, %mul3A_685 : vector<16xf32>
      %add3A_687 = arith.addf %gather3A_648, %mul3A_686 : vector<16xf32>
      %convert_element_type3A_688 = arith.fptosi %add3A_684 : vector<16xf32> to vector<16xi32>
      %convert_element_type3A_689 = arith.fptosi %add3A_687 : vector<16xf32> to vector<16xi32>
      %convert_element_type3A_690 = arith.sitofp %convert_element_type3A_689 : vector<16xi32> to vector<16xf32>
      %gt3A = arith.cmpf ogt, %add3A_687, %convert_element_type3A_690 : vector<16xf32>
      %add3A_691 = arith.constant 1 : i32
      %add3A_692 = vector.broadcast %add3A_691 : i32 to vector<16xi32>
      %add3A_693 = arith.addi %convert_element_type3A_689, %add3A_692 : vector<16xi32>
      %select_n3A_694 = arith.select %gt3A, %add3A_693, %convert_element_type3A_689 : vector<16xi1>, vector<16xi32>
      %add3A_695 = arith.constant 0 : i32
      %add3A_696 = vector.broadcast %add3A_695 : i32 to vector<16xi32>
      %add3A_697 = arith.addi %mul3A_677, %add3A_696 : vector<16xi32>
      %convert_element_type3A_698 = arith.sitofp %convert_element_type3A_688 : vector<16xi32> to vector<16xf32>
      %sub3A_699 = arith.subf %add3A_684, %convert_element_type3A_698 : vector<16xf32>
      %convert_element_type3A_700 = arith.sitofp %select_n3A_694 : vector<16xi32> to vector<16xf32>
      %sub3A_701 = arith.subf %convert_element_type3A_700, %add3A_684 : vector<16xf32>
      tpu.vector_store_idx %arg6[%add3A_697], %sub3A_699 : memref<1280xf32, #tpu.memory_space<vmem>>[vector<16xi32>], vector<16xf32>,
      tpu.vector_store_idx %arg7[%add3A_697], %sub3A_701 : memref<1280xf32, #tpu.memory_space<vmem>>[vector<16xi32>], vector<16xf32>,
      %add3A_702 = arith.addf %sub3A_699, %sub3A_701 : vector<16xf32>
      %div3A_703 = arith.constant 1.000000e+00 : f32
      %div3A_704 = vector.broadcast %div3A_703 : f32 to vector<16xf32>
      %div3A_705 = arith.divf %div3A_704, %add3A_702 : vector<16xf32>
      tpu.vector_store_idx %arg10[%add3A_697], %div3A_705 : memref<1280xf32, #tpu.memory_space<vmem>>[vector<16xi32>], vector<16xf32>,
      %sub3A_706 = arith.subi %convert_element_type3A_688, %shift_left3A_670 : vector<16xi32>
      tpu.vector_store_idx %arg12[%add3A_697], %sub3A_706 : memref<1280xi32, #tpu.memory_space<vmem>>[vector<16xi32>], vector<16xi32>,
      %mul3A_707 = arith.constant 1.000000e+00 : f32
      %mul3A_708 = arith.mulf %mul3A_707, %div3A_2 : f32
      %mul3A_709 = arith.constant 2.000000e+00 : f32
      %mul3A_710 = arith.mulf %mul3A_709, %div3A_2 : f32
      %mul3A_711 = vector.broadcast %mul3A_708 : f32 to vector<16xf32>
      %mul3A_712 = arith.mulf %sub3A_662, %mul3A_711 : vector<16xf32>
      %add3A_713 = arith.addf %gather3A_648, %mul3A_712 : vector<16xf32>
      %mul3A_714 = vector.broadcast %mul3A_710 : f32 to vector<16xf32>
      %mul3A_715 = arith.mulf %sub3A_662, %mul3A_714 : vector<16xf32>
      %add3A_716 = arith.addf %gather3A_648, %mul3A_715 : vector<16xf32>
      %convert_element_type3A_717 = arith.fptosi %add3A_713 : vector<16xf32> to vector<16xi32>
      %convert_element_type3A_718 = arith.fptosi %add3A_716 : vector<16xf32> to vector<16xi32>
      %convert_element_type3A_719 = arith.sitofp %convert_element_type3A_718 : vector<16xi32> to vector<16xf32>
      %gt3A_720 = arith.cmpf ogt, %add3A_716, %convert_element_type3A_719 : vector<16xf32>
      %add3A_721 = arith.constant 1 : i32
      %add3A_722 = vector.broadcast %add3A_721 : i32 to vector<16xi32>
      %add3A_723 = arith.addi %convert_element_type3A_718, %add3A_722 : vector<16xi32>
      %select_n3A_724 = arith.select %gt3A_720, %add3A_723, %convert_element_type3A_718 : vector<16xi1>, vector<16xi32>
      %add3A_725 = arith.constant 1 : i32
      %add3A_726 = vector.broadcast %add3A_725 : i32 to vector<16xi32>
      %add3A_727 = arith.addi %mul3A_677, %add3A_726 : vector<16xi32>
      %convert_element_type3A_728 = arith.sitofp %convert_element_type3A_717 : vector<16xi32> to vector<16xf32>
      %sub3A_729 = arith.subf %add3A_713, %convert_element_type3A_728 : vector<16xf32>
      %convert_element_type3A_730 = arith.sitofp %select_n3A_724 : vector<16xi32> to vector<16xf32>
      %sub3A_731 = arith.subf %convert_element_type3A_730, %add3A_713 : vector<16xf32>
      tpu.vector_store_idx %arg6[%add3A_727], %sub3A_729 : memref<1280xf32, #tpu.memory_space<vmem>>[vector<16xi32>], vector<16xf32>,
      tpu.vector_store_idx %arg7[%add3A_727], %sub3A_731 : memref<1280xf32, #tpu.memory_space<vmem>>[vector<16xi32>], vector<16xf32>,
      %add3A_732 = arith.addf %sub3A_729, %sub3A_731 : vector<16xf32>
      %div3A_733 = arith.constant 1.000000e+00 : f32
      %div3A_734 = vector.broadcast %div3A_733 : f32 to vector<16xf32>
      %div3A_735 = arith.divf %div3A_734, %add3A_732 : vector<16xf32>
      tpu.vector_store_idx %arg10[%add3A_727], %div3A_735 : memref<1280xf32, #tpu.memory_space<vmem>>[vector<16xi32>], vector<16xf32>,
      %sub3A_736 = arith.subi %convert_element_type3A_717, %shift_left3A_670 : vector<16xi32>
      tpu.vector_store_idx %arg12[%add3A_727], %sub3A_736 : memref<1280xi32, #tpu.memory_space<vmem>>[vector<16xi32>], vector<16xi32>,
      %mul3A_737 = arith.constant 2.000000e+00 : f32
      %mul3A_738 = arith.mulf %mul3A_737, %div3A_2 : f32
      %mul3A_739 = arith.constant 3.000000e+00 : f32
      %mul3A_740 = arith.mulf %mul3A_739, %div3A_2 : f32
      %mul3A_741 = vector.broadcast %mul3A_738 : f32 to vector<16xf32>
      %mul3A_742 = arith.mulf %sub3A_662, %mul3A_741 : vector<16xf32>
      %add3A_743 = arith.addf %gather3A_648, %mul3A_742 : vector<16xf32>
      %mul3A_744 = vector.broadcast %mul3A_740 : f32 to vector<16xf32>
      %mul3A_745 = arith.mulf %sub3A_662, %mul3A_744 : vector<16xf32>
      %add3A_746 = arith.addf %gather3A_648, %mul3A_745 : vector<16xf32>
      %convert_element_type3A_747 = arith.fptosi %add3A_743 : vector<16xf32> to vector<16xi32>
      %convert_element_type3A_748 = arith.fptosi %add3A_746 : vector<16xf32> to vector<16xi32>
      %convert_element_type3A_749 = arith.sitofp %convert_element_type3A_748 : vector<16xi32> to vector<16xf32>
      %gt3A_750 = arith.cmpf ogt, %add3A_746, %convert_element_type3A_749 : vector<16xf32>
      %add3A_751 = arith.constant 1 : i32
      %add3A_752 = vector.broadcast %add3A_751 : i32 to vector<16xi32>
      %add3A_753 = arith.addi %convert_element_type3A_748, %add3A_752 : vector<16xi32>
      %select_n3A_754 = arith.select %gt3A_750, %add3A_753, %convert_element_type3A_748 : vector<16xi1>, vector<16xi32>
      %add3A_755 = arith.constant 2 : i32
      %add3A_756 = vector.broadcast %add3A_755 : i32 to vector<16xi32>
      %add3A_757 = arith.addi %mul3A_677, %add3A_756 : vector<16xi32>
      %convert_element_type3A_758 = arith.sitofp %convert_element_type3A_747 : vector<16xi32> to vector<16xf32>
      %sub3A_759 = arith.subf %add3A_743, %convert_element_type3A_758 : vector<16xf32>
      %convert_element_type3A_760 = arith.sitofp %select_n3A_754 : vector<16xi32> to vector<16xf32>
      %sub3A_761 = arith.subf %convert_element_type3A_760, %add3A_743 : vector<16xf32>
      tpu.vector_store_idx %arg6[%add3A_757], %sub3A_759 : memref<1280xf32, #tpu.memory_space<vmem>>[vector<16xi32>], vector<16xf32>,
      tpu.vector_store_idx %arg7[%add3A_757], %sub3A_761 : memref<1280xf32, #tpu.memory_space<vmem>>[vector<16xi32>], vector<16xf32>,
      %add3A_762 = arith.addf %sub3A_759, %sub3A_761 : vector<16xf32>
      %div3A_763 = arith.constant 1.000000e+00 : f32
      %div3A_764 = vector.broadcast %div3A_763 : f32 to vector<16xf32>
      %div3A_765 = arith.divf %div3A_764, %add3A_762 : vector<16xf32>
      tpu.vector_store_idx %arg10[%add3A_757], %div3A_765 : memref<1280xf32, #tpu.memory_space<vmem>>[vector<16xi32>], vector<16xf32>,
      %sub3A_766 = arith.subi %convert_element_type3A_747, %shift_left3A_670 : vector<16xi32>
      tpu.vector_store_idx %arg12[%add3A_757], %sub3A_766 : memref<1280xi32, #tpu.memory_space<vmem>>[vector<16xi32>], vector<16xi32>,
      %mul3A_767 = arith.constant 3.000000e+00 : f32
      %mul3A_768 = arith.mulf %mul3A_767, %div3A_2 : f32
      %mul3A_769 = arith.constant 4.000000e+00 : f32
      %mul3A_770 = arith.mulf %mul3A_769, %div3A_2 : f32
      %mul3A_771 = vector.broadcast %mul3A_768 : f32 to vector<16xf32>
      %mul3A_772 = arith.mulf %sub3A_662, %mul3A_771 : vector<16xf32>
      %add3A_773 = arith.addf %gather3A_648, %mul3A_772 : vector<16xf32>
      %mul3A_774 = vector.broadcast %mul3A_770 : f32 to vector<16xf32>
      %mul3A_775 = arith.mulf %sub3A_662, %mul3A_774 : vector<16xf32>
      %add3A_776 = arith.addf %gather3A_648, %mul3A_775 : vector<16xf32>
      %convert_element_type3A_777 = arith.fptosi %add3A_773 : vector<16xf32> to vector<16xi32>
      %convert_element_type3A_778 = arith.fptosi %add3A_776 : vector<16xf32> to vector<16xi32>
      %convert_element_type3A_779 = arith.sitofp %convert_element_type3A_778 : vector<16xi32> to vector<16xf32>
      %gt3A_780 = arith.cmpf ogt, %add3A_776, %convert_element_type3A_779 : vector<16xf32>
      %add3A_781 = arith.constant 1 : i32
      %add3A_782 = vector.broadcast %add3A_781 : i32 to vector<16xi32>
      %add3A_783 = arith.addi %convert_element_type3A_778, %add3A_782 : vector<16xi32>
      %select_n3A_784 = arith.select %gt3A_780, %add3A_783, %convert_element_type3A_778 : vector<16xi1>, vector<16xi32>
      %add3A_785 = arith.constant 3 : i32
      %add3A_786 = vector.broadcast %add3A_785 : i32 to vector<16xi32>
      %add3A_787 = arith.addi %mul3A_677, %add3A_786 : vector<16xi32>
      %convert_element_type3A_788 = arith.sitofp %convert_element_type3A_777 : vector<16xi32> to vector<16xf32>
      %sub3A_789 = arith.subf %add3A_773, %convert_element_type3A_788 : vector<16xf32>
      %convert_element_type3A_790 = arith.sitofp %select_n3A_784 : vector<16xi32> to vector<16xf32>
      %sub3A_791 = arith.subf %convert_element_type3A_790, %add3A_773 : vector<16xf32>
      tpu.vector_store_idx %arg6[%add3A_787], %sub3A_789 : memref<1280xf32, #tpu.memory_space<vmem>>[vector<16xi32>], vector<16xf32>,
      tpu.vector_store_idx %arg7[%add3A_787], %sub3A_791 : memref<1280xf32, #tpu.memory_space<vmem>>[vector<16xi32>], vector<16xf32>,
      %add3A_792 = arith.addf %sub3A_789, %sub3A_791 : vector<16xf32>
      %div3A_793 = arith.constant 1.000000e+00 : f32
      %div3A_794 = vector.broadcast %div3A_793 : f32 to vector<16xf32>
      %div3A_795 = arith.divf %div3A_794, %add3A_792 : vector<16xf32>
      tpu.vector_store_idx %arg10[%add3A_787], %div3A_795 : memref<1280xf32, #tpu.memory_space<vmem>>[vector<16xi32>], vector<16xf32>,
      %sub3A_796 = arith.subi %convert_element_type3A_777, %shift_left3A_670 : vector<16xi32>
      tpu.vector_store_idx %arg12[%add3A_787], %sub3A_796 : memref<1280xi32, #tpu.memory_space<vmem>>[vector<16xi32>], vector<16xi32>,
      %mul3A_797 = arith.constant 4.000000e+00 : f32
      %mul3A_798 = arith.mulf %mul3A_797, %div3A_2 : f32
      %mul3A_799 = arith.constant 5.000000e+00 : f32
      %mul3A_800 = arith.mulf %mul3A_799, %div3A_2 : f32
      %mul3A_801 = vector.broadcast %mul3A_798 : f32 to vector<16xf32>
      %mul3A_802 = arith.mulf %sub3A_662, %mul3A_801 : vector<16xf32>
      %add3A_803 = arith.addf %gather3A_648, %mul3A_802 : vector<16xf32>
      %mul3A_804 = vector.broadcast %mul3A_800 : f32 to vector<16xf32>
      %mul3A_805 = arith.mulf %sub3A_662, %mul3A_804 : vector<16xf32>
      %add3A_806 = arith.addf %gather3A_648, %mul3A_805 : vector<16xf32>
      %convert_element_type3A_807 = arith.fptosi %add3A_803 : vector<16xf32> to vector<16xi32>
      %convert_element_type3A_808 = arith.fptosi %add3A_806 : vector<16xf32> to vector<16xi32>
      %convert_element_type3A_809 = arith.sitofp %convert_element_type3A_808 : vector<16xi32> to vector<16xf32>
      %gt3A_810 = arith.cmpf ogt, %add3A_806, %convert_element_type3A_809 : vector<16xf32>
      %add3A_811 = arith.constant 1 : i32
      %add3A_812 = vector.broadcast %add3A_811 : i32 to vector<16xi32>
      %add3A_813 = arith.addi %convert_element_type3A_808, %add3A_812 : vector<16xi32>
      %select_n3A_814 = arith.select %gt3A_810, %add3A_813, %convert_element_type3A_808 : vector<16xi1>, vector<16xi32>
      %add3A_815 = arith.constant 4 : i32
      %add3A_816 = vector.broadcast %add3A_815 : i32 to vector<16xi32>
      %add3A_817 = arith.addi %mul3A_677, %add3A_816 : vector<16xi32>
      %convert_element_type3A_818 = arith.sitofp %convert_element_type3A_807 : vector<16xi32> to vector<16xf32>
      %sub3A_819 = arith.subf %add3A_803, %convert_element_type3A_818 : vector<16xf32>
      %convert_element_type3A_820 = arith.sitofp %select_n3A_814 : vector<16xi32> to vector<16xf32>
      %sub3A_821 = arith.subf %convert_element_type3A_820, %add3A_803 : vector<16xf32>
      tpu.vector_store_idx %arg6[%add3A_817], %sub3A_819 : memref<1280xf32, #tpu.memory_space<vmem>>[vector<16xi32>], vector<16xf32>,
      tpu.vector_store_idx %arg7[%add3A_817], %sub3A_821 : memref<1280xf32, #tpu.memory_space<vmem>>[vector<16xi32>], vector<16xf32>,
      %add3A_822 = arith.addf %sub3A_819, %sub3A_821 : vector<16xf32>
      %div3A_823 = arith.constant 1.000000e+00 : f32
      %div3A_824 = vector.broadcast %div3A_823 : f32 to vector<16xf32>
      %div3A_825 = arith.divf %div3A_824, %add3A_822 : vector<16xf32>
      tpu.vector_store_idx %arg10[%add3A_817], %div3A_825 : memref<1280xf32, #tpu.memory_space<vmem>>[vector<16xi32>], vector<16xf32>,
      %sub3A_826 = arith.subi %convert_element_type3A_807, %shift_left3A_670 : vector<16xi32>
      tpu.vector_store_idx %arg12[%add3A_817], %sub3A_826 : memref<1280xi32, #tpu.memory_space<vmem>>[vector<16xi32>], vector<16xi32>,
      %mul3A_827 = arith.constant 5.000000e+00 : f32
      %mul3A_828 = arith.mulf %mul3A_827, %div3A_2 : f32
      %mul3A_829 = arith.constant 6.000000e+00 : f32
      %mul3A_830 = arith.mulf %mul3A_829, %div3A_2 : f32
      %mul3A_831 = vector.broadcast %mul3A_828 : f32 to vector<16xf32>
      %mul3A_832 = arith.mulf %sub3A_662, %mul3A_831 : vector<16xf32>
      %add3A_833 = arith.addf %gather3A_648, %mul3A_832 : vector<16xf32>
      %mul3A_834 = vector.broadcast %mul3A_830 : f32 to vector<16xf32>
      %mul3A_835 = arith.mulf %sub3A_662, %mul3A_834 : vector<16xf32>
      %add3A_836 = arith.addf %gather3A_648, %mul3A_835 : vector<16xf32>
      %convert_element_type3A_837 = arith.fptosi %add3A_833 : vector<16xf32> to vector<16xi32>
      %convert_element_type3A_838 = arith.fptosi %add3A_836 : vector<16xf32> to vector<16xi32>
      %convert_element_type3A_839 = arith.sitofp %convert_element_type3A_838 : vector<16xi32> to vector<16xf32>
      %gt3A_840 = arith.cmpf ogt, %add3A_836, %convert_element_type3A_839 : vector<16xf32>
      %add3A_841 = arith.constant 1 : i32
      %add3A_842 = vector.broadcast %add3A_841 : i32 to vector<16xi32>
      %add3A_843 = arith.addi %convert_element_type3A_838, %add3A_842 : vector<16xi32>
      %select_n3A_844 = arith.select %gt3A_840, %add3A_843, %convert_element_type3A_838 : vector<16xi1>, vector<16xi32>
      %add3A_845 = arith.constant 5 : i32
      %add3A_846 = vector.broadcast %add3A_845 : i32 to vector<16xi32>
      %add3A_847 = arith.addi %mul3A_677, %add3A_846 : vector<16xi32>
      %convert_element_type3A_848 = arith.sitofp %convert_element_type3A_837 : vector<16xi32> to vector<16xf32>
      %sub3A_849 = arith.subf %add3A_833, %convert_element_type3A_848 : vector<16xf32>
      %convert_element_type3A_850 = arith.sitofp %select_n3A_844 : vector<16xi32> to vector<16xf32>
      %sub3A_851 = arith.subf %convert_element_type3A_850, %add3A_833 : vector<16xf32>
      tpu.vector_store_idx %arg6[%add3A_847], %sub3A_849 : memref<1280xf32, #tpu.memory_space<vmem>>[vector<16xi32>], vector<16xf32>,
      tpu.vector_store_idx %arg7[%add3A_847], %sub3A_851 : memref<1280xf32, #tpu.memory_space<vmem>>[vector<16xi32>], vector<16xf32>,
      %add3A_852 = arith.addf %sub3A_849, %sub3A_851 : vector<16xf32>
      %div3A_853 = arith.constant 1.000000e+00 : f32
      %div3A_854 = vector.broadcast %div3A_853 : f32 to vector<16xf32>
      %div3A_855 = arith.divf %div3A_854, %add3A_852 : vector<16xf32>
      tpu.vector_store_idx %arg10[%add3A_847], %div3A_855 : memref<1280xf32, #tpu.memory_space<vmem>>[vector<16xi32>], vector<16xf32>,
      %sub3A_856 = arith.subi %convert_element_type3A_837, %shift_left3A_670 : vector<16xi32>
      tpu.vector_store_idx %arg12[%add3A_847], %sub3A_856 : memref<1280xi32, #tpu.memory_space<vmem>>[vector<16xi32>], vector<16xi32>,
      %mul3A_857 = arith.constant 6.000000e+00 : f32
      %mul3A_858 = arith.mulf %mul3A_857, %div3A_2 : f32
      %mul3A_859 = arith.constant 7.000000e+00 : f32
      %mul3A_860 = arith.mulf %mul3A_859, %div3A_2 : f32
      %mul3A_861 = vector.broadcast %mul3A_858 : f32 to vector<16xf32>
      %mul3A_862 = arith.mulf %sub3A_662, %mul3A_861 : vector<16xf32>
      %add3A_863 = arith.addf %gather3A_648, %mul3A_862 : vector<16xf32>
      %mul3A_864 = vector.broadcast %mul3A_860 : f32 to vector<16xf32>
      %mul3A_865 = arith.mulf %sub3A_662, %mul3A_864 : vector<16xf32>
      %add3A_866 = arith.addf %gather3A_648, %mul3A_865 : vector<16xf32>
      %convert_element_type3A_867 = arith.fptosi %add3A_863 : vector<16xf32> to vector<16xi32>
      %convert_element_type3A_868 = arith.fptosi %add3A_866 : vector<16xf32> to vector<16xi32>
      %convert_element_type3A_869 = arith.sitofp %convert_element_type3A_868 : vector<16xi32> to vector<16xf32>
      %gt3A_870 = arith.cmpf ogt, %add3A_866, %convert_element_type3A_869 : vector<16xf32>
      %add3A_871 = arith.constant 1 : i32
      %add3A_872 = vector.broadcast %add3A_871 : i32 to vector<16xi32>
      %add3A_873 = arith.addi %convert_element_type3A_868, %add3A_872 : vector<16xi32>
      %select_n3A_874 = arith.select %gt3A_870, %add3A_873, %convert_element_type3A_868 : vector<16xi1>, vector<16xi32>
      %add3A_875 = arith.constant 6 : i32
      %add3A_876 = vector.broadcast %add3A_875 : i32 to vector<16xi32>
      %add3A_877 = arith.addi %mul3A_677, %add3A_876 : vector<16xi32>
      %convert_element_type3A_878 = arith.sitofp %convert_element_type3A_867 : vector<16xi32> to vector<16xf32>
      %sub3A_879 = arith.subf %add3A_863, %convert_element_type3A_878 : vector<16xf32>
      %convert_element_type3A_880 = arith.sitofp %select_n3A_874 : vector<16xi32> to vector<16xf32>
      %sub3A_881 = arith.subf %convert_element_type3A_880, %add3A_863 : vector<16xf32>
      tpu.vector_store_idx %arg6[%add3A_877], %sub3A_879 : memref<1280xf32, #tpu.memory_space<vmem>>[vector<16xi32>], vector<16xf32>,
      tpu.vector_store_idx %arg7[%add3A_877], %sub3A_881 : memref<1280xf32, #tpu.memory_space<vmem>>[vector<16xi32>], vector<16xf32>,
      %add3A_882 = arith.addf %sub3A_879, %sub3A_881 : vector<16xf32>
      %div3A_883 = arith.constant 1.000000e+00 : f32
      %div3A_884 = vector.broadcast %div3A_883 : f32 to vector<16xf32>
      %div3A_885 = arith.divf %div3A_884, %add3A_882 : vector<16xf32>
      tpu.vector_store_idx %arg10[%add3A_877], %div3A_885 : memref<1280xf32, #tpu.memory_space<vmem>>[vector<16xi32>], vector<16xf32>,
      %sub3A_886 = arith.subi %convert_element_type3A_867, %shift_left3A_670 : vector<16xi32>
      tpu.vector_store_idx %arg12[%add3A_877], %sub3A_886 : memref<1280xi32, #tpu.memory_space<vmem>>[vector<16xi32>], vector<16xi32>,
      %mul3A_887 = arith.constant 0.000000e+00 : f32
      %mul3A_888 = arith.mulf %mul3A_887, %div3A_2 : f32
      %mul3A_889 = arith.constant 1.000000e+00 : f32
      %mul3A_890 = arith.mulf %mul3A_889, %div3A_2 : f32
      %mul3A_891 = vector.broadcast %mul3A_888 : f32 to vector<16xf32>
      %mul3A_892 = arith.mulf %sub3A_664, %mul3A_891 : vector<16xf32>
      %add3A_893 = arith.addf %gather3A_652, %mul3A_892 : vector<16xf32>
      %mul3A_894 = vector.broadcast %mul3A_890 : f32 to vector<16xf32>
      %mul3A_895 = arith.mulf %sub3A_664, %mul3A_894 : vector<16xf32>
      %add3A_896 = arith.addf %gather3A_652, %mul3A_895 : vector<16xf32>
      %convert_element_type3A_897 = arith.fptosi %add3A_893 : vector<16xf32> to vector<16xi32>
      %convert_element_type3A_898 = arith.fptosi %add3A_896 : vector<16xf32> to vector<16xi32>
      %convert_element_type3A_899 = arith.sitofp %convert_element_type3A_898 : vector<16xi32> to vector<16xf32>
      %gt3A_900 = arith.cmpf ogt, %add3A_896, %convert_element_type3A_899 : vector<16xf32>
      %add3A_901 = arith.constant 1 : i32
      %add3A_902 = vector.broadcast %add3A_901 : i32 to vector<16xi32>
      %add3A_903 = arith.addi %convert_element_type3A_898, %add3A_902 : vector<16xi32>
      %select_n3A_904 = arith.select %gt3A_900, %add3A_903, %convert_element_type3A_898 : vector<16xi1>, vector<16xi32>
      %add3A_905 = arith.constant 0 : i32
      %add3A_906 = vector.broadcast %add3A_905 : i32 to vector<16xi32>
      %add3A_907 = arith.addi %mul3A_677, %add3A_906 : vector<16xi32>
      %convert_element_type3A_908 = arith.sitofp %convert_element_type3A_897 : vector<16xi32> to vector<16xf32>
      %sub3A_909 = arith.subf %add3A_893, %convert_element_type3A_908 : vector<16xf32>
      %convert_element_type3A_910 = arith.sitofp %select_n3A_904 : vector<16xi32> to vector<16xf32>
      %sub3A_911 = arith.subf %convert_element_type3A_910, %add3A_893 : vector<16xf32>
      tpu.vector_store_idx %arg8[%add3A_907], %sub3A_909 : memref<1280xf32, #tpu.memory_space<vmem>>[vector<16xi32>], vector<16xf32>,
      tpu.vector_store_idx %arg9[%add3A_907], %sub3A_911 : memref<1280xf32, #tpu.memory_space<vmem>>[vector<16xi32>], vector<16xf32>,
      %add3A_912 = arith.addf %sub3A_909, %sub3A_911 : vector<16xf32>
      %div3A_913 = arith.constant 1.000000e+00 : f32
      %div3A_914 = vector.broadcast %div3A_913 : f32 to vector<16xf32>
      %div3A_915 = arith.divf %div3A_914, %add3A_912 : vector<16xf32>
      tpu.vector_store_idx %arg11[%add3A_907], %div3A_915 : memref<1280xf32, #tpu.memory_space<vmem>>[vector<16xi32>], vector<16xf32>,
      %shift_left3A_916 = arith.constant 4 : i32
      %shift_left3A_917 = vector.broadcast %shift_left3A_916 : i32 to vector<16xi32>
      %shift_left3A_918 = arith.shli %convert_element_type3A_897, %shift_left3A_917 : vector<16xi32>
      %add3A_919 = arith.addi %add3A_674, %shift_left3A_918 : vector<16xi32>
      tpu.vector_store_idx %arg13[%add3A_907], %add3A_919 : memref<1280xi32, #tpu.memory_space<vmem>>[vector<16xi32>], vector<16xi32>,
      %mul3A_920 = arith.constant 1.000000e+00 : f32
      %mul3A_921 = arith.mulf %mul3A_920, %div3A_2 : f32
      %mul3A_922 = arith.constant 2.000000e+00 : f32
      %mul3A_923 = arith.mulf %mul3A_922, %div3A_2 : f32
      %mul3A_924 = vector.broadcast %mul3A_921 : f32 to vector<16xf32>
      %mul3A_925 = arith.mulf %sub3A_664, %mul3A_924 : vector<16xf32>
      %add3A_926 = arith.addf %gather3A_652, %mul3A_925 : vector<16xf32>
      %mul3A_927 = vector.broadcast %mul3A_923 : f32 to vector<16xf32>
      %mul3A_928 = arith.mulf %sub3A_664, %mul3A_927 : vector<16xf32>
      %add3A_929 = arith.addf %gather3A_652, %mul3A_928 : vector<16xf32>
      %convert_element_type3A_930 = arith.fptosi %add3A_926 : vector<16xf32> to vector<16xi32>
      %convert_element_type3A_931 = arith.fptosi %add3A_929 : vector<16xf32> to vector<16xi32>
      %convert_element_type3A_932 = arith.sitofp %convert_element_type3A_931 : vector<16xi32> to vector<16xf32>
      %gt3A_933 = arith.cmpf ogt, %add3A_929, %convert_element_type3A_932 : vector<16xf32>
      %add3A_934 = arith.constant 1 : i32
      %add3A_935 = vector.broadcast %add3A_934 : i32 to vector<16xi32>
      %add3A_936 = arith.addi %convert_element_type3A_931, %add3A_935 : vector<16xi32>
      %select_n3A_937 = arith.select %gt3A_933, %add3A_936, %convert_element_type3A_931 : vector<16xi1>, vector<16xi32>
      %add3A_938 = arith.constant 1 : i32
      %add3A_939 = vector.broadcast %add3A_938 : i32 to vector<16xi32>
      %add3A_940 = arith.addi %mul3A_677, %add3A_939 : vector<16xi32>
      %convert_element_type3A_941 = arith.sitofp %convert_element_type3A_930 : vector<16xi32> to vector<16xf32>
      %sub3A_942 = arith.subf %add3A_926, %convert_element_type3A_941 : vector<16xf32>
      %convert_element_type3A_943 = arith.sitofp %select_n3A_937 : vector<16xi32> to vector<16xf32>
      %sub3A_944 = arith.subf %convert_element_type3A_943, %add3A_926 : vector<16xf32>
      tpu.vector_store_idx %arg8[%add3A_940], %sub3A_942 : memref<1280xf32, #tpu.memory_space<vmem>>[vector<16xi32>], vector<16xf32>,
      tpu.vector_store_idx %arg9[%add3A_940], %sub3A_944 : memref<1280xf32, #tpu.memory_space<vmem>>[vector<16xi32>], vector<16xf32>,
      %add3A_945 = arith.addf %sub3A_942, %sub3A_944 : vector<16xf32>
      %div3A_946 = arith.constant 1.000000e+00 : f32
      %div3A_947 = vector.broadcast %div3A_946 : f32 to vector<16xf32>
      %div3A_948 = arith.divf %div3A_947, %add3A_945 : vector<16xf32>
      tpu.vector_store_idx %arg11[%add3A_940], %div3A_948 : memref<1280xf32, #tpu.memory_space<vmem>>[vector<16xi32>], vector<16xf32>,
      %shift_left3A_949 = arith.constant 4 : i32
      %shift_left3A_950 = vector.broadcast %shift_left3A_949 : i32 to vector<16xi32>
      %shift_left3A_951 = arith.shli %convert_element_type3A_930, %shift_left3A_950 : vector<16xi32>
      %add3A_952 = arith.addi %add3A_674, %shift_left3A_951 : vector<16xi32>
      tpu.vector_store_idx %arg13[%add3A_940], %add3A_952 : memref<1280xi32, #tpu.memory_space<vmem>>[vector<16xi32>], vector<16xi32>,
      %mul3A_953 = arith.constant 2.000000e+00 : f32
      %mul3A_954 = arith.mulf %mul3A_953, %div3A_2 : f32
      %mul3A_955 = arith.constant 3.000000e+00 : f32
      %mul3A_956 = arith.mulf %mul3A_955, %div3A_2 : f32
      %mul3A_957 = vector.broadcast %mul3A_954 : f32 to vector<16xf32>
      %mul3A_958 = arith.mulf %sub3A_664, %mul3A_957 : vector<16xf32>
      %add3A_959 = arith.addf %gather3A_652, %mul3A_958 : vector<16xf32>
      %mul3A_960 = vector.broadcast %mul3A_956 : f32 to vector<16xf32>
      %mul3A_961 = arith.mulf %sub3A_664, %mul3A_960 : vector<16xf32>
      %add3A_962 = arith.addf %gather3A_652, %mul3A_961 : vector<16xf32>
      %convert_element_type3A_963 = arith.fptosi %add3A_959 : vector<16xf32> to vector<16xi32>
      %convert_element_type3A_964 = arith.fptosi %add3A_962 : vector<16xf32> to vector<16xi32>
      %convert_element_type3A_965 = arith.sitofp %convert_element_type3A_964 : vector<16xi32> to vector<16xf32>
      %gt3A_966 = arith.cmpf ogt, %add3A_962, %convert_element_type3A_965 : vector<16xf32>
      %add3A_967 = arith.constant 1 : i32
      %add3A_968 = vector.broadcast %add3A_967 : i32 to vector<16xi32>
      %add3A_969 = arith.addi %convert_element_type3A_964, %add3A_968 : vector<16xi32>
      %select_n3A_970 = arith.select %gt3A_966, %add3A_969, %convert_element_type3A_964 : vector<16xi1>, vector<16xi32>
      %add3A_971 = arith.constant 2 : i32
      %add3A_972 = vector.broadcast %add3A_971 : i32 to vector<16xi32>
      %add3A_973 = arith.addi %mul3A_677, %add3A_972 : vector<16xi32>
      %convert_element_type3A_974 = arith.sitofp %convert_element_type3A_963 : vector<16xi32> to vector<16xf32>
      %sub3A_975 = arith.subf %add3A_959, %convert_element_type3A_974 : vector<16xf32>
      %convert_element_type3A_976 = arith.sitofp %select_n3A_970 : vector<16xi32> to vector<16xf32>
      %sub3A_977 = arith.subf %convert_element_type3A_976, %add3A_959 : vector<16xf32>
      tpu.vector_store_idx %arg8[%add3A_973], %sub3A_975 : memref<1280xf32, #tpu.memory_space<vmem>>[vector<16xi32>], vector<16xf32>,
      tpu.vector_store_idx %arg9[%add3A_973], %sub3A_977 : memref<1280xf32, #tpu.memory_space<vmem>>[vector<16xi32>], vector<16xf32>,
      %add3A_978 = arith.addf %sub3A_975, %sub3A_977 : vector<16xf32>
      %div3A_979 = arith.constant 1.000000e+00 : f32
      %div3A_980 = vector.broadcast %div3A_979 : f32 to vector<16xf32>
      %div3A_981 = arith.divf %div3A_980, %add3A_978 : vector<16xf32>
      tpu.vector_store_idx %arg11[%add3A_973], %div3A_981 : memref<1280xf32, #tpu.memory_space<vmem>>[vector<16xi32>], vector<16xf32>,
      %shift_left3A_982 = arith.constant 4 : i32
      %shift_left3A_983 = vector.broadcast %shift_left3A_982 : i32 to vector<16xi32>
      %shift_left3A_984 = arith.shli %convert_element_type3A_963, %shift_left3A_983 : vector<16xi32>
      %add3A_985 = arith.addi %add3A_674, %shift_left3A_984 : vector<16xi32>
      tpu.vector_store_idx %arg13[%add3A_973], %add3A_985 : memref<1280xi32, #tpu.memory_space<vmem>>[vector<16xi32>], vector<16xi32>,
      %mul3A_986 = arith.constant 3.000000e+00 : f32
      %mul3A_987 = arith.mulf %mul3A_986, %div3A_2 : f32
      %mul3A_988 = arith.constant 4.000000e+00 : f32
      %mul3A_989 = arith.mulf %mul3A_988, %div3A_2 : f32
      %mul3A_990 = vector.broadcast %mul3A_987 : f32 to vector<16xf32>
      %mul3A_991 = arith.mulf %sub3A_664, %mul3A_990 : vector<16xf32>
      %add3A_992 = arith.addf %gather3A_652, %mul3A_991 : vector<16xf32>
      %mul3A_993 = vector.broadcast %mul3A_989 : f32 to vector<16xf32>
      %mul3A_994 = arith.mulf %sub3A_664, %mul3A_993 : vector<16xf32>
      %add3A_995 = arith.addf %gather3A_652, %mul3A_994 : vector<16xf32>
      %convert_element_type3A_996 = arith.fptosi %add3A_992 : vector<16xf32> to vector<16xi32>
      %convert_element_type3A_997 = arith.fptosi %add3A_995 : vector<16xf32> to vector<16xi32>
      %convert_element_type3A_998 = arith.sitofp %convert_element_type3A_997 : vector<16xi32> to vector<16xf32>
      %gt3A_999 = arith.cmpf ogt, %add3A_995, %convert_element_type3A_998 : vector<16xf32>
      %add3A_1000 = arith.constant 1 : i32
      %add3A_1001 = vector.broadcast %add3A_1000 : i32 to vector<16xi32>
      %add3A_1002 = arith.addi %convert_element_type3A_997, %add3A_1001 : vector<16xi32>
      %select_n3A_1003 = arith.select %gt3A_999, %add3A_1002, %convert_element_type3A_997 : vector<16xi1>, vector<16xi32>
      %add3A_1004 = arith.constant 3 : i32
      %add3A_1005 = vector.broadcast %add3A_1004 : i32 to vector<16xi32>
      %add3A_1006 = arith.addi %mul3A_677, %add3A_1005 : vector<16xi32>
      %convert_element_type3A_1007 = arith.sitofp %convert_element_type3A_996 : vector<16xi32> to vector<16xf32>
      %sub3A_1008 = arith.subf %add3A_992, %convert_element_type3A_1007 : vector<16xf32>
      %convert_element_type3A_1009 = arith.sitofp %select_n3A_1003 : vector<16xi32> to vector<16xf32>
      %sub3A_1010 = arith.subf %convert_element_type3A_1009, %add3A_992 : vector<16xf32>
      tpu.vector_store_idx %arg8[%add3A_1006], %sub3A_1008 : memref<1280xf32, #tpu.memory_space<vmem>>[vector<16xi32>], vector<16xf32>,
      tpu.vector_store_idx %arg9[%add3A_1006], %sub3A_1010 : memref<1280xf32, #tpu.memory_space<vmem>>[vector<16xi32>], vector<16xf32>,
      %add3A_1011 = arith.addf %sub3A_1008, %sub3A_1010 : vector<16xf32>
      %div3A_1012 = arith.constant 1.000000e+00 : f32
      %div3A_1013 = vector.broadcast %div3A_1012 : f32 to vector<16xf32>
      %div3A_1014 = arith.divf %div3A_1013, %add3A_1011 : vector<16xf32>
      tpu.vector_store_idx %arg11[%add3A_1006], %div3A_1014 : memref<1280xf32, #tpu.memory_space<vmem>>[vector<16xi32>], vector<16xf32>,
      %shift_left3A_1015 = arith.constant 4 : i32
      %shift_left3A_1016 = vector.broadcast %shift_left3A_1015 : i32 to vector<16xi32>
      %shift_left3A_1017 = arith.shli %convert_element_type3A_996, %shift_left3A_1016 : vector<16xi32>
      %add3A_1018 = arith.addi %add3A_674, %shift_left3A_1017 : vector<16xi32>
      tpu.vector_store_idx %arg13[%add3A_1006], %add3A_1018 : memref<1280xi32, #tpu.memory_space<vmem>>[vector<16xi32>], vector<16xi32>,
      %mul3A_1019 = arith.constant 4.000000e+00 : f32
      %mul3A_1020 = arith.mulf %mul3A_1019, %div3A_2 : f32
      %mul3A_1021 = arith.constant 5.000000e+00 : f32
      %mul3A_1022 = arith.mulf %mul3A_1021, %div3A_2 : f32
      %mul3A_1023 = vector.broadcast %mul3A_1020 : f32 to vector<16xf32>
      %mul3A_1024 = arith.mulf %sub3A_664, %mul3A_1023 : vector<16xf32>
      %add3A_1025 = arith.addf %gather3A_652, %mul3A_1024 : vector<16xf32>
      %mul3A_1026 = vector.broadcast %mul3A_1022 : f32 to vector<16xf32>
      %mul3A_1027 = arith.mulf %sub3A_664, %mul3A_1026 : vector<16xf32>
      %add3A_1028 = arith.addf %gather3A_652, %mul3A_1027 : vector<16xf32>
      %convert_element_type3A_1029 = arith.fptosi %add3A_1025 : vector<16xf32> to vector<16xi32>
      %convert_element_type3A_1030 = arith.fptosi %add3A_1028 : vector<16xf32> to vector<16xi32>
      %convert_element_type3A_1031 = arith.sitofp %convert_element_type3A_1030 : vector<16xi32> to vector<16xf32>
      %gt3A_1032 = arith.cmpf ogt, %add3A_1028, %convert_element_type3A_1031 : vector<16xf32>
      %add3A_1033 = arith.constant 1 : i32
      %add3A_1034 = vector.broadcast %add3A_1033 : i32 to vector<16xi32>
      %add3A_1035 = arith.addi %convert_element_type3A_1030, %add3A_1034 : vector<16xi32>
      %select_n3A_1036 = arith.select %gt3A_1032, %add3A_1035, %convert_element_type3A_1030 : vector<16xi1>, vector<16xi32>
      %add3A_1037 = arith.constant 4 : i32
      %add3A_1038 = vector.broadcast %add3A_1037 : i32 to vector<16xi32>
      %add3A_1039 = arith.addi %mul3A_677, %add3A_1038 : vector<16xi32>
      %convert_element_type3A_1040 = arith.sitofp %convert_element_type3A_1029 : vector<16xi32> to vector<16xf32>
      %sub3A_1041 = arith.subf %add3A_1025, %convert_element_type3A_1040 : vector<16xf32>
      %convert_element_type3A_1042 = arith.sitofp %select_n3A_1036 : vector<16xi32> to vector<16xf32>
      %sub3A_1043 = arith.subf %convert_element_type3A_1042, %add3A_1025 : vector<16xf32>
      tpu.vector_store_idx %arg8[%add3A_1039], %sub3A_1041 : memref<1280xf32, #tpu.memory_space<vmem>>[vector<16xi32>], vector<16xf32>,
      tpu.vector_store_idx %arg9[%add3A_1039], %sub3A_1043 : memref<1280xf32, #tpu.memory_space<vmem>>[vector<16xi32>], vector<16xf32>,
      %add3A_1044 = arith.addf %sub3A_1041, %sub3A_1043 : vector<16xf32>
      %div3A_1045 = arith.constant 1.000000e+00 : f32
      %div3A_1046 = vector.broadcast %div3A_1045 : f32 to vector<16xf32>
      %div3A_1047 = arith.divf %div3A_1046, %add3A_1044 : vector<16xf32>
      tpu.vector_store_idx %arg11[%add3A_1039], %div3A_1047 : memref<1280xf32, #tpu.memory_space<vmem>>[vector<16xi32>], vector<16xf32>,
      %shift_left3A_1048 = arith.constant 4 : i32
      %shift_left3A_1049 = vector.broadcast %shift_left3A_1048 : i32 to vector<16xi32>
      %shift_left3A_1050 = arith.shli %convert_element_type3A_1029, %shift_left3A_1049 : vector<16xi32>
      %add3A_1051 = arith.addi %add3A_674, %shift_left3A_1050 : vector<16xi32>
      tpu.vector_store_idx %arg13[%add3A_1039], %add3A_1051 : memref<1280xi32, #tpu.memory_space<vmem>>[vector<16xi32>], vector<16xi32>,
      %mul3A_1052 = arith.constant 5.000000e+00 : f32
      %mul3A_1053 = arith.mulf %mul3A_1052, %div3A_2 : f32
      %mul3A_1054 = arith.constant 6.000000e+00 : f32
      %mul3A_1055 = arith.mulf %mul3A_1054, %div3A_2 : f32
      %mul3A_1056 = vector.broadcast %mul3A_1053 : f32 to vector<16xf32>
      %mul3A_1057 = arith.mulf %sub3A_664, %mul3A_1056 : vector<16xf32>
      %add3A_1058 = arith.addf %gather3A_652, %mul3A_1057 : vector<16xf32>
      %mul3A_1059 = vector.broadcast %mul3A_1055 : f32 to vector<16xf32>
      %mul3A_1060 = arith.mulf %sub3A_664, %mul3A_1059 : vector<16xf32>
      %add3A_1061 = arith.addf %gather3A_652, %mul3A_1060 : vector<16xf32>
      %convert_element_type3A_1062 = arith.fptosi %add3A_1058 : vector<16xf32> to vector<16xi32>
      %convert_element_type3A_1063 = arith.fptosi %add3A_1061 : vector<16xf32> to vector<16xi32>
      %convert_element_type3A_1064 = arith.sitofp %convert_element_type3A_1063 : vector<16xi32> to vector<16xf32>
      %gt3A_1065 = arith.cmpf ogt, %add3A_1061, %convert_element_type3A_1064 : vector<16xf32>
      %add3A_1066 = arith.constant 1 : i32
      %add3A_1067 = vector.broadcast %add3A_1066 : i32 to vector<16xi32>
      %add3A_1068 = arith.addi %convert_element_type3A_1063, %add3A_1067 : vector<16xi32>
      %select_n3A_1069 = arith.select %gt3A_1065, %add3A_1068, %convert_element_type3A_1063 : vector<16xi1>, vector<16xi32>
      %add3A_1070 = arith.constant 5 : i32
      %add3A_1071 = vector.broadcast %add3A_1070 : i32 to vector<16xi32>
      %add3A_1072 = arith.addi %mul3A_677, %add3A_1071 : vector<16xi32>
      %convert_element_type3A_1073 = arith.sitofp %convert_element_type3A_1062 : vector<16xi32> to vector<16xf32>
      %sub3A_1074 = arith.subf %add3A_1058, %convert_element_type3A_1073 : vector<16xf32>
      %convert_element_type3A_1075 = arith.sitofp %select_n3A_1069 : vector<16xi32> to vector<16xf32>
      %sub3A_1076 = arith.subf %convert_element_type3A_1075, %add3A_1058 : vector<16xf32>
      tpu.vector_store_idx %arg8[%add3A_1072], %sub3A_1074 : memref<1280xf32, #tpu.memory_space<vmem>>[vector<16xi32>], vector<16xf32>,
      tpu.vector_store_idx %arg9[%add3A_1072], %sub3A_1076 : memref<1280xf32, #tpu.memory_space<vmem>>[vector<16xi32>], vector<16xf32>,
      %add3A_1077 = arith.addf %sub3A_1074, %sub3A_1076 : vector<16xf32>
      %div3A_1078 = arith.constant 1.000000e+00 : f32
      %div3A_1079 = vector.broadcast %div3A_1078 : f32 to vector<16xf32>
      %div3A_1080 = arith.divf %div3A_1079, %add3A_1077 : vector<16xf32>
      tpu.vector_store_idx %arg11[%add3A_1072], %div3A_1080 : memref<1280xf32, #tpu.memory_space<vmem>>[vector<16xi32>], vector<16xf32>,
      %shift_left3A_1081 = arith.constant 4 : i32
      %shift_left3A_1082 = vector.broadcast %shift_left3A_1081 : i32 to vector<16xi32>
      %shift_left3A_1083 = arith.shli %convert_element_type3A_1062, %shift_left3A_1082 : vector<16xi32>
      %add3A_1084 = arith.addi %add3A_674, %shift_left3A_1083 : vector<16xi32>
      tpu.vector_store_idx %arg13[%add3A_1072], %add3A_1084 : memref<1280xi32, #tpu.memory_space<vmem>>[vector<16xi32>], vector<16xi32>,
      %mul3A_1085 = arith.constant 6.000000e+00 : f32
      %mul3A_1086 = arith.mulf %mul3A_1085, %div3A_2 : f32
      %mul3A_1087 = arith.constant 7.000000e+00 : f32
      %mul3A_1088 = arith.mulf %mul3A_1087, %div3A_2 : f32
      %mul3A_1089 = vector.broadcast %mul3A_1086 : f32 to vector<16xf32>
      %mul3A_1090 = arith.mulf %sub3A_664, %mul3A_1089 : vector<16xf32>
      %add3A_1091 = arith.addf %gather3A_652, %mul3A_1090 : vector<16xf32>
      %mul3A_1092 = vector.broadcast %mul3A_1088 : f32 to vector<16xf32>
      %mul3A_1093 = arith.mulf %sub3A_664, %mul3A_1092 : vector<16xf32>
      %add3A_1094 = arith.addf %gather3A_652, %mul3A_1093 : vector<16xf32>
      %convert_element_type3A_1095 = arith.fptosi %add3A_1091 : vector<16xf32> to vector<16xi32>
      %convert_element_type3A_1096 = arith.fptosi %add3A_1094 : vector<16xf32> to vector<16xi32>
      %convert_element_type3A_1097 = arith.sitofp %convert_element_type3A_1096 : vector<16xi32> to vector<16xf32>
      %gt3A_1098 = arith.cmpf ogt, %add3A_1094, %convert_element_type3A_1097 : vector<16xf32>
      %add3A_1099 = arith.constant 1 : i32
      %add3A_1100 = vector.broadcast %add3A_1099 : i32 to vector<16xi32>
      %add3A_1101 = arith.addi %convert_element_type3A_1096, %add3A_1100 : vector<16xi32>
      %select_n3A_1102 = arith.select %gt3A_1098, %add3A_1101, %convert_element_type3A_1096 : vector<16xi1>, vector<16xi32>
      %add3A_1103 = arith.constant 6 : i32
      %add3A_1104 = vector.broadcast %add3A_1103 : i32 to vector<16xi32>
      %add3A_1105 = arith.addi %mul3A_677, %add3A_1104 : vector<16xi32>
      %convert_element_type3A_1106 = arith.sitofp %convert_element_type3A_1095 : vector<16xi32> to vector<16xf32>
      %sub3A_1107 = arith.subf %add3A_1091, %convert_element_type3A_1106 : vector<16xf32>
      %convert_element_type3A_1108 = arith.sitofp %select_n3A_1102 : vector<16xi32> to vector<16xf32>
      %sub3A_1109 = arith.subf %convert_element_type3A_1108, %add3A_1091 : vector<16xf32>
      tpu.vector_store_idx %arg8[%add3A_1105], %sub3A_1107 : memref<1280xf32, #tpu.memory_space<vmem>>[vector<16xi32>], vector<16xf32>,
      tpu.vector_store_idx %arg9[%add3A_1105], %sub3A_1109 : memref<1280xf32, #tpu.memory_space<vmem>>[vector<16xi32>], vector<16xf32>,
      %add3A_1110 = arith.addf %sub3A_1107, %sub3A_1109 : vector<16xf32>
      %div3A_1111 = arith.constant 1.000000e+00 : f32
      %div3A_1112 = vector.broadcast %div3A_1111 : f32 to vector<16xf32>
      %div3A_1113 = arith.divf %div3A_1112, %add3A_1110 : vector<16xf32>
      tpu.vector_store_idx %arg11[%add3A_1105], %div3A_1113 : memref<1280xf32, #tpu.memory_space<vmem>>[vector<16xi32>], vector<16xf32>,
      %shift_left3A_1114 = arith.constant 4 : i32
      %shift_left3A_1115 = vector.broadcast %shift_left3A_1114 : i32 to vector<16xi32>
      %shift_left3A_1116 = arith.shli %convert_element_type3A_1095, %shift_left3A_1115 : vector<16xi32>
      %add3A_1117 = arith.addi %add3A_674, %shift_left3A_1116 : vector<16xi32>
      tpu.vector_store_idx %arg13[%add3A_1105], %add3A_1117 : memref<1280xi32, #tpu.memory_space<vmem>>[vector<16xi32>], vector<16xi32>,
      %mul3A_1118 = arith.constant 4 : i32
      %mul3A_1119 = arith.muli %scan3A_637, %mul3A_1118 : i32
      %add3A_1120 = arith.constant 0 : i32
      %add3A_1121 = arith.addi %mul3A_1119, %add3A_1120 : i32
      %mul3A_1122 = arith.constant 128 : i32
      %mul3A_1123 = arith.muli %scan3A_637, %mul3A_1122 : i32
      %add3A_1124 = arith.constant 0 : i32
      %add3A_1125 = arith.addi %mul3A_1123, %add3A_1124 : i32
      %add3A_1126 = vector.broadcast %add3A_1125 : i32 to vector<16xi32>
      %add3A_1127 = arith.addi %mul3A_5, %add3A_1126 : vector<16xi32>
      %add3A_1128 = arith.addi %add3A_1127, %add3A_232 : vector<16xi32>
      %gather3A_1129 = tpu.vector_load_idx %arg13[%add3A_1128] : memref<1280xi32, #tpu.memory_space<vmem>>[vector<16xi32>], vector<16xi32>,
      %add3A_1130 = arith.addi %gather3A_1129, %add3A_242 : vector<16xi32>
      %swap3A = arith.index_cast %add3A_1121 : i32 to index
      %swap3A_1131 = arith.constant 0 : index
      %swap3A_1132 = tpu.vector_load %arg14[%swap3A, %swap3A_1131] {strides = array<i32>} : memref<40x112xi32, #tpu.memory_space<vmem>>, vector<16xi32>,
      tpu.vector_store %arg14[%swap3A, %swap3A_1131], %add3A_1130 {strides = array<i32>} : memref<40x112xi32, #tpu.memory_space<vmem>>, vector<16xi32>,
      %add3A_1133 = arith.addi %add3A_1127, %add3A_290 : vector<16xi32>
      %gather3A_1134 = tpu.vector_load_idx %arg13[%add3A_1133] : memref<1280xi32, #tpu.memory_space<vmem>>[vector<16xi32>], vector<16xi32>,
      %add3A_1135 = arith.addi %gather3A_1134, %add3A_300 : vector<16xi32>
      %swap3A_1136 = arith.index_cast %add3A_1121 : i32 to index
      %swap3A_1137 = arith.constant 16 : index
      %swap3A_1138 = tpu.vector_load %arg14[%swap3A_1136, %swap3A_1137] {strides = array<i32>} : memref<40x112xi32, #tpu.memory_space<vmem>>, vector<16xi32>,
      tpu.vector_store %arg14[%swap3A_1136, %swap3A_1137], %add3A_1135 {strides = array<i32>} : memref<40x112xi32, #tpu.memory_space<vmem>>, vector<16xi32>,
      %add3A_1139 = arith.addi %add3A_1127, %add3A_348 : vector<16xi32>
      %gather3A_1140 = tpu.vector_load_idx %arg13[%add3A_1139] : memref<1280xi32, #tpu.memory_space<vmem>>[vector<16xi32>], vector<16xi32>,
      %add3A_1141 = arith.addi %gather3A_1140, %add3A_358 : vector<16xi32>
      %swap3A_1142 = arith.index_cast %add3A_1121 : i32 to index
      %swap3A_1143 = arith.constant 32 : index
      %swap3A_1144 = tpu.vector_load %arg14[%swap3A_1142, %swap3A_1143] {strides = array<i32>} : memref<40x112xi32, #tpu.memory_space<vmem>>, vector<16xi32>,
      tpu.vector_store %arg14[%swap3A_1142, %swap3A_1143], %add3A_1141 {strides = array<i32>} : memref<40x112xi32, #tpu.memory_space<vmem>>, vector<16xi32>,
      %add3A_1145 = arith.addi %add3A_1127, %add3A_406 : vector<16xi32>
      %gather3A_1146 = tpu.vector_load_idx %arg13[%add3A_1145] : memref<1280xi32, #tpu.memory_space<vmem>>[vector<16xi32>], vector<16xi32>,
      %add3A_1147 = arith.addi %gather3A_1146, %add3A_416 : vector<16xi32>
      %swap3A_1148 = arith.index_cast %add3A_1121 : i32 to index
      %swap3A_1149 = arith.constant 48 : index
      %swap3A_1150 = tpu.vector_load %arg14[%swap3A_1148, %swap3A_1149] {strides = array<i32>} : memref<40x112xi32, #tpu.memory_space<vmem>>, vector<16xi32>,
      tpu.vector_store %arg14[%swap3A_1148, %swap3A_1149], %add3A_1147 {strides = array<i32>} : memref<40x112xi32, #tpu.memory_space<vmem>>, vector<16xi32>,
      %add3A_1151 = arith.addi %add3A_1127, %add3A_464 : vector<16xi32>
      %gather3A_1152 = tpu.vector_load_idx %arg13[%add3A_1151] : memref<1280xi32, #tpu.memory_space<vmem>>[vector<16xi32>], vector<16xi32>,
      %add3A_1153 = arith.addi %gather3A_1152, %add3A_474 : vector<16xi32>
      %swap3A_1154 = arith.index_cast %add3A_1121 : i32 to index
      %swap3A_1155 = arith.constant 64 : index
      %swap3A_1156 = tpu.vector_load %arg14[%swap3A_1154, %swap3A_1155] {strides = array<i32>} : memref<40x112xi32, #tpu.memory_space<vmem>>, vector<16xi32>,
      tpu.vector_store %arg14[%swap3A_1154, %swap3A_1155], %add3A_1153 {strides = array<i32>} : memref<40x112xi32, #tpu.memory_space<vmem>>, vector<16xi32>,
      %add3A_1157 = arith.addi %add3A_1127, %add3A_522 : vector<16xi32>
      %gather3A_1158 = tpu.vector_load_idx %arg13[%add3A_1157] : memref<1280xi32, #tpu.memory_space<vmem>>[vector<16xi32>], vector<16xi32>,
      %add3A_1159 = arith.addi %gather3A_1158, %add3A_532 : vector<16xi32>
      %swap3A_1160 = arith.index_cast %add3A_1121 : i32 to index
      %swap3A_1161 = arith.constant 80 : index
      %swap3A_1162 = tpu.vector_load %arg14[%swap3A_1160, %swap3A_1161] {strides = array<i32>} : memref<40x112xi32, #tpu.memory_space<vmem>>, vector<16xi32>,
      tpu.vector_store %arg14[%swap3A_1160, %swap3A_1161], %add3A_1159 {strides = array<i32>} : memref<40x112xi32, #tpu.memory_space<vmem>>, vector<16xi32>,
      %add3A_1163 = arith.addi %add3A_1127, %add3A_580 : vector<16xi32>
      %gather3A_1164 = tpu.vector_load_idx %arg13[%add3A_1163] : memref<1280xi32, #tpu.memory_space<vmem>>[vector<16xi32>], vector<16xi32>,
      %add3A_1165 = arith.addi %gather3A_1164, %add3A_590 : vector<16xi32>
      %swap3A_1166 = arith.index_cast %add3A_1121 : i32 to index
      %swap3A_1167 = arith.constant 96 : index
      %swap3A_1168 = tpu.vector_load %arg14[%swap3A_1166, %swap3A_1167] {strides = array<i32>} : memref<40x112xi32, #tpu.memory_space<vmem>>, vector<16xi32>,
      tpu.vector_store %arg14[%swap3A_1166, %swap3A_1167], %add3A_1165 {strides = array<i32>} : memref<40x112xi32, #tpu.memory_space<vmem>>, vector<16xi32>,
      %mul3A_1169 = arith.constant 112 : i32
      %mul3A_1170 = arith.muli %add3A_1121, %mul3A_1169 : i32
      %dma_start3A = arith.constant 0 : i32
      %dma_start3A_1171 = tpu.memref_slice %arg15[%mul3A_1170, %dma_start3A] : memref<4480x16xf32, #tpu.memory_space<vmem>> -> memref<112x16xf32, #tpu.memory_space<vmem>>
      %dma_start3A_1172 = arith.constant 0 : i32
      %dma_start3A_1173 = tpu.memref_slice %arg14[%add3A_1121, %dma_start3A_1172] : memref<40x112xi32, #tpu.memory_space<vmem>> -> memref<1x112xi32, #tpu.memory_space<vmem>>
      %dma_start3A_1174 = tpu.memref_squeeze %dma_start3A_1173 : memref<1x112xi32, #tpu.memory_space<vmem>> -> memref<112xi32, #tpu.memory_space<vmem>>
      %dma_start3A_1175 = arith.constant 0 : i32
      %dma_start3A_1176 = arith.constant 0 : i32
      %dma_start3A_1177 = tpu.memref_slice %arg2[%dma_start3A_1175, %dma_start3A_1176] : memref<32768x16xf32, #tpu.memory_space<hbm>> -> memref<32768x16xf32, #tpu.memory_space<hbm>>
      tpu.enqueue_indirect_dma source(%dma_start3A_1177 : memref<32768x16xf32, #tpu.memory_space<hbm>>) target(%dma_start3A_1171 : memref<112x16xf32, #tpu.memory_space<vmem>>) offsets(%dma_start3A_1174 : memref<112xi32, #tpu.memory_space<vmem>>) semaphore(%arg17 : memref<!tpu.dma_semaphore, #tpu.memory_space<semaphore_mem>>)
      %mul3A_1178 = arith.constant 4 : i32
      %mul3A_1179 = arith.muli %scan3A_637, %mul3A_1178 : i32
      %add3A_1180 = arith.constant 1 : i32
      %add3A_1181 = arith.addi %mul3A_1179, %add3A_1180 : i32
      %mul3A_1182 = arith.constant 128 : i32
      %mul3A_1183 = arith.muli %scan3A_637, %mul3A_1182 : i32
      %add3A_1184 = arith.constant 32 : i32
      %add3A_1185 = arith.addi %mul3A_1183, %add3A_1184 : i32
      %add3A_1186 = vector.broadcast %add3A_1185 : i32 to vector<16xi32>
      %add3A_1187 = arith.addi %mul3A_5, %add3A_1186 : vector<16xi32>
      %add3A_1188 = arith.addi %add3A_1187, %add3A_232 : vector<16xi32>
      %gather3A_1189 = tpu.vector_load_idx %arg13[%add3A_1188] : memref<1280xi32, #tpu.memory_space<vmem>>[vector<16xi32>], vector<16xi32>,
      %add3A_1190 = arith.addi %gather3A_1189, %add3A_242 : vector<16xi32>
      %swap3A_1191 = arith.index_cast %add3A_1181 : i32 to index
      %swap3A_1192 = arith.constant 0 : index
      %swap3A_1193 = tpu.vector_load %arg14[%swap3A_1191, %swap3A_1192] {strides = array<i32>} : memref<40x112xi32, #tpu.memory_space<vmem>>, vector<16xi32>,
      tpu.vector_store %arg14[%swap3A_1191, %swap3A_1192], %add3A_1190 {strides = array<i32>} : memref<40x112xi32, #tpu.memory_space<vmem>>, vector<16xi32>,
      %add3A_1194 = arith.addi %add3A_1187, %add3A_290 : vector<16xi32>
      %gather3A_1195 = tpu.vector_load_idx %arg13[%add3A_1194] : memref<1280xi32, #tpu.memory_space<vmem>>[vector<16xi32>], vector<16xi32>,
      %add3A_1196 = arith.addi %gather3A_1195, %add3A_300 : vector<16xi32>
      %swap3A_1197 = arith.index_cast %add3A_1181 : i32 to index
      %swap3A_1198 = arith.constant 16 : index
      %swap3A_1199 = tpu.vector_load %arg14[%swap3A_1197, %swap3A_1198] {strides = array<i32>} : memref<40x112xi32, #tpu.memory_space<vmem>>, vector<16xi32>,
      tpu.vector_store %arg14[%swap3A_1197, %swap3A_1198], %add3A_1196 {strides = array<i32>} : memref<40x112xi32, #tpu.memory_space<vmem>>, vector<16xi32>,
      %add3A_1200 = arith.addi %add3A_1187, %add3A_348 : vector<16xi32>
      %gather3A_1201 = tpu.vector_load_idx %arg13[%add3A_1200] : memref<1280xi32, #tpu.memory_space<vmem>>[vector<16xi32>], vector<16xi32>,
      %add3A_1202 = arith.addi %gather3A_1201, %add3A_358 : vector<16xi32>
      %swap3A_1203 = arith.index_cast %add3A_1181 : i32 to index
      %swap3A_1204 = arith.constant 32 : index
      %swap3A_1205 = tpu.vector_load %arg14[%swap3A_1203, %swap3A_1204] {strides = array<i32>} : memref<40x112xi32, #tpu.memory_space<vmem>>, vector<16xi32>,
      tpu.vector_store %arg14[%swap3A_1203, %swap3A_1204], %add3A_1202 {strides = array<i32>} : memref<40x112xi32, #tpu.memory_space<vmem>>, vector<16xi32>,
      %add3A_1206 = arith.addi %add3A_1187, %add3A_406 : vector<16xi32>
      %gather3A_1207 = tpu.vector_load_idx %arg13[%add3A_1206] : memref<1280xi32, #tpu.memory_space<vmem>>[vector<16xi32>], vector<16xi32>,
      %add3A_1208 = arith.addi %gather3A_1207, %add3A_416 : vector<16xi32>
      %swap3A_1209 = arith.index_cast %add3A_1181 : i32 to index
      %swap3A_1210 = arith.constant 48 : index
      %swap3A_1211 = tpu.vector_load %arg14[%swap3A_1209, %swap3A_1210] {strides = array<i32>} : memref<40x112xi32, #tpu.memory_space<vmem>>, vector<16xi32>,
      tpu.vector_store %arg14[%swap3A_1209, %swap3A_1210], %add3A_1208 {strides = array<i32>} : memref<40x112xi32, #tpu.memory_space<vmem>>, vector<16xi32>,
      %add3A_1212 = arith.addi %add3A_1187, %add3A_464 : vector<16xi32>
      %gather3A_1213 = tpu.vector_load_idx %arg13[%add3A_1212] : memref<1280xi32, #tpu.memory_space<vmem>>[vector<16xi32>], vector<16xi32>,
      %add3A_1214 = arith.addi %gather3A_1213, %add3A_474 : vector<16xi32>
      %swap3A_1215 = arith.index_cast %add3A_1181 : i32 to index
      %swap3A_1216 = arith.constant 64 : index
      %swap3A_1217 = tpu.vector_load %arg14[%swap3A_1215, %swap3A_1216] {strides = array<i32>} : memref<40x112xi32, #tpu.memory_space<vmem>>, vector<16xi32>,
      tpu.vector_store %arg14[%swap3A_1215, %swap3A_1216], %add3A_1214 {strides = array<i32>} : memref<40x112xi32, #tpu.memory_space<vmem>>, vector<16xi32>,
      %add3A_1218 = arith.addi %add3A_1187, %add3A_522 : vector<16xi32>
      %gather3A_1219 = tpu.vector_load_idx %arg13[%add3A_1218] : memref<1280xi32, #tpu.memory_space<vmem>>[vector<16xi32>], vector<16xi32>,
      %add3A_1220 = arith.addi %gather3A_1219, %add3A_532 : vector<16xi32>
      %swap3A_1221 = arith.index_cast %add3A_1181 : i32 to index
      %swap3A_1222 = arith.constant 80 : index
      %swap3A_1223 = tpu.vector_load %arg14[%swap3A_1221, %swap3A_1222] {strides = array<i32>} : memref<40x112xi32, #tpu.memory_space<vmem>>, vector<16xi32>,
      tpu.vector_store %arg14[%swap3A_1221, %swap3A_1222], %add3A_1220 {strides = array<i32>} : memref<40x112xi32, #tpu.memory_space<vmem>>, vector<16xi32>,
      %add3A_1224 = arith.addi %add3A_1187, %add3A_580 : vector<16xi32>
      %gather3A_1225 = tpu.vector_load_idx %arg13[%add3A_1224] : memref<1280xi32, #tpu.memory_space<vmem>>[vector<16xi32>], vector<16xi32>,
      %add3A_1226 = arith.addi %gather3A_1225, %add3A_590 : vector<16xi32>
      %swap3A_1227 = arith.index_cast %add3A_1181 : i32 to index
      %swap3A_1228 = arith.constant 96 : index
      %swap3A_1229 = tpu.vector_load %arg14[%swap3A_1227, %swap3A_1228] {strides = array<i32>} : memref<40x112xi32, #tpu.memory_space<vmem>>, vector<16xi32>,
      tpu.vector_store %arg14[%swap3A_1227, %swap3A_1228], %add3A_1226 {strides = array<i32>} : memref<40x112xi32, #tpu.memory_space<vmem>>, vector<16xi32>,
      %mul3A_1230 = arith.constant 112 : i32
      %mul3A_1231 = arith.muli %add3A_1181, %mul3A_1230 : i32
      %dma_start3A_1232 = arith.constant 0 : i32
      %dma_start3A_1233 = tpu.memref_slice %arg15[%mul3A_1231, %dma_start3A_1232] : memref<4480x16xf32, #tpu.memory_space<vmem>> -> memref<112x16xf32, #tpu.memory_space<vmem>>
      %dma_start3A_1234 = arith.constant 0 : i32
      %dma_start3A_1235 = tpu.memref_slice %arg14[%add3A_1181, %dma_start3A_1234] : memref<40x112xi32, #tpu.memory_space<vmem>> -> memref<1x112xi32, #tpu.memory_space<vmem>>
      %dma_start3A_1236 = tpu.memref_squeeze %dma_start3A_1235 : memref<1x112xi32, #tpu.memory_space<vmem>> -> memref<112xi32, #tpu.memory_space<vmem>>
      %dma_start3A_1237 = arith.constant 0 : i32
      %dma_start3A_1238 = arith.constant 0 : i32
      %dma_start3A_1239 = tpu.memref_slice %arg2[%dma_start3A_1237, %dma_start3A_1238] : memref<32768x16xf32, #tpu.memory_space<hbm>> -> memref<32768x16xf32, #tpu.memory_space<hbm>>
      tpu.enqueue_indirect_dma source(%dma_start3A_1239 : memref<32768x16xf32, #tpu.memory_space<hbm>>) target(%dma_start3A_1233 : memref<112x16xf32, #tpu.memory_space<vmem>>) offsets(%dma_start3A_1236 : memref<112xi32, #tpu.memory_space<vmem>>) semaphore(%arg17 : memref<!tpu.dma_semaphore, #tpu.memory_space<semaphore_mem>>)
      %mul3A_1240 = arith.constant 4 : i32
      %mul3A_1241 = arith.muli %scan3A_637, %mul3A_1240 : i32
      %add3A_1242 = arith.constant 2 : i32
      %add3A_1243 = arith.addi %mul3A_1241, %add3A_1242 : i32
      %mul3A_1244 = arith.constant 128 : i32
      %mul3A_1245 = arith.muli %scan3A_637, %mul3A_1244 : i32
      %add3A_1246 = arith.constant 64 : i32
      %add3A_1247 = arith.addi %mul3A_1245, %add3A_1246 : i32
      %add3A_1248 = vector.broadcast %add3A_1247 : i32 to vector<16xi32>
      %add3A_1249 = arith.addi %mul3A_5, %add3A_1248 : vector<16xi32>
      %add3A_1250 = arith.addi %add3A_1249, %add3A_232 : vector<16xi32>
      %gather3A_1251 = tpu.vector_load_idx %arg13[%add3A_1250] : memref<1280xi32, #tpu.memory_space<vmem>>[vector<16xi32>], vector<16xi32>,
      %add3A_1252 = arith.addi %gather3A_1251, %add3A_242 : vector<16xi32>
      %swap3A_1253 = arith.index_cast %add3A_1243 : i32 to index
      %swap3A_1254 = arith.constant 0 : index
      %swap3A_1255 = tpu.vector_load %arg14[%swap3A_1253, %swap3A_1254] {strides = array<i32>} : memref<40x112xi32, #tpu.memory_space<vmem>>, vector<16xi32>,
      tpu.vector_store %arg14[%swap3A_1253, %swap3A_1254], %add3A_1252 {strides = array<i32>} : memref<40x112xi32, #tpu.memory_space<vmem>>, vector<16xi32>,
      %add3A_1256 = arith.addi %add3A_1249, %add3A_290 : vector<16xi32>
      %gather3A_1257 = tpu.vector_load_idx %arg13[%add3A_1256] : memref<1280xi32, #tpu.memory_space<vmem>>[vector<16xi32>], vector<16xi32>,
      %add3A_1258 = arith.addi %gather3A_1257, %add3A_300 : vector<16xi32>
      %swap3A_1259 = arith.index_cast %add3A_1243 : i32 to index
      %swap3A_1260 = arith.constant 16 : index
      %swap3A_1261 = tpu.vector_load %arg14[%swap3A_1259, %swap3A_1260] {strides = array<i32>} : memref<40x112xi32, #tpu.memory_space<vmem>>, vector<16xi32>,
      tpu.vector_store %arg14[%swap3A_1259, %swap3A_1260], %add3A_1258 {strides = array<i32>} : memref<40x112xi32, #tpu.memory_space<vmem>>, vector<16xi32>,
      %add3A_1262 = arith.addi %add3A_1249, %add3A_348 : vector<16xi32>
      %gather3A_1263 = tpu.vector_load_idx %arg13[%add3A_1262] : memref<1280xi32, #tpu.memory_space<vmem>>[vector<16xi32>], vector<16xi32>,
      %add3A_1264 = arith.addi %gather3A_1263, %add3A_358 : vector<16xi32>
      %swap3A_1265 = arith.index_cast %add3A_1243 : i32 to index
      %swap3A_1266 = arith.constant 32 : index
      %swap3A_1267 = tpu.vector_load %arg14[%swap3A_1265, %swap3A_1266] {strides = array<i32>} : memref<40x112xi32, #tpu.memory_space<vmem>>, vector<16xi32>,
      tpu.vector_store %arg14[%swap3A_1265, %swap3A_1266], %add3A_1264 {strides = array<i32>} : memref<40x112xi32, #tpu.memory_space<vmem>>, vector<16xi32>,
      %add3A_1268 = arith.addi %add3A_1249, %add3A_406 : vector<16xi32>
      %gather3A_1269 = tpu.vector_load_idx %arg13[%add3A_1268] : memref<1280xi32, #tpu.memory_space<vmem>>[vector<16xi32>], vector<16xi32>,
      %add3A_1270 = arith.addi %gather3A_1269, %add3A_416 : vector<16xi32>
      %swap3A_1271 = arith.index_cast %add3A_1243 : i32 to index
      %swap3A_1272 = arith.constant 48 : index
      %swap3A_1273 = tpu.vector_load %arg14[%swap3A_1271, %swap3A_1272] {strides = array<i32>} : memref<40x112xi32, #tpu.memory_space<vmem>>, vector<16xi32>,
      tpu.vector_store %arg14[%swap3A_1271, %swap3A_1272], %add3A_1270 {strides = array<i32>} : memref<40x112xi32, #tpu.memory_space<vmem>>, vector<16xi32>,
      %add3A_1274 = arith.addi %add3A_1249, %add3A_464 : vector<16xi32>
      %gather3A_1275 = tpu.vector_load_idx %arg13[%add3A_1274] : memref<1280xi32, #tpu.memory_space<vmem>>[vector<16xi32>], vector<16xi32>,
      %add3A_1276 = arith.addi %gather3A_1275, %add3A_474 : vector<16xi32>
      %swap3A_1277 = arith.index_cast %add3A_1243 : i32 to index
      %swap3A_1278 = arith.constant 64 : index
      %swap3A_1279 = tpu.vector_load %arg14[%swap3A_1277, %swap3A_1278] {strides = array<i32>} : memref<40x112xi32, #tpu.memory_space<vmem>>, vector<16xi32>,
      tpu.vector_store %arg14[%swap3A_1277, %swap3A_1278], %add3A_1276 {strides = array<i32>} : memref<40x112xi32, #tpu.memory_space<vmem>>, vector<16xi32>,
      %add3A_1280 = arith.addi %add3A_1249, %add3A_522 : vector<16xi32>
      %gather3A_1281 = tpu.vector_load_idx %arg13[%add3A_1280] : memref<1280xi32, #tpu.memory_space<vmem>>[vector<16xi32>], vector<16xi32>,
      %add3A_1282 = arith.addi %gather3A_1281, %add3A_532 : vector<16xi32>
      %swap3A_1283 = arith.index_cast %add3A_1243 : i32 to index
      %swap3A_1284 = arith.constant 80 : index
      %swap3A_1285 = tpu.vector_load %arg14[%swap3A_1283, %swap3A_1284] {strides = array<i32>} : memref<40x112xi32, #tpu.memory_space<vmem>>, vector<16xi32>,
      tpu.vector_store %arg14[%swap3A_1283, %swap3A_1284], %add3A_1282 {strides = array<i32>} : memref<40x112xi32, #tpu.memory_space<vmem>>, vector<16xi32>,
      %add3A_1286 = arith.addi %add3A_1249, %add3A_580 : vector<16xi32>
      %gather3A_1287 = tpu.vector_load_idx %arg13[%add3A_1286] : memref<1280xi32, #tpu.memory_space<vmem>>[vector<16xi32>], vector<16xi32>,
      %add3A_1288 = arith.addi %gather3A_1287, %add3A_590 : vector<16xi32>
      %swap3A_1289 = arith.index_cast %add3A_1243 : i32 to index
      %swap3A_1290 = arith.constant 96 : index
      %swap3A_1291 = tpu.vector_load %arg14[%swap3A_1289, %swap3A_1290] {strides = array<i32>} : memref<40x112xi32, #tpu.memory_space<vmem>>, vector<16xi32>,
      tpu.vector_store %arg14[%swap3A_1289, %swap3A_1290], %add3A_1288 {strides = array<i32>} : memref<40x112xi32, #tpu.memory_space<vmem>>, vector<16xi32>,
      %mul3A_1292 = arith.constant 112 : i32
      %mul3A_1293 = arith.muli %add3A_1243, %mul3A_1292 : i32
      %dma_start3A_1294 = arith.constant 0 : i32
      %dma_start3A_1295 = tpu.memref_slice %arg15[%mul3A_1293, %dma_start3A_1294] : memref<4480x16xf32, #tpu.memory_space<vmem>> -> memref<112x16xf32, #tpu.memory_space<vmem>>
      %dma_start3A_1296 = arith.constant 0 : i32
      %dma_start3A_1297 = tpu.memref_slice %arg14[%add3A_1243, %dma_start3A_1296] : memref<40x112xi32, #tpu.memory_space<vmem>> -> memref<1x112xi32, #tpu.memory_space<vmem>>
      %dma_start3A_1298 = tpu.memref_squeeze %dma_start3A_1297 : memref<1x112xi32, #tpu.memory_space<vmem>> -> memref<112xi32, #tpu.memory_space<vmem>>
      %dma_start3A_1299 = arith.constant 0 : i32
      %dma_start3A_1300 = arith.constant 0 : i32
      %dma_start3A_1301 = tpu.memref_slice %arg2[%dma_start3A_1299, %dma_start3A_1300] : memref<32768x16xf32, #tpu.memory_space<hbm>> -> memref<32768x16xf32, #tpu.memory_space<hbm>>
      tpu.enqueue_indirect_dma source(%dma_start3A_1301 : memref<32768x16xf32, #tpu.memory_space<hbm>>) target(%dma_start3A_1295 : memref<112x16xf32, #tpu.memory_space<vmem>>) offsets(%dma_start3A_1298 : memref<112xi32, #tpu.memory_space<vmem>>) semaphore(%arg17 : memref<!tpu.dma_semaphore, #tpu.memory_space<semaphore_mem>>)
      %mul3A_1302 = arith.constant 4 : i32
      %mul3A_1303 = arith.muli %scan3A_637, %mul3A_1302 : i32
      %add3A_1304 = arith.constant 3 : i32
      %add3A_1305 = arith.addi %mul3A_1303, %add3A_1304 : i32
      %mul3A_1306 = arith.constant 128 : i32
      %mul3A_1307 = arith.muli %scan3A_637, %mul3A_1306 : i32
      %add3A_1308 = arith.constant 96 : i32
      %add3A_1309 = arith.addi %mul3A_1307, %add3A_1308 : i32
      %add3A_1310 = vector.broadcast %add3A_1309 : i32 to vector<16xi32>
      %add3A_1311 = arith.addi %mul3A_5, %add3A_1310 : vector<16xi32>
      %add3A_1312 = arith.addi %add3A_1311, %add3A_232 : vector<16xi32>
      %gather3A_1313 = tpu.vector_load_idx %arg13[%add3A_1312] : memref<1280xi32, #tpu.memory_space<vmem>>[vector<16xi32>], vector<16xi32>,
      %add3A_1314 = arith.addi %gather3A_1313, %add3A_242 : vector<16xi32>
      %swap3A_1315 = arith.index_cast %add3A_1305 : i32 to index
      %swap3A_1316 = arith.constant 0 : index
      %swap3A_1317 = tpu.vector_load %arg14[%swap3A_1315, %swap3A_1316] {strides = array<i32>} : memref<40x112xi32, #tpu.memory_space<vmem>>, vector<16xi32>,
      tpu.vector_store %arg14[%swap3A_1315, %swap3A_1316], %add3A_1314 {strides = array<i32>} : memref<40x112xi32, #tpu.memory_space<vmem>>, vector<16xi32>,
      %add3A_1318 = arith.addi %add3A_1311, %add3A_290 : vector<16xi32>
      %gather3A_1319 = tpu.vector_load_idx %arg13[%add3A_1318] : memref<1280xi32, #tpu.memory_space<vmem>>[vector<16xi32>], vector<16xi32>,
      %add3A_1320 = arith.addi %gather3A_1319, %add3A_300 : vector<16xi32>
      %swap3A_1321 = arith.index_cast %add3A_1305 : i32 to index
      %swap3A_1322 = arith.constant 16 : index
      %swap3A_1323 = tpu.vector_load %arg14[%swap3A_1321, %swap3A_1322] {strides = array<i32>} : memref<40x112xi32, #tpu.memory_space<vmem>>, vector<16xi32>,
      tpu.vector_store %arg14[%swap3A_1321, %swap3A_1322], %add3A_1320 {strides = array<i32>} : memref<40x112xi32, #tpu.memory_space<vmem>>, vector<16xi32>,
      %add3A_1324 = arith.addi %add3A_1311, %add3A_348 : vector<16xi32>
      %gather3A_1325 = tpu.vector_load_idx %arg13[%add3A_1324] : memref<1280xi32, #tpu.memory_space<vmem>>[vector<16xi32>], vector<16xi32>,
      %add3A_1326 = arith.addi %gather3A_1325, %add3A_358 : vector<16xi32>
      %swap3A_1327 = arith.index_cast %add3A_1305 : i32 to index
      %swap3A_1328 = arith.constant 32 : index
      %swap3A_1329 = tpu.vector_load %arg14[%swap3A_1327, %swap3A_1328] {strides = array<i32>} : memref<40x112xi32, #tpu.memory_space<vmem>>, vector<16xi32>,
      tpu.vector_store %arg14[%swap3A_1327, %swap3A_1328], %add3A_1326 {strides = array<i32>} : memref<40x112xi32, #tpu.memory_space<vmem>>, vector<16xi32>,
      %add3A_1330 = arith.addi %add3A_1311, %add3A_406 : vector<16xi32>
      %gather3A_1331 = tpu.vector_load_idx %arg13[%add3A_1330] : memref<1280xi32, #tpu.memory_space<vmem>>[vector<16xi32>], vector<16xi32>,
      %add3A_1332 = arith.addi %gather3A_1331, %add3A_416 : vector<16xi32>
      %swap3A_1333 = arith.index_cast %add3A_1305 : i32 to index
      %swap3A_1334 = arith.constant 48 : index
      %swap3A_1335 = tpu.vector_load %arg14[%swap3A_1333, %swap3A_1334] {strides = array<i32>} : memref<40x112xi32, #tpu.memory_space<vmem>>, vector<16xi32>,
      tpu.vector_store %arg14[%swap3A_1333, %swap3A_1334], %add3A_1332 {strides = array<i32>} : memref<40x112xi32, #tpu.memory_space<vmem>>, vector<16xi32>,
      %add3A_1336 = arith.addi %add3A_1311, %add3A_464 : vector<16xi32>
      %gather3A_1337 = tpu.vector_load_idx %arg13[%add3A_1336] : memref<1280xi32, #tpu.memory_space<vmem>>[vector<16xi32>], vector<16xi32>,
      %add3A_1338 = arith.addi %gather3A_1337, %add3A_474 : vector<16xi32>
      %swap3A_1339 = arith.index_cast %add3A_1305 : i32 to index
      %swap3A_1340 = arith.constant 64 : index
      %swap3A_1341 = tpu.vector_load %arg14[%swap3A_1339, %swap3A_1340] {strides = array<i32>} : memref<40x112xi32, #tpu.memory_space<vmem>>, vector<16xi32>,
      tpu.vector_store %arg14[%swap3A_1339, %swap3A_1340], %add3A_1338 {strides = array<i32>} : memref<40x112xi32, #tpu.memory_space<vmem>>, vector<16xi32>,
      %add3A_1342 = arith.addi %add3A_1311, %add3A_522 : vector<16xi32>
      %gather3A_1343 = tpu.vector_load_idx %arg13[%add3A_1342] : memref<1280xi32, #tpu.memory_space<vmem>>[vector<16xi32>], vector<16xi32>,
      %add3A_1344 = arith.addi %gather3A_1343, %add3A_532 : vector<16xi32>
      %swap3A_1345 = arith.index_cast %add3A_1305 : i32 to index
      %swap3A_1346 = arith.constant 80 : index
      %swap3A_1347 = tpu.vector_load %arg14[%swap3A_1345, %swap3A_1346] {strides = array<i32>} : memref<40x112xi32, #tpu.memory_space<vmem>>, vector<16xi32>,
      tpu.vector_store %arg14[%swap3A_1345, %swap3A_1346], %add3A_1344 {strides = array<i32>} : memref<40x112xi32, #tpu.memory_space<vmem>>, vector<16xi32>,
      %add3A_1348 = arith.addi %add3A_1311, %add3A_580 : vector<16xi32>
      %gather3A_1349 = tpu.vector_load_idx %arg13[%add3A_1348] : memref<1280xi32, #tpu.memory_space<vmem>>[vector<16xi32>], vector<16xi32>,
      %add3A_1350 = arith.addi %gather3A_1349, %add3A_590 : vector<16xi32>
      %swap3A_1351 = arith.index_cast %add3A_1305 : i32 to index
      %swap3A_1352 = arith.constant 96 : index
      %swap3A_1353 = tpu.vector_load %arg14[%swap3A_1351, %swap3A_1352] {strides = array<i32>} : memref<40x112xi32, #tpu.memory_space<vmem>>, vector<16xi32>,
      tpu.vector_store %arg14[%swap3A_1351, %swap3A_1352], %add3A_1350 {strides = array<i32>} : memref<40x112xi32, #tpu.memory_space<vmem>>, vector<16xi32>,
      %mul3A_1354 = arith.constant 112 : i32
      %mul3A_1355 = arith.muli %add3A_1305, %mul3A_1354 : i32
      %dma_start3A_1356 = arith.constant 0 : i32
      %dma_start3A_1357 = tpu.memref_slice %arg15[%mul3A_1355, %dma_start3A_1356] : memref<4480x16xf32, #tpu.memory_space<vmem>> -> memref<112x16xf32, #tpu.memory_space<vmem>>
      %dma_start3A_1358 = arith.constant 0 : i32
      %dma_start3A_1359 = tpu.memref_slice %arg14[%add3A_1305, %dma_start3A_1358] : memref<40x112xi32, #tpu.memory_space<vmem>> -> memref<1x112xi32, #tpu.memory_space<vmem>>
      %dma_start3A_1360 = tpu.memref_squeeze %dma_start3A_1359 : memref<1x112xi32, #tpu.memory_space<vmem>> -> memref<112xi32, #tpu.memory_space<vmem>>
      %dma_start3A_1361 = arith.constant 0 : i32
      %dma_start3A_1362 = arith.constant 0 : i32
      %dma_start3A_1363 = tpu.memref_slice %arg2[%dma_start3A_1361, %dma_start3A_1362] : memref<32768x16xf32, #tpu.memory_space<hbm>> -> memref<32768x16xf32, #tpu.memory_space<hbm>>
      tpu.enqueue_indirect_dma source(%dma_start3A_1363 : memref<32768x16xf32, #tpu.memory_space<hbm>>) target(%dma_start3A_1357 : memref<112x16xf32, #tpu.memory_space<vmem>>) offsets(%dma_start3A_1360 : memref<112xi32, #tpu.memory_space<vmem>>) semaphore(%arg17 : memref<!tpu.dma_semaphore, #tpu.memory_space<semaphore_mem>>)
    }
    %scan3A_595 = arith.constant 5 : i32
    %scan3A_596 = arith.constant 0 : i32
    %scan3A_597 = arith.constant 5 : i32
    %scan3A_598 = arith.constant 5 : i32
    %scan3A_599 = arith.addi %scan3A_597, %scan3A_598 : i32
    %scan3A_600 = arith.constant 1 : i32
    scf.for %scan3A_637 = %scan3A_597 to %scan3A_599 step %scan3A_600  : i32 {
      %mul3A_638 = arith.constant 16 : i32
      %mul3A_639 = arith.muli %scan3A_637, %mul3A_638 : i32
      %add3A_640 = vector.broadcast %mul3A_639 : i32 to vector<16xi32>
      %add3A_641 = arith.addi %iota3A, %add3A_640 : vector<16xi32>
      %mul3A_642 = arith.constant 5 : i32
      %mul3A_643 = vector.broadcast %mul3A_642 : i32 to vector<16xi32>
      %mul3A_644 = arith.muli %add3A_641, %mul3A_643 : vector<16xi32>
      %gather3A = tpu.vector_load_idx %arg5[%mul3A_644] : memref<800xf32, #tpu.memory_space<vmem>>[vector<16xi32>], vector<16xf32>,
      %convert_element_type3A = arith.fptosi %gather3A : vector<16xf32> to vector<16xi32>
      %add3A_645 = arith.constant 1 : i32
      %add3A_646 = vector.broadcast %add3A_645 : i32 to vector<16xi32>
      %add3A_647 = arith.addi %mul3A_644, %add3A_646 : vector<16xi32>
      %gather3A_648 = tpu.vector_load_idx %arg5[%add3A_647] : memref<800xf32, #tpu.memory_space<vmem>>[vector<16xi32>], vector<16xf32>,
      %add3A_649 = arith.constant 2 : i32
      %add3A_650 = vector.broadcast %add3A_649 : i32 to vector<16xi32>
      %add3A_651 = arith.addi %mul3A_644, %add3A_650 : vector<16xi32>
      %gather3A_652 = tpu.vector_load_idx %arg5[%add3A_651] : memref<800xf32, #tpu.memory_space<vmem>>[vector<16xi32>], vector<16xf32>,
      %add3A_653 = arith.constant 3 : i32
      %add3A_654 = vector.broadcast %add3A_653 : i32 to vector<16xi32>
      %add3A_655 = arith.addi %mul3A_644, %add3A_654 : vector<16xi32>
      %gather3A_656 = tpu.vector_load_idx %arg5[%add3A_655] : memref<800xf32, #tpu.memory_space<vmem>>[vector<16xi32>], vector<16xf32>,
      %add3A_657 = arith.constant 4 : i32
      %add3A_658 = vector.broadcast %add3A_657 : i32 to vector<16xi32>
      %add3A_659 = arith.addi %mul3A_644, %add3A_658 : vector<16xi32>
      %gather3A_660 = tpu.vector_load_idx %arg5[%add3A_659] : memref<800xf32, #tpu.memory_space<vmem>>[vector<16xi32>], vector<16xf32>,
      %add3A_661 = arith.addf %gather3A_648, %gather3A_656 : vector<16xf32>
      %sub3A_662 = arith.subf %add3A_661, %gather3A_648 : vector<16xf32>
      %add3A_663 = arith.addf %gather3A_652, %gather3A_660 : vector<16xf32>
      %sub3A_664 = arith.subf %add3A_663, %gather3A_652 : vector<16xf32>
      %convert_element_type3A_665 = arith.fptosi %gather3A_648 : vector<16xf32> to vector<16xi32>
      %shift_right_arithmetic3A_666 = arith.constant 4 : i32
      %shift_right_arithmetic3A_667 = vector.broadcast %shift_right_arithmetic3A_666 : i32 to vector<16xi32>
      %shift_right_arithmetic3A_668 = arith.shrsi %convert_element_type3A_665, %shift_right_arithmetic3A_667 : vector<16xi32>
      %shift_left3A = arith.constant 4 : i32
      %shift_left3A_669 = vector.broadcast %shift_left3A : i32 to vector<16xi32>
      %shift_left3A_670 = arith.shli %shift_right_arithmetic3A_668, %shift_left3A_669 : vector<16xi32>
      %mul3A_671 = arith.constant 4096 : i32
      %mul3A_672 = vector.broadcast %mul3A_671 : i32 to vector<16xi32>
      %mul3A_673 = arith.muli %convert_element_type3A, %mul3A_672 : vector<16xi32>
      %add3A_674 = arith.addi %mul3A_673, %shift_right_arithmetic3A_668 : vector<16xi32>
      %mul3A_675 = arith.constant 8 : i32
      %mul3A_676 = vector.broadcast %mul3A_675 : i32 to vector<16xi32>
      %mul3A_677 = arith.muli %add3A_641, %mul3A_676 : vector<16xi32>
      %mul3A_678 = arith.constant 0.000000e+00 : f32
      %mul3A_679 = arith.mulf %mul3A_678, %div3A_2 : f32
      %mul3A_680 = arith.constant 1.000000e+00 : f32
      %mul3A_681 = arith.mulf %mul3A_680, %div3A_2 : f32
      %mul3A_682 = vector.broadcast %mul3A_679 : f32 to vector<16xf32>
      %mul3A_683 = arith.mulf %sub3A_662, %mul3A_682 : vector<16xf32>
      %add3A_684 = arith.addf %gather3A_648, %mul3A_683 : vector<16xf32>
      %mul3A_685 = vector.broadcast %mul3A_681 : f32 to vector<16xf32>
      %mul3A_686 = arith.mulf %sub3A_662, %mul3A_685 : vector<16xf32>
      %add3A_687 = arith.addf %gather3A_648, %mul3A_686 : vector<16xf32>
      %convert_element_type3A_688 = arith.fptosi %add3A_684 : vector<16xf32> to vector<16xi32>
      %convert_element_type3A_689 = arith.fptosi %add3A_687 : vector<16xf32> to vector<16xi32>
      %convert_element_type3A_690 = arith.sitofp %convert_element_type3A_689 : vector<16xi32> to vector<16xf32>
      %gt3A = arith.cmpf ogt, %add3A_687, %convert_element_type3A_690 : vector<16xf32>
      %add3A_691 = arith.constant 1 : i32
      %add3A_692 = vector.broadcast %add3A_691 : i32 to vector<16xi32>
      %add3A_693 = arith.addi %convert_element_type3A_689, %add3A_692 : vector<16xi32>
      %select_n3A_694 = arith.select %gt3A, %add3A_693, %convert_element_type3A_689 : vector<16xi1>, vector<16xi32>
      %add3A_695 = arith.constant 0 : i32
      %add3A_696 = vector.broadcast %add3A_695 : i32 to vector<16xi32>
      %add3A_697 = arith.addi %mul3A_677, %add3A_696 : vector<16xi32>
      %convert_element_type3A_698 = arith.sitofp %convert_element_type3A_688 : vector<16xi32> to vector<16xf32>
      %sub3A_699 = arith.subf %add3A_684, %convert_element_type3A_698 : vector<16xf32>
      %convert_element_type3A_700 = arith.sitofp %select_n3A_694 : vector<16xi32> to vector<16xf32>
      %sub3A_701 = arith.subf %convert_element_type3A_700, %add3A_684 : vector<16xf32>
      tpu.vector_store_idx %arg6[%add3A_697], %sub3A_699 : memref<1280xf32, #tpu.memory_space<vmem>>[vector<16xi32>], vector<16xf32>,
      tpu.vector_store_idx %arg7[%add3A_697], %sub3A_701 : memref<1280xf32, #tpu.memory_space<vmem>>[vector<16xi32>], vector<16xf32>,
      %add3A_702 = arith.addf %sub3A_699, %sub3A_701 : vector<16xf32>
      %div3A_703 = arith.constant 1.000000e+00 : f32
      %div3A_704 = vector.broadcast %div3A_703 : f32 to vector<16xf32>
      %div3A_705 = arith.divf %div3A_704, %add3A_702 : vector<16xf32>
      tpu.vector_store_idx %arg10[%add3A_697], %div3A_705 : memref<1280xf32, #tpu.memory_space<vmem>>[vector<16xi32>], vector<16xf32>,
      %sub3A_706 = arith.subi %convert_element_type3A_688, %shift_left3A_670 : vector<16xi32>
      tpu.vector_store_idx %arg12[%add3A_697], %sub3A_706 : memref<1280xi32, #tpu.memory_space<vmem>>[vector<16xi32>], vector<16xi32>,
      %mul3A_707 = arith.constant 1.000000e+00 : f32
      %mul3A_708 = arith.mulf %mul3A_707, %div3A_2 : f32
      %mul3A_709 = arith.constant 2.000000e+00 : f32
      %mul3A_710 = arith.mulf %mul3A_709, %div3A_2 : f32
      %mul3A_711 = vector.broadcast %mul3A_708 : f32 to vector<16xf32>
      %mul3A_712 = arith.mulf %sub3A_662, %mul3A_711 : vector<16xf32>
      %add3A_713 = arith.addf %gather3A_648, %mul3A_712 : vector<16xf32>
      %mul3A_714 = vector.broadcast %mul3A_710 : f32 to vector<16xf32>
      %mul3A_715 = arith.mulf %sub3A_662, %mul3A_714 : vector<16xf32>
      %add3A_716 = arith.addf %gather3A_648, %mul3A_715 : vector<16xf32>
      %convert_element_type3A_717 = arith.fptosi %add3A_713 : vector<16xf32> to vector<16xi32>
      %convert_element_type3A_718 = arith.fptosi %add3A_716 : vector<16xf32> to vector<16xi32>
      %convert_element_type3A_719 = arith.sitofp %convert_element_type3A_718 : vector<16xi32> to vector<16xf32>
      %gt3A_720 = arith.cmpf ogt, %add3A_716, %convert_element_type3A_719 : vector<16xf32>
      %add3A_721 = arith.constant 1 : i32
      %add3A_722 = vector.broadcast %add3A_721 : i32 to vector<16xi32>
      %add3A_723 = arith.addi %convert_element_type3A_718, %add3A_722 : vector<16xi32>
      %select_n3A_724 = arith.select %gt3A_720, %add3A_723, %convert_element_type3A_718 : vector<16xi1>, vector<16xi32>
      %add3A_725 = arith.constant 1 : i32
      %add3A_726 = vector.broadcast %add3A_725 : i32 to vector<16xi32>
      %add3A_727 = arith.addi %mul3A_677, %add3A_726 : vector<16xi32>
      %convert_element_type3A_728 = arith.sitofp %convert_element_type3A_717 : vector<16xi32> to vector<16xf32>
      %sub3A_729 = arith.subf %add3A_713, %convert_element_type3A_728 : vector<16xf32>
      %convert_element_type3A_730 = arith.sitofp %select_n3A_724 : vector<16xi32> to vector<16xf32>
      %sub3A_731 = arith.subf %convert_element_type3A_730, %add3A_713 : vector<16xf32>
      tpu.vector_store_idx %arg6[%add3A_727], %sub3A_729 : memref<1280xf32, #tpu.memory_space<vmem>>[vector<16xi32>], vector<16xf32>,
      tpu.vector_store_idx %arg7[%add3A_727], %sub3A_731 : memref<1280xf32, #tpu.memory_space<vmem>>[vector<16xi32>], vector<16xf32>,
      %add3A_732 = arith.addf %sub3A_729, %sub3A_731 : vector<16xf32>
      %div3A_733 = arith.constant 1.000000e+00 : f32
      %div3A_734 = vector.broadcast %div3A_733 : f32 to vector<16xf32>
      %div3A_735 = arith.divf %div3A_734, %add3A_732 : vector<16xf32>
      tpu.vector_store_idx %arg10[%add3A_727], %div3A_735 : memref<1280xf32, #tpu.memory_space<vmem>>[vector<16xi32>], vector<16xf32>,
      %sub3A_736 = arith.subi %convert_element_type3A_717, %shift_left3A_670 : vector<16xi32>
      tpu.vector_store_idx %arg12[%add3A_727], %sub3A_736 : memref<1280xi32, #tpu.memory_space<vmem>>[vector<16xi32>], vector<16xi32>,
      %mul3A_737 = arith.constant 2.000000e+00 : f32
      %mul3A_738 = arith.mulf %mul3A_737, %div3A_2 : f32
      %mul3A_739 = arith.constant 3.000000e+00 : f32
      %mul3A_740 = arith.mulf %mul3A_739, %div3A_2 : f32
      %mul3A_741 = vector.broadcast %mul3A_738 : f32 to vector<16xf32>
      %mul3A_742 = arith.mulf %sub3A_662, %mul3A_741 : vector<16xf32>
      %add3A_743 = arith.addf %gather3A_648, %mul3A_742 : vector<16xf32>
      %mul3A_744 = vector.broadcast %mul3A_740 : f32 to vector<16xf32>
      %mul3A_745 = arith.mulf %sub3A_662, %mul3A_744 : vector<16xf32>
      %add3A_746 = arith.addf %gather3A_648, %mul3A_745 : vector<16xf32>
      %convert_element_type3A_747 = arith.fptosi %add3A_743 : vector<16xf32> to vector<16xi32>
      %convert_element_type3A_748 = arith.fptosi %add3A_746 : vector<16xf32> to vector<16xi32>
      %convert_element_type3A_749 = arith.sitofp %convert_element_type3A_748 : vector<16xi32> to vector<16xf32>
      %gt3A_750 = arith.cmpf ogt, %add3A_746, %convert_element_type3A_749 : vector<16xf32>
      %add3A_751 = arith.constant 1 : i32
      %add3A_752 = vector.broadcast %add3A_751 : i32 to vector<16xi32>
      %add3A_753 = arith.addi %convert_element_type3A_748, %add3A_752 : vector<16xi32>
      %select_n3A_754 = arith.select %gt3A_750, %add3A_753, %convert_element_type3A_748 : vector<16xi1>, vector<16xi32>
      %add3A_755 = arith.constant 2 : i32
      %add3A_756 = vector.broadcast %add3A_755 : i32 to vector<16xi32>
      %add3A_757 = arith.addi %mul3A_677, %add3A_756 : vector<16xi32>
      %convert_element_type3A_758 = arith.sitofp %convert_element_type3A_747 : vector<16xi32> to vector<16xf32>
      %sub3A_759 = arith.subf %add3A_743, %convert_element_type3A_758 : vector<16xf32>
      %convert_element_type3A_760 = arith.sitofp %select_n3A_754 : vector<16xi32> to vector<16xf32>
      %sub3A_761 = arith.subf %convert_element_type3A_760, %add3A_743 : vector<16xf32>
      tpu.vector_store_idx %arg6[%add3A_757], %sub3A_759 : memref<1280xf32, #tpu.memory_space<vmem>>[vector<16xi32>], vector<16xf32>,
      tpu.vector_store_idx %arg7[%add3A_757], %sub3A_761 : memref<1280xf32, #tpu.memory_space<vmem>>[vector<16xi32>], vector<16xf32>,
      %add3A_762 = arith.addf %sub3A_759, %sub3A_761 : vector<16xf32>
      %div3A_763 = arith.constant 1.000000e+00 : f32
      %div3A_764 = vector.broadcast %div3A_763 : f32 to vector<16xf32>
      %div3A_765 = arith.divf %div3A_764, %add3A_762 : vector<16xf32>
      tpu.vector_store_idx %arg10[%add3A_757], %div3A_765 : memref<1280xf32, #tpu.memory_space<vmem>>[vector<16xi32>], vector<16xf32>,
      %sub3A_766 = arith.subi %convert_element_type3A_747, %shift_left3A_670 : vector<16xi32>
      tpu.vector_store_idx %arg12[%add3A_757], %sub3A_766 : memref<1280xi32, #tpu.memory_space<vmem>>[vector<16xi32>], vector<16xi32>,
      %mul3A_767 = arith.constant 3.000000e+00 : f32
      %mul3A_768 = arith.mulf %mul3A_767, %div3A_2 : f32
      %mul3A_769 = arith.constant 4.000000e+00 : f32
      %mul3A_770 = arith.mulf %mul3A_769, %div3A_2 : f32
      %mul3A_771 = vector.broadcast %mul3A_768 : f32 to vector<16xf32>
      %mul3A_772 = arith.mulf %sub3A_662, %mul3A_771 : vector<16xf32>
      %add3A_773 = arith.addf %gather3A_648, %mul3A_772 : vector<16xf32>
      %mul3A_774 = vector.broadcast %mul3A_770 : f32 to vector<16xf32>
      %mul3A_775 = arith.mulf %sub3A_662, %mul3A_774 : vector<16xf32>
      %add3A_776 = arith.addf %gather3A_648, %mul3A_775 : vector<16xf32>
      %convert_element_type3A_777 = arith.fptosi %add3A_773 : vector<16xf32> to vector<16xi32>
      %convert_element_type3A_778 = arith.fptosi %add3A_776 : vector<16xf32> to vector<16xi32>
      %convert_element_type3A_779 = arith.sitofp %convert_element_type3A_778 : vector<16xi32> to vector<16xf32>
      %gt3A_780 = arith.cmpf ogt, %add3A_776, %convert_element_type3A_779 : vector<16xf32>
      %add3A_781 = arith.constant 1 : i32
      %add3A_782 = vector.broadcast %add3A_781 : i32 to vector<16xi32>
      %add3A_783 = arith.addi %convert_element_type3A_778, %add3A_782 : vector<16xi32>
      %select_n3A_784 = arith.select %gt3A_780, %add3A_783, %convert_element_type3A_778 : vector<16xi1>, vector<16xi32>
      %add3A_785 = arith.constant 3 : i32
      %add3A_786 = vector.broadcast %add3A_785 : i32 to vector<16xi32>
      %add3A_787 = arith.addi %mul3A_677, %add3A_786 : vector<16xi32>
      %convert_element_type3A_788 = arith.sitofp %convert_element_type3A_777 : vector<16xi32> to vector<16xf32>
      %sub3A_789 = arith.subf %add3A_773, %convert_element_type3A_788 : vector<16xf32>
      %convert_element_type3A_790 = arith.sitofp %select_n3A_784 : vector<16xi32> to vector<16xf32>
      %sub3A_791 = arith.subf %convert_element_type3A_790, %add3A_773 : vector<16xf32>
      tpu.vector_store_idx %arg6[%add3A_787], %sub3A_789 : memref<1280xf32, #tpu.memory_space<vmem>>[vector<16xi32>], vector<16xf32>,
      tpu.vector_store_idx %arg7[%add3A_787], %sub3A_791 : memref<1280xf32, #tpu.memory_space<vmem>>[vector<16xi32>], vector<16xf32>,
      %add3A_792 = arith.addf %sub3A_789, %sub3A_791 : vector<16xf32>
      %div3A_793 = arith.constant 1.000000e+00 : f32
      %div3A_794 = vector.broadcast %div3A_793 : f32 to vector<16xf32>
      %div3A_795 = arith.divf %div3A_794, %add3A_792 : vector<16xf32>
      tpu.vector_store_idx %arg10[%add3A_787], %div3A_795 : memref<1280xf32, #tpu.memory_space<vmem>>[vector<16xi32>], vector<16xf32>,
      %sub3A_796 = arith.subi %convert_element_type3A_777, %shift_left3A_670 : vector<16xi32>
      tpu.vector_store_idx %arg12[%add3A_787], %sub3A_796 : memref<1280xi32, #tpu.memory_space<vmem>>[vector<16xi32>], vector<16xi32>,
      %mul3A_797 = arith.constant 4.000000e+00 : f32
      %mul3A_798 = arith.mulf %mul3A_797, %div3A_2 : f32
      %mul3A_799 = arith.constant 5.000000e+00 : f32
      %mul3A_800 = arith.mulf %mul3A_799, %div3A_2 : f32
      %mul3A_801 = vector.broadcast %mul3A_798 : f32 to vector<16xf32>
      %mul3A_802 = arith.mulf %sub3A_662, %mul3A_801 : vector<16xf32>
      %add3A_803 = arith.addf %gather3A_648, %mul3A_802 : vector<16xf32>
      %mul3A_804 = vector.broadcast %mul3A_800 : f32 to vector<16xf32>
      %mul3A_805 = arith.mulf %sub3A_662, %mul3A_804 : vector<16xf32>
      %add3A_806 = arith.addf %gather3A_648, %mul3A_805 : vector<16xf32>
      %convert_element_type3A_807 = arith.fptosi %add3A_803 : vector<16xf32> to vector<16xi32>
      %convert_element_type3A_808 = arith.fptosi %add3A_806 : vector<16xf32> to vector<16xi32>
      %convert_element_type3A_809 = arith.sitofp %convert_element_type3A_808 : vector<16xi32> to vector<16xf32>
      %gt3A_810 = arith.cmpf ogt, %add3A_806, %convert_element_type3A_809 : vector<16xf32>
      %add3A_811 = arith.constant 1 : i32
      %add3A_812 = vector.broadcast %add3A_811 : i32 to vector<16xi32>
      %add3A_813 = arith.addi %convert_element_type3A_808, %add3A_812 : vector<16xi32>
      %select_n3A_814 = arith.select %gt3A_810, %add3A_813, %convert_element_type3A_808 : vector<16xi1>, vector<16xi32>
      %add3A_815 = arith.constant 4 : i32
      %add3A_816 = vector.broadcast %add3A_815 : i32 to vector<16xi32>
      %add3A_817 = arith.addi %mul3A_677, %add3A_816 : vector<16xi32>
      %convert_element_type3A_818 = arith.sitofp %convert_element_type3A_807 : vector<16xi32> to vector<16xf32>
      %sub3A_819 = arith.subf %add3A_803, %convert_element_type3A_818 : vector<16xf32>
      %convert_element_type3A_820 = arith.sitofp %select_n3A_814 : vector<16xi32> to vector<16xf32>
      %sub3A_821 = arith.subf %convert_element_type3A_820, %add3A_803 : vector<16xf32>
      tpu.vector_store_idx %arg6[%add3A_817], %sub3A_819 : memref<1280xf32, #tpu.memory_space<vmem>>[vector<16xi32>], vector<16xf32>,
      tpu.vector_store_idx %arg7[%add3A_817], %sub3A_821 : memref<1280xf32, #tpu.memory_space<vmem>>[vector<16xi32>], vector<16xf32>,
      %add3A_822 = arith.addf %sub3A_819, %sub3A_821 : vector<16xf32>
      %div3A_823 = arith.constant 1.000000e+00 : f32
      %div3A_824 = vector.broadcast %div3A_823 : f32 to vector<16xf32>
      %div3A_825 = arith.divf %div3A_824, %add3A_822 : vector<16xf32>
      tpu.vector_store_idx %arg10[%add3A_817], %div3A_825 : memref<1280xf32, #tpu.memory_space<vmem>>[vector<16xi32>], vector<16xf32>,
      %sub3A_826 = arith.subi %convert_element_type3A_807, %shift_left3A_670 : vector<16xi32>
      tpu.vector_store_idx %arg12[%add3A_817], %sub3A_826 : memref<1280xi32, #tpu.memory_space<vmem>>[vector<16xi32>], vector<16xi32>,
      %mul3A_827 = arith.constant 5.000000e+00 : f32
      %mul3A_828 = arith.mulf %mul3A_827, %div3A_2 : f32
      %mul3A_829 = arith.constant 6.000000e+00 : f32
      %mul3A_830 = arith.mulf %mul3A_829, %div3A_2 : f32
      %mul3A_831 = vector.broadcast %mul3A_828 : f32 to vector<16xf32>
      %mul3A_832 = arith.mulf %sub3A_662, %mul3A_831 : vector<16xf32>
      %add3A_833 = arith.addf %gather3A_648, %mul3A_832 : vector<16xf32>
      %mul3A_834 = vector.broadcast %mul3A_830 : f32 to vector<16xf32>
      %mul3A_835 = arith.mulf %sub3A_662, %mul3A_834 : vector<16xf32>
      %add3A_836 = arith.addf %gather3A_648, %mul3A_835 : vector<16xf32>
      %convert_element_type3A_837 = arith.fptosi %add3A_833 : vector<16xf32> to vector<16xi32>
      %convert_element_type3A_838 = arith.fptosi %add3A_836 : vector<16xf32> to vector<16xi32>
      %convert_element_type3A_839 = arith.sitofp %convert_element_type3A_838 : vector<16xi32> to vector<16xf32>
      %gt3A_840 = arith.cmpf ogt, %add3A_836, %convert_element_type3A_839 : vector<16xf32>
      %add3A_841 = arith.constant 1 : i32
      %add3A_842 = vector.broadcast %add3A_841 : i32 to vector<16xi32>
      %add3A_843 = arith.addi %convert_element_type3A_838, %add3A_842 : vector<16xi32>
      %select_n3A_844 = arith.select %gt3A_840, %add3A_843, %convert_element_type3A_838 : vector<16xi1>, vector<16xi32>
      %add3A_845 = arith.constant 5 : i32
      %add3A_846 = vector.broadcast %add3A_845 : i32 to vector<16xi32>
      %add3A_847 = arith.addi %mul3A_677, %add3A_846 : vector<16xi32>
      %convert_element_type3A_848 = arith.sitofp %convert_element_type3A_837 : vector<16xi32> to vector<16xf32>
      %sub3A_849 = arith.subf %add3A_833, %convert_element_type3A_848 : vector<16xf32>
      %convert_element_type3A_850 = arith.sitofp %select_n3A_844 : vector<16xi32> to vector<16xf32>
      %sub3A_851 = arith.subf %convert_element_type3A_850, %add3A_833 : vector<16xf32>
      tpu.vector_store_idx %arg6[%add3A_847], %sub3A_849 : memref<1280xf32, #tpu.memory_space<vmem>>[vector<16xi32>], vector<16xf32>,
      tpu.vector_store_idx %arg7[%add3A_847], %sub3A_851 : memref<1280xf32, #tpu.memory_space<vmem>>[vector<16xi32>], vector<16xf32>,
      %add3A_852 = arith.addf %sub3A_849, %sub3A_851 : vector<16xf32>
      %div3A_853 = arith.constant 1.000000e+00 : f32
      %div3A_854 = vector.broadcast %div3A_853 : f32 to vector<16xf32>
      %div3A_855 = arith.divf %div3A_854, %add3A_852 : vector<16xf32>
      tpu.vector_store_idx %arg10[%add3A_847], %div3A_855 : memref<1280xf32, #tpu.memory_space<vmem>>[vector<16xi32>], vector<16xf32>,
      %sub3A_856 = arith.subi %convert_element_type3A_837, %shift_left3A_670 : vector<16xi32>
      tpu.vector_store_idx %arg12[%add3A_847], %sub3A_856 : memref<1280xi32, #tpu.memory_space<vmem>>[vector<16xi32>], vector<16xi32>,
      %mul3A_857 = arith.constant 6.000000e+00 : f32
      %mul3A_858 = arith.mulf %mul3A_857, %div3A_2 : f32
      %mul3A_859 = arith.constant 7.000000e+00 : f32
      %mul3A_860 = arith.mulf %mul3A_859, %div3A_2 : f32
      %mul3A_861 = vector.broadcast %mul3A_858 : f32 to vector<16xf32>
      %mul3A_862 = arith.mulf %sub3A_662, %mul3A_861 : vector<16xf32>
      %add3A_863 = arith.addf %gather3A_648, %mul3A_862 : vector<16xf32>
      %mul3A_864 = vector.broadcast %mul3A_860 : f32 to vector<16xf32>
      %mul3A_865 = arith.mulf %sub3A_662, %mul3A_864 : vector<16xf32>
      %add3A_866 = arith.addf %gather3A_648, %mul3A_865 : vector<16xf32>
      %convert_element_type3A_867 = arith.fptosi %add3A_863 : vector<16xf32> to vector<16xi32>
      %convert_element_type3A_868 = arith.fptosi %add3A_866 : vector<16xf32> to vector<16xi32>
      %convert_element_type3A_869 = arith.sitofp %convert_element_type3A_868 : vector<16xi32> to vector<16xf32>
      %gt3A_870 = arith.cmpf ogt, %add3A_866, %convert_element_type3A_869 : vector<16xf32>
      %add3A_871 = arith.constant 1 : i32
      %add3A_872 = vector.broadcast %add3A_871 : i32 to vector<16xi32>
      %add3A_873 = arith.addi %convert_element_type3A_868, %add3A_872 : vector<16xi32>
      %select_n3A_874 = arith.select %gt3A_870, %add3A_873, %convert_element_type3A_868 : vector<16xi1>, vector<16xi32>
      %add3A_875 = arith.constant 6 : i32
      %add3A_876 = vector.broadcast %add3A_875 : i32 to vector<16xi32>
      %add3A_877 = arith.addi %mul3A_677, %add3A_876 : vector<16xi32>
      %convert_element_type3A_878 = arith.sitofp %convert_element_type3A_867 : vector<16xi32> to vector<16xf32>
      %sub3A_879 = arith.subf %add3A_863, %convert_element_type3A_878 : vector<16xf32>
      %convert_element_type3A_880 = arith.sitofp %select_n3A_874 : vector<16xi32> to vector<16xf32>
      %sub3A_881 = arith.subf %convert_element_type3A_880, %add3A_863 : vector<16xf32>
      tpu.vector_store_idx %arg6[%add3A_877], %sub3A_879 : memref<1280xf32, #tpu.memory_space<vmem>>[vector<16xi32>], vector<16xf32>,
      tpu.vector_store_idx %arg7[%add3A_877], %sub3A_881 : memref<1280xf32, #tpu.memory_space<vmem>>[vector<16xi32>], vector<16xf32>,
      %add3A_882 = arith.addf %sub3A_879, %sub3A_881 : vector<16xf32>
      %div3A_883 = arith.constant 1.000000e+00 : f32
      %div3A_884 = vector.broadcast %div3A_883 : f32 to vector<16xf32>
      %div3A_885 = arith.divf %div3A_884, %add3A_882 : vector<16xf32>
      tpu.vector_store_idx %arg10[%add3A_877], %div3A_885 : memref<1280xf32, #tpu.memory_space<vmem>>[vector<16xi32>], vector<16xf32>,
      %sub3A_886 = arith.subi %convert_element_type3A_867, %shift_left3A_670 : vector<16xi32>
      tpu.vector_store_idx %arg12[%add3A_877], %sub3A_886 : memref<1280xi32, #tpu.memory_space<vmem>>[vector<16xi32>], vector<16xi32>,
      %mul3A_887 = arith.constant 0.000000e+00 : f32
      %mul3A_888 = arith.mulf %mul3A_887, %div3A_2 : f32
      %mul3A_889 = arith.constant 1.000000e+00 : f32
      %mul3A_890 = arith.mulf %mul3A_889, %div3A_2 : f32
      %mul3A_891 = vector.broadcast %mul3A_888 : f32 to vector<16xf32>
      %mul3A_892 = arith.mulf %sub3A_664, %mul3A_891 : vector<16xf32>
      %add3A_893 = arith.addf %gather3A_652, %mul3A_892 : vector<16xf32>
      %mul3A_894 = vector.broadcast %mul3A_890 : f32 to vector<16xf32>
      %mul3A_895 = arith.mulf %sub3A_664, %mul3A_894 : vector<16xf32>
      %add3A_896 = arith.addf %gather3A_652, %mul3A_895 : vector<16xf32>
      %convert_element_type3A_897 = arith.fptosi %add3A_893 : vector<16xf32> to vector<16xi32>
      %convert_element_type3A_898 = arith.fptosi %add3A_896 : vector<16xf32> to vector<16xi32>
      %convert_element_type3A_899 = arith.sitofp %convert_element_type3A_898 : vector<16xi32> to vector<16xf32>
      %gt3A_900 = arith.cmpf ogt, %add3A_896, %convert_element_type3A_899 : vector<16xf32>
      %add3A_901 = arith.constant 1 : i32
      %add3A_902 = vector.broadcast %add3A_901 : i32 to vector<16xi32>
      %add3A_903 = arith.addi %convert_element_type3A_898, %add3A_902 : vector<16xi32>
      %select_n3A_904 = arith.select %gt3A_900, %add3A_903, %convert_element_type3A_898 : vector<16xi1>, vector<16xi32>
      %add3A_905 = arith.constant 0 : i32
      %add3A_906 = vector.broadcast %add3A_905 : i32 to vector<16xi32>
      %add3A_907 = arith.addi %mul3A_677, %add3A_906 : vector<16xi32>
      %convert_element_type3A_908 = arith.sitofp %convert_element_type3A_897 : vector<16xi32> to vector<16xf32>
      %sub3A_909 = arith.subf %add3A_893, %convert_element_type3A_908 : vector<16xf32>
      %convert_element_type3A_910 = arith.sitofp %select_n3A_904 : vector<16xi32> to vector<16xf32>
      %sub3A_911 = arith.subf %convert_element_type3A_910, %add3A_893 : vector<16xf32>
      tpu.vector_store_idx %arg8[%add3A_907], %sub3A_909 : memref<1280xf32, #tpu.memory_space<vmem>>[vector<16xi32>], vector<16xf32>,
      tpu.vector_store_idx %arg9[%add3A_907], %sub3A_911 : memref<1280xf32, #tpu.memory_space<vmem>>[vector<16xi32>], vector<16xf32>,
      %add3A_912 = arith.addf %sub3A_909, %sub3A_911 : vector<16xf32>
      %div3A_913 = arith.constant 1.000000e+00 : f32
      %div3A_914 = vector.broadcast %div3A_913 : f32 to vector<16xf32>
      %div3A_915 = arith.divf %div3A_914, %add3A_912 : vector<16xf32>
      tpu.vector_store_idx %arg11[%add3A_907], %div3A_915 : memref<1280xf32, #tpu.memory_space<vmem>>[vector<16xi32>], vector<16xf32>,
      %shift_left3A_916 = arith.constant 4 : i32
      %shift_left3A_917 = vector.broadcast %shift_left3A_916 : i32 to vector<16xi32>
      %shift_left3A_918 = arith.shli %convert_element_type3A_897, %shift_left3A_917 : vector<16xi32>
      %add3A_919 = arith.addi %add3A_674, %shift_left3A_918 : vector<16xi32>
      tpu.vector_store_idx %arg13[%add3A_907], %add3A_919 : memref<1280xi32, #tpu.memory_space<vmem>>[vector<16xi32>], vector<16xi32>,
      %mul3A_920 = arith.constant 1.000000e+00 : f32
      %mul3A_921 = arith.mulf %mul3A_920, %div3A_2 : f32
      %mul3A_922 = arith.constant 2.000000e+00 : f32
      %mul3A_923 = arith.mulf %mul3A_922, %div3A_2 : f32
      %mul3A_924 = vector.broadcast %mul3A_921 : f32 to vector<16xf32>
      %mul3A_925 = arith.mulf %sub3A_664, %mul3A_924 : vector<16xf32>
      %add3A_926 = arith.addf %gather3A_652, %mul3A_925 : vector<16xf32>
      %mul3A_927 = vector.broadcast %mul3A_923 : f32 to vector<16xf32>
      %mul3A_928 = arith.mulf %sub3A_664, %mul3A_927 : vector<16xf32>
      %add3A_929 = arith.addf %gather3A_652, %mul3A_928 : vector<16xf32>
      %convert_element_type3A_930 = arith.fptosi %add3A_926 : vector<16xf32> to vector<16xi32>
      %convert_element_type3A_931 = arith.fptosi %add3A_929 : vector<16xf32> to vector<16xi32>
      %convert_element_type3A_932 = arith.sitofp %convert_element_type3A_931 : vector<16xi32> to vector<16xf32>
      %gt3A_933 = arith.cmpf ogt, %add3A_929, %convert_element_type3A_932 : vector<16xf32>
      %add3A_934 = arith.constant 1 : i32
      %add3A_935 = vector.broadcast %add3A_934 : i32 to vector<16xi32>
      %add3A_936 = arith.addi %convert_element_type3A_931, %add3A_935 : vector<16xi32>
      %select_n3A_937 = arith.select %gt3A_933, %add3A_936, %convert_element_type3A_931 : vector<16xi1>, vector<16xi32>
      %add3A_938 = arith.constant 1 : i32
      %add3A_939 = vector.broadcast %add3A_938 : i32 to vector<16xi32>
      %add3A_940 = arith.addi %mul3A_677, %add3A_939 : vector<16xi32>
      %convert_element_type3A_941 = arith.sitofp %convert_element_type3A_930 : vector<16xi32> to vector<16xf32>
      %sub3A_942 = arith.subf %add3A_926, %convert_element_type3A_941 : vector<16xf32>
      %convert_element_type3A_943 = arith.sitofp %select_n3A_937 : vector<16xi32> to vector<16xf32>
      %sub3A_944 = arith.subf %convert_element_type3A_943, %add3A_926 : vector<16xf32>
      tpu.vector_store_idx %arg8[%add3A_940], %sub3A_942 : memref<1280xf32, #tpu.memory_space<vmem>>[vector<16xi32>], vector<16xf32>,
      tpu.vector_store_idx %arg9[%add3A_940], %sub3A_944 : memref<1280xf32, #tpu.memory_space<vmem>>[vector<16xi32>], vector<16xf32>,
      %add3A_945 = arith.addf %sub3A_942, %sub3A_944 : vector<16xf32>
      %div3A_946 = arith.constant 1.000000e+00 : f32
      %div3A_947 = vector.broadcast %div3A_946 : f32 to vector<16xf32>
      %div3A_948 = arith.divf %div3A_947, %add3A_945 : vector<16xf32>
      tpu.vector_store_idx %arg11[%add3A_940], %div3A_948 : memref<1280xf32, #tpu.memory_space<vmem>>[vector<16xi32>], vector<16xf32>,
      %shift_left3A_949 = arith.constant 4 : i32
      %shift_left3A_950 = vector.broadcast %shift_left3A_949 : i32 to vector<16xi32>
      %shift_left3A_951 = arith.shli %convert_element_type3A_930, %shift_left3A_950 : vector<16xi32>
      %add3A_952 = arith.addi %add3A_674, %shift_left3A_951 : vector<16xi32>
      tpu.vector_store_idx %arg13[%add3A_940], %add3A_952 : memref<1280xi32, #tpu.memory_space<vmem>>[vector<16xi32>], vector<16xi32>,
      %mul3A_953 = arith.constant 2.000000e+00 : f32
      %mul3A_954 = arith.mulf %mul3A_953, %div3A_2 : f32
      %mul3A_955 = arith.constant 3.000000e+00 : f32
      %mul3A_956 = arith.mulf %mul3A_955, %div3A_2 : f32
      %mul3A_957 = vector.broadcast %mul3A_954 : f32 to vector<16xf32>
      %mul3A_958 = arith.mulf %sub3A_664, %mul3A_957 : vector<16xf32>
      %add3A_959 = arith.addf %gather3A_652, %mul3A_958 : vector<16xf32>
      %mul3A_960 = vector.broadcast %mul3A_956 : f32 to vector<16xf32>
      %mul3A_961 = arith.mulf %sub3A_664, %mul3A_960 : vector<16xf32>
      %add3A_962 = arith.addf %gather3A_652, %mul3A_961 : vector<16xf32>
      %convert_element_type3A_963 = arith.fptosi %add3A_959 : vector<16xf32> to vector<16xi32>
      %convert_element_type3A_964 = arith.fptosi %add3A_962 : vector<16xf32> to vector<16xi32>
      %convert_element_type3A_965 = arith.sitofp %convert_element_type3A_964 : vector<16xi32> to vector<16xf32>
      %gt3A_966 = arith.cmpf ogt, %add3A_962, %convert_element_type3A_965 : vector<16xf32>
      %add3A_967 = arith.constant 1 : i32
      %add3A_968 = vector.broadcast %add3A_967 : i32 to vector<16xi32>
      %add3A_969 = arith.addi %convert_element_type3A_964, %add3A_968 : vector<16xi32>
      %select_n3A_970 = arith.select %gt3A_966, %add3A_969, %convert_element_type3A_964 : vector<16xi1>, vector<16xi32>
      %add3A_971 = arith.constant 2 : i32
      %add3A_972 = vector.broadcast %add3A_971 : i32 to vector<16xi32>
      %add3A_973 = arith.addi %mul3A_677, %add3A_972 : vector<16xi32>
      %convert_element_type3A_974 = arith.sitofp %convert_element_type3A_963 : vector<16xi32> to vector<16xf32>
      %sub3A_975 = arith.subf %add3A_959, %convert_element_type3A_974 : vector<16xf32>
      %convert_element_type3A_976 = arith.sitofp %select_n3A_970 : vector<16xi32> to vector<16xf32>
      %sub3A_977 = arith.subf %convert_element_type3A_976, %add3A_959 : vector<16xf32>
      tpu.vector_store_idx %arg8[%add3A_973], %sub3A_975 : memref<1280xf32, #tpu.memory_space<vmem>>[vector<16xi32>], vector<16xf32>,
      tpu.vector_store_idx %arg9[%add3A_973], %sub3A_977 : memref<1280xf32, #tpu.memory_space<vmem>>[vector<16xi32>], vector<16xf32>,
      %add3A_978 = arith.addf %sub3A_975, %sub3A_977 : vector<16xf32>
      %div3A_979 = arith.constant 1.000000e+00 : f32
      %div3A_980 = vector.broadcast %div3A_979 : f32 to vector<16xf32>
      %div3A_981 = arith.divf %div3A_980, %add3A_978 : vector<16xf32>
      tpu.vector_store_idx %arg11[%add3A_973], %div3A_981 : memref<1280xf32, #tpu.memory_space<vmem>>[vector<16xi32>], vector<16xf32>,
      %shift_left3A_982 = arith.constant 4 : i32
      %shift_left3A_983 = vector.broadcast %shift_left3A_982 : i32 to vector<16xi32>
      %shift_left3A_984 = arith.shli %convert_element_type3A_963, %shift_left3A_983 : vector<16xi32>
      %add3A_985 = arith.addi %add3A_674, %shift_left3A_984 : vector<16xi32>
      tpu.vector_store_idx %arg13[%add3A_973], %add3A_985 : memref<1280xi32, #tpu.memory_space<vmem>>[vector<16xi32>], vector<16xi32>,
      %mul3A_986 = arith.constant 3.000000e+00 : f32
      %mul3A_987 = arith.mulf %mul3A_986, %div3A_2 : f32
      %mul3A_988 = arith.constant 4.000000e+00 : f32
      %mul3A_989 = arith.mulf %mul3A_988, %div3A_2 : f32
      %mul3A_990 = vector.broadcast %mul3A_987 : f32 to vector<16xf32>
      %mul3A_991 = arith.mulf %sub3A_664, %mul3A_990 : vector<16xf32>
      %add3A_992 = arith.addf %gather3A_652, %mul3A_991 : vector<16xf32>
      %mul3A_993 = vector.broadcast %mul3A_989 : f32 to vector<16xf32>
      %mul3A_994 = arith.mulf %sub3A_664, %mul3A_993 : vector<16xf32>
      %add3A_995 = arith.addf %gather3A_652, %mul3A_994 : vector<16xf32>
      %convert_element_type3A_996 = arith.fptosi %add3A_992 : vector<16xf32> to vector<16xi32>
      %convert_element_type3A_997 = arith.fptosi %add3A_995 : vector<16xf32> to vector<16xi32>
      %convert_element_type3A_998 = arith.sitofp %convert_element_type3A_997 : vector<16xi32> to vector<16xf32>
      %gt3A_999 = arith.cmpf ogt, %add3A_995, %convert_element_type3A_998 : vector<16xf32>
      %add3A_1000 = arith.constant 1 : i32
      %add3A_1001 = vector.broadcast %add3A_1000 : i32 to vector<16xi32>
      %add3A_1002 = arith.addi %convert_element_type3A_997, %add3A_1001 : vector<16xi32>
      %select_n3A_1003 = arith.select %gt3A_999, %add3A_1002, %convert_element_type3A_997 : vector<16xi1>, vector<16xi32>
      %add3A_1004 = arith.constant 3 : i32
      %add3A_1005 = vector.broadcast %add3A_1004 : i32 to vector<16xi32>
      %add3A_1006 = arith.addi %mul3A_677, %add3A_1005 : vector<16xi32>
      %convert_element_type3A_1007 = arith.sitofp %convert_element_type3A_996 : vector<16xi32> to vector<16xf32>
      %sub3A_1008 = arith.subf %add3A_992, %convert_element_type3A_1007 : vector<16xf32>
      %convert_element_type3A_1009 = arith.sitofp %select_n3A_1003 : vector<16xi32> to vector<16xf32>
      %sub3A_1010 = arith.subf %convert_element_type3A_1009, %add3A_992 : vector<16xf32>
      tpu.vector_store_idx %arg8[%add3A_1006], %sub3A_1008 : memref<1280xf32, #tpu.memory_space<vmem>>[vector<16xi32>], vector<16xf32>,
      tpu.vector_store_idx %arg9[%add3A_1006], %sub3A_1010 : memref<1280xf32, #tpu.memory_space<vmem>>[vector<16xi32>], vector<16xf32>,
      %add3A_1011 = arith.addf %sub3A_1008, %sub3A_1010 : vector<16xf32>
      %div3A_1012 = arith.constant 1.000000e+00 : f32
      %div3A_1013 = vector.broadcast %div3A_1012 : f32 to vector<16xf32>
      %div3A_1014 = arith.divf %div3A_1013, %add3A_1011 : vector<16xf32>
      tpu.vector_store_idx %arg11[%add3A_1006], %div3A_1014 : memref<1280xf32, #tpu.memory_space<vmem>>[vector<16xi32>], vector<16xf32>,
      %shift_left3A_1015 = arith.constant 4 : i32
      %shift_left3A_1016 = vector.broadcast %shift_left3A_1015 : i32 to vector<16xi32>
      %shift_left3A_1017 = arith.shli %convert_element_type3A_996, %shift_left3A_1016 : vector<16xi32>
      %add3A_1018 = arith.addi %add3A_674, %shift_left3A_1017 : vector<16xi32>
      tpu.vector_store_idx %arg13[%add3A_1006], %add3A_1018 : memref<1280xi32, #tpu.memory_space<vmem>>[vector<16xi32>], vector<16xi32>,
      %mul3A_1019 = arith.constant 4.000000e+00 : f32
      %mul3A_1020 = arith.mulf %mul3A_1019, %div3A_2 : f32
      %mul3A_1021 = arith.constant 5.000000e+00 : f32
      %mul3A_1022 = arith.mulf %mul3A_1021, %div3A_2 : f32
      %mul3A_1023 = vector.broadcast %mul3A_1020 : f32 to vector<16xf32>
      %mul3A_1024 = arith.mulf %sub3A_664, %mul3A_1023 : vector<16xf32>
      %add3A_1025 = arith.addf %gather3A_652, %mul3A_1024 : vector<16xf32>
      %mul3A_1026 = vector.broadcast %mul3A_1022 : f32 to vector<16xf32>
      %mul3A_1027 = arith.mulf %sub3A_664, %mul3A_1026 : vector<16xf32>
      %add3A_1028 = arith.addf %gather3A_652, %mul3A_1027 : vector<16xf32>
      %convert_element_type3A_1029 = arith.fptosi %add3A_1025 : vector<16xf32> to vector<16xi32>
      %convert_element_type3A_1030 = arith.fptosi %add3A_1028 : vector<16xf32> to vector<16xi32>
      %convert_element_type3A_1031 = arith.sitofp %convert_element_type3A_1030 : vector<16xi32> to vector<16xf32>
      %gt3A_1032 = arith.cmpf ogt, %add3A_1028, %convert_element_type3A_1031 : vector<16xf32>
      %add3A_1033 = arith.constant 1 : i32
      %add3A_1034 = vector.broadcast %add3A_1033 : i32 to vector<16xi32>
      %add3A_1035 = arith.addi %convert_element_type3A_1030, %add3A_1034 : vector<16xi32>
      %select_n3A_1036 = arith.select %gt3A_1032, %add3A_1035, %convert_element_type3A_1030 : vector<16xi1>, vector<16xi32>
      %add3A_1037 = arith.constant 4 : i32
      %add3A_1038 = vector.broadcast %add3A_1037 : i32 to vector<16xi32>
      %add3A_1039 = arith.addi %mul3A_677, %add3A_1038 : vector<16xi32>
      %convert_element_type3A_1040 = arith.sitofp %convert_element_type3A_1029 : vector<16xi32> to vector<16xf32>
      %sub3A_1041 = arith.subf %add3A_1025, %convert_element_type3A_1040 : vector<16xf32>
      %convert_element_type3A_1042 = arith.sitofp %select_n3A_1036 : vector<16xi32> to vector<16xf32>
      %sub3A_1043 = arith.subf %convert_element_type3A_1042, %add3A_1025 : vector<16xf32>
      tpu.vector_store_idx %arg8[%add3A_1039], %sub3A_1041 : memref<1280xf32, #tpu.memory_space<vmem>>[vector<16xi32>], vector<16xf32>,
      tpu.vector_store_idx %arg9[%add3A_1039], %sub3A_1043 : memref<1280xf32, #tpu.memory_space<vmem>>[vector<16xi32>], vector<16xf32>,
      %add3A_1044 = arith.addf %sub3A_1041, %sub3A_1043 : vector<16xf32>
      %div3A_1045 = arith.constant 1.000000e+00 : f32
      %div3A_1046 = vector.broadcast %div3A_1045 : f32 to vector<16xf32>
      %div3A_1047 = arith.divf %div3A_1046, %add3A_1044 : vector<16xf32>
      tpu.vector_store_idx %arg11[%add3A_1039], %div3A_1047 : memref<1280xf32, #tpu.memory_space<vmem>>[vector<16xi32>], vector<16xf32>,
      %shift_left3A_1048 = arith.constant 4 : i32
      %shift_left3A_1049 = vector.broadcast %shift_left3A_1048 : i32 to vector<16xi32>
      %shift_left3A_1050 = arith.shli %convert_element_type3A_1029, %shift_left3A_1049 : vector<16xi32>
      %add3A_1051 = arith.addi %add3A_674, %shift_left3A_1050 : vector<16xi32>
      tpu.vector_store_idx %arg13[%add3A_1039], %add3A_1051 : memref<1280xi32, #tpu.memory_space<vmem>>[vector<16xi32>], vector<16xi32>,
      %mul3A_1052 = arith.constant 5.000000e+00 : f32
      %mul3A_1053 = arith.mulf %mul3A_1052, %div3A_2 : f32
      %mul3A_1054 = arith.constant 6.000000e+00 : f32
      %mul3A_1055 = arith.mulf %mul3A_1054, %div3A_2 : f32
      %mul3A_1056 = vector.broadcast %mul3A_1053 : f32 to vector<16xf32>
      %mul3A_1057 = arith.mulf %sub3A_664, %mul3A_1056 : vector<16xf32>
      %add3A_1058 = arith.addf %gather3A_652, %mul3A_1057 : vector<16xf32>
      %mul3A_1059 = vector.broadcast %mul3A_1055 : f32 to vector<16xf32>
      %mul3A_1060 = arith.mulf %sub3A_664, %mul3A_1059 : vector<16xf32>
      %add3A_1061 = arith.addf %gather3A_652, %mul3A_1060 : vector<16xf32>
      %convert_element_type3A_1062 = arith.fptosi %add3A_1058 : vector<16xf32> to vector<16xi32>
      %convert_element_type3A_1063 = arith.fptosi %add3A_1061 : vector<16xf32> to vector<16xi32>
      %convert_element_type3A_1064 = arith.sitofp %convert_element_type3A_1063 : vector<16xi32> to vector<16xf32>
      %gt3A_1065 = arith.cmpf ogt, %add3A_1061, %convert_element_type3A_1064 : vector<16xf32>
      %add3A_1066 = arith.constant 1 : i32
      %add3A_1067 = vector.broadcast %add3A_1066 : i32 to vector<16xi32>
      %add3A_1068 = arith.addi %convert_element_type3A_1063, %add3A_1067 : vector<16xi32>
      %select_n3A_1069 = arith.select %gt3A_1065, %add3A_1068, %convert_element_type3A_1063 : vector<16xi1>, vector<16xi32>
      %add3A_1070 = arith.constant 5 : i32
      %add3A_1071 = vector.broadcast %add3A_1070 : i32 to vector<16xi32>
      %add3A_1072 = arith.addi %mul3A_677, %add3A_1071 : vector<16xi32>
      %convert_element_type3A_1073 = arith.sitofp %convert_element_type3A_1062 : vector<16xi32> to vector<16xf32>
      %sub3A_1074 = arith.subf %add3A_1058, %convert_element_type3A_1073 : vector<16xf32>
      %convert_element_type3A_1075 = arith.sitofp %select_n3A_1069 : vector<16xi32> to vector<16xf32>
      %sub3A_1076 = arith.subf %convert_element_type3A_1075, %add3A_1058 : vector<16xf32>
      tpu.vector_store_idx %arg8[%add3A_1072], %sub3A_1074 : memref<1280xf32, #tpu.memory_space<vmem>>[vector<16xi32>], vector<16xf32>,
      tpu.vector_store_idx %arg9[%add3A_1072], %sub3A_1076 : memref<1280xf32, #tpu.memory_space<vmem>>[vector<16xi32>], vector<16xf32>,
      %add3A_1077 = arith.addf %sub3A_1074, %sub3A_1076 : vector<16xf32>
      %div3A_1078 = arith.constant 1.000000e+00 : f32
      %div3A_1079 = vector.broadcast %div3A_1078 : f32 to vector<16xf32>
      %div3A_1080 = arith.divf %div3A_1079, %add3A_1077 : vector<16xf32>
      tpu.vector_store_idx %arg11[%add3A_1072], %div3A_1080 : memref<1280xf32, #tpu.memory_space<vmem>>[vector<16xi32>], vector<16xf32>,
      %shift_left3A_1081 = arith.constant 4 : i32
      %shift_left3A_1082 = vector.broadcast %shift_left3A_1081 : i32 to vector<16xi32>
      %shift_left3A_1083 = arith.shli %convert_element_type3A_1062, %shift_left3A_1082 : vector<16xi32>
      %add3A_1084 = arith.addi %add3A_674, %shift_left3A_1083 : vector<16xi32>
      tpu.vector_store_idx %arg13[%add3A_1072], %add3A_1084 : memref<1280xi32, #tpu.memory_space<vmem>>[vector<16xi32>], vector<16xi32>,
      %mul3A_1085 = arith.constant 6.000000e+00 : f32
      %mul3A_1086 = arith.mulf %mul3A_1085, %div3A_2 : f32
      %mul3A_1087 = arith.constant 7.000000e+00 : f32
      %mul3A_1088 = arith.mulf %mul3A_1087, %div3A_2 : f32
      %mul3A_1089 = vector.broadcast %mul3A_1086 : f32 to vector<16xf32>
      %mul3A_1090 = arith.mulf %sub3A_664, %mul3A_1089 : vector<16xf32>
      %add3A_1091 = arith.addf %gather3A_652, %mul3A_1090 : vector<16xf32>
      %mul3A_1092 = vector.broadcast %mul3A_1088 : f32 to vector<16xf32>
      %mul3A_1093 = arith.mulf %sub3A_664, %mul3A_1092 : vector<16xf32>
      %add3A_1094 = arith.addf %gather3A_652, %mul3A_1093 : vector<16xf32>
      %convert_element_type3A_1095 = arith.fptosi %add3A_1091 : vector<16xf32> to vector<16xi32>
      %convert_element_type3A_1096 = arith.fptosi %add3A_1094 : vector<16xf32> to vector<16xi32>
      %convert_element_type3A_1097 = arith.sitofp %convert_element_type3A_1096 : vector<16xi32> to vector<16xf32>
      %gt3A_1098 = arith.cmpf ogt, %add3A_1094, %convert_element_type3A_1097 : vector<16xf32>
      %add3A_1099 = arith.constant 1 : i32
      %add3A_1100 = vector.broadcast %add3A_1099 : i32 to vector<16xi32>
      %add3A_1101 = arith.addi %convert_element_type3A_1096, %add3A_1100 : vector<16xi32>
      %select_n3A_1102 = arith.select %gt3A_1098, %add3A_1101, %convert_element_type3A_1096 : vector<16xi1>, vector<16xi32>
      %add3A_1103 = arith.constant 6 : i32
      %add3A_1104 = vector.broadcast %add3A_1103 : i32 to vector<16xi32>
      %add3A_1105 = arith.addi %mul3A_677, %add3A_1104 : vector<16xi32>
      %convert_element_type3A_1106 = arith.sitofp %convert_element_type3A_1095 : vector<16xi32> to vector<16xf32>
      %sub3A_1107 = arith.subf %add3A_1091, %convert_element_type3A_1106 : vector<16xf32>
      %convert_element_type3A_1108 = arith.sitofp %select_n3A_1102 : vector<16xi32> to vector<16xf32>
      %sub3A_1109 = arith.subf %convert_element_type3A_1108, %add3A_1091 : vector<16xf32>
      tpu.vector_store_idx %arg8[%add3A_1105], %sub3A_1107 : memref<1280xf32, #tpu.memory_space<vmem>>[vector<16xi32>], vector<16xf32>,
      tpu.vector_store_idx %arg9[%add3A_1105], %sub3A_1109 : memref<1280xf32, #tpu.memory_space<vmem>>[vector<16xi32>], vector<16xf32>,
      %add3A_1110 = arith.addf %sub3A_1107, %sub3A_1109 : vector<16xf32>
      %div3A_1111 = arith.constant 1.000000e+00 : f32
      %div3A_1112 = vector.broadcast %div3A_1111 : f32 to vector<16xf32>
      %div3A_1113 = arith.divf %div3A_1112, %add3A_1110 : vector<16xf32>
      tpu.vector_store_idx %arg11[%add3A_1105], %div3A_1113 : memref<1280xf32, #tpu.memory_space<vmem>>[vector<16xi32>], vector<16xf32>,
      %shift_left3A_1114 = arith.constant 4 : i32
      %shift_left3A_1115 = vector.broadcast %shift_left3A_1114 : i32 to vector<16xi32>
      %shift_left3A_1116 = arith.shli %convert_element_type3A_1095, %shift_left3A_1115 : vector<16xi32>
      %add3A_1117 = arith.addi %add3A_674, %shift_left3A_1116 : vector<16xi32>
      tpu.vector_store_idx %arg13[%add3A_1105], %add3A_1117 : memref<1280xi32, #tpu.memory_space<vmem>>[vector<16xi32>], vector<16xi32>,
      %mul3A_1118 = arith.constant 4 : i32
      %mul3A_1119 = arith.muli %scan3A_637, %mul3A_1118 : i32
      %add3A_1120 = arith.constant 0 : i32
      %add3A_1121 = arith.addi %mul3A_1119, %add3A_1120 : i32
      %mul3A_1122 = arith.constant 128 : i32
      %mul3A_1123 = arith.muli %scan3A_637, %mul3A_1122 : i32
      %add3A_1124 = arith.constant 0 : i32
      %add3A_1125 = arith.addi %mul3A_1123, %add3A_1124 : i32
      %add3A_1126 = vector.broadcast %add3A_1125 : i32 to vector<16xi32>
      %add3A_1127 = arith.addi %mul3A_5, %add3A_1126 : vector<16xi32>
      %add3A_1128 = arith.addi %add3A_1127, %add3A_232 : vector<16xi32>
      %gather3A_1129 = tpu.vector_load_idx %arg13[%add3A_1128] : memref<1280xi32, #tpu.memory_space<vmem>>[vector<16xi32>], vector<16xi32>,
      %add3A_1130 = arith.addi %gather3A_1129, %add3A_242 : vector<16xi32>
      %swap3A = arith.index_cast %add3A_1121 : i32 to index
      %swap3A_1131 = arith.constant 0 : index
      %swap3A_1132 = tpu.vector_load %arg14[%swap3A, %swap3A_1131] {strides = array<i32>} : memref<40x112xi32, #tpu.memory_space<vmem>>, vector<16xi32>,
      tpu.vector_store %arg14[%swap3A, %swap3A_1131], %add3A_1130 {strides = array<i32>} : memref<40x112xi32, #tpu.memory_space<vmem>>, vector<16xi32>,
      %add3A_1133 = arith.addi %add3A_1127, %add3A_290 : vector<16xi32>
      %gather3A_1134 = tpu.vector_load_idx %arg13[%add3A_1133] : memref<1280xi32, #tpu.memory_space<vmem>>[vector<16xi32>], vector<16xi32>,
      %add3A_1135 = arith.addi %gather3A_1134, %add3A_300 : vector<16xi32>
      %swap3A_1136 = arith.index_cast %add3A_1121 : i32 to index
      %swap3A_1137 = arith.constant 16 : index
      %swap3A_1138 = tpu.vector_load %arg14[%swap3A_1136, %swap3A_1137] {strides = array<i32>} : memref<40x112xi32, #tpu.memory_space<vmem>>, vector<16xi32>,
      tpu.vector_store %arg14[%swap3A_1136, %swap3A_1137], %add3A_1135 {strides = array<i32>} : memref<40x112xi32, #tpu.memory_space<vmem>>, vector<16xi32>,
      %add3A_1139 = arith.addi %add3A_1127, %add3A_348 : vector<16xi32>
      %gather3A_1140 = tpu.vector_load_idx %arg13[%add3A_1139] : memref<1280xi32, #tpu.memory_space<vmem>>[vector<16xi32>], vector<16xi32>,
      %add3A_1141 = arith.addi %gather3A_1140, %add3A_358 : vector<16xi32>
      %swap3A_1142 = arith.index_cast %add3A_1121 : i32 to index
      %swap3A_1143 = arith.constant 32 : index
      %swap3A_1144 = tpu.vector_load %arg14[%swap3A_1142, %swap3A_1143] {strides = array<i32>} : memref<40x112xi32, #tpu.memory_space<vmem>>, vector<16xi32>,
      tpu.vector_store %arg14[%swap3A_1142, %swap3A_1143], %add3A_1141 {strides = array<i32>} : memref<40x112xi32, #tpu.memory_space<vmem>>, vector<16xi32>,
      %add3A_1145 = arith.addi %add3A_1127, %add3A_406 : vector<16xi32>
      %gather3A_1146 = tpu.vector_load_idx %arg13[%add3A_1145] : memref<1280xi32, #tpu.memory_space<vmem>>[vector<16xi32>], vector<16xi32>,
      %add3A_1147 = arith.addi %gather3A_1146, %add3A_416 : vector<16xi32>
      %swap3A_1148 = arith.index_cast %add3A_1121 : i32 to index
      %swap3A_1149 = arith.constant 48 : index
      %swap3A_1150 = tpu.vector_load %arg14[%swap3A_1148, %swap3A_1149] {strides = array<i32>} : memref<40x112xi32, #tpu.memory_space<vmem>>, vector<16xi32>,
      tpu.vector_store %arg14[%swap3A_1148, %swap3A_1149], %add3A_1147 {strides = array<i32>} : memref<40x112xi32, #tpu.memory_space<vmem>>, vector<16xi32>,
      %add3A_1151 = arith.addi %add3A_1127, %add3A_464 : vector<16xi32>
      %gather3A_1152 = tpu.vector_load_idx %arg13[%add3A_1151] : memref<1280xi32, #tpu.memory_space<vmem>>[vector<16xi32>], vector<16xi32>,
      %add3A_1153 = arith.addi %gather3A_1152, %add3A_474 : vector<16xi32>
      %swap3A_1154 = arith.index_cast %add3A_1121 : i32 to index
      %swap3A_1155 = arith.constant 64 : index
      %swap3A_1156 = tpu.vector_load %arg14[%swap3A_1154, %swap3A_1155] {strides = array<i32>} : memref<40x112xi32, #tpu.memory_space<vmem>>, vector<16xi32>,
      tpu.vector_store %arg14[%swap3A_1154, %swap3A_1155], %add3A_1153 {strides = array<i32>} : memref<40x112xi32, #tpu.memory_space<vmem>>, vector<16xi32>,
      %add3A_1157 = arith.addi %add3A_1127, %add3A_522 : vector<16xi32>
      %gather3A_1158 = tpu.vector_load_idx %arg13[%add3A_1157] : memref<1280xi32, #tpu.memory_space<vmem>>[vector<16xi32>], vector<16xi32>,
      %add3A_1159 = arith.addi %gather3A_1158, %add3A_532 : vector<16xi32>
      %swap3A_1160 = arith.index_cast %add3A_1121 : i32 to index
      %swap3A_1161 = arith.constant 80 : index
      %swap3A_1162 = tpu.vector_load %arg14[%swap3A_1160, %swap3A_1161] {strides = array<i32>} : memref<40x112xi32, #tpu.memory_space<vmem>>, vector<16xi32>,
      tpu.vector_store %arg14[%swap3A_1160, %swap3A_1161], %add3A_1159 {strides = array<i32>} : memref<40x112xi32, #tpu.memory_space<vmem>>, vector<16xi32>,
      %add3A_1163 = arith.addi %add3A_1127, %add3A_580 : vector<16xi32>
      %gather3A_1164 = tpu.vector_load_idx %arg13[%add3A_1163] : memref<1280xi32, #tpu.memory_space<vmem>>[vector<16xi32>], vector<16xi32>,
      %add3A_1165 = arith.addi %gather3A_1164, %add3A_590 : vector<16xi32>
      %swap3A_1166 = arith.index_cast %add3A_1121 : i32 to index
      %swap3A_1167 = arith.constant 96 : index
      %swap3A_1168 = tpu.vector_load %arg14[%swap3A_1166, %swap3A_1167] {strides = array<i32>} : memref<40x112xi32, #tpu.memory_space<vmem>>, vector<16xi32>,
      tpu.vector_store %arg14[%swap3A_1166, %swap3A_1167], %add3A_1165 {strides = array<i32>} : memref<40x112xi32, #tpu.memory_space<vmem>>, vector<16xi32>,
      %mul3A_1169 = arith.constant 112 : i32
      %mul3A_1170 = arith.muli %add3A_1121, %mul3A_1169 : i32
      %dma_start3A = arith.constant 0 : i32
      %dma_start3A_1171 = tpu.memref_slice %arg15[%mul3A_1170, %dma_start3A] : memref<4480x16xf32, #tpu.memory_space<vmem>> -> memref<112x16xf32, #tpu.memory_space<vmem>>
      %dma_start3A_1172 = arith.constant 0 : i32
      %dma_start3A_1173 = tpu.memref_slice %arg14[%add3A_1121, %dma_start3A_1172] : memref<40x112xi32, #tpu.memory_space<vmem>> -> memref<1x112xi32, #tpu.memory_space<vmem>>
      %dma_start3A_1174 = tpu.memref_squeeze %dma_start3A_1173 : memref<1x112xi32, #tpu.memory_space<vmem>> -> memref<112xi32, #tpu.memory_space<vmem>>
      %dma_start3A_1175 = arith.constant 0 : i32
      %dma_start3A_1176 = arith.constant 0 : i32
      %dma_start3A_1177 = tpu.memref_slice %arg2[%dma_start3A_1175, %dma_start3A_1176] : memref<32768x16xf32, #tpu.memory_space<hbm>> -> memref<32768x16xf32, #tpu.memory_space<hbm>>
      tpu.enqueue_indirect_dma source(%dma_start3A_1177 : memref<32768x16xf32, #tpu.memory_space<hbm>>) target(%dma_start3A_1171 : memref<112x16xf32, #tpu.memory_space<vmem>>) offsets(%dma_start3A_1174 : memref<112xi32, #tpu.memory_space<vmem>>) semaphore(%arg18 : memref<!tpu.dma_semaphore, #tpu.memory_space<semaphore_mem>>)
      %mul3A_1178 = arith.constant 4 : i32
      %mul3A_1179 = arith.muli %scan3A_637, %mul3A_1178 : i32
      %add3A_1180 = arith.constant 1 : i32
      %add3A_1181 = arith.addi %mul3A_1179, %add3A_1180 : i32
      %mul3A_1182 = arith.constant 128 : i32
      %mul3A_1183 = arith.muli %scan3A_637, %mul3A_1182 : i32
      %add3A_1184 = arith.constant 32 : i32
      %add3A_1185 = arith.addi %mul3A_1183, %add3A_1184 : i32
      %add3A_1186 = vector.broadcast %add3A_1185 : i32 to vector<16xi32>
      %add3A_1187 = arith.addi %mul3A_5, %add3A_1186 : vector<16xi32>
      %add3A_1188 = arith.addi %add3A_1187, %add3A_232 : vector<16xi32>
      %gather3A_1189 = tpu.vector_load_idx %arg13[%add3A_1188] : memref<1280xi32, #tpu.memory_space<vmem>>[vector<16xi32>], vector<16xi32>,
      %add3A_1190 = arith.addi %gather3A_1189, %add3A_242 : vector<16xi32>
      %swap3A_1191 = arith.index_cast %add3A_1181 : i32 to index
      %swap3A_1192 = arith.constant 0 : index
      %swap3A_1193 = tpu.vector_load %arg14[%swap3A_1191, %swap3A_1192] {strides = array<i32>} : memref<40x112xi32, #tpu.memory_space<vmem>>, vector<16xi32>,
      tpu.vector_store %arg14[%swap3A_1191, %swap3A_1192], %add3A_1190 {strides = array<i32>} : memref<40x112xi32, #tpu.memory_space<vmem>>, vector<16xi32>,
      %add3A_1194 = arith.addi %add3A_1187, %add3A_290 : vector<16xi32>
      %gather3A_1195 = tpu.vector_load_idx %arg13[%add3A_1194] : memref<1280xi32, #tpu.memory_space<vmem>>[vector<16xi32>], vector<16xi32>,
      %add3A_1196 = arith.addi %gather3A_1195, %add3A_300 : vector<16xi32>
      %swap3A_1197 = arith.index_cast %add3A_1181 : i32 to index
      %swap3A_1198 = arith.constant 16 : index
      %swap3A_1199 = tpu.vector_load %arg14[%swap3A_1197, %swap3A_1198] {strides = array<i32>} : memref<40x112xi32, #tpu.memory_space<vmem>>, vector<16xi32>,
      tpu.vector_store %arg14[%swap3A_1197, %swap3A_1198], %add3A_1196 {strides = array<i32>} : memref<40x112xi32, #tpu.memory_space<vmem>>, vector<16xi32>,
      %add3A_1200 = arith.addi %add3A_1187, %add3A_348 : vector<16xi32>
      %gather3A_1201 = tpu.vector_load_idx %arg13[%add3A_1200] : memref<1280xi32, #tpu.memory_space<vmem>>[vector<16xi32>], vector<16xi32>,
      %add3A_1202 = arith.addi %gather3A_1201, %add3A_358 : vector<16xi32>
      %swap3A_1203 = arith.index_cast %add3A_1181 : i32 to index
      %swap3A_1204 = arith.constant 32 : index
      %swap3A_1205 = tpu.vector_load %arg14[%swap3A_1203, %swap3A_1204] {strides = array<i32>} : memref<40x112xi32, #tpu.memory_space<vmem>>, vector<16xi32>,
      tpu.vector_store %arg14[%swap3A_1203, %swap3A_1204], %add3A_1202 {strides = array<i32>} : memref<40x112xi32, #tpu.memory_space<vmem>>, vector<16xi32>,
      %add3A_1206 = arith.addi %add3A_1187, %add3A_406 : vector<16xi32>
      %gather3A_1207 = tpu.vector_load_idx %arg13[%add3A_1206] : memref<1280xi32, #tpu.memory_space<vmem>>[vector<16xi32>], vector<16xi32>,
      %add3A_1208 = arith.addi %gather3A_1207, %add3A_416 : vector<16xi32>
      %swap3A_1209 = arith.index_cast %add3A_1181 : i32 to index
      %swap3A_1210 = arith.constant 48 : index
      %swap3A_1211 = tpu.vector_load %arg14[%swap3A_1209, %swap3A_1210] {strides = array<i32>} : memref<40x112xi32, #tpu.memory_space<vmem>>, vector<16xi32>,
      tpu.vector_store %arg14[%swap3A_1209, %swap3A_1210], %add3A_1208 {strides = array<i32>} : memref<40x112xi32, #tpu.memory_space<vmem>>, vector<16xi32>,
      %add3A_1212 = arith.addi %add3A_1187, %add3A_464 : vector<16xi32>
      %gather3A_1213 = tpu.vector_load_idx %arg13[%add3A_1212] : memref<1280xi32, #tpu.memory_space<vmem>>[vector<16xi32>], vector<16xi32>,
      %add3A_1214 = arith.addi %gather3A_1213, %add3A_474 : vector<16xi32>
      %swap3A_1215 = arith.index_cast %add3A_1181 : i32 to index
      %swap3A_1216 = arith.constant 64 : index
      %swap3A_1217 = tpu.vector_load %arg14[%swap3A_1215, %swap3A_1216] {strides = array<i32>} : memref<40x112xi32, #tpu.memory_space<vmem>>, vector<16xi32>,
      tpu.vector_store %arg14[%swap3A_1215, %swap3A_1216], %add3A_1214 {strides = array<i32>} : memref<40x112xi32, #tpu.memory_space<vmem>>, vector<16xi32>,
      %add3A_1218 = arith.addi %add3A_1187, %add3A_522 : vector<16xi32>
      %gather3A_1219 = tpu.vector_load_idx %arg13[%add3A_1218] : memref<1280xi32, #tpu.memory_space<vmem>>[vector<16xi32>], vector<16xi32>,
      %add3A_1220 = arith.addi %gather3A_1219, %add3A_532 : vector<16xi32>
      %swap3A_1221 = arith.index_cast %add3A_1181 : i32 to index
      %swap3A_1222 = arith.constant 80 : index
      %swap3A_1223 = tpu.vector_load %arg14[%swap3A_1221, %swap3A_1222] {strides = array<i32>} : memref<40x112xi32, #tpu.memory_space<vmem>>, vector<16xi32>,
      tpu.vector_store %arg14[%swap3A_1221, %swap3A_1222], %add3A_1220 {strides = array<i32>} : memref<40x112xi32, #tpu.memory_space<vmem>>, vector<16xi32>,
      %add3A_1224 = arith.addi %add3A_1187, %add3A_580 : vector<16xi32>
      %gather3A_1225 = tpu.vector_load_idx %arg13[%add3A_1224] : memref<1280xi32, #tpu.memory_space<vmem>>[vector<16xi32>], vector<16xi32>,
      %add3A_1226 = arith.addi %gather3A_1225, %add3A_590 : vector<16xi32>
      %swap3A_1227 = arith.index_cast %add3A_1181 : i32 to index
      %swap3A_1228 = arith.constant 96 : index
      %swap3A_1229 = tpu.vector_load %arg14[%swap3A_1227, %swap3A_1228] {strides = array<i32>} : memref<40x112xi32, #tpu.memory_space<vmem>>, vector<16xi32>,
      tpu.vector_store %arg14[%swap3A_1227, %swap3A_1228], %add3A_1226 {strides = array<i32>} : memref<40x112xi32, #tpu.memory_space<vmem>>, vector<16xi32>,
      %mul3A_1230 = arith.constant 112 : i32
      %mul3A_1231 = arith.muli %add3A_1181, %mul3A_1230 : i32
      %dma_start3A_1232 = arith.constant 0 : i32
      %dma_start3A_1233 = tpu.memref_slice %arg15[%mul3A_1231, %dma_start3A_1232] : memref<4480x16xf32, #tpu.memory_space<vmem>> -> memref<112x16xf32, #tpu.memory_space<vmem>>
      %dma_start3A_1234 = arith.constant 0 : i32
      %dma_start3A_1235 = tpu.memref_slice %arg14[%add3A_1181, %dma_start3A_1234] : memref<40x112xi32, #tpu.memory_space<vmem>> -> memref<1x112xi32, #tpu.memory_space<vmem>>
      %dma_start3A_1236 = tpu.memref_squeeze %dma_start3A_1235 : memref<1x112xi32, #tpu.memory_space<vmem>> -> memref<112xi32, #tpu.memory_space<vmem>>
      %dma_start3A_1237 = arith.constant 0 : i32
      %dma_start3A_1238 = arith.constant 0 : i32
      %dma_start3A_1239 = tpu.memref_slice %arg2[%dma_start3A_1237, %dma_start3A_1238] : memref<32768x16xf32, #tpu.memory_space<hbm>> -> memref<32768x16xf32, #tpu.memory_space<hbm>>
      tpu.enqueue_indirect_dma source(%dma_start3A_1239 : memref<32768x16xf32, #tpu.memory_space<hbm>>) target(%dma_start3A_1233 : memref<112x16xf32, #tpu.memory_space<vmem>>) offsets(%dma_start3A_1236 : memref<112xi32, #tpu.memory_space<vmem>>) semaphore(%arg18 : memref<!tpu.dma_semaphore, #tpu.memory_space<semaphore_mem>>)
      %mul3A_1240 = arith.constant 4 : i32
      %mul3A_1241 = arith.muli %scan3A_637, %mul3A_1240 : i32
      %add3A_1242 = arith.constant 2 : i32
      %add3A_1243 = arith.addi %mul3A_1241, %add3A_1242 : i32
      %mul3A_1244 = arith.constant 128 : i32
      %mul3A_1245 = arith.muli %scan3A_637, %mul3A_1244 : i32
      %add3A_1246 = arith.constant 64 : i32
      %add3A_1247 = arith.addi %mul3A_1245, %add3A_1246 : i32
      %add3A_1248 = vector.broadcast %add3A_1247 : i32 to vector<16xi32>
      %add3A_1249 = arith.addi %mul3A_5, %add3A_1248 : vector<16xi32>
      %add3A_1250 = arith.addi %add3A_1249, %add3A_232 : vector<16xi32>
      %gather3A_1251 = tpu.vector_load_idx %arg13[%add3A_1250] : memref<1280xi32, #tpu.memory_space<vmem>>[vector<16xi32>], vector<16xi32>,
      %add3A_1252 = arith.addi %gather3A_1251, %add3A_242 : vector<16xi32>
      %swap3A_1253 = arith.index_cast %add3A_1243 : i32 to index
      %swap3A_1254 = arith.constant 0 : index
      %swap3A_1255 = tpu.vector_load %arg14[%swap3A_1253, %swap3A_1254] {strides = array<i32>} : memref<40x112xi32, #tpu.memory_space<vmem>>, vector<16xi32>,
      tpu.vector_store %arg14[%swap3A_1253, %swap3A_1254], %add3A_1252 {strides = array<i32>} : memref<40x112xi32, #tpu.memory_space<vmem>>, vector<16xi32>,
      %add3A_1256 = arith.addi %add3A_1249, %add3A_290 : vector<16xi32>
      %gather3A_1257 = tpu.vector_load_idx %arg13[%add3A_1256] : memref<1280xi32, #tpu.memory_space<vmem>>[vector<16xi32>], vector<16xi32>,
      %add3A_1258 = arith.addi %gather3A_1257, %add3A_300 : vector<16xi32>
      %swap3A_1259 = arith.index_cast %add3A_1243 : i32 to index
      %swap3A_1260 = arith.constant 16 : index
      %swap3A_1261 = tpu.vector_load %arg14[%swap3A_1259, %swap3A_1260] {strides = array<i32>} : memref<40x112xi32, #tpu.memory_space<vmem>>, vector<16xi32>,
      tpu.vector_store %arg14[%swap3A_1259, %swap3A_1260], %add3A_1258 {strides = array<i32>} : memref<40x112xi32, #tpu.memory_space<vmem>>, vector<16xi32>,
      %add3A_1262 = arith.addi %add3A_1249, %add3A_348 : vector<16xi32>
      %gather3A_1263 = tpu.vector_load_idx %arg13[%add3A_1262] : memref<1280xi32, #tpu.memory_space<vmem>>[vector<16xi32>], vector<16xi32>,
      %add3A_1264 = arith.addi %gather3A_1263, %add3A_358 : vector<16xi32>
      %swap3A_1265 = arith.index_cast %add3A_1243 : i32 to index
      %swap3A_1266 = arith.constant 32 : index
      %swap3A_1267 = tpu.vector_load %arg14[%swap3A_1265, %swap3A_1266] {strides = array<i32>} : memref<40x112xi32, #tpu.memory_space<vmem>>, vector<16xi32>,
      tpu.vector_store %arg14[%swap3A_1265, %swap3A_1266], %add3A_1264 {strides = array<i32>} : memref<40x112xi32, #tpu.memory_space<vmem>>, vector<16xi32>,
      %add3A_1268 = arith.addi %add3A_1249, %add3A_406 : vector<16xi32>
      %gather3A_1269 = tpu.vector_load_idx %arg13[%add3A_1268] : memref<1280xi32, #tpu.memory_space<vmem>>[vector<16xi32>], vector<16xi32>,
      %add3A_1270 = arith.addi %gather3A_1269, %add3A_416 : vector<16xi32>
      %swap3A_1271 = arith.index_cast %add3A_1243 : i32 to index
      %swap3A_1272 = arith.constant 48 : index
      %swap3A_1273 = tpu.vector_load %arg14[%swap3A_1271, %swap3A_1272] {strides = array<i32>} : memref<40x112xi32, #tpu.memory_space<vmem>>, vector<16xi32>,
      tpu.vector_store %arg14[%swap3A_1271, %swap3A_1272], %add3A_1270 {strides = array<i32>} : memref<40x112xi32, #tpu.memory_space<vmem>>, vector<16xi32>,
      %add3A_1274 = arith.addi %add3A_1249, %add3A_464 : vector<16xi32>
      %gather3A_1275 = tpu.vector_load_idx %arg13[%add3A_1274] : memref<1280xi32, #tpu.memory_space<vmem>>[vector<16xi32>], vector<16xi32>,
      %add3A_1276 = arith.addi %gather3A_1275, %add3A_474 : vector<16xi32>
      %swap3A_1277 = arith.index_cast %add3A_1243 : i32 to index
      %swap3A_1278 = arith.constant 64 : index
      %swap3A_1279 = tpu.vector_load %arg14[%swap3A_1277, %swap3A_1278] {strides = array<i32>} : memref<40x112xi32, #tpu.memory_space<vmem>>, vector<16xi32>,
      tpu.vector_store %arg14[%swap3A_1277, %swap3A_1278], %add3A_1276 {strides = array<i32>} : memref<40x112xi32, #tpu.memory_space<vmem>>, vector<16xi32>,
      %add3A_1280 = arith.addi %add3A_1249, %add3A_522 : vector<16xi32>
      %gather3A_1281 = tpu.vector_load_idx %arg13[%add3A_1280] : memref<1280xi32, #tpu.memory_space<vmem>>[vector<16xi32>], vector<16xi32>,
      %add3A_1282 = arith.addi %gather3A_1281, %add3A_532 : vector<16xi32>
      %swap3A_1283 = arith.index_cast %add3A_1243 : i32 to index
      %swap3A_1284 = arith.constant 80 : index
      %swap3A_1285 = tpu.vector_load %arg14[%swap3A_1283, %swap3A_1284] {strides = array<i32>} : memref<40x112xi32, #tpu.memory_space<vmem>>, vector<16xi32>,
      tpu.vector_store %arg14[%swap3A_1283, %swap3A_1284], %add3A_1282 {strides = array<i32>} : memref<40x112xi32, #tpu.memory_space<vmem>>, vector<16xi32>,
      %add3A_1286 = arith.addi %add3A_1249, %add3A_580 : vector<16xi32>
      %gather3A_1287 = tpu.vector_load_idx %arg13[%add3A_1286] : memref<1280xi32, #tpu.memory_space<vmem>>[vector<16xi32>], vector<16xi32>,
      %add3A_1288 = arith.addi %gather3A_1287, %add3A_590 : vector<16xi32>
      %swap3A_1289 = arith.index_cast %add3A_1243 : i32 to index
      %swap3A_1290 = arith.constant 96 : index
      %swap3A_1291 = tpu.vector_load %arg14[%swap3A_1289, %swap3A_1290] {strides = array<i32>} : memref<40x112xi32, #tpu.memory_space<vmem>>, vector<16xi32>,
      tpu.vector_store %arg14[%swap3A_1289, %swap3A_1290], %add3A_1288 {strides = array<i32>} : memref<40x112xi32, #tpu.memory_space<vmem>>, vector<16xi32>,
      %mul3A_1292 = arith.constant 112 : i32
      %mul3A_1293 = arith.muli %add3A_1243, %mul3A_1292 : i32
      %dma_start3A_1294 = arith.constant 0 : i32
      %dma_start3A_1295 = tpu.memref_slice %arg15[%mul3A_1293, %dma_start3A_1294] : memref<4480x16xf32, #tpu.memory_space<vmem>> -> memref<112x16xf32, #tpu.memory_space<vmem>>
      %dma_start3A_1296 = arith.constant 0 : i32
      %dma_start3A_1297 = tpu.memref_slice %arg14[%add3A_1243, %dma_start3A_1296] : memref<40x112xi32, #tpu.memory_space<vmem>> -> memref<1x112xi32, #tpu.memory_space<vmem>>
      %dma_start3A_1298 = tpu.memref_squeeze %dma_start3A_1297 : memref<1x112xi32, #tpu.memory_space<vmem>> -> memref<112xi32, #tpu.memory_space<vmem>>
      %dma_start3A_1299 = arith.constant 0 : i32
      %dma_start3A_1300 = arith.constant 0 : i32
      %dma_start3A_1301 = tpu.memref_slice %arg2[%dma_start3A_1299, %dma_start3A_1300] : memref<32768x16xf32, #tpu.memory_space<hbm>> -> memref<32768x16xf32, #tpu.memory_space<hbm>>
      tpu.enqueue_indirect_dma source(%dma_start3A_1301 : memref<32768x16xf32, #tpu.memory_space<hbm>>) target(%dma_start3A_1295 : memref<112x16xf32, #tpu.memory_space<vmem>>) offsets(%dma_start3A_1298 : memref<112xi32, #tpu.memory_space<vmem>>) semaphore(%arg18 : memref<!tpu.dma_semaphore, #tpu.memory_space<semaphore_mem>>)
      %mul3A_1302 = arith.constant 4 : i32
      %mul3A_1303 = arith.muli %scan3A_637, %mul3A_1302 : i32
      %add3A_1304 = arith.constant 3 : i32
      %add3A_1305 = arith.addi %mul3A_1303, %add3A_1304 : i32
      %mul3A_1306 = arith.constant 128 : i32
      %mul3A_1307 = arith.muli %scan3A_637, %mul3A_1306 : i32
      %add3A_1308 = arith.constant 96 : i32
      %add3A_1309 = arith.addi %mul3A_1307, %add3A_1308 : i32
      %add3A_1310 = vector.broadcast %add3A_1309 : i32 to vector<16xi32>
      %add3A_1311 = arith.addi %mul3A_5, %add3A_1310 : vector<16xi32>
      %add3A_1312 = arith.addi %add3A_1311, %add3A_232 : vector<16xi32>
      %gather3A_1313 = tpu.vector_load_idx %arg13[%add3A_1312] : memref<1280xi32, #tpu.memory_space<vmem>>[vector<16xi32>], vector<16xi32>,
      %add3A_1314 = arith.addi %gather3A_1313, %add3A_242 : vector<16xi32>
      %swap3A_1315 = arith.index_cast %add3A_1305 : i32 to index
      %swap3A_1316 = arith.constant 0 : index
      %swap3A_1317 = tpu.vector_load %arg14[%swap3A_1315, %swap3A_1316] {strides = array<i32>} : memref<40x112xi32, #tpu.memory_space<vmem>>, vector<16xi32>,
      tpu.vector_store %arg14[%swap3A_1315, %swap3A_1316], %add3A_1314 {strides = array<i32>} : memref<40x112xi32, #tpu.memory_space<vmem>>, vector<16xi32>,
      %add3A_1318 = arith.addi %add3A_1311, %add3A_290 : vector<16xi32>
      %gather3A_1319 = tpu.vector_load_idx %arg13[%add3A_1318] : memref<1280xi32, #tpu.memory_space<vmem>>[vector<16xi32>], vector<16xi32>,
      %add3A_1320 = arith.addi %gather3A_1319, %add3A_300 : vector<16xi32>
      %swap3A_1321 = arith.index_cast %add3A_1305 : i32 to index
      %swap3A_1322 = arith.constant 16 : index
      %swap3A_1323 = tpu.vector_load %arg14[%swap3A_1321, %swap3A_1322] {strides = array<i32>} : memref<40x112xi32, #tpu.memory_space<vmem>>, vector<16xi32>,
      tpu.vector_store %arg14[%swap3A_1321, %swap3A_1322], %add3A_1320 {strides = array<i32>} : memref<40x112xi32, #tpu.memory_space<vmem>>, vector<16xi32>,
      %add3A_1324 = arith.addi %add3A_1311, %add3A_348 : vector<16xi32>
      %gather3A_1325 = tpu.vector_load_idx %arg13[%add3A_1324] : memref<1280xi32, #tpu.memory_space<vmem>>[vector<16xi32>], vector<16xi32>,
      %add3A_1326 = arith.addi %gather3A_1325, %add3A_358 : vector<16xi32>
      %swap3A_1327 = arith.index_cast %add3A_1305 : i32 to index
      %swap3A_1328 = arith.constant 32 : index
      %swap3A_1329 = tpu.vector_load %arg14[%swap3A_1327, %swap3A_1328] {strides = array<i32>} : memref<40x112xi32, #tpu.memory_space<vmem>>, vector<16xi32>,
      tpu.vector_store %arg14[%swap3A_1327, %swap3A_1328], %add3A_1326 {strides = array<i32>} : memref<40x112xi32, #tpu.memory_space<vmem>>, vector<16xi32>,
      %add3A_1330 = arith.addi %add3A_1311, %add3A_406 : vector<16xi32>
      %gather3A_1331 = tpu.vector_load_idx %arg13[%add3A_1330] : memref<1280xi32, #tpu.memory_space<vmem>>[vector<16xi32>], vector<16xi32>,
      %add3A_1332 = arith.addi %gather3A_1331, %add3A_416 : vector<16xi32>
      %swap3A_1333 = arith.index_cast %add3A_1305 : i32 to index
      %swap3A_1334 = arith.constant 48 : index
      %swap3A_1335 = tpu.vector_load %arg14[%swap3A_1333, %swap3A_1334] {strides = array<i32>} : memref<40x112xi32, #tpu.memory_space<vmem>>, vector<16xi32>,
      tpu.vector_store %arg14[%swap3A_1333, %swap3A_1334], %add3A_1332 {strides = array<i32>} : memref<40x112xi32, #tpu.memory_space<vmem>>, vector<16xi32>,
      %add3A_1336 = arith.addi %add3A_1311, %add3A_464 : vector<16xi32>
      %gather3A_1337 = tpu.vector_load_idx %arg13[%add3A_1336] : memref<1280xi32, #tpu.memory_space<vmem>>[vector<16xi32>], vector<16xi32>,
      %add3A_1338 = arith.addi %gather3A_1337, %add3A_474 : vector<16xi32>
      %swap3A_1339 = arith.index_cast %add3A_1305 : i32 to index
      %swap3A_1340 = arith.constant 64 : index
      %swap3A_1341 = tpu.vector_load %arg14[%swap3A_1339, %swap3A_1340] {strides = array<i32>} : memref<40x112xi32, #tpu.memory_space<vmem>>, vector<16xi32>,
      tpu.vector_store %arg14[%swap3A_1339, %swap3A_1340], %add3A_1338 {strides = array<i32>} : memref<40x112xi32, #tpu.memory_space<vmem>>, vector<16xi32>,
      %add3A_1342 = arith.addi %add3A_1311, %add3A_522 : vector<16xi32>
      %gather3A_1343 = tpu.vector_load_idx %arg13[%add3A_1342] : memref<1280xi32, #tpu.memory_space<vmem>>[vector<16xi32>], vector<16xi32>,
      %add3A_1344 = arith.addi %gather3A_1343, %add3A_532 : vector<16xi32>
      %swap3A_1345 = arith.index_cast %add3A_1305 : i32 to index
      %swap3A_1346 = arith.constant 80 : index
      %swap3A_1347 = tpu.vector_load %arg14[%swap3A_1345, %swap3A_1346] {strides = array<i32>} : memref<40x112xi32, #tpu.memory_space<vmem>>, vector<16xi32>,
      tpu.vector_store %arg14[%swap3A_1345, %swap3A_1346], %add3A_1344 {strides = array<i32>} : memref<40x112xi32, #tpu.memory_space<vmem>>, vector<16xi32>,
      %add3A_1348 = arith.addi %add3A_1311, %add3A_580 : vector<16xi32>
      %gather3A_1349 = tpu.vector_load_idx %arg13[%add3A_1348] : memref<1280xi32, #tpu.memory_space<vmem>>[vector<16xi32>], vector<16xi32>,
      %add3A_1350 = arith.addi %gather3A_1349, %add3A_590 : vector<16xi32>
      %swap3A_1351 = arith.index_cast %add3A_1305 : i32 to index
      %swap3A_1352 = arith.constant 96 : index
      %swap3A_1353 = tpu.vector_load %arg14[%swap3A_1351, %swap3A_1352] {strides = array<i32>} : memref<40x112xi32, #tpu.memory_space<vmem>>, vector<16xi32>,
      tpu.vector_store %arg14[%swap3A_1351, %swap3A_1352], %add3A_1350 {strides = array<i32>} : memref<40x112xi32, #tpu.memory_space<vmem>>, vector<16xi32>,
      %mul3A_1354 = arith.constant 112 : i32
      %mul3A_1355 = arith.muli %add3A_1305, %mul3A_1354 : i32
      %dma_start3A_1356 = arith.constant 0 : i32
      %dma_start3A_1357 = tpu.memref_slice %arg15[%mul3A_1355, %dma_start3A_1356] : memref<4480x16xf32, #tpu.memory_space<vmem>> -> memref<112x16xf32, #tpu.memory_space<vmem>>
      %dma_start3A_1358 = arith.constant 0 : i32
      %dma_start3A_1359 = tpu.memref_slice %arg14[%add3A_1305, %dma_start3A_1358] : memref<40x112xi32, #tpu.memory_space<vmem>> -> memref<1x112xi32, #tpu.memory_space<vmem>>
      %dma_start3A_1360 = tpu.memref_squeeze %dma_start3A_1359 : memref<1x112xi32, #tpu.memory_space<vmem>> -> memref<112xi32, #tpu.memory_space<vmem>>
      %dma_start3A_1361 = arith.constant 0 : i32
      %dma_start3A_1362 = arith.constant 0 : i32
      %dma_start3A_1363 = tpu.memref_slice %arg2[%dma_start3A_1361, %dma_start3A_1362] : memref<32768x16xf32, #tpu.memory_space<hbm>> -> memref<32768x16xf32, #tpu.memory_space<hbm>>
      tpu.enqueue_indirect_dma source(%dma_start3A_1363 : memref<32768x16xf32, #tpu.memory_space<hbm>>) target(%dma_start3A_1357 : memref<112x16xf32, #tpu.memory_space<vmem>>) offsets(%dma_start3A_1360 : memref<112xi32, #tpu.memory_space<vmem>>) semaphore(%arg18 : memref<!tpu.dma_semaphore, #tpu.memory_space<semaphore_mem>>)
    }
    %scan3A_601 = arith.constant 5 : i32
    %dma_wait3A = arith.constant 0 : i32
    %dma_wait3A_602 = arith.constant 0 : i32
    %dma_wait3A_603 = tpu.memref_slice %arg15[%dma_wait3A, %dma_wait3A_602] : memref<4480x16xf32, #tpu.memory_space<vmem>> -> memref<2240x16xf32, #tpu.memory_space<vmem>>
    %dma_wait3A_604 = arith.constant 0 : i32
    %dma_wait3A_605 = arith.constant 0 : i32
    %dma_wait3A_606 = tpu.memref_slice %arg2[%dma_wait3A_604, %dma_wait3A_605] : memref<32768x16xf32, #tpu.memory_space<hbm>> -> memref<2240x16xf32, #tpu.memory_space<hbm>>
    %dma_wait3A_607 = arith.constant 0 : i32
    %dma_wait3A_608 = arith.constant 0 : i32
    %dma_wait3A_609 = tpu.memref_slice %arg15[%dma_wait3A_607, %dma_wait3A_608] : memref<4480x16xf32, #tpu.memory_space<vmem>> -> memref<2240x16xf32, #tpu.memory_space<vmem>>
    %dma_wait3A_610 = arith.constant 0 : i32
    %dma_wait3A_611 = arith.constant 0 : i32
    %dma_wait3A_612 = tpu.memref_slice %arg2[%dma_wait3A_610, %dma_wait3A_611] : memref<32768x16xf32, #tpu.memory_space<hbm>> -> memref<2240x16xf32, #tpu.memory_space<hbm>>
    tpu.wait_dma2 semaphore(%arg17 : memref<!tpu.dma_semaphore, #tpu.memory_space<semaphore_mem>>) src(%dma_wait3A_612 : memref<2240x16xf32, #tpu.memory_space<hbm>>) dst(%dma_wait3A_609 : memref<2240x16xf32, #tpu.memory_space<vmem>>)
    %scan3A_613 = arith.constant 0 : i32
    %scan3A_614 = arith.constant 0 : i32
    %scan3A_615 = arith.constant 80 : i32
    %scan3A_616 = arith.addi %scan3A_614, %scan3A_615 : i32
    %scan3A_617 = arith.constant 2 : i32
    scf.for %scan3A_637 = %scan3A_614 to %scan3A_616 step %scan3A_617  : i32 {
      %mul3A_638 = arith.constant 8 : i32
      %mul3A_639 = arith.muli %scan3A_637, %mul3A_638 : i32
      %mul3A_640 = arith.constant 448 : i32
      %mul3A_641 = arith.muli %scan3A_637, %mul3A_640 : i32
      %add3A_642 = vector.broadcast %mul3A_641 : i32 to vector<16xi32>
      %add3A_643 = arith.addi %mul3A_5, %add3A_642 : vector<16xi32>
      %add3A_644 = vector.broadcast %mul3A_639 : i32 to vector<16xi32>
      %add3A_645 = arith.addi %add3A_644, %min3A_41 : vector<16xi32>
      %add3A_646 = vector.broadcast %mul3A_639 : i32 to vector<16xi32>
      %add3A_647 = arith.addi %add3A_646, %min3A_34 : vector<16xi32>
      %gather3A = tpu.vector_load_idx %arg12[%add3A_645] : memref<1280xi32, #tpu.memory_space<vmem>>[vector<16xi32>], vector<16xi32>,
      %gather3A_648 = tpu.vector_load_idx %arg6[%add3A_645] : memref<1280xf32, #tpu.memory_space<vmem>>[vector<16xi32>], vector<16xf32>,
      %gather3A_649 = tpu.vector_load_idx %arg7[%add3A_645] : memref<1280xf32, #tpu.memory_space<vmem>>[vector<16xi32>], vector<16xf32>,
      %gather3A_650 = tpu.vector_load_idx %arg10[%add3A_645] : memref<1280xf32, #tpu.memory_space<vmem>>[vector<16xi32>], vector<16xf32>,
      %gather3A_651 = tpu.vector_load_idx %arg8[%add3A_647] : memref<1280xf32, #tpu.memory_space<vmem>>[vector<16xi32>], vector<16xf32>,
      %gather3A_652 = tpu.vector_load_idx %arg9[%add3A_647] : memref<1280xf32, #tpu.memory_space<vmem>>[vector<16xi32>], vector<16xf32>,
      %gather3A_653 = tpu.vector_load_idx %arg11[%add3A_647] : memref<1280xf32, #tpu.memory_space<vmem>>[vector<16xi32>], vector<16xf32>,
      %add3A_654 = arith.addi %add3A_643, %mul3A_44 : vector<16xi32>
      %add3A_655 = arith.addi %add3A_654, %gather3A : vector<16xi32>
      %add3A_656 = arith.constant 1 : i32
      %add3A_657 = vector.broadcast %add3A_656 : i32 to vector<16xi32>
      %add3A_658 = arith.addi %add3A_655, %add3A_657 : vector<16xi32>
      %add3A_659 = arith.constant 32 : i32
      %add3A_660 = vector.broadcast %add3A_659 : i32 to vector<16xi32>
      %add3A_661 = arith.addi %add3A_655, %add3A_660 : vector<16xi32>
      %add3A_662 = arith.constant 33 : i32
      %add3A_663 = vector.broadcast %add3A_662 : i32 to vector<16xi32>
      %add3A_664 = arith.addi %add3A_655, %add3A_663 : vector<16xi32>
      %shift_right_arithmetic3A_665 = arith.constant 4 : i32
      %shift_right_arithmetic3A_666 = vector.broadcast %shift_right_arithmetic3A_665 : i32 to vector<16xi32>
      %shift_right_arithmetic3A_667 = arith.shrsi %add3A_655, %shift_right_arithmetic3A_666 : vector<16xi32>
      %and3A_668 = arith.constant 15 : i32
      %and3A_669 = vector.broadcast %and3A_668 : i32 to vector<16xi32>
      %and3A_670 = arith.andi %add3A_655, %and3A_669 : vector<16xi32>
      %gather3A_671 = tpu.vector_load_idx %arg15[%shift_right_arithmetic3A_667, %and3A_670] : memref<4480x16xf32, #tpu.memory_space<vmem>>[vector<16xi32>, vector<16xi32>], vector<16xf32>,
      %shift_right_arithmetic3A_672 = arith.constant 4 : i32
      %shift_right_arithmetic3A_673 = vector.broadcast %shift_right_arithmetic3A_672 : i32 to vector<16xi32>
      %shift_right_arithmetic3A_674 = arith.shrsi %add3A_658, %shift_right_arithmetic3A_673 : vector<16xi32>
      %and3A_675 = arith.constant 15 : i32
      %and3A_676 = vector.broadcast %and3A_675 : i32 to vector<16xi32>
      %and3A_677 = arith.andi %add3A_658, %and3A_676 : vector<16xi32>
      %gather3A_678 = tpu.vector_load_idx %arg15[%shift_right_arithmetic3A_674, %and3A_677] : memref<4480x16xf32, #tpu.memory_space<vmem>>[vector<16xi32>, vector<16xi32>], vector<16xf32>,
      %shift_right_arithmetic3A_679 = arith.constant 4 : i32
      %shift_right_arithmetic3A_680 = vector.broadcast %shift_right_arithmetic3A_679 : i32 to vector<16xi32>
      %shift_right_arithmetic3A_681 = arith.shrsi %add3A_661, %shift_right_arithmetic3A_680 : vector<16xi32>
      %and3A_682 = arith.constant 15 : i32
      %and3A_683 = vector.broadcast %and3A_682 : i32 to vector<16xi32>
      %and3A_684 = arith.andi %add3A_661, %and3A_683 : vector<16xi32>
      %gather3A_685 = tpu.vector_load_idx %arg15[%shift_right_arithmetic3A_681, %and3A_684] : memref<4480x16xf32, #tpu.memory_space<vmem>>[vector<16xi32>, vector<16xi32>], vector<16xf32>,
      %shift_right_arithmetic3A_686 = arith.constant 4 : i32
      %shift_right_arithmetic3A_687 = vector.broadcast %shift_right_arithmetic3A_686 : i32 to vector<16xi32>
      %shift_right_arithmetic3A_688 = arith.shrsi %add3A_664, %shift_right_arithmetic3A_687 : vector<16xi32>
      %and3A_689 = arith.constant 15 : i32
      %and3A_690 = vector.broadcast %and3A_689 : i32 to vector<16xi32>
      %and3A_691 = arith.andi %add3A_664, %and3A_690 : vector<16xi32>
      %gather3A_692 = tpu.vector_load_idx %arg15[%shift_right_arithmetic3A_688, %and3A_691] : memref<4480x16xf32, #tpu.memory_space<vmem>>[vector<16xi32>, vector<16xi32>], vector<16xf32>,
      %mul3A_693 = arith.mulf %gather3A_649, %gather3A_652 : vector<16xf32>
      %mul3A_694 = arith.mulf %gather3A_648, %gather3A_652 : vector<16xf32>
      %mul3A_695 = arith.mulf %gather3A_649, %gather3A_651 : vector<16xf32>
      %mul3A_696 = arith.mulf %gather3A_648, %gather3A_651 : vector<16xf32>
      %mul3A_697 = arith.mulf %gather3A_671, %mul3A_693 : vector<16xf32>
      %mul3A_698 = arith.mulf %gather3A_678, %mul3A_694 : vector<16xf32>
      %add3A_699 = arith.addf %mul3A_697, %mul3A_698 : vector<16xf32>
      %mul3A_700 = arith.mulf %gather3A_685, %mul3A_695 : vector<16xf32>
      %add3A_701 = arith.addf %add3A_699, %mul3A_700 : vector<16xf32>
      %mul3A_702 = arith.mulf %gather3A_692, %mul3A_696 : vector<16xf32>
      %add3A_703 = arith.addf %add3A_701, %mul3A_702 : vector<16xf32>
      %mul3A_704 = arith.mulf %add3A_703, %gather3A_650 : vector<16xf32>
      %mul3A_705 = arith.mulf %mul3A_704, %gather3A_653 : vector<16xf32>
      %swap3A = arith.index_cast %scan3A_637 : i32 to index
      %swap3A_706 = arith.constant 0 : index
      %swap3A_707 = tpu.vector_load %arg16[%swap3A, %swap3A_706] {strides = array<i32>} : memref<160x64xf32, #tpu.memory_space<vmem>>, vector<16xf32>,
      tpu.vector_store %arg16[%swap3A, %swap3A_706], %mul3A_705 {strides = array<i32>} : memref<160x64xf32, #tpu.memory_space<vmem>>, vector<16xf32>,
      %add3A_708 = vector.broadcast %mul3A_639 : i32 to vector<16xi32>
      %add3A_709 = arith.addi %add3A_708, %min3A_88 : vector<16xi32>
      %add3A_710 = vector.broadcast %mul3A_639 : i32 to vector<16xi32>
      %add3A_711 = arith.addi %add3A_710, %min3A_81 : vector<16xi32>
      %gather3A_712 = tpu.vector_load_idx %arg12[%add3A_709] : memref<1280xi32, #tpu.memory_space<vmem>>[vector<16xi32>], vector<16xi32>,
      %gather3A_713 = tpu.vector_load_idx %arg6[%add3A_709] : memref<1280xf32, #tpu.memory_space<vmem>>[vector<16xi32>], vector<16xf32>,
      %gather3A_714 = tpu.vector_load_idx %arg7[%add3A_709] : memref<1280xf32, #tpu.memory_space<vmem>>[vector<16xi32>], vector<16xf32>,
      %gather3A_715 = tpu.vector_load_idx %arg10[%add3A_709] : memref<1280xf32, #tpu.memory_space<vmem>>[vector<16xi32>], vector<16xf32>,
      %gather3A_716 = tpu.vector_load_idx %arg8[%add3A_711] : memref<1280xf32, #tpu.memory_space<vmem>>[vector<16xi32>], vector<16xf32>,
      %gather3A_717 = tpu.vector_load_idx %arg9[%add3A_711] : memref<1280xf32, #tpu.memory_space<vmem>>[vector<16xi32>], vector<16xf32>,
      %gather3A_718 = tpu.vector_load_idx %arg11[%add3A_711] : memref<1280xf32, #tpu.memory_space<vmem>>[vector<16xi32>], vector<16xf32>,
      %add3A_719 = arith.addi %add3A_643, %mul3A_91 : vector<16xi32>
      %add3A_720 = arith.addi %add3A_719, %gather3A_712 : vector<16xi32>
      %add3A_721 = arith.constant 1 : i32
      %add3A_722 = vector.broadcast %add3A_721 : i32 to vector<16xi32>
      %add3A_723 = arith.addi %add3A_720, %add3A_722 : vector<16xi32>
      %add3A_724 = arith.constant 32 : i32
      %add3A_725 = vector.broadcast %add3A_724 : i32 to vector<16xi32>
      %add3A_726 = arith.addi %add3A_720, %add3A_725 : vector<16xi32>
      %add3A_727 = arith.constant 33 : i32
      %add3A_728 = vector.broadcast %add3A_727 : i32 to vector<16xi32>
      %add3A_729 = arith.addi %add3A_720, %add3A_728 : vector<16xi32>
      %shift_right_arithmetic3A_730 = arith.constant 4 : i32
      %shift_right_arithmetic3A_731 = vector.broadcast %shift_right_arithmetic3A_730 : i32 to vector<16xi32>
      %shift_right_arithmetic3A_732 = arith.shrsi %add3A_720, %shift_right_arithmetic3A_731 : vector<16xi32>
      %and3A_733 = arith.constant 15 : i32
      %and3A_734 = vector.broadcast %and3A_733 : i32 to vector<16xi32>
      %and3A_735 = arith.andi %add3A_720, %and3A_734 : vector<16xi32>
      %gather3A_736 = tpu.vector_load_idx %arg15[%shift_right_arithmetic3A_732, %and3A_735] : memref<4480x16xf32, #tpu.memory_space<vmem>>[vector<16xi32>, vector<16xi32>], vector<16xf32>,
      %shift_right_arithmetic3A_737 = arith.constant 4 : i32
      %shift_right_arithmetic3A_738 = vector.broadcast %shift_right_arithmetic3A_737 : i32 to vector<16xi32>
      %shift_right_arithmetic3A_739 = arith.shrsi %add3A_723, %shift_right_arithmetic3A_738 : vector<16xi32>
      %and3A_740 = arith.constant 15 : i32
      %and3A_741 = vector.broadcast %and3A_740 : i32 to vector<16xi32>
      %and3A_742 = arith.andi %add3A_723, %and3A_741 : vector<16xi32>
      %gather3A_743 = tpu.vector_load_idx %arg15[%shift_right_arithmetic3A_739, %and3A_742] : memref<4480x16xf32, #tpu.memory_space<vmem>>[vector<16xi32>, vector<16xi32>], vector<16xf32>,
      %shift_right_arithmetic3A_744 = arith.constant 4 : i32
      %shift_right_arithmetic3A_745 = vector.broadcast %shift_right_arithmetic3A_744 : i32 to vector<16xi32>
      %shift_right_arithmetic3A_746 = arith.shrsi %add3A_726, %shift_right_arithmetic3A_745 : vector<16xi32>
      %and3A_747 = arith.constant 15 : i32
      %and3A_748 = vector.broadcast %and3A_747 : i32 to vector<16xi32>
      %and3A_749 = arith.andi %add3A_726, %and3A_748 : vector<16xi32>
      %gather3A_750 = tpu.vector_load_idx %arg15[%shift_right_arithmetic3A_746, %and3A_749] : memref<4480x16xf32, #tpu.memory_space<vmem>>[vector<16xi32>, vector<16xi32>], vector<16xf32>,
      %shift_right_arithmetic3A_751 = arith.constant 4 : i32
      %shift_right_arithmetic3A_752 = vector.broadcast %shift_right_arithmetic3A_751 : i32 to vector<16xi32>
      %shift_right_arithmetic3A_753 = arith.shrsi %add3A_729, %shift_right_arithmetic3A_752 : vector<16xi32>
      %and3A_754 = arith.constant 15 : i32
      %and3A_755 = vector.broadcast %and3A_754 : i32 to vector<16xi32>
      %and3A_756 = arith.andi %add3A_729, %and3A_755 : vector<16xi32>
      %gather3A_757 = tpu.vector_load_idx %arg15[%shift_right_arithmetic3A_753, %and3A_756] : memref<4480x16xf32, #tpu.memory_space<vmem>>[vector<16xi32>, vector<16xi32>], vector<16xf32>,
      %mul3A_758 = arith.mulf %gather3A_714, %gather3A_717 : vector<16xf32>
      %mul3A_759 = arith.mulf %gather3A_713, %gather3A_717 : vector<16xf32>
      %mul3A_760 = arith.mulf %gather3A_714, %gather3A_716 : vector<16xf32>
      %mul3A_761 = arith.mulf %gather3A_713, %gather3A_716 : vector<16xf32>
      %mul3A_762 = arith.mulf %gather3A_736, %mul3A_758 : vector<16xf32>
      %mul3A_763 = arith.mulf %gather3A_743, %mul3A_759 : vector<16xf32>
      %add3A_764 = arith.addf %mul3A_762, %mul3A_763 : vector<16xf32>
      %mul3A_765 = arith.mulf %gather3A_750, %mul3A_760 : vector<16xf32>
      %add3A_766 = arith.addf %add3A_764, %mul3A_765 : vector<16xf32>
      %mul3A_767 = arith.mulf %gather3A_757, %mul3A_761 : vector<16xf32>
      %add3A_768 = arith.addf %add3A_766, %mul3A_767 : vector<16xf32>
      %mul3A_769 = arith.mulf %add3A_768, %gather3A_715 : vector<16xf32>
      %mul3A_770 = arith.mulf %mul3A_769, %gather3A_718 : vector<16xf32>
      %swap3A_771 = arith.index_cast %scan3A_637 : i32 to index
      %swap3A_772 = arith.constant 16 : index
      %swap3A_773 = tpu.vector_load %arg16[%swap3A_771, %swap3A_772] {strides = array<i32>} : memref<160x64xf32, #tpu.memory_space<vmem>>, vector<16xf32>,
      tpu.vector_store %arg16[%swap3A_771, %swap3A_772], %mul3A_770 {strides = array<i32>} : memref<160x64xf32, #tpu.memory_space<vmem>>, vector<16xf32>,
      %add3A_774 = vector.broadcast %mul3A_639 : i32 to vector<16xi32>
      %add3A_775 = arith.addi %add3A_774, %min3A_135 : vector<16xi32>
      %add3A_776 = vector.broadcast %mul3A_639 : i32 to vector<16xi32>
      %add3A_777 = arith.addi %add3A_776, %min3A_128 : vector<16xi32>
      %gather3A_778 = tpu.vector_load_idx %arg12[%add3A_775] : memref<1280xi32, #tpu.memory_space<vmem>>[vector<16xi32>], vector<16xi32>,
      %gather3A_779 = tpu.vector_load_idx %arg6[%add3A_775] : memref<1280xf32, #tpu.memory_space<vmem>>[vector<16xi32>], vector<16xf32>,
      %gather3A_780 = tpu.vector_load_idx %arg7[%add3A_775] : memref<1280xf32, #tpu.memory_space<vmem>>[vector<16xi32>], vector<16xf32>,
      %gather3A_781 = tpu.vector_load_idx %arg10[%add3A_775] : memref<1280xf32, #tpu.memory_space<vmem>>[vector<16xi32>], vector<16xf32>,
      %gather3A_782 = tpu.vector_load_idx %arg8[%add3A_777] : memref<1280xf32, #tpu.memory_space<vmem>>[vector<16xi32>], vector<16xf32>,
      %gather3A_783 = tpu.vector_load_idx %arg9[%add3A_777] : memref<1280xf32, #tpu.memory_space<vmem>>[vector<16xi32>], vector<16xf32>,
      %gather3A_784 = tpu.vector_load_idx %arg11[%add3A_777] : memref<1280xf32, #tpu.memory_space<vmem>>[vector<16xi32>], vector<16xf32>,
      %add3A_785 = arith.addi %add3A_643, %mul3A_138 : vector<16xi32>
      %add3A_786 = arith.addi %add3A_785, %gather3A_778 : vector<16xi32>
      %add3A_787 = arith.constant 1 : i32
      %add3A_788 = vector.broadcast %add3A_787 : i32 to vector<16xi32>
      %add3A_789 = arith.addi %add3A_786, %add3A_788 : vector<16xi32>
      %add3A_790 = arith.constant 32 : i32
      %add3A_791 = vector.broadcast %add3A_790 : i32 to vector<16xi32>
      %add3A_792 = arith.addi %add3A_786, %add3A_791 : vector<16xi32>
      %add3A_793 = arith.constant 33 : i32
      %add3A_794 = vector.broadcast %add3A_793 : i32 to vector<16xi32>
      %add3A_795 = arith.addi %add3A_786, %add3A_794 : vector<16xi32>
      %shift_right_arithmetic3A_796 = arith.constant 4 : i32
      %shift_right_arithmetic3A_797 = vector.broadcast %shift_right_arithmetic3A_796 : i32 to vector<16xi32>
      %shift_right_arithmetic3A_798 = arith.shrsi %add3A_786, %shift_right_arithmetic3A_797 : vector<16xi32>
      %and3A_799 = arith.constant 15 : i32
      %and3A_800 = vector.broadcast %and3A_799 : i32 to vector<16xi32>
      %and3A_801 = arith.andi %add3A_786, %and3A_800 : vector<16xi32>
      %gather3A_802 = tpu.vector_load_idx %arg15[%shift_right_arithmetic3A_798, %and3A_801] : memref<4480x16xf32, #tpu.memory_space<vmem>>[vector<16xi32>, vector<16xi32>], vector<16xf32>,
      %shift_right_arithmetic3A_803 = arith.constant 4 : i32
      %shift_right_arithmetic3A_804 = vector.broadcast %shift_right_arithmetic3A_803 : i32 to vector<16xi32>
      %shift_right_arithmetic3A_805 = arith.shrsi %add3A_789, %shift_right_arithmetic3A_804 : vector<16xi32>
      %and3A_806 = arith.constant 15 : i32
      %and3A_807 = vector.broadcast %and3A_806 : i32 to vector<16xi32>
      %and3A_808 = arith.andi %add3A_789, %and3A_807 : vector<16xi32>
      %gather3A_809 = tpu.vector_load_idx %arg15[%shift_right_arithmetic3A_805, %and3A_808] : memref<4480x16xf32, #tpu.memory_space<vmem>>[vector<16xi32>, vector<16xi32>], vector<16xf32>,
      %shift_right_arithmetic3A_810 = arith.constant 4 : i32
      %shift_right_arithmetic3A_811 = vector.broadcast %shift_right_arithmetic3A_810 : i32 to vector<16xi32>
      %shift_right_arithmetic3A_812 = arith.shrsi %add3A_792, %shift_right_arithmetic3A_811 : vector<16xi32>
      %and3A_813 = arith.constant 15 : i32
      %and3A_814 = vector.broadcast %and3A_813 : i32 to vector<16xi32>
      %and3A_815 = arith.andi %add3A_792, %and3A_814 : vector<16xi32>
      %gather3A_816 = tpu.vector_load_idx %arg15[%shift_right_arithmetic3A_812, %and3A_815] : memref<4480x16xf32, #tpu.memory_space<vmem>>[vector<16xi32>, vector<16xi32>], vector<16xf32>,
      %shift_right_arithmetic3A_817 = arith.constant 4 : i32
      %shift_right_arithmetic3A_818 = vector.broadcast %shift_right_arithmetic3A_817 : i32 to vector<16xi32>
      %shift_right_arithmetic3A_819 = arith.shrsi %add3A_795, %shift_right_arithmetic3A_818 : vector<16xi32>
      %and3A_820 = arith.constant 15 : i32
      %and3A_821 = vector.broadcast %and3A_820 : i32 to vector<16xi32>
      %and3A_822 = arith.andi %add3A_795, %and3A_821 : vector<16xi32>
      %gather3A_823 = tpu.vector_load_idx %arg15[%shift_right_arithmetic3A_819, %and3A_822] : memref<4480x16xf32, #tpu.memory_space<vmem>>[vector<16xi32>, vector<16xi32>], vector<16xf32>,
      %mul3A_824 = arith.mulf %gather3A_780, %gather3A_783 : vector<16xf32>
      %mul3A_825 = arith.mulf %gather3A_779, %gather3A_783 : vector<16xf32>
      %mul3A_826 = arith.mulf %gather3A_780, %gather3A_782 : vector<16xf32>
      %mul3A_827 = arith.mulf %gather3A_779, %gather3A_782 : vector<16xf32>
      %mul3A_828 = arith.mulf %gather3A_802, %mul3A_824 : vector<16xf32>
      %mul3A_829 = arith.mulf %gather3A_809, %mul3A_825 : vector<16xf32>
      %add3A_830 = arith.addf %mul3A_828, %mul3A_829 : vector<16xf32>
      %mul3A_831 = arith.mulf %gather3A_816, %mul3A_826 : vector<16xf32>
      %add3A_832 = arith.addf %add3A_830, %mul3A_831 : vector<16xf32>
      %mul3A_833 = arith.mulf %gather3A_823, %mul3A_827 : vector<16xf32>
      %add3A_834 = arith.addf %add3A_832, %mul3A_833 : vector<16xf32>
      %mul3A_835 = arith.mulf %add3A_834, %gather3A_781 : vector<16xf32>
      %mul3A_836 = arith.mulf %mul3A_835, %gather3A_784 : vector<16xf32>
      %swap3A_837 = arith.index_cast %scan3A_637 : i32 to index
      %swap3A_838 = arith.constant 32 : index
      %swap3A_839 = tpu.vector_load %arg16[%swap3A_837, %swap3A_838] {strides = array<i32>} : memref<160x64xf32, #tpu.memory_space<vmem>>, vector<16xf32>,
      tpu.vector_store %arg16[%swap3A_837, %swap3A_838], %mul3A_836 {strides = array<i32>} : memref<160x64xf32, #tpu.memory_space<vmem>>, vector<16xf32>,
      %add3A_840 = vector.broadcast %mul3A_639 : i32 to vector<16xi32>
      %add3A_841 = arith.addi %add3A_840, %min3A_182 : vector<16xi32>
      %add3A_842 = vector.broadcast %mul3A_639 : i32 to vector<16xi32>
      %add3A_843 = arith.addi %add3A_842, %min3A_175 : vector<16xi32>
      %gather3A_844 = tpu.vector_load_idx %arg12[%add3A_841] : memref<1280xi32, #tpu.memory_space<vmem>>[vector<16xi32>], vector<16xi32>,
      %gather3A_845 = tpu.vector_load_idx %arg6[%add3A_841] : memref<1280xf32, #tpu.memory_space<vmem>>[vector<16xi32>], vector<16xf32>,
      %gather3A_846 = tpu.vector_load_idx %arg7[%add3A_841] : memref<1280xf32, #tpu.memory_space<vmem>>[vector<16xi32>], vector<16xf32>,
      %gather3A_847 = tpu.vector_load_idx %arg10[%add3A_841] : memref<1280xf32, #tpu.memory_space<vmem>>[vector<16xi32>], vector<16xf32>,
      %gather3A_848 = tpu.vector_load_idx %arg8[%add3A_843] : memref<1280xf32, #tpu.memory_space<vmem>>[vector<16xi32>], vector<16xf32>,
      %gather3A_849 = tpu.vector_load_idx %arg9[%add3A_843] : memref<1280xf32, #tpu.memory_space<vmem>>[vector<16xi32>], vector<16xf32>,
      %gather3A_850 = tpu.vector_load_idx %arg11[%add3A_843] : memref<1280xf32, #tpu.memory_space<vmem>>[vector<16xi32>], vector<16xf32>,
      %add3A_851 = arith.addi %add3A_643, %mul3A_185 : vector<16xi32>
      %add3A_852 = arith.addi %add3A_851, %gather3A_844 : vector<16xi32>
      %add3A_853 = arith.constant 1 : i32
      %add3A_854 = vector.broadcast %add3A_853 : i32 to vector<16xi32>
      %add3A_855 = arith.addi %add3A_852, %add3A_854 : vector<16xi32>
      %add3A_856 = arith.constant 32 : i32
      %add3A_857 = vector.broadcast %add3A_856 : i32 to vector<16xi32>
      %add3A_858 = arith.addi %add3A_852, %add3A_857 : vector<16xi32>
      %add3A_859 = arith.constant 33 : i32
      %add3A_860 = vector.broadcast %add3A_859 : i32 to vector<16xi32>
      %add3A_861 = arith.addi %add3A_852, %add3A_860 : vector<16xi32>
      %shift_right_arithmetic3A_862 = arith.constant 4 : i32
      %shift_right_arithmetic3A_863 = vector.broadcast %shift_right_arithmetic3A_862 : i32 to vector<16xi32>
      %shift_right_arithmetic3A_864 = arith.shrsi %add3A_852, %shift_right_arithmetic3A_863 : vector<16xi32>
      %and3A_865 = arith.constant 15 : i32
      %and3A_866 = vector.broadcast %and3A_865 : i32 to vector<16xi32>
      %and3A_867 = arith.andi %add3A_852, %and3A_866 : vector<16xi32>
      %gather3A_868 = tpu.vector_load_idx %arg15[%shift_right_arithmetic3A_864, %and3A_867] : memref<4480x16xf32, #tpu.memory_space<vmem>>[vector<16xi32>, vector<16xi32>], vector<16xf32>,
      %shift_right_arithmetic3A_869 = arith.constant 4 : i32
      %shift_right_arithmetic3A_870 = vector.broadcast %shift_right_arithmetic3A_869 : i32 to vector<16xi32>
      %shift_right_arithmetic3A_871 = arith.shrsi %add3A_855, %shift_right_arithmetic3A_870 : vector<16xi32>
      %and3A_872 = arith.constant 15 : i32
      %and3A_873 = vector.broadcast %and3A_872 : i32 to vector<16xi32>
      %and3A_874 = arith.andi %add3A_855, %and3A_873 : vector<16xi32>
      %gather3A_875 = tpu.vector_load_idx %arg15[%shift_right_arithmetic3A_871, %and3A_874] : memref<4480x16xf32, #tpu.memory_space<vmem>>[vector<16xi32>, vector<16xi32>], vector<16xf32>,
      %shift_right_arithmetic3A_876 = arith.constant 4 : i32
      %shift_right_arithmetic3A_877 = vector.broadcast %shift_right_arithmetic3A_876 : i32 to vector<16xi32>
      %shift_right_arithmetic3A_878 = arith.shrsi %add3A_858, %shift_right_arithmetic3A_877 : vector<16xi32>
      %and3A_879 = arith.constant 15 : i32
      %and3A_880 = vector.broadcast %and3A_879 : i32 to vector<16xi32>
      %and3A_881 = arith.andi %add3A_858, %and3A_880 : vector<16xi32>
      %gather3A_882 = tpu.vector_load_idx %arg15[%shift_right_arithmetic3A_878, %and3A_881] : memref<4480x16xf32, #tpu.memory_space<vmem>>[vector<16xi32>, vector<16xi32>], vector<16xf32>,
      %shift_right_arithmetic3A_883 = arith.constant 4 : i32
      %shift_right_arithmetic3A_884 = vector.broadcast %shift_right_arithmetic3A_883 : i32 to vector<16xi32>
      %shift_right_arithmetic3A_885 = arith.shrsi %add3A_861, %shift_right_arithmetic3A_884 : vector<16xi32>
      %and3A_886 = arith.constant 15 : i32
      %and3A_887 = vector.broadcast %and3A_886 : i32 to vector<16xi32>
      %and3A_888 = arith.andi %add3A_861, %and3A_887 : vector<16xi32>
      %gather3A_889 = tpu.vector_load_idx %arg15[%shift_right_arithmetic3A_885, %and3A_888] : memref<4480x16xf32, #tpu.memory_space<vmem>>[vector<16xi32>, vector<16xi32>], vector<16xf32>,
      %mul3A_890 = arith.mulf %gather3A_846, %gather3A_849 : vector<16xf32>
      %mul3A_891 = arith.mulf %gather3A_845, %gather3A_849 : vector<16xf32>
      %mul3A_892 = arith.mulf %gather3A_846, %gather3A_848 : vector<16xf32>
      %mul3A_893 = arith.mulf %gather3A_845, %gather3A_848 : vector<16xf32>
      %mul3A_894 = arith.mulf %gather3A_868, %mul3A_890 : vector<16xf32>
      %mul3A_895 = arith.mulf %gather3A_875, %mul3A_891 : vector<16xf32>
      %add3A_896 = arith.addf %mul3A_894, %mul3A_895 : vector<16xf32>
      %mul3A_897 = arith.mulf %gather3A_882, %mul3A_892 : vector<16xf32>
      %add3A_898 = arith.addf %add3A_896, %mul3A_897 : vector<16xf32>
      %mul3A_899 = arith.mulf %gather3A_889, %mul3A_893 : vector<16xf32>
      %add3A_900 = arith.addf %add3A_898, %mul3A_899 : vector<16xf32>
      %mul3A_901 = arith.mulf %add3A_900, %gather3A_847 : vector<16xf32>
      %mul3A_902 = arith.mulf %mul3A_901, %gather3A_850 : vector<16xf32>
      %swap3A_903 = arith.index_cast %scan3A_637 : i32 to index
      %swap3A_904 = arith.constant 48 : index
      %swap3A_905 = tpu.vector_load %arg16[%swap3A_903, %swap3A_904] {strides = array<i32>} : memref<160x64xf32, #tpu.memory_space<vmem>>, vector<16xf32>,
      tpu.vector_store %arg16[%swap3A_903, %swap3A_904], %mul3A_902 {strides = array<i32>} : memref<160x64xf32, #tpu.memory_space<vmem>>, vector<16xf32>,
      %scan3A_906 = arith.constant 1 : i32
      %scan3A_907 = arith.addi %scan3A_637, %scan3A_906 : i32
      %mul3A_908 = arith.constant 8 : i32
      %mul3A_909 = arith.muli %scan3A_907, %mul3A_908 : i32
      %mul3A_910 = arith.constant 448 : i32
      %mul3A_911 = arith.muli %scan3A_907, %mul3A_910 : i32
      %add3A_912 = vector.broadcast %mul3A_911 : i32 to vector<16xi32>
      %add3A_913 = arith.addi %mul3A_5, %add3A_912 : vector<16xi32>
      %add3A_914 = vector.broadcast %mul3A_909 : i32 to vector<16xi32>
      %add3A_915 = arith.addi %add3A_914, %min3A_41 : vector<16xi32>
      %add3A_916 = vector.broadcast %mul3A_909 : i32 to vector<16xi32>
      %add3A_917 = arith.addi %add3A_916, %min3A_34 : vector<16xi32>
      %gather3A_918 = tpu.vector_load_idx %arg12[%add3A_915] : memref<1280xi32, #tpu.memory_space<vmem>>[vector<16xi32>], vector<16xi32>,
      %gather3A_919 = tpu.vector_load_idx %arg6[%add3A_915] : memref<1280xf32, #tpu.memory_space<vmem>>[vector<16xi32>], vector<16xf32>,
      %gather3A_920 = tpu.vector_load_idx %arg7[%add3A_915] : memref<1280xf32, #tpu.memory_space<vmem>>[vector<16xi32>], vector<16xf32>,
      %gather3A_921 = tpu.vector_load_idx %arg10[%add3A_915] : memref<1280xf32, #tpu.memory_space<vmem>>[vector<16xi32>], vector<16xf32>,
      %gather3A_922 = tpu.vector_load_idx %arg8[%add3A_917] : memref<1280xf32, #tpu.memory_space<vmem>>[vector<16xi32>], vector<16xf32>,
      %gather3A_923 = tpu.vector_load_idx %arg9[%add3A_917] : memref<1280xf32, #tpu.memory_space<vmem>>[vector<16xi32>], vector<16xf32>,
      %gather3A_924 = tpu.vector_load_idx %arg11[%add3A_917] : memref<1280xf32, #tpu.memory_space<vmem>>[vector<16xi32>], vector<16xf32>,
      %add3A_925 = arith.addi %add3A_913, %mul3A_44 : vector<16xi32>
      %add3A_926 = arith.addi %add3A_925, %gather3A_918 : vector<16xi32>
      %add3A_927 = arith.constant 1 : i32
      %add3A_928 = vector.broadcast %add3A_927 : i32 to vector<16xi32>
      %add3A_929 = arith.addi %add3A_926, %add3A_928 : vector<16xi32>
      %add3A_930 = arith.constant 32 : i32
      %add3A_931 = vector.broadcast %add3A_930 : i32 to vector<16xi32>
      %add3A_932 = arith.addi %add3A_926, %add3A_931 : vector<16xi32>
      %add3A_933 = arith.constant 33 : i32
      %add3A_934 = vector.broadcast %add3A_933 : i32 to vector<16xi32>
      %add3A_935 = arith.addi %add3A_926, %add3A_934 : vector<16xi32>
      %shift_right_arithmetic3A_936 = arith.constant 4 : i32
      %shift_right_arithmetic3A_937 = vector.broadcast %shift_right_arithmetic3A_936 : i32 to vector<16xi32>
      %shift_right_arithmetic3A_938 = arith.shrsi %add3A_926, %shift_right_arithmetic3A_937 : vector<16xi32>
      %and3A_939 = arith.constant 15 : i32
      %and3A_940 = vector.broadcast %and3A_939 : i32 to vector<16xi32>
      %and3A_941 = arith.andi %add3A_926, %and3A_940 : vector<16xi32>
      %gather3A_942 = tpu.vector_load_idx %arg15[%shift_right_arithmetic3A_938, %and3A_941] : memref<4480x16xf32, #tpu.memory_space<vmem>>[vector<16xi32>, vector<16xi32>], vector<16xf32>,
      %shift_right_arithmetic3A_943 = arith.constant 4 : i32
      %shift_right_arithmetic3A_944 = vector.broadcast %shift_right_arithmetic3A_943 : i32 to vector<16xi32>
      %shift_right_arithmetic3A_945 = arith.shrsi %add3A_929, %shift_right_arithmetic3A_944 : vector<16xi32>
      %and3A_946 = arith.constant 15 : i32
      %and3A_947 = vector.broadcast %and3A_946 : i32 to vector<16xi32>
      %and3A_948 = arith.andi %add3A_929, %and3A_947 : vector<16xi32>
      %gather3A_949 = tpu.vector_load_idx %arg15[%shift_right_arithmetic3A_945, %and3A_948] : memref<4480x16xf32, #tpu.memory_space<vmem>>[vector<16xi32>, vector<16xi32>], vector<16xf32>,
      %shift_right_arithmetic3A_950 = arith.constant 4 : i32
      %shift_right_arithmetic3A_951 = vector.broadcast %shift_right_arithmetic3A_950 : i32 to vector<16xi32>
      %shift_right_arithmetic3A_952 = arith.shrsi %add3A_932, %shift_right_arithmetic3A_951 : vector<16xi32>
      %and3A_953 = arith.constant 15 : i32
      %and3A_954 = vector.broadcast %and3A_953 : i32 to vector<16xi32>
      %and3A_955 = arith.andi %add3A_932, %and3A_954 : vector<16xi32>
      %gather3A_956 = tpu.vector_load_idx %arg15[%shift_right_arithmetic3A_952, %and3A_955] : memref<4480x16xf32, #tpu.memory_space<vmem>>[vector<16xi32>, vector<16xi32>], vector<16xf32>,
      %shift_right_arithmetic3A_957 = arith.constant 4 : i32
      %shift_right_arithmetic3A_958 = vector.broadcast %shift_right_arithmetic3A_957 : i32 to vector<16xi32>
      %shift_right_arithmetic3A_959 = arith.shrsi %add3A_935, %shift_right_arithmetic3A_958 : vector<16xi32>
      %and3A_960 = arith.constant 15 : i32
      %and3A_961 = vector.broadcast %and3A_960 : i32 to vector<16xi32>
      %and3A_962 = arith.andi %add3A_935, %and3A_961 : vector<16xi32>
      %gather3A_963 = tpu.vector_load_idx %arg15[%shift_right_arithmetic3A_959, %and3A_962] : memref<4480x16xf32, #tpu.memory_space<vmem>>[vector<16xi32>, vector<16xi32>], vector<16xf32>,
      %mul3A_964 = arith.mulf %gather3A_920, %gather3A_923 : vector<16xf32>
      %mul3A_965 = arith.mulf %gather3A_919, %gather3A_923 : vector<16xf32>
      %mul3A_966 = arith.mulf %gather3A_920, %gather3A_922 : vector<16xf32>
      %mul3A_967 = arith.mulf %gather3A_919, %gather3A_922 : vector<16xf32>
      %mul3A_968 = arith.mulf %gather3A_942, %mul3A_964 : vector<16xf32>
      %mul3A_969 = arith.mulf %gather3A_949, %mul3A_965 : vector<16xf32>
      %add3A_970 = arith.addf %mul3A_968, %mul3A_969 : vector<16xf32>
      %mul3A_971 = arith.mulf %gather3A_956, %mul3A_966 : vector<16xf32>
      %add3A_972 = arith.addf %add3A_970, %mul3A_971 : vector<16xf32>
      %mul3A_973 = arith.mulf %gather3A_963, %mul3A_967 : vector<16xf32>
      %add3A_974 = arith.addf %add3A_972, %mul3A_973 : vector<16xf32>
      %mul3A_975 = arith.mulf %add3A_974, %gather3A_921 : vector<16xf32>
      %mul3A_976 = arith.mulf %mul3A_975, %gather3A_924 : vector<16xf32>
      %swap3A_977 = arith.index_cast %scan3A_907 : i32 to index
      %swap3A_978 = arith.constant 0 : index
      %swap3A_979 = tpu.vector_load %arg16[%swap3A_977, %swap3A_978] {strides = array<i32>} : memref<160x64xf32, #tpu.memory_space<vmem>>, vector<16xf32>,
      tpu.vector_store %arg16[%swap3A_977, %swap3A_978], %mul3A_976 {strides = array<i32>} : memref<160x64xf32, #tpu.memory_space<vmem>>, vector<16xf32>,
      %add3A_980 = vector.broadcast %mul3A_909 : i32 to vector<16xi32>
      %add3A_981 = arith.addi %add3A_980, %min3A_88 : vector<16xi32>
      %add3A_982 = vector.broadcast %mul3A_909 : i32 to vector<16xi32>
      %add3A_983 = arith.addi %add3A_982, %min3A_81 : vector<16xi32>
      %gather3A_984 = tpu.vector_load_idx %arg12[%add3A_981] : memref<1280xi32, #tpu.memory_space<vmem>>[vector<16xi32>], vector<16xi32>,
      %gather3A_985 = tpu.vector_load_idx %arg6[%add3A_981] : memref<1280xf32, #tpu.memory_space<vmem>>[vector<16xi32>], vector<16xf32>,
      %gather3A_986 = tpu.vector_load_idx %arg7[%add3A_981] : memref<1280xf32, #tpu.memory_space<vmem>>[vector<16xi32>], vector<16xf32>,
      %gather3A_987 = tpu.vector_load_idx %arg10[%add3A_981] : memref<1280xf32, #tpu.memory_space<vmem>>[vector<16xi32>], vector<16xf32>,
      %gather3A_988 = tpu.vector_load_idx %arg8[%add3A_983] : memref<1280xf32, #tpu.memory_space<vmem>>[vector<16xi32>], vector<16xf32>,
      %gather3A_989 = tpu.vector_load_idx %arg9[%add3A_983] : memref<1280xf32, #tpu.memory_space<vmem>>[vector<16xi32>], vector<16xf32>,
      %gather3A_990 = tpu.vector_load_idx %arg11[%add3A_983] : memref<1280xf32, #tpu.memory_space<vmem>>[vector<16xi32>], vector<16xf32>,
      %add3A_991 = arith.addi %add3A_913, %mul3A_91 : vector<16xi32>
      %add3A_992 = arith.addi %add3A_991, %gather3A_984 : vector<16xi32>
      %add3A_993 = arith.constant 1 : i32
      %add3A_994 = vector.broadcast %add3A_993 : i32 to vector<16xi32>
      %add3A_995 = arith.addi %add3A_992, %add3A_994 : vector<16xi32>
      %add3A_996 = arith.constant 32 : i32
      %add3A_997 = vector.broadcast %add3A_996 : i32 to vector<16xi32>
      %add3A_998 = arith.addi %add3A_992, %add3A_997 : vector<16xi32>
      %add3A_999 = arith.constant 33 : i32
      %add3A_1000 = vector.broadcast %add3A_999 : i32 to vector<16xi32>
      %add3A_1001 = arith.addi %add3A_992, %add3A_1000 : vector<16xi32>
      %shift_right_arithmetic3A_1002 = arith.constant 4 : i32
      %shift_right_arithmetic3A_1003 = vector.broadcast %shift_right_arithmetic3A_1002 : i32 to vector<16xi32>
      %shift_right_arithmetic3A_1004 = arith.shrsi %add3A_992, %shift_right_arithmetic3A_1003 : vector<16xi32>
      %and3A_1005 = arith.constant 15 : i32
      %and3A_1006 = vector.broadcast %and3A_1005 : i32 to vector<16xi32>
      %and3A_1007 = arith.andi %add3A_992, %and3A_1006 : vector<16xi32>
      %gather3A_1008 = tpu.vector_load_idx %arg15[%shift_right_arithmetic3A_1004, %and3A_1007] : memref<4480x16xf32, #tpu.memory_space<vmem>>[vector<16xi32>, vector<16xi32>], vector<16xf32>,
      %shift_right_arithmetic3A_1009 = arith.constant 4 : i32
      %shift_right_arithmetic3A_1010 = vector.broadcast %shift_right_arithmetic3A_1009 : i32 to vector<16xi32>
      %shift_right_arithmetic3A_1011 = arith.shrsi %add3A_995, %shift_right_arithmetic3A_1010 : vector<16xi32>
      %and3A_1012 = arith.constant 15 : i32
      %and3A_1013 = vector.broadcast %and3A_1012 : i32 to vector<16xi32>
      %and3A_1014 = arith.andi %add3A_995, %and3A_1013 : vector<16xi32>
      %gather3A_1015 = tpu.vector_load_idx %arg15[%shift_right_arithmetic3A_1011, %and3A_1014] : memref<4480x16xf32, #tpu.memory_space<vmem>>[vector<16xi32>, vector<16xi32>], vector<16xf32>,
      %shift_right_arithmetic3A_1016 = arith.constant 4 : i32
      %shift_right_arithmetic3A_1017 = vector.broadcast %shift_right_arithmetic3A_1016 : i32 to vector<16xi32>
      %shift_right_arithmetic3A_1018 = arith.shrsi %add3A_998, %shift_right_arithmetic3A_1017 : vector<16xi32>
      %and3A_1019 = arith.constant 15 : i32
      %and3A_1020 = vector.broadcast %and3A_1019 : i32 to vector<16xi32>
      %and3A_1021 = arith.andi %add3A_998, %and3A_1020 : vector<16xi32>
      %gather3A_1022 = tpu.vector_load_idx %arg15[%shift_right_arithmetic3A_1018, %and3A_1021] : memref<4480x16xf32, #tpu.memory_space<vmem>>[vector<16xi32>, vector<16xi32>], vector<16xf32>,
      %shift_right_arithmetic3A_1023 = arith.constant 4 : i32
      %shift_right_arithmetic3A_1024 = vector.broadcast %shift_right_arithmetic3A_1023 : i32 to vector<16xi32>
      %shift_right_arithmetic3A_1025 = arith.shrsi %add3A_1001, %shift_right_arithmetic3A_1024 : vector<16xi32>
      %and3A_1026 = arith.constant 15 : i32
      %and3A_1027 = vector.broadcast %and3A_1026 : i32 to vector<16xi32>
      %and3A_1028 = arith.andi %add3A_1001, %and3A_1027 : vector<16xi32>
      %gather3A_1029 = tpu.vector_load_idx %arg15[%shift_right_arithmetic3A_1025, %and3A_1028] : memref<4480x16xf32, #tpu.memory_space<vmem>>[vector<16xi32>, vector<16xi32>], vector<16xf32>,
      %mul3A_1030 = arith.mulf %gather3A_986, %gather3A_989 : vector<16xf32>
      %mul3A_1031 = arith.mulf %gather3A_985, %gather3A_989 : vector<16xf32>
      %mul3A_1032 = arith.mulf %gather3A_986, %gather3A_988 : vector<16xf32>
      %mul3A_1033 = arith.mulf %gather3A_985, %gather3A_988 : vector<16xf32>
      %mul3A_1034 = arith.mulf %gather3A_1008, %mul3A_1030 : vector<16xf32>
      %mul3A_1035 = arith.mulf %gather3A_1015, %mul3A_1031 : vector<16xf32>
      %add3A_1036 = arith.addf %mul3A_1034, %mul3A_1035 : vector<16xf32>
      %mul3A_1037 = arith.mulf %gather3A_1022, %mul3A_1032 : vector<16xf32>
      %add3A_1038 = arith.addf %add3A_1036, %mul3A_1037 : vector<16xf32>
      %mul3A_1039 = arith.mulf %gather3A_1029, %mul3A_1033 : vector<16xf32>
      %add3A_1040 = arith.addf %add3A_1038, %mul3A_1039 : vector<16xf32>
      %mul3A_1041 = arith.mulf %add3A_1040, %gather3A_987 : vector<16xf32>
      %mul3A_1042 = arith.mulf %mul3A_1041, %gather3A_990 : vector<16xf32>
      %swap3A_1043 = arith.index_cast %scan3A_907 : i32 to index
      %swap3A_1044 = arith.constant 16 : index
      %swap3A_1045 = tpu.vector_load %arg16[%swap3A_1043, %swap3A_1044] {strides = array<i32>} : memref<160x64xf32, #tpu.memory_space<vmem>>, vector<16xf32>,
      tpu.vector_store %arg16[%swap3A_1043, %swap3A_1044], %mul3A_1042 {strides = array<i32>} : memref<160x64xf32, #tpu.memory_space<vmem>>, vector<16xf32>,
      %add3A_1046 = vector.broadcast %mul3A_909 : i32 to vector<16xi32>
      %add3A_1047 = arith.addi %add3A_1046, %min3A_135 : vector<16xi32>
      %add3A_1048 = vector.broadcast %mul3A_909 : i32 to vector<16xi32>
      %add3A_1049 = arith.addi %add3A_1048, %min3A_128 : vector<16xi32>
      %gather3A_1050 = tpu.vector_load_idx %arg12[%add3A_1047] : memref<1280xi32, #tpu.memory_space<vmem>>[vector<16xi32>], vector<16xi32>,
      %gather3A_1051 = tpu.vector_load_idx %arg6[%add3A_1047] : memref<1280xf32, #tpu.memory_space<vmem>>[vector<16xi32>], vector<16xf32>,
      %gather3A_1052 = tpu.vector_load_idx %arg7[%add3A_1047] : memref<1280xf32, #tpu.memory_space<vmem>>[vector<16xi32>], vector<16xf32>,
      %gather3A_1053 = tpu.vector_load_idx %arg10[%add3A_1047] : memref<1280xf32, #tpu.memory_space<vmem>>[vector<16xi32>], vector<16xf32>,
      %gather3A_1054 = tpu.vector_load_idx %arg8[%add3A_1049] : memref<1280xf32, #tpu.memory_space<vmem>>[vector<16xi32>], vector<16xf32>,
      %gather3A_1055 = tpu.vector_load_idx %arg9[%add3A_1049] : memref<1280xf32, #tpu.memory_space<vmem>>[vector<16xi32>], vector<16xf32>,
      %gather3A_1056 = tpu.vector_load_idx %arg11[%add3A_1049] : memref<1280xf32, #tpu.memory_space<vmem>>[vector<16xi32>], vector<16xf32>,
      %add3A_1057 = arith.addi %add3A_913, %mul3A_138 : vector<16xi32>
      %add3A_1058 = arith.addi %add3A_1057, %gather3A_1050 : vector<16xi32>
      %add3A_1059 = arith.constant 1 : i32
      %add3A_1060 = vector.broadcast %add3A_1059 : i32 to vector<16xi32>
      %add3A_1061 = arith.addi %add3A_1058, %add3A_1060 : vector<16xi32>
      %add3A_1062 = arith.constant 32 : i32
      %add3A_1063 = vector.broadcast %add3A_1062 : i32 to vector<16xi32>
      %add3A_1064 = arith.addi %add3A_1058, %add3A_1063 : vector<16xi32>
      %add3A_1065 = arith.constant 33 : i32
      %add3A_1066 = vector.broadcast %add3A_1065 : i32 to vector<16xi32>
      %add3A_1067 = arith.addi %add3A_1058, %add3A_1066 : vector<16xi32>
      %shift_right_arithmetic3A_1068 = arith.constant 4 : i32
      %shift_right_arithmetic3A_1069 = vector.broadcast %shift_right_arithmetic3A_1068 : i32 to vector<16xi32>
      %shift_right_arithmetic3A_1070 = arith.shrsi %add3A_1058, %shift_right_arithmetic3A_1069 : vector<16xi32>
      %and3A_1071 = arith.constant 15 : i32
      %and3A_1072 = vector.broadcast %and3A_1071 : i32 to vector<16xi32>
      %and3A_1073 = arith.andi %add3A_1058, %and3A_1072 : vector<16xi32>
      %gather3A_1074 = tpu.vector_load_idx %arg15[%shift_right_arithmetic3A_1070, %and3A_1073] : memref<4480x16xf32, #tpu.memory_space<vmem>>[vector<16xi32>, vector<16xi32>], vector<16xf32>,
      %shift_right_arithmetic3A_1075 = arith.constant 4 : i32
      %shift_right_arithmetic3A_1076 = vector.broadcast %shift_right_arithmetic3A_1075 : i32 to vector<16xi32>
      %shift_right_arithmetic3A_1077 = arith.shrsi %add3A_1061, %shift_right_arithmetic3A_1076 : vector<16xi32>
      %and3A_1078 = arith.constant 15 : i32
      %and3A_1079 = vector.broadcast %and3A_1078 : i32 to vector<16xi32>
      %and3A_1080 = arith.andi %add3A_1061, %and3A_1079 : vector<16xi32>
      %gather3A_1081 = tpu.vector_load_idx %arg15[%shift_right_arithmetic3A_1077, %and3A_1080] : memref<4480x16xf32, #tpu.memory_space<vmem>>[vector<16xi32>, vector<16xi32>], vector<16xf32>,
      %shift_right_arithmetic3A_1082 = arith.constant 4 : i32
      %shift_right_arithmetic3A_1083 = vector.broadcast %shift_right_arithmetic3A_1082 : i32 to vector<16xi32>
      %shift_right_arithmetic3A_1084 = arith.shrsi %add3A_1064, %shift_right_arithmetic3A_1083 : vector<16xi32>
      %and3A_1085 = arith.constant 15 : i32
      %and3A_1086 = vector.broadcast %and3A_1085 : i32 to vector<16xi32>
      %and3A_1087 = arith.andi %add3A_1064, %and3A_1086 : vector<16xi32>
      %gather3A_1088 = tpu.vector_load_idx %arg15[%shift_right_arithmetic3A_1084, %and3A_1087] : memref<4480x16xf32, #tpu.memory_space<vmem>>[vector<16xi32>, vector<16xi32>], vector<16xf32>,
      %shift_right_arithmetic3A_1089 = arith.constant 4 : i32
      %shift_right_arithmetic3A_1090 = vector.broadcast %shift_right_arithmetic3A_1089 : i32 to vector<16xi32>
      %shift_right_arithmetic3A_1091 = arith.shrsi %add3A_1067, %shift_right_arithmetic3A_1090 : vector<16xi32>
      %and3A_1092 = arith.constant 15 : i32
      %and3A_1093 = vector.broadcast %and3A_1092 : i32 to vector<16xi32>
      %and3A_1094 = arith.andi %add3A_1067, %and3A_1093 : vector<16xi32>
      %gather3A_1095 = tpu.vector_load_idx %arg15[%shift_right_arithmetic3A_1091, %and3A_1094] : memref<4480x16xf32, #tpu.memory_space<vmem>>[vector<16xi32>, vector<16xi32>], vector<16xf32>,
      %mul3A_1096 = arith.mulf %gather3A_1052, %gather3A_1055 : vector<16xf32>
      %mul3A_1097 = arith.mulf %gather3A_1051, %gather3A_1055 : vector<16xf32>
      %mul3A_1098 = arith.mulf %gather3A_1052, %gather3A_1054 : vector<16xf32>
      %mul3A_1099 = arith.mulf %gather3A_1051, %gather3A_1054 : vector<16xf32>
      %mul3A_1100 = arith.mulf %gather3A_1074, %mul3A_1096 : vector<16xf32>
      %mul3A_1101 = arith.mulf %gather3A_1081, %mul3A_1097 : vector<16xf32>
      %add3A_1102 = arith.addf %mul3A_1100, %mul3A_1101 : vector<16xf32>
      %mul3A_1103 = arith.mulf %gather3A_1088, %mul3A_1098 : vector<16xf32>
      %add3A_1104 = arith.addf %add3A_1102, %mul3A_1103 : vector<16xf32>
      %mul3A_1105 = arith.mulf %gather3A_1095, %mul3A_1099 : vector<16xf32>
      %add3A_1106 = arith.addf %add3A_1104, %mul3A_1105 : vector<16xf32>
      %mul3A_1107 = arith.mulf %add3A_1106, %gather3A_1053 : vector<16xf32>
      %mul3A_1108 = arith.mulf %mul3A_1107, %gather3A_1056 : vector<16xf32>
      %swap3A_1109 = arith.index_cast %scan3A_907 : i32 to index
      %swap3A_1110 = arith.constant 32 : index
      %swap3A_1111 = tpu.vector_load %arg16[%swap3A_1109, %swap3A_1110] {strides = array<i32>} : memref<160x64xf32, #tpu.memory_space<vmem>>, vector<16xf32>,
      tpu.vector_store %arg16[%swap3A_1109, %swap3A_1110], %mul3A_1108 {strides = array<i32>} : memref<160x64xf32, #tpu.memory_space<vmem>>, vector<16xf32>,
      %add3A_1112 = vector.broadcast %mul3A_909 : i32 to vector<16xi32>
      %add3A_1113 = arith.addi %add3A_1112, %min3A_182 : vector<16xi32>
      %add3A_1114 = vector.broadcast %mul3A_909 : i32 to vector<16xi32>
      %add3A_1115 = arith.addi %add3A_1114, %min3A_175 : vector<16xi32>
      %gather3A_1116 = tpu.vector_load_idx %arg12[%add3A_1113] : memref<1280xi32, #tpu.memory_space<vmem>>[vector<16xi32>], vector<16xi32>,
      %gather3A_1117 = tpu.vector_load_idx %arg6[%add3A_1113] : memref<1280xf32, #tpu.memory_space<vmem>>[vector<16xi32>], vector<16xf32>,
      %gather3A_1118 = tpu.vector_load_idx %arg7[%add3A_1113] : memref<1280xf32, #tpu.memory_space<vmem>>[vector<16xi32>], vector<16xf32>,
      %gather3A_1119 = tpu.vector_load_idx %arg10[%add3A_1113] : memref<1280xf32, #tpu.memory_space<vmem>>[vector<16xi32>], vector<16xf32>,
      %gather3A_1120 = tpu.vector_load_idx %arg8[%add3A_1115] : memref<1280xf32, #tpu.memory_space<vmem>>[vector<16xi32>], vector<16xf32>,
      %gather3A_1121 = tpu.vector_load_idx %arg9[%add3A_1115] : memref<1280xf32, #tpu.memory_space<vmem>>[vector<16xi32>], vector<16xf32>,
      %gather3A_1122 = tpu.vector_load_idx %arg11[%add3A_1115] : memref<1280xf32, #tpu.memory_space<vmem>>[vector<16xi32>], vector<16xf32>,
      %add3A_1123 = arith.addi %add3A_913, %mul3A_185 : vector<16xi32>
      %add3A_1124 = arith.addi %add3A_1123, %gather3A_1116 : vector<16xi32>
      %add3A_1125 = arith.constant 1 : i32
      %add3A_1126 = vector.broadcast %add3A_1125 : i32 to vector<16xi32>
      %add3A_1127 = arith.addi %add3A_1124, %add3A_1126 : vector<16xi32>
      %add3A_1128 = arith.constant 32 : i32
      %add3A_1129 = vector.broadcast %add3A_1128 : i32 to vector<16xi32>
      %add3A_1130 = arith.addi %add3A_1124, %add3A_1129 : vector<16xi32>
      %add3A_1131 = arith.constant 33 : i32
      %add3A_1132 = vector.broadcast %add3A_1131 : i32 to vector<16xi32>
      %add3A_1133 = arith.addi %add3A_1124, %add3A_1132 : vector<16xi32>
      %shift_right_arithmetic3A_1134 = arith.constant 4 : i32
      %shift_right_arithmetic3A_1135 = vector.broadcast %shift_right_arithmetic3A_1134 : i32 to vector<16xi32>
      %shift_right_arithmetic3A_1136 = arith.shrsi %add3A_1124, %shift_right_arithmetic3A_1135 : vector<16xi32>
      %and3A_1137 = arith.constant 15 : i32
      %and3A_1138 = vector.broadcast %and3A_1137 : i32 to vector<16xi32>
      %and3A_1139 = arith.andi %add3A_1124, %and3A_1138 : vector<16xi32>
      %gather3A_1140 = tpu.vector_load_idx %arg15[%shift_right_arithmetic3A_1136, %and3A_1139] : memref<4480x16xf32, #tpu.memory_space<vmem>>[vector<16xi32>, vector<16xi32>], vector<16xf32>,
      %shift_right_arithmetic3A_1141 = arith.constant 4 : i32
      %shift_right_arithmetic3A_1142 = vector.broadcast %shift_right_arithmetic3A_1141 : i32 to vector<16xi32>
      %shift_right_arithmetic3A_1143 = arith.shrsi %add3A_1127, %shift_right_arithmetic3A_1142 : vector<16xi32>
      %and3A_1144 = arith.constant 15 : i32
      %and3A_1145 = vector.broadcast %and3A_1144 : i32 to vector<16xi32>
      %and3A_1146 = arith.andi %add3A_1127, %and3A_1145 : vector<16xi32>
      %gather3A_1147 = tpu.vector_load_idx %arg15[%shift_right_arithmetic3A_1143, %and3A_1146] : memref<4480x16xf32, #tpu.memory_space<vmem>>[vector<16xi32>, vector<16xi32>], vector<16xf32>,
      %shift_right_arithmetic3A_1148 = arith.constant 4 : i32
      %shift_right_arithmetic3A_1149 = vector.broadcast %shift_right_arithmetic3A_1148 : i32 to vector<16xi32>
      %shift_right_arithmetic3A_1150 = arith.shrsi %add3A_1130, %shift_right_arithmetic3A_1149 : vector<16xi32>
      %and3A_1151 = arith.constant 15 : i32
      %and3A_1152 = vector.broadcast %and3A_1151 : i32 to vector<16xi32>
      %and3A_1153 = arith.andi %add3A_1130, %and3A_1152 : vector<16xi32>
      %gather3A_1154 = tpu.vector_load_idx %arg15[%shift_right_arithmetic3A_1150, %and3A_1153] : memref<4480x16xf32, #tpu.memory_space<vmem>>[vector<16xi32>, vector<16xi32>], vector<16xf32>,
      %shift_right_arithmetic3A_1155 = arith.constant 4 : i32
      %shift_right_arithmetic3A_1156 = vector.broadcast %shift_right_arithmetic3A_1155 : i32 to vector<16xi32>
      %shift_right_arithmetic3A_1157 = arith.shrsi %add3A_1133, %shift_right_arithmetic3A_1156 : vector<16xi32>
      %and3A_1158 = arith.constant 15 : i32
      %and3A_1159 = vector.broadcast %and3A_1158 : i32 to vector<16xi32>
      %and3A_1160 = arith.andi %add3A_1133, %and3A_1159 : vector<16xi32>
      %gather3A_1161 = tpu.vector_load_idx %arg15[%shift_right_arithmetic3A_1157, %and3A_1160] : memref<4480x16xf32, #tpu.memory_space<vmem>>[vector<16xi32>, vector<16xi32>], vector<16xf32>,
      %mul3A_1162 = arith.mulf %gather3A_1118, %gather3A_1121 : vector<16xf32>
      %mul3A_1163 = arith.mulf %gather3A_1117, %gather3A_1121 : vector<16xf32>
      %mul3A_1164 = arith.mulf %gather3A_1118, %gather3A_1120 : vector<16xf32>
      %mul3A_1165 = arith.mulf %gather3A_1117, %gather3A_1120 : vector<16xf32>
      %mul3A_1166 = arith.mulf %gather3A_1140, %mul3A_1162 : vector<16xf32>
      %mul3A_1167 = arith.mulf %gather3A_1147, %mul3A_1163 : vector<16xf32>
      %add3A_1168 = arith.addf %mul3A_1166, %mul3A_1167 : vector<16xf32>
      %mul3A_1169 = arith.mulf %gather3A_1154, %mul3A_1164 : vector<16xf32>
      %add3A_1170 = arith.addf %add3A_1168, %mul3A_1169 : vector<16xf32>
      %mul3A_1171 = arith.mulf %gather3A_1161, %mul3A_1165 : vector<16xf32>
      %add3A_1172 = arith.addf %add3A_1170, %mul3A_1171 : vector<16xf32>
      %mul3A_1173 = arith.mulf %add3A_1172, %gather3A_1119 : vector<16xf32>
      %mul3A_1174 = arith.mulf %mul3A_1173, %gather3A_1122 : vector<16xf32>
      %swap3A_1175 = arith.index_cast %scan3A_907 : i32 to index
      %swap3A_1176 = arith.constant 48 : index
      %swap3A_1177 = tpu.vector_load %arg16[%swap3A_1175, %swap3A_1176] {strides = array<i32>} : memref<160x64xf32, #tpu.memory_space<vmem>>, vector<16xf32>,
      tpu.vector_store %arg16[%swap3A_1175, %swap3A_1176], %mul3A_1174 {strides = array<i32>} : memref<160x64xf32, #tpu.memory_space<vmem>>, vector<16xf32>,
    }
    %scan3A_618 = arith.constant 80 : i32
    %dma_wait3A_619 = arith.constant 2240 : i32
    %dma_wait3A_620 = arith.constant 0 : i32
    %dma_wait3A_621 = tpu.memref_slice %arg15[%dma_wait3A_619, %dma_wait3A_620] : memref<4480x16xf32, #tpu.memory_space<vmem>> -> memref<2240x16xf32, #tpu.memory_space<vmem>>
    %dma_wait3A_622 = arith.constant 0 : i32
    %dma_wait3A_623 = arith.constant 0 : i32
    %dma_wait3A_624 = tpu.memref_slice %arg2[%dma_wait3A_622, %dma_wait3A_623] : memref<32768x16xf32, #tpu.memory_space<hbm>> -> memref<2240x16xf32, #tpu.memory_space<hbm>>
    %dma_wait3A_625 = arith.constant 2240 : i32
    %dma_wait3A_626 = arith.constant 0 : i32
    %dma_wait3A_627 = tpu.memref_slice %arg15[%dma_wait3A_625, %dma_wait3A_626] : memref<4480x16xf32, #tpu.memory_space<vmem>> -> memref<2240x16xf32, #tpu.memory_space<vmem>>
    %dma_wait3A_628 = arith.constant 0 : i32
    %dma_wait3A_629 = arith.constant 0 : i32
    %dma_wait3A_630 = tpu.memref_slice %arg2[%dma_wait3A_628, %dma_wait3A_629] : memref<32768x16xf32, #tpu.memory_space<hbm>> -> memref<2240x16xf32, #tpu.memory_space<hbm>>
    tpu.wait_dma2 semaphore(%arg18 : memref<!tpu.dma_semaphore, #tpu.memory_space<semaphore_mem>>) src(%dma_wait3A_630 : memref<2240x16xf32, #tpu.memory_space<hbm>>) dst(%dma_wait3A_627 : memref<2240x16xf32, #tpu.memory_space<vmem>>)
    %scan3A_631 = arith.constant 0 : i32
    %scan3A_632 = arith.constant 80 : i32
    %scan3A_633 = arith.constant 80 : i32
    %scan3A_634 = arith.addi %scan3A_632, %scan3A_633 : i32
    %scan3A_635 = arith.constant 2 : i32
    scf.for %scan3A_637 = %scan3A_632 to %scan3A_634 step %scan3A_635  : i32 {
      %mul3A_638 = arith.constant 8 : i32
      %mul3A_639 = arith.muli %scan3A_637, %mul3A_638 : i32
      %mul3A_640 = arith.constant 448 : i32
      %mul3A_641 = arith.muli %scan3A_637, %mul3A_640 : i32
      %add3A_642 = vector.broadcast %mul3A_641 : i32 to vector<16xi32>
      %add3A_643 = arith.addi %mul3A_5, %add3A_642 : vector<16xi32>
      %add3A_644 = vector.broadcast %mul3A_639 : i32 to vector<16xi32>
      %add3A_645 = arith.addi %add3A_644, %min3A_41 : vector<16xi32>
      %add3A_646 = vector.broadcast %mul3A_639 : i32 to vector<16xi32>
      %add3A_647 = arith.addi %add3A_646, %min3A_34 : vector<16xi32>
      %gather3A = tpu.vector_load_idx %arg12[%add3A_645] : memref<1280xi32, #tpu.memory_space<vmem>>[vector<16xi32>], vector<16xi32>,
      %gather3A_648 = tpu.vector_load_idx %arg6[%add3A_645] : memref<1280xf32, #tpu.memory_space<vmem>>[vector<16xi32>], vector<16xf32>,
      %gather3A_649 = tpu.vector_load_idx %arg7[%add3A_645] : memref<1280xf32, #tpu.memory_space<vmem>>[vector<16xi32>], vector<16xf32>,
      %gather3A_650 = tpu.vector_load_idx %arg10[%add3A_645] : memref<1280xf32, #tpu.memory_space<vmem>>[vector<16xi32>], vector<16xf32>,
      %gather3A_651 = tpu.vector_load_idx %arg8[%add3A_647] : memref<1280xf32, #tpu.memory_space<vmem>>[vector<16xi32>], vector<16xf32>,
      %gather3A_652 = tpu.vector_load_idx %arg9[%add3A_647] : memref<1280xf32, #tpu.memory_space<vmem>>[vector<16xi32>], vector<16xf32>,
      %gather3A_653 = tpu.vector_load_idx %arg11[%add3A_647] : memref<1280xf32, #tpu.memory_space<vmem>>[vector<16xi32>], vector<16xf32>,
      %add3A_654 = arith.addi %add3A_643, %mul3A_44 : vector<16xi32>
      %add3A_655 = arith.addi %add3A_654, %gather3A : vector<16xi32>
      %add3A_656 = arith.constant 1 : i32
      %add3A_657 = vector.broadcast %add3A_656 : i32 to vector<16xi32>
      %add3A_658 = arith.addi %add3A_655, %add3A_657 : vector<16xi32>
      %add3A_659 = arith.constant 32 : i32
      %add3A_660 = vector.broadcast %add3A_659 : i32 to vector<16xi32>
      %add3A_661 = arith.addi %add3A_655, %add3A_660 : vector<16xi32>
      %add3A_662 = arith.constant 33 : i32
      %add3A_663 = vector.broadcast %add3A_662 : i32 to vector<16xi32>
      %add3A_664 = arith.addi %add3A_655, %add3A_663 : vector<16xi32>
      %shift_right_arithmetic3A_665 = arith.constant 4 : i32
      %shift_right_arithmetic3A_666 = vector.broadcast %shift_right_arithmetic3A_665 : i32 to vector<16xi32>
      %shift_right_arithmetic3A_667 = arith.shrsi %add3A_655, %shift_right_arithmetic3A_666 : vector<16xi32>
      %and3A_668 = arith.constant 15 : i32
      %and3A_669 = vector.broadcast %and3A_668 : i32 to vector<16xi32>
      %and3A_670 = arith.andi %add3A_655, %and3A_669 : vector<16xi32>
      %gather3A_671 = tpu.vector_load_idx %arg15[%shift_right_arithmetic3A_667, %and3A_670] : memref<4480x16xf32, #tpu.memory_space<vmem>>[vector<16xi32>, vector<16xi32>], vector<16xf32>,
      %shift_right_arithmetic3A_672 = arith.constant 4 : i32
      %shift_right_arithmetic3A_673 = vector.broadcast %shift_right_arithmetic3A_672 : i32 to vector<16xi32>
      %shift_right_arithmetic3A_674 = arith.shrsi %add3A_658, %shift_right_arithmetic3A_673 : vector<16xi32>
      %and3A_675 = arith.constant 15 : i32
      %and3A_676 = vector.broadcast %and3A_675 : i32 to vector<16xi32>
      %and3A_677 = arith.andi %add3A_658, %and3A_676 : vector<16xi32>
      %gather3A_678 = tpu.vector_load_idx %arg15[%shift_right_arithmetic3A_674, %and3A_677] : memref<4480x16xf32, #tpu.memory_space<vmem>>[vector<16xi32>, vector<16xi32>], vector<16xf32>,
      %shift_right_arithmetic3A_679 = arith.constant 4 : i32
      %shift_right_arithmetic3A_680 = vector.broadcast %shift_right_arithmetic3A_679 : i32 to vector<16xi32>
      %shift_right_arithmetic3A_681 = arith.shrsi %add3A_661, %shift_right_arithmetic3A_680 : vector<16xi32>
      %and3A_682 = arith.constant 15 : i32
      %and3A_683 = vector.broadcast %and3A_682 : i32 to vector<16xi32>
      %and3A_684 = arith.andi %add3A_661, %and3A_683 : vector<16xi32>
      %gather3A_685 = tpu.vector_load_idx %arg15[%shift_right_arithmetic3A_681, %and3A_684] : memref<4480x16xf32, #tpu.memory_space<vmem>>[vector<16xi32>, vector<16xi32>], vector<16xf32>,
      %shift_right_arithmetic3A_686 = arith.constant 4 : i32
      %shift_right_arithmetic3A_687 = vector.broadcast %shift_right_arithmetic3A_686 : i32 to vector<16xi32>
      %shift_right_arithmetic3A_688 = arith.shrsi %add3A_664, %shift_right_arithmetic3A_687 : vector<16xi32>
      %and3A_689 = arith.constant 15 : i32
      %and3A_690 = vector.broadcast %and3A_689 : i32 to vector<16xi32>
      %and3A_691 = arith.andi %add3A_664, %and3A_690 : vector<16xi32>
      %gather3A_692 = tpu.vector_load_idx %arg15[%shift_right_arithmetic3A_688, %and3A_691] : memref<4480x16xf32, #tpu.memory_space<vmem>>[vector<16xi32>, vector<16xi32>], vector<16xf32>,
      %mul3A_693 = arith.mulf %gather3A_649, %gather3A_652 : vector<16xf32>
      %mul3A_694 = arith.mulf %gather3A_648, %gather3A_652 : vector<16xf32>
      %mul3A_695 = arith.mulf %gather3A_649, %gather3A_651 : vector<16xf32>
      %mul3A_696 = arith.mulf %gather3A_648, %gather3A_651 : vector<16xf32>
      %mul3A_697 = arith.mulf %gather3A_671, %mul3A_693 : vector<16xf32>
      %mul3A_698 = arith.mulf %gather3A_678, %mul3A_694 : vector<16xf32>
      %add3A_699 = arith.addf %mul3A_697, %mul3A_698 : vector<16xf32>
      %mul3A_700 = arith.mulf %gather3A_685, %mul3A_695 : vector<16xf32>
      %add3A_701 = arith.addf %add3A_699, %mul3A_700 : vector<16xf32>
      %mul3A_702 = arith.mulf %gather3A_692, %mul3A_696 : vector<16xf32>
      %add3A_703 = arith.addf %add3A_701, %mul3A_702 : vector<16xf32>
      %mul3A_704 = arith.mulf %add3A_703, %gather3A_650 : vector<16xf32>
      %mul3A_705 = arith.mulf %mul3A_704, %gather3A_653 : vector<16xf32>
      %swap3A = arith.index_cast %scan3A_637 : i32 to index
      %swap3A_706 = arith.constant 0 : index
      %swap3A_707 = tpu.vector_load %arg16[%swap3A, %swap3A_706] {strides = array<i32>} : memref<160x64xf32, #tpu.memory_space<vmem>>, vector<16xf32>,
      tpu.vector_store %arg16[%swap3A, %swap3A_706], %mul3A_705 {strides = array<i32>} : memref<160x64xf32, #tpu.memory_space<vmem>>, vector<16xf32>,
      %add3A_708 = vector.broadcast %mul3A_639 : i32 to vector<16xi32>
      %add3A_709 = arith.addi %add3A_708, %min3A_88 : vector<16xi32>
      %add3A_710 = vector.broadcast %mul3A_639 : i32 to vector<16xi32>
      %add3A_711 = arith.addi %add3A_710, %min3A_81 : vector<16xi32>
      %gather3A_712 = tpu.vector_load_idx %arg12[%add3A_709] : memref<1280xi32, #tpu.memory_space<vmem>>[vector<16xi32>], vector<16xi32>,
      %gather3A_713 = tpu.vector_load_idx %arg6[%add3A_709] : memref<1280xf32, #tpu.memory_space<vmem>>[vector<16xi32>], vector<16xf32>,
      %gather3A_714 = tpu.vector_load_idx %arg7[%add3A_709] : memref<1280xf32, #tpu.memory_space<vmem>>[vector<16xi32>], vector<16xf32>,
      %gather3A_715 = tpu.vector_load_idx %arg10[%add3A_709] : memref<1280xf32, #tpu.memory_space<vmem>>[vector<16xi32>], vector<16xf32>,
      %gather3A_716 = tpu.vector_load_idx %arg8[%add3A_711] : memref<1280xf32, #tpu.memory_space<vmem>>[vector<16xi32>], vector<16xf32>,
      %gather3A_717 = tpu.vector_load_idx %arg9[%add3A_711] : memref<1280xf32, #tpu.memory_space<vmem>>[vector<16xi32>], vector<16xf32>,
      %gather3A_718 = tpu.vector_load_idx %arg11[%add3A_711] : memref<1280xf32, #tpu.memory_space<vmem>>[vector<16xi32>], vector<16xf32>,
      %add3A_719 = arith.addi %add3A_643, %mul3A_91 : vector<16xi32>
      %add3A_720 = arith.addi %add3A_719, %gather3A_712 : vector<16xi32>
      %add3A_721 = arith.constant 1 : i32
      %add3A_722 = vector.broadcast %add3A_721 : i32 to vector<16xi32>
      %add3A_723 = arith.addi %add3A_720, %add3A_722 : vector<16xi32>
      %add3A_724 = arith.constant 32 : i32
      %add3A_725 = vector.broadcast %add3A_724 : i32 to vector<16xi32>
      %add3A_726 = arith.addi %add3A_720, %add3A_725 : vector<16xi32>
      %add3A_727 = arith.constant 33 : i32
      %add3A_728 = vector.broadcast %add3A_727 : i32 to vector<16xi32>
      %add3A_729 = arith.addi %add3A_720, %add3A_728 : vector<16xi32>
      %shift_right_arithmetic3A_730 = arith.constant 4 : i32
      %shift_right_arithmetic3A_731 = vector.broadcast %shift_right_arithmetic3A_730 : i32 to vector<16xi32>
      %shift_right_arithmetic3A_732 = arith.shrsi %add3A_720, %shift_right_arithmetic3A_731 : vector<16xi32>
      %and3A_733 = arith.constant 15 : i32
      %and3A_734 = vector.broadcast %and3A_733 : i32 to vector<16xi32>
      %and3A_735 = arith.andi %add3A_720, %and3A_734 : vector<16xi32>
      %gather3A_736 = tpu.vector_load_idx %arg15[%shift_right_arithmetic3A_732, %and3A_735] : memref<4480x16xf32, #tpu.memory_space<vmem>>[vector<16xi32>, vector<16xi32>], vector<16xf32>,
      %shift_right_arithmetic3A_737 = arith.constant 4 : i32
      %shift_right_arithmetic3A_738 = vector.broadcast %shift_right_arithmetic3A_737 : i32 to vector<16xi32>
      %shift_right_arithmetic3A_739 = arith.shrsi %add3A_723, %shift_right_arithmetic3A_738 : vector<16xi32>
      %and3A_740 = arith.constant 15 : i32
      %and3A_741 = vector.broadcast %and3A_740 : i32 to vector<16xi32>
      %and3A_742 = arith.andi %add3A_723, %and3A_741 : vector<16xi32>
      %gather3A_743 = tpu.vector_load_idx %arg15[%shift_right_arithmetic3A_739, %and3A_742] : memref<4480x16xf32, #tpu.memory_space<vmem>>[vector<16xi32>, vector<16xi32>], vector<16xf32>,
      %shift_right_arithmetic3A_744 = arith.constant 4 : i32
      %shift_right_arithmetic3A_745 = vector.broadcast %shift_right_arithmetic3A_744 : i32 to vector<16xi32>
      %shift_right_arithmetic3A_746 = arith.shrsi %add3A_726, %shift_right_arithmetic3A_745 : vector<16xi32>
      %and3A_747 = arith.constant 15 : i32
      %and3A_748 = vector.broadcast %and3A_747 : i32 to vector<16xi32>
      %and3A_749 = arith.andi %add3A_726, %and3A_748 : vector<16xi32>
      %gather3A_750 = tpu.vector_load_idx %arg15[%shift_right_arithmetic3A_746, %and3A_749] : memref<4480x16xf32, #tpu.memory_space<vmem>>[vector<16xi32>, vector<16xi32>], vector<16xf32>,
      %shift_right_arithmetic3A_751 = arith.constant 4 : i32
      %shift_right_arithmetic3A_752 = vector.broadcast %shift_right_arithmetic3A_751 : i32 to vector<16xi32>
      %shift_right_arithmetic3A_753 = arith.shrsi %add3A_729, %shift_right_arithmetic3A_752 : vector<16xi32>
      %and3A_754 = arith.constant 15 : i32
      %and3A_755 = vector.broadcast %and3A_754 : i32 to vector<16xi32>
      %and3A_756 = arith.andi %add3A_729, %and3A_755 : vector<16xi32>
      %gather3A_757 = tpu.vector_load_idx %arg15[%shift_right_arithmetic3A_753, %and3A_756] : memref<4480x16xf32, #tpu.memory_space<vmem>>[vector<16xi32>, vector<16xi32>], vector<16xf32>,
      %mul3A_758 = arith.mulf %gather3A_714, %gather3A_717 : vector<16xf32>
      %mul3A_759 = arith.mulf %gather3A_713, %gather3A_717 : vector<16xf32>
      %mul3A_760 = arith.mulf %gather3A_714, %gather3A_716 : vector<16xf32>
      %mul3A_761 = arith.mulf %gather3A_713, %gather3A_716 : vector<16xf32>
      %mul3A_762 = arith.mulf %gather3A_736, %mul3A_758 : vector<16xf32>
      %mul3A_763 = arith.mulf %gather3A_743, %mul3A_759 : vector<16xf32>
      %add3A_764 = arith.addf %mul3A_762, %mul3A_763 : vector<16xf32>
      %mul3A_765 = arith.mulf %gather3A_750, %mul3A_760 : vector<16xf32>
      %add3A_766 = arith.addf %add3A_764, %mul3A_765 : vector<16xf32>
      %mul3A_767 = arith.mulf %gather3A_757, %mul3A_761 : vector<16xf32>
      %add3A_768 = arith.addf %add3A_766, %mul3A_767 : vector<16xf32>
      %mul3A_769 = arith.mulf %add3A_768, %gather3A_715 : vector<16xf32>
      %mul3A_770 = arith.mulf %mul3A_769, %gather3A_718 : vector<16xf32>
      %swap3A_771 = arith.index_cast %scan3A_637 : i32 to index
      %swap3A_772 = arith.constant 16 : index
      %swap3A_773 = tpu.vector_load %arg16[%swap3A_771, %swap3A_772] {strides = array<i32>} : memref<160x64xf32, #tpu.memory_space<vmem>>, vector<16xf32>,
      tpu.vector_store %arg16[%swap3A_771, %swap3A_772], %mul3A_770 {strides = array<i32>} : memref<160x64xf32, #tpu.memory_space<vmem>>, vector<16xf32>,
      %add3A_774 = vector.broadcast %mul3A_639 : i32 to vector<16xi32>
      %add3A_775 = arith.addi %add3A_774, %min3A_135 : vector<16xi32>
      %add3A_776 = vector.broadcast %mul3A_639 : i32 to vector<16xi32>
      %add3A_777 = arith.addi %add3A_776, %min3A_128 : vector<16xi32>
      %gather3A_778 = tpu.vector_load_idx %arg12[%add3A_775] : memref<1280xi32, #tpu.memory_space<vmem>>[vector<16xi32>], vector<16xi32>,
      %gather3A_779 = tpu.vector_load_idx %arg6[%add3A_775] : memref<1280xf32, #tpu.memory_space<vmem>>[vector<16xi32>], vector<16xf32>,
      %gather3A_780 = tpu.vector_load_idx %arg7[%add3A_775] : memref<1280xf32, #tpu.memory_space<vmem>>[vector<16xi32>], vector<16xf32>,
      %gather3A_781 = tpu.vector_load_idx %arg10[%add3A_775] : memref<1280xf32, #tpu.memory_space<vmem>>[vector<16xi32>], vector<16xf32>,
      %gather3A_782 = tpu.vector_load_idx %arg8[%add3A_777] : memref<1280xf32, #tpu.memory_space<vmem>>[vector<16xi32>], vector<16xf32>,
      %gather3A_783 = tpu.vector_load_idx %arg9[%add3A_777] : memref<1280xf32, #tpu.memory_space<vmem>>[vector<16xi32>], vector<16xf32>,
      %gather3A_784 = tpu.vector_load_idx %arg11[%add3A_777] : memref<1280xf32, #tpu.memory_space<vmem>>[vector<16xi32>], vector<16xf32>,
      %add3A_785 = arith.addi %add3A_643, %mul3A_138 : vector<16xi32>
      %add3A_786 = arith.addi %add3A_785, %gather3A_778 : vector<16xi32>
      %add3A_787 = arith.constant 1 : i32
      %add3A_788 = vector.broadcast %add3A_787 : i32 to vector<16xi32>
      %add3A_789 = arith.addi %add3A_786, %add3A_788 : vector<16xi32>
      %add3A_790 = arith.constant 32 : i32
      %add3A_791 = vector.broadcast %add3A_790 : i32 to vector<16xi32>
      %add3A_792 = arith.addi %add3A_786, %add3A_791 : vector<16xi32>
      %add3A_793 = arith.constant 33 : i32
      %add3A_794 = vector.broadcast %add3A_793 : i32 to vector<16xi32>
      %add3A_795 = arith.addi %add3A_786, %add3A_794 : vector<16xi32>
      %shift_right_arithmetic3A_796 = arith.constant 4 : i32
      %shift_right_arithmetic3A_797 = vector.broadcast %shift_right_arithmetic3A_796 : i32 to vector<16xi32>
      %shift_right_arithmetic3A_798 = arith.shrsi %add3A_786, %shift_right_arithmetic3A_797 : vector<16xi32>
      %and3A_799 = arith.constant 15 : i32
      %and3A_800 = vector.broadcast %and3A_799 : i32 to vector<16xi32>
      %and3A_801 = arith.andi %add3A_786, %and3A_800 : vector<16xi32>
      %gather3A_802 = tpu.vector_load_idx %arg15[%shift_right_arithmetic3A_798, %and3A_801] : memref<4480x16xf32, #tpu.memory_space<vmem>>[vector<16xi32>, vector<16xi32>], vector<16xf32>,
      %shift_right_arithmetic3A_803 = arith.constant 4 : i32
      %shift_right_arithmetic3A_804 = vector.broadcast %shift_right_arithmetic3A_803 : i32 to vector<16xi32>
      %shift_right_arithmetic3A_805 = arith.shrsi %add3A_789, %shift_right_arithmetic3A_804 : vector<16xi32>
      %and3A_806 = arith.constant 15 : i32
      %and3A_807 = vector.broadcast %and3A_806 : i32 to vector<16xi32>
      %and3A_808 = arith.andi %add3A_789, %and3A_807 : vector<16xi32>
      %gather3A_809 = tpu.vector_load_idx %arg15[%shift_right_arithmetic3A_805, %and3A_808] : memref<4480x16xf32, #tpu.memory_space<vmem>>[vector<16xi32>, vector<16xi32>], vector<16xf32>,
      %shift_right_arithmetic3A_810 = arith.constant 4 : i32
      %shift_right_arithmetic3A_811 = vector.broadcast %shift_right_arithmetic3A_810 : i32 to vector<16xi32>
      %shift_right_arithmetic3A_812 = arith.shrsi %add3A_792, %shift_right_arithmetic3A_811 : vector<16xi32>
      %and3A_813 = arith.constant 15 : i32
      %and3A_814 = vector.broadcast %and3A_813 : i32 to vector<16xi32>
      %and3A_815 = arith.andi %add3A_792, %and3A_814 : vector<16xi32>
      %gather3A_816 = tpu.vector_load_idx %arg15[%shift_right_arithmetic3A_812, %and3A_815] : memref<4480x16xf32, #tpu.memory_space<vmem>>[vector<16xi32>, vector<16xi32>], vector<16xf32>,
      %shift_right_arithmetic3A_817 = arith.constant 4 : i32
      %shift_right_arithmetic3A_818 = vector.broadcast %shift_right_arithmetic3A_817 : i32 to vector<16xi32>
      %shift_right_arithmetic3A_819 = arith.shrsi %add3A_795, %shift_right_arithmetic3A_818 : vector<16xi32>
      %and3A_820 = arith.constant 15 : i32
      %and3A_821 = vector.broadcast %and3A_820 : i32 to vector<16xi32>
      %and3A_822 = arith.andi %add3A_795, %and3A_821 : vector<16xi32>
      %gather3A_823 = tpu.vector_load_idx %arg15[%shift_right_arithmetic3A_819, %and3A_822] : memref<4480x16xf32, #tpu.memory_space<vmem>>[vector<16xi32>, vector<16xi32>], vector<16xf32>,
      %mul3A_824 = arith.mulf %gather3A_780, %gather3A_783 : vector<16xf32>
      %mul3A_825 = arith.mulf %gather3A_779, %gather3A_783 : vector<16xf32>
      %mul3A_826 = arith.mulf %gather3A_780, %gather3A_782 : vector<16xf32>
      %mul3A_827 = arith.mulf %gather3A_779, %gather3A_782 : vector<16xf32>
      %mul3A_828 = arith.mulf %gather3A_802, %mul3A_824 : vector<16xf32>
      %mul3A_829 = arith.mulf %gather3A_809, %mul3A_825 : vector<16xf32>
      %add3A_830 = arith.addf %mul3A_828, %mul3A_829 : vector<16xf32>
      %mul3A_831 = arith.mulf %gather3A_816, %mul3A_826 : vector<16xf32>
      %add3A_832 = arith.addf %add3A_830, %mul3A_831 : vector<16xf32>
      %mul3A_833 = arith.mulf %gather3A_823, %mul3A_827 : vector<16xf32>
      %add3A_834 = arith.addf %add3A_832, %mul3A_833 : vector<16xf32>
      %mul3A_835 = arith.mulf %add3A_834, %gather3A_781 : vector<16xf32>
      %mul3A_836 = arith.mulf %mul3A_835, %gather3A_784 : vector<16xf32>
      %swap3A_837 = arith.index_cast %scan3A_637 : i32 to index
      %swap3A_838 = arith.constant 32 : index
      %swap3A_839 = tpu.vector_load %arg16[%swap3A_837, %swap3A_838] {strides = array<i32>} : memref<160x64xf32, #tpu.memory_space<vmem>>, vector<16xf32>,
      tpu.vector_store %arg16[%swap3A_837, %swap3A_838], %mul3A_836 {strides = array<i32>} : memref<160x64xf32, #tpu.memory_space<vmem>>, vector<16xf32>,
      %add3A_840 = vector.broadcast %mul3A_639 : i32 to vector<16xi32>
      %add3A_841 = arith.addi %add3A_840, %min3A_182 : vector<16xi32>
      %add3A_842 = vector.broadcast %mul3A_639 : i32 to vector<16xi32>
      %add3A_843 = arith.addi %add3A_842, %min3A_175 : vector<16xi32>
      %gather3A_844 = tpu.vector_load_idx %arg12[%add3A_841] : memref<1280xi32, #tpu.memory_space<vmem>>[vector<16xi32>], vector<16xi32>,
      %gather3A_845 = tpu.vector_load_idx %arg6[%add3A_841] : memref<1280xf32, #tpu.memory_space<vmem>>[vector<16xi32>], vector<16xf32>,
      %gather3A_846 = tpu.vector_load_idx %arg7[%add3A_841] : memref<1280xf32, #tpu.memory_space<vmem>>[vector<16xi32>], vector<16xf32>,
      %gather3A_847 = tpu.vector_load_idx %arg10[%add3A_841] : memref<1280xf32, #tpu.memory_space<vmem>>[vector<16xi32>], vector<16xf32>,
      %gather3A_848 = tpu.vector_load_idx %arg8[%add3A_843] : memref<1280xf32, #tpu.memory_space<vmem>>[vector<16xi32>], vector<16xf32>,
      %gather3A_849 = tpu.vector_load_idx %arg9[%add3A_843] : memref<1280xf32, #tpu.memory_space<vmem>>[vector<16xi32>], vector<16xf32>,
      %gather3A_850 = tpu.vector_load_idx %arg11[%add3A_843] : memref<1280xf32, #tpu.memory_space<vmem>>[vector<16xi32>], vector<16xf32>,
      %add3A_851 = arith.addi %add3A_643, %mul3A_185 : vector<16xi32>
      %add3A_852 = arith.addi %add3A_851, %gather3A_844 : vector<16xi32>
      %add3A_853 = arith.constant 1 : i32
      %add3A_854 = vector.broadcast %add3A_853 : i32 to vector<16xi32>
      %add3A_855 = arith.addi %add3A_852, %add3A_854 : vector<16xi32>
      %add3A_856 = arith.constant 32 : i32
      %add3A_857 = vector.broadcast %add3A_856 : i32 to vector<16xi32>
      %add3A_858 = arith.addi %add3A_852, %add3A_857 : vector<16xi32>
      %add3A_859 = arith.constant 33 : i32
      %add3A_860 = vector.broadcast %add3A_859 : i32 to vector<16xi32>
      %add3A_861 = arith.addi %add3A_852, %add3A_860 : vector<16xi32>
      %shift_right_arithmetic3A_862 = arith.constant 4 : i32
      %shift_right_arithmetic3A_863 = vector.broadcast %shift_right_arithmetic3A_862 : i32 to vector<16xi32>
      %shift_right_arithmetic3A_864 = arith.shrsi %add3A_852, %shift_right_arithmetic3A_863 : vector<16xi32>
      %and3A_865 = arith.constant 15 : i32
      %and3A_866 = vector.broadcast %and3A_865 : i32 to vector<16xi32>
      %and3A_867 = arith.andi %add3A_852, %and3A_866 : vector<16xi32>
      %gather3A_868 = tpu.vector_load_idx %arg15[%shift_right_arithmetic3A_864, %and3A_867] : memref<4480x16xf32, #tpu.memory_space<vmem>>[vector<16xi32>, vector<16xi32>], vector<16xf32>,
      %shift_right_arithmetic3A_869 = arith.constant 4 : i32
      %shift_right_arithmetic3A_870 = vector.broadcast %shift_right_arithmetic3A_869 : i32 to vector<16xi32>
      %shift_right_arithmetic3A_871 = arith.shrsi %add3A_855, %shift_right_arithmetic3A_870 : vector<16xi32>
      %and3A_872 = arith.constant 15 : i32
      %and3A_873 = vector.broadcast %and3A_872 : i32 to vector<16xi32>
      %and3A_874 = arith.andi %add3A_855, %and3A_873 : vector<16xi32>
      %gather3A_875 = tpu.vector_load_idx %arg15[%shift_right_arithmetic3A_871, %and3A_874] : memref<4480x16xf32, #tpu.memory_space<vmem>>[vector<16xi32>, vector<16xi32>], vector<16xf32>,
      %shift_right_arithmetic3A_876 = arith.constant 4 : i32
      %shift_right_arithmetic3A_877 = vector.broadcast %shift_right_arithmetic3A_876 : i32 to vector<16xi32>
      %shift_right_arithmetic3A_878 = arith.shrsi %add3A_858, %shift_right_arithmetic3A_877 : vector<16xi32>
      %and3A_879 = arith.constant 15 : i32
      %and3A_880 = vector.broadcast %and3A_879 : i32 to vector<16xi32>
      %and3A_881 = arith.andi %add3A_858, %and3A_880 : vector<16xi32>
      %gather3A_882 = tpu.vector_load_idx %arg15[%shift_right_arithmetic3A_878, %and3A_881] : memref<4480x16xf32, #tpu.memory_space<vmem>>[vector<16xi32>, vector<16xi32>], vector<16xf32>,
      %shift_right_arithmetic3A_883 = arith.constant 4 : i32
      %shift_right_arithmetic3A_884 = vector.broadcast %shift_right_arithmetic3A_883 : i32 to vector<16xi32>
      %shift_right_arithmetic3A_885 = arith.shrsi %add3A_861, %shift_right_arithmetic3A_884 : vector<16xi32>
      %and3A_886 = arith.constant 15 : i32
      %and3A_887 = vector.broadcast %and3A_886 : i32 to vector<16xi32>
      %and3A_888 = arith.andi %add3A_861, %and3A_887 : vector<16xi32>
      %gather3A_889 = tpu.vector_load_idx %arg15[%shift_right_arithmetic3A_885, %and3A_888] : memref<4480x16xf32, #tpu.memory_space<vmem>>[vector<16xi32>, vector<16xi32>], vector<16xf32>,
      %mul3A_890 = arith.mulf %gather3A_846, %gather3A_849 : vector<16xf32>
      %mul3A_891 = arith.mulf %gather3A_845, %gather3A_849 : vector<16xf32>
      %mul3A_892 = arith.mulf %gather3A_846, %gather3A_848 : vector<16xf32>
      %mul3A_893 = arith.mulf %gather3A_845, %gather3A_848 : vector<16xf32>
      %mul3A_894 = arith.mulf %gather3A_868, %mul3A_890 : vector<16xf32>
      %mul3A_895 = arith.mulf %gather3A_875, %mul3A_891 : vector<16xf32>
      %add3A_896 = arith.addf %mul3A_894, %mul3A_895 : vector<16xf32>
      %mul3A_897 = arith.mulf %gather3A_882, %mul3A_892 : vector<16xf32>
      %add3A_898 = arith.addf %add3A_896, %mul3A_897 : vector<16xf32>
      %mul3A_899 = arith.mulf %gather3A_889, %mul3A_893 : vector<16xf32>
      %add3A_900 = arith.addf %add3A_898, %mul3A_899 : vector<16xf32>
      %mul3A_901 = arith.mulf %add3A_900, %gather3A_847 : vector<16xf32>
      %mul3A_902 = arith.mulf %mul3A_901, %gather3A_850 : vector<16xf32>
      %swap3A_903 = arith.index_cast %scan3A_637 : i32 to index
      %swap3A_904 = arith.constant 48 : index
      %swap3A_905 = tpu.vector_load %arg16[%swap3A_903, %swap3A_904] {strides = array<i32>} : memref<160x64xf32, #tpu.memory_space<vmem>>, vector<16xf32>,
      tpu.vector_store %arg16[%swap3A_903, %swap3A_904], %mul3A_902 {strides = array<i32>} : memref<160x64xf32, #tpu.memory_space<vmem>>, vector<16xf32>,
      %scan3A_906 = arith.constant 1 : i32
      %scan3A_907 = arith.addi %scan3A_637, %scan3A_906 : i32
      %mul3A_908 = arith.constant 8 : i32
      %mul3A_909 = arith.muli %scan3A_907, %mul3A_908 : i32
      %mul3A_910 = arith.constant 448 : i32
      %mul3A_911 = arith.muli %scan3A_907, %mul3A_910 : i32
      %add3A_912 = vector.broadcast %mul3A_911 : i32 to vector<16xi32>
      %add3A_913 = arith.addi %mul3A_5, %add3A_912 : vector<16xi32>
      %add3A_914 = vector.broadcast %mul3A_909 : i32 to vector<16xi32>
      %add3A_915 = arith.addi %add3A_914, %min3A_41 : vector<16xi32>
      %add3A_916 = vector.broadcast %mul3A_909 : i32 to vector<16xi32>
      %add3A_917 = arith.addi %add3A_916, %min3A_34 : vector<16xi32>
      %gather3A_918 = tpu.vector_load_idx %arg12[%add3A_915] : memref<1280xi32, #tpu.memory_space<vmem>>[vector<16xi32>], vector<16xi32>,
      %gather3A_919 = tpu.vector_load_idx %arg6[%add3A_915] : memref<1280xf32, #tpu.memory_space<vmem>>[vector<16xi32>], vector<16xf32>,
      %gather3A_920 = tpu.vector_load_idx %arg7[%add3A_915] : memref<1280xf32, #tpu.memory_space<vmem>>[vector<16xi32>], vector<16xf32>,
      %gather3A_921 = tpu.vector_load_idx %arg10[%add3A_915] : memref<1280xf32, #tpu.memory_space<vmem>>[vector<16xi32>], vector<16xf32>,
      %gather3A_922 = tpu.vector_load_idx %arg8[%add3A_917] : memref<1280xf32, #tpu.memory_space<vmem>>[vector<16xi32>], vector<16xf32>,
      %gather3A_923 = tpu.vector_load_idx %arg9[%add3A_917] : memref<1280xf32, #tpu.memory_space<vmem>>[vector<16xi32>], vector<16xf32>,
      %gather3A_924 = tpu.vector_load_idx %arg11[%add3A_917] : memref<1280xf32, #tpu.memory_space<vmem>>[vector<16xi32>], vector<16xf32>,
      %add3A_925 = arith.addi %add3A_913, %mul3A_44 : vector<16xi32>
      %add3A_926 = arith.addi %add3A_925, %gather3A_918 : vector<16xi32>
      %add3A_927 = arith.constant 1 : i32
      %add3A_928 = vector.broadcast %add3A_927 : i32 to vector<16xi32>
      %add3A_929 = arith.addi %add3A_926, %add3A_928 : vector<16xi32>
      %add3A_930 = arith.constant 32 : i32
      %add3A_931 = vector.broadcast %add3A_930 : i32 to vector<16xi32>
      %add3A_932 = arith.addi %add3A_926, %add3A_931 : vector<16xi32>
      %add3A_933 = arith.constant 33 : i32
      %add3A_934 = vector.broadcast %add3A_933 : i32 to vector<16xi32>
      %add3A_935 = arith.addi %add3A_926, %add3A_934 : vector<16xi32>
      %shift_right_arithmetic3A_936 = arith.constant 4 : i32
      %shift_right_arithmetic3A_937 = vector.broadcast %shift_right_arithmetic3A_936 : i32 to vector<16xi32>
      %shift_right_arithmetic3A_938 = arith.shrsi %add3A_926, %shift_right_arithmetic3A_937 : vector<16xi32>
      %and3A_939 = arith.constant 15 : i32
      %and3A_940 = vector.broadcast %and3A_939 : i32 to vector<16xi32>
      %and3A_941 = arith.andi %add3A_926, %and3A_940 : vector<16xi32>
      %gather3A_942 = tpu.vector_load_idx %arg15[%shift_right_arithmetic3A_938, %and3A_941] : memref<4480x16xf32, #tpu.memory_space<vmem>>[vector<16xi32>, vector<16xi32>], vector<16xf32>,
      %shift_right_arithmetic3A_943 = arith.constant 4 : i32
      %shift_right_arithmetic3A_944 = vector.broadcast %shift_right_arithmetic3A_943 : i32 to vector<16xi32>
      %shift_right_arithmetic3A_945 = arith.shrsi %add3A_929, %shift_right_arithmetic3A_944 : vector<16xi32>
      %and3A_946 = arith.constant 15 : i32
      %and3A_947 = vector.broadcast %and3A_946 : i32 to vector<16xi32>
      %and3A_948 = arith.andi %add3A_929, %and3A_947 : vector<16xi32>
      %gather3A_949 = tpu.vector_load_idx %arg15[%shift_right_arithmetic3A_945, %and3A_948] : memref<4480x16xf32, #tpu.memory_space<vmem>>[vector<16xi32>, vector<16xi32>], vector<16xf32>,
      %shift_right_arithmetic3A_950 = arith.constant 4 : i32
      %shift_right_arithmetic3A_951 = vector.broadcast %shift_right_arithmetic3A_950 : i32 to vector<16xi32>
      %shift_right_arithmetic3A_952 = arith.shrsi %add3A_932, %shift_right_arithmetic3A_951 : vector<16xi32>
      %and3A_953 = arith.constant 15 : i32
      %and3A_954 = vector.broadcast %and3A_953 : i32 to vector<16xi32>
      %and3A_955 = arith.andi %add3A_932, %and3A_954 : vector<16xi32>
      %gather3A_956 = tpu.vector_load_idx %arg15[%shift_right_arithmetic3A_952, %and3A_955] : memref<4480x16xf32, #tpu.memory_space<vmem>>[vector<16xi32>, vector<16xi32>], vector<16xf32>,
      %shift_right_arithmetic3A_957 = arith.constant 4 : i32
      %shift_right_arithmetic3A_958 = vector.broadcast %shift_right_arithmetic3A_957 : i32 to vector<16xi32>
      %shift_right_arithmetic3A_959 = arith.shrsi %add3A_935, %shift_right_arithmetic3A_958 : vector<16xi32>
      %and3A_960 = arith.constant 15 : i32
      %and3A_961 = vector.broadcast %and3A_960 : i32 to vector<16xi32>
      %and3A_962 = arith.andi %add3A_935, %and3A_961 : vector<16xi32>
      %gather3A_963 = tpu.vector_load_idx %arg15[%shift_right_arithmetic3A_959, %and3A_962] : memref<4480x16xf32, #tpu.memory_space<vmem>>[vector<16xi32>, vector<16xi32>], vector<16xf32>,
      %mul3A_964 = arith.mulf %gather3A_920, %gather3A_923 : vector<16xf32>
      %mul3A_965 = arith.mulf %gather3A_919, %gather3A_923 : vector<16xf32>
      %mul3A_966 = arith.mulf %gather3A_920, %gather3A_922 : vector<16xf32>
      %mul3A_967 = arith.mulf %gather3A_919, %gather3A_922 : vector<16xf32>
      %mul3A_968 = arith.mulf %gather3A_942, %mul3A_964 : vector<16xf32>
      %mul3A_969 = arith.mulf %gather3A_949, %mul3A_965 : vector<16xf32>
      %add3A_970 = arith.addf %mul3A_968, %mul3A_969 : vector<16xf32>
      %mul3A_971 = arith.mulf %gather3A_956, %mul3A_966 : vector<16xf32>
      %add3A_972 = arith.addf %add3A_970, %mul3A_971 : vector<16xf32>
      %mul3A_973 = arith.mulf %gather3A_963, %mul3A_967 : vector<16xf32>
      %add3A_974 = arith.addf %add3A_972, %mul3A_973 : vector<16xf32>
      %mul3A_975 = arith.mulf %add3A_974, %gather3A_921 : vector<16xf32>
      %mul3A_976 = arith.mulf %mul3A_975, %gather3A_924 : vector<16xf32>
      %swap3A_977 = arith.index_cast %scan3A_907 : i32 to index
      %swap3A_978 = arith.constant 0 : index
      %swap3A_979 = tpu.vector_load %arg16[%swap3A_977, %swap3A_978] {strides = array<i32>} : memref<160x64xf32, #tpu.memory_space<vmem>>, vector<16xf32>,
      tpu.vector_store %arg16[%swap3A_977, %swap3A_978], %mul3A_976 {strides = array<i32>} : memref<160x64xf32, #tpu.memory_space<vmem>>, vector<16xf32>,
      %add3A_980 = vector.broadcast %mul3A_909 : i32 to vector<16xi32>
      %add3A_981 = arith.addi %add3A_980, %min3A_88 : vector<16xi32>
      %add3A_982 = vector.broadcast %mul3A_909 : i32 to vector<16xi32>
      %add3A_983 = arith.addi %add3A_982, %min3A_81 : vector<16xi32>
      %gather3A_984 = tpu.vector_load_idx %arg12[%add3A_981] : memref<1280xi32, #tpu.memory_space<vmem>>[vector<16xi32>], vector<16xi32>,
      %gather3A_985 = tpu.vector_load_idx %arg6[%add3A_981] : memref<1280xf32, #tpu.memory_space<vmem>>[vector<16xi32>], vector<16xf32>,
      %gather3A_986 = tpu.vector_load_idx %arg7[%add3A_981] : memref<1280xf32, #tpu.memory_space<vmem>>[vector<16xi32>], vector<16xf32>,
      %gather3A_987 = tpu.vector_load_idx %arg10[%add3A_981] : memref<1280xf32, #tpu.memory_space<vmem>>[vector<16xi32>], vector<16xf32>,
      %gather3A_988 = tpu.vector_load_idx %arg8[%add3A_983] : memref<1280xf32, #tpu.memory_space<vmem>>[vector<16xi32>], vector<16xf32>,
      %gather3A_989 = tpu.vector_load_idx %arg9[%add3A_983] : memref<1280xf32, #tpu.memory_space<vmem>>[vector<16xi32>], vector<16xf32>,
      %gather3A_990 = tpu.vector_load_idx %arg11[%add3A_983] : memref<1280xf32, #tpu.memory_space<vmem>>[vector<16xi32>], vector<16xf32>,
      %add3A_991 = arith.addi %add3A_913, %mul3A_91 : vector<16xi32>
      %add3A_992 = arith.addi %add3A_991, %gather3A_984 : vector<16xi32>
      %add3A_993 = arith.constant 1 : i32
      %add3A_994 = vector.broadcast %add3A_993 : i32 to vector<16xi32>
      %add3A_995 = arith.addi %add3A_992, %add3A_994 : vector<16xi32>
      %add3A_996 = arith.constant 32 : i32
      %add3A_997 = vector.broadcast %add3A_996 : i32 to vector<16xi32>
      %add3A_998 = arith.addi %add3A_992, %add3A_997 : vector<16xi32>
      %add3A_999 = arith.constant 33 : i32
      %add3A_1000 = vector.broadcast %add3A_999 : i32 to vector<16xi32>
      %add3A_1001 = arith.addi %add3A_992, %add3A_1000 : vector<16xi32>
      %shift_right_arithmetic3A_1002 = arith.constant 4 : i32
      %shift_right_arithmetic3A_1003 = vector.broadcast %shift_right_arithmetic3A_1002 : i32 to vector<16xi32>
      %shift_right_arithmetic3A_1004 = arith.shrsi %add3A_992, %shift_right_arithmetic3A_1003 : vector<16xi32>
      %and3A_1005 = arith.constant 15 : i32
      %and3A_1006 = vector.broadcast %and3A_1005 : i32 to vector<16xi32>
      %and3A_1007 = arith.andi %add3A_992, %and3A_1006 : vector<16xi32>
      %gather3A_1008 = tpu.vector_load_idx %arg15[%shift_right_arithmetic3A_1004, %and3A_1007] : memref<4480x16xf32, #tpu.memory_space<vmem>>[vector<16xi32>, vector<16xi32>], vector<16xf32>,
      %shift_right_arithmetic3A_1009 = arith.constant 4 : i32
      %shift_right_arithmetic3A_1010 = vector.broadcast %shift_right_arithmetic3A_1009 : i32 to vector<16xi32>
      %shift_right_arithmetic3A_1011 = arith.shrsi %add3A_995, %shift_right_arithmetic3A_1010 : vector<16xi32>
      %and3A_1012 = arith.constant 15 : i32
      %and3A_1013 = vector.broadcast %and3A_1012 : i32 to vector<16xi32>
      %and3A_1014 = arith.andi %add3A_995, %and3A_1013 : vector<16xi32>
      %gather3A_1015 = tpu.vector_load_idx %arg15[%shift_right_arithmetic3A_1011, %and3A_1014] : memref<4480x16xf32, #tpu.memory_space<vmem>>[vector<16xi32>, vector<16xi32>], vector<16xf32>,
      %shift_right_arithmetic3A_1016 = arith.constant 4 : i32
      %shift_right_arithmetic3A_1017 = vector.broadcast %shift_right_arithmetic3A_1016 : i32 to vector<16xi32>
      %shift_right_arithmetic3A_1018 = arith.shrsi %add3A_998, %shift_right_arithmetic3A_1017 : vector<16xi32>
      %and3A_1019 = arith.constant 15 : i32
      %and3A_1020 = vector.broadcast %and3A_1019 : i32 to vector<16xi32>
      %and3A_1021 = arith.andi %add3A_998, %and3A_1020 : vector<16xi32>
      %gather3A_1022 = tpu.vector_load_idx %arg15[%shift_right_arithmetic3A_1018, %and3A_1021] : memref<4480x16xf32, #tpu.memory_space<vmem>>[vector<16xi32>, vector<16xi32>], vector<16xf32>,
      %shift_right_arithmetic3A_1023 = arith.constant 4 : i32
      %shift_right_arithmetic3A_1024 = vector.broadcast %shift_right_arithmetic3A_1023 : i32 to vector<16xi32>
      %shift_right_arithmetic3A_1025 = arith.shrsi %add3A_1001, %shift_right_arithmetic3A_1024 : vector<16xi32>
      %and3A_1026 = arith.constant 15 : i32
      %and3A_1027 = vector.broadcast %and3A_1026 : i32 to vector<16xi32>
      %and3A_1028 = arith.andi %add3A_1001, %and3A_1027 : vector<16xi32>
      %gather3A_1029 = tpu.vector_load_idx %arg15[%shift_right_arithmetic3A_1025, %and3A_1028] : memref<4480x16xf32, #tpu.memory_space<vmem>>[vector<16xi32>, vector<16xi32>], vector<16xf32>,
      %mul3A_1030 = arith.mulf %gather3A_986, %gather3A_989 : vector<16xf32>
      %mul3A_1031 = arith.mulf %gather3A_985, %gather3A_989 : vector<16xf32>
      %mul3A_1032 = arith.mulf %gather3A_986, %gather3A_988 : vector<16xf32>
      %mul3A_1033 = arith.mulf %gather3A_985, %gather3A_988 : vector<16xf32>
      %mul3A_1034 = arith.mulf %gather3A_1008, %mul3A_1030 : vector<16xf32>
      %mul3A_1035 = arith.mulf %gather3A_1015, %mul3A_1031 : vector<16xf32>
      %add3A_1036 = arith.addf %mul3A_1034, %mul3A_1035 : vector<16xf32>
      %mul3A_1037 = arith.mulf %gather3A_1022, %mul3A_1032 : vector<16xf32>
      %add3A_1038 = arith.addf %add3A_1036, %mul3A_1037 : vector<16xf32>
      %mul3A_1039 = arith.mulf %gather3A_1029, %mul3A_1033 : vector<16xf32>
      %add3A_1040 = arith.addf %add3A_1038, %mul3A_1039 : vector<16xf32>
      %mul3A_1041 = arith.mulf %add3A_1040, %gather3A_987 : vector<16xf32>
      %mul3A_1042 = arith.mulf %mul3A_1041, %gather3A_990 : vector<16xf32>
      %swap3A_1043 = arith.index_cast %scan3A_907 : i32 to index
      %swap3A_1044 = arith.constant 16 : index
      %swap3A_1045 = tpu.vector_load %arg16[%swap3A_1043, %swap3A_1044] {strides = array<i32>} : memref<160x64xf32, #tpu.memory_space<vmem>>, vector<16xf32>,
      tpu.vector_store %arg16[%swap3A_1043, %swap3A_1044], %mul3A_1042 {strides = array<i32>} : memref<160x64xf32, #tpu.memory_space<vmem>>, vector<16xf32>,
      %add3A_1046 = vector.broadcast %mul3A_909 : i32 to vector<16xi32>
      %add3A_1047 = arith.addi %add3A_1046, %min3A_135 : vector<16xi32>
      %add3A_1048 = vector.broadcast %mul3A_909 : i32 to vector<16xi32>
      %add3A_1049 = arith.addi %add3A_1048, %min3A_128 : vector<16xi32>
      %gather3A_1050 = tpu.vector_load_idx %arg12[%add3A_1047] : memref<1280xi32, #tpu.memory_space<vmem>>[vector<16xi32>], vector<16xi32>,
      %gather3A_1051 = tpu.vector_load_idx %arg6[%add3A_1047] : memref<1280xf32, #tpu.memory_space<vmem>>[vector<16xi32>], vector<16xf32>,
      %gather3A_1052 = tpu.vector_load_idx %arg7[%add3A_1047] : memref<1280xf32, #tpu.memory_space<vmem>>[vector<16xi32>], vector<16xf32>,
      %gather3A_1053 = tpu.vector_load_idx %arg10[%add3A_1047] : memref<1280xf32, #tpu.memory_space<vmem>>[vector<16xi32>], vector<16xf32>,
      %gather3A_1054 = tpu.vector_load_idx %arg8[%add3A_1049] : memref<1280xf32, #tpu.memory_space<vmem>>[vector<16xi32>], vector<16xf32>,
      %gather3A_1055 = tpu.vector_load_idx %arg9[%add3A_1049] : memref<1280xf32, #tpu.memory_space<vmem>>[vector<16xi32>], vector<16xf32>,
      %gather3A_1056 = tpu.vector_load_idx %arg11[%add3A_1049] : memref<1280xf32, #tpu.memory_space<vmem>>[vector<16xi32>], vector<16xf32>,
      %add3A_1057 = arith.addi %add3A_913, %mul3A_138 : vector<16xi32>
      %add3A_1058 = arith.addi %add3A_1057, %gather3A_1050 : vector<16xi32>
      %add3A_1059 = arith.constant 1 : i32
      %add3A_1060 = vector.broadcast %add3A_1059 : i32 to vector<16xi32>
      %add3A_1061 = arith.addi %add3A_1058, %add3A_1060 : vector<16xi32>
      %add3A_1062 = arith.constant 32 : i32
      %add3A_1063 = vector.broadcast %add3A_1062 : i32 to vector<16xi32>
      %add3A_1064 = arith.addi %add3A_1058, %add3A_1063 : vector<16xi32>
      %add3A_1065 = arith.constant 33 : i32
      %add3A_1066 = vector.broadcast %add3A_1065 : i32 to vector<16xi32>
      %add3A_1067 = arith.addi %add3A_1058, %add3A_1066 : vector<16xi32>
      %shift_right_arithmetic3A_1068 = arith.constant 4 : i32
      %shift_right_arithmetic3A_1069 = vector.broadcast %shift_right_arithmetic3A_1068 : i32 to vector<16xi32>
      %shift_right_arithmetic3A_1070 = arith.shrsi %add3A_1058, %shift_right_arithmetic3A_1069 : vector<16xi32>
      %and3A_1071 = arith.constant 15 : i32
      %and3A_1072 = vector.broadcast %and3A_1071 : i32 to vector<16xi32>
      %and3A_1073 = arith.andi %add3A_1058, %and3A_1072 : vector<16xi32>
      %gather3A_1074 = tpu.vector_load_idx %arg15[%shift_right_arithmetic3A_1070, %and3A_1073] : memref<4480x16xf32, #tpu.memory_space<vmem>>[vector<16xi32>, vector<16xi32>], vector<16xf32>,
      %shift_right_arithmetic3A_1075 = arith.constant 4 : i32
      %shift_right_arithmetic3A_1076 = vector.broadcast %shift_right_arithmetic3A_1075 : i32 to vector<16xi32>
      %shift_right_arithmetic3A_1077 = arith.shrsi %add3A_1061, %shift_right_arithmetic3A_1076 : vector<16xi32>
      %and3A_1078 = arith.constant 15 : i32
      %and3A_1079 = vector.broadcast %and3A_1078 : i32 to vector<16xi32>
      %and3A_1080 = arith.andi %add3A_1061, %and3A_1079 : vector<16xi32>
      %gather3A_1081 = tpu.vector_load_idx %arg15[%shift_right_arithmetic3A_1077, %and3A_1080] : memref<4480x16xf32, #tpu.memory_space<vmem>>[vector<16xi32>, vector<16xi32>], vector<16xf32>,
      %shift_right_arithmetic3A_1082 = arith.constant 4 : i32
      %shift_right_arithmetic3A_1083 = vector.broadcast %shift_right_arithmetic3A_1082 : i32 to vector<16xi32>
      %shift_right_arithmetic3A_1084 = arith.shrsi %add3A_1064, %shift_right_arithmetic3A_1083 : vector<16xi32>
      %and3A_1085 = arith.constant 15 : i32
      %and3A_1086 = vector.broadcast %and3A_1085 : i32 to vector<16xi32>
      %and3A_1087 = arith.andi %add3A_1064, %and3A_1086 : vector<16xi32>
      %gather3A_1088 = tpu.vector_load_idx %arg15[%shift_right_arithmetic3A_1084, %and3A_1087] : memref<4480x16xf32, #tpu.memory_space<vmem>>[vector<16xi32>, vector<16xi32>], vector<16xf32>,
      %shift_right_arithmetic3A_1089 = arith.constant 4 : i32
      %shift_right_arithmetic3A_1090 = vector.broadcast %shift_right_arithmetic3A_1089 : i32 to vector<16xi32>
      %shift_right_arithmetic3A_1091 = arith.shrsi %add3A_1067, %shift_right_arithmetic3A_1090 : vector<16xi32>
      %and3A_1092 = arith.constant 15 : i32
      %and3A_1093 = vector.broadcast %and3A_1092 : i32 to vector<16xi32>
      %and3A_1094 = arith.andi %add3A_1067, %and3A_1093 : vector<16xi32>
      %gather3A_1095 = tpu.vector_load_idx %arg15[%shift_right_arithmetic3A_1091, %and3A_1094] : memref<4480x16xf32, #tpu.memory_space<vmem>>[vector<16xi32>, vector<16xi32>], vector<16xf32>,
      %mul3A_1096 = arith.mulf %gather3A_1052, %gather3A_1055 : vector<16xf32>
      %mul3A_1097 = arith.mulf %gather3A_1051, %gather3A_1055 : vector<16xf32>
      %mul3A_1098 = arith.mulf %gather3A_1052, %gather3A_1054 : vector<16xf32>
      %mul3A_1099 = arith.mulf %gather3A_1051, %gather3A_1054 : vector<16xf32>
      %mul3A_1100 = arith.mulf %gather3A_1074, %mul3A_1096 : vector<16xf32>
      %mul3A_1101 = arith.mulf %gather3A_1081, %mul3A_1097 : vector<16xf32>
      %add3A_1102 = arith.addf %mul3A_1100, %mul3A_1101 : vector<16xf32>
      %mul3A_1103 = arith.mulf %gather3A_1088, %mul3A_1098 : vector<16xf32>
      %add3A_1104 = arith.addf %add3A_1102, %mul3A_1103 : vector<16xf32>
      %mul3A_1105 = arith.mulf %gather3A_1095, %mul3A_1099 : vector<16xf32>
      %add3A_1106 = arith.addf %add3A_1104, %mul3A_1105 : vector<16xf32>
      %mul3A_1107 = arith.mulf %add3A_1106, %gather3A_1053 : vector<16xf32>
      %mul3A_1108 = arith.mulf %mul3A_1107, %gather3A_1056 : vector<16xf32>
      %swap3A_1109 = arith.index_cast %scan3A_907 : i32 to index
      %swap3A_1110 = arith.constant 32 : index
      %swap3A_1111 = tpu.vector_load %arg16[%swap3A_1109, %swap3A_1110] {strides = array<i32>} : memref<160x64xf32, #tpu.memory_space<vmem>>, vector<16xf32>,
      tpu.vector_store %arg16[%swap3A_1109, %swap3A_1110], %mul3A_1108 {strides = array<i32>} : memref<160x64xf32, #tpu.memory_space<vmem>>, vector<16xf32>,
      %add3A_1112 = vector.broadcast %mul3A_909 : i32 to vector<16xi32>
      %add3A_1113 = arith.addi %add3A_1112, %min3A_182 : vector<16xi32>
      %add3A_1114 = vector.broadcast %mul3A_909 : i32 to vector<16xi32>
      %add3A_1115 = arith.addi %add3A_1114, %min3A_175 : vector<16xi32>
      %gather3A_1116 = tpu.vector_load_idx %arg12[%add3A_1113] : memref<1280xi32, #tpu.memory_space<vmem>>[vector<16xi32>], vector<16xi32>,
      %gather3A_1117 = tpu.vector_load_idx %arg6[%add3A_1113] : memref<1280xf32, #tpu.memory_space<vmem>>[vector<16xi32>], vector<16xf32>,
      %gather3A_1118 = tpu.vector_load_idx %arg7[%add3A_1113] : memref<1280xf32, #tpu.memory_space<vmem>>[vector<16xi32>], vector<16xf32>,
      %gather3A_1119 = tpu.vector_load_idx %arg10[%add3A_1113] : memref<1280xf32, #tpu.memory_space<vmem>>[vector<16xi32>], vector<16xf32>,
      %gather3A_1120 = tpu.vector_load_idx %arg8[%add3A_1115] : memref<1280xf32, #tpu.memory_space<vmem>>[vector<16xi32>], vector<16xf32>,
      %gather3A_1121 = tpu.vector_load_idx %arg9[%add3A_1115] : memref<1280xf32, #tpu.memory_space<vmem>>[vector<16xi32>], vector<16xf32>,
      %gather3A_1122 = tpu.vector_load_idx %arg11[%add3A_1115] : memref<1280xf32, #tpu.memory_space<vmem>>[vector<16xi32>], vector<16xf32>,
      %add3A_1123 = arith.addi %add3A_913, %mul3A_185 : vector<16xi32>
      %add3A_1124 = arith.addi %add3A_1123, %gather3A_1116 : vector<16xi32>
      %add3A_1125 = arith.constant 1 : i32
      %add3A_1126 = vector.broadcast %add3A_1125 : i32 to vector<16xi32>
      %add3A_1127 = arith.addi %add3A_1124, %add3A_1126 : vector<16xi32>
      %add3A_1128 = arith.constant 32 : i32
      %add3A_1129 = vector.broadcast %add3A_1128 : i32 to vector<16xi32>
      %add3A_1130 = arith.addi %add3A_1124, %add3A_1129 : vector<16xi32>
      %add3A_1131 = arith.constant 33 : i32
      %add3A_1132 = vector.broadcast %add3A_1131 : i32 to vector<16xi32>
      %add3A_1133 = arith.addi %add3A_1124, %add3A_1132 : vector<16xi32>
      %shift_right_arithmetic3A_1134 = arith.constant 4 : i32
      %shift_right_arithmetic3A_1135 = vector.broadcast %shift_right_arithmetic3A_1134 : i32 to vector<16xi32>
      %shift_right_arithmetic3A_1136 = arith.shrsi %add3A_1124, %shift_right_arithmetic3A_1135 : vector<16xi32>
      %and3A_1137 = arith.constant 15 : i32
      %and3A_1138 = vector.broadcast %and3A_1137 : i32 to vector<16xi32>
      %and3A_1139 = arith.andi %add3A_1124, %and3A_1138 : vector<16xi32>
      %gather3A_1140 = tpu.vector_load_idx %arg15[%shift_right_arithmetic3A_1136, %and3A_1139] : memref<4480x16xf32, #tpu.memory_space<vmem>>[vector<16xi32>, vector<16xi32>], vector<16xf32>,
      %shift_right_arithmetic3A_1141 = arith.constant 4 : i32
      %shift_right_arithmetic3A_1142 = vector.broadcast %shift_right_arithmetic3A_1141 : i32 to vector<16xi32>
      %shift_right_arithmetic3A_1143 = arith.shrsi %add3A_1127, %shift_right_arithmetic3A_1142 : vector<16xi32>
      %and3A_1144 = arith.constant 15 : i32
      %and3A_1145 = vector.broadcast %and3A_1144 : i32 to vector<16xi32>
      %and3A_1146 = arith.andi %add3A_1127, %and3A_1145 : vector<16xi32>
      %gather3A_1147 = tpu.vector_load_idx %arg15[%shift_right_arithmetic3A_1143, %and3A_1146] : memref<4480x16xf32, #tpu.memory_space<vmem>>[vector<16xi32>, vector<16xi32>], vector<16xf32>,
      %shift_right_arithmetic3A_1148 = arith.constant 4 : i32
      %shift_right_arithmetic3A_1149 = vector.broadcast %shift_right_arithmetic3A_1148 : i32 to vector<16xi32>
      %shift_right_arithmetic3A_1150 = arith.shrsi %add3A_1130, %shift_right_arithmetic3A_1149 : vector<16xi32>
      %and3A_1151 = arith.constant 15 : i32
      %and3A_1152 = vector.broadcast %and3A_1151 : i32 to vector<16xi32>
      %and3A_1153 = arith.andi %add3A_1130, %and3A_1152 : vector<16xi32>
      %gather3A_1154 = tpu.vector_load_idx %arg15[%shift_right_arithmetic3A_1150, %and3A_1153] : memref<4480x16xf32, #tpu.memory_space<vmem>>[vector<16xi32>, vector<16xi32>], vector<16xf32>,
      %shift_right_arithmetic3A_1155 = arith.constant 4 : i32
      %shift_right_arithmetic3A_1156 = vector.broadcast %shift_right_arithmetic3A_1155 : i32 to vector<16xi32>
      %shift_right_arithmetic3A_1157 = arith.shrsi %add3A_1133, %shift_right_arithmetic3A_1156 : vector<16xi32>
      %and3A_1158 = arith.constant 15 : i32
      %and3A_1159 = vector.broadcast %and3A_1158 : i32 to vector<16xi32>
      %and3A_1160 = arith.andi %add3A_1133, %and3A_1159 : vector<16xi32>
      %gather3A_1161 = tpu.vector_load_idx %arg15[%shift_right_arithmetic3A_1157, %and3A_1160] : memref<4480x16xf32, #tpu.memory_space<vmem>>[vector<16xi32>, vector<16xi32>], vector<16xf32>,
      %mul3A_1162 = arith.mulf %gather3A_1118, %gather3A_1121 : vector<16xf32>
      %mul3A_1163 = arith.mulf %gather3A_1117, %gather3A_1121 : vector<16xf32>
      %mul3A_1164 = arith.mulf %gather3A_1118, %gather3A_1120 : vector<16xf32>
      %mul3A_1165 = arith.mulf %gather3A_1117, %gather3A_1120 : vector<16xf32>
      %mul3A_1166 = arith.mulf %gather3A_1140, %mul3A_1162 : vector<16xf32>
      %mul3A_1167 = arith.mulf %gather3A_1147, %mul3A_1163 : vector<16xf32>
      %add3A_1168 = arith.addf %mul3A_1166, %mul3A_1167 : vector<16xf32>
      %mul3A_1169 = arith.mulf %gather3A_1154, %mul3A_1164 : vector<16xf32>
      %add3A_1170 = arith.addf %add3A_1168, %mul3A_1169 : vector<16xf32>
      %mul3A_1171 = arith.mulf %gather3A_1161, %mul3A_1165 : vector<16xf32>
      %add3A_1172 = arith.addf %add3A_1170, %mul3A_1171 : vector<16xf32>
      %mul3A_1173 = arith.mulf %add3A_1172, %gather3A_1119 : vector<16xf32>
      %mul3A_1174 = arith.mulf %mul3A_1173, %gather3A_1122 : vector<16xf32>
      %swap3A_1175 = arith.index_cast %scan3A_907 : i32 to index
      %swap3A_1176 = arith.constant 48 : index
      %swap3A_1177 = tpu.vector_load %arg16[%swap3A_1175, %swap3A_1176] {strides = array<i32>} : memref<160x64xf32, #tpu.memory_space<vmem>>, vector<16xf32>,
      tpu.vector_store %arg16[%swap3A_1175, %swap3A_1176], %mul3A_1174 {strides = array<i32>} : memref<160x64xf32, #tpu.memory_space<vmem>>, vector<16xf32>,
    }
    %scan3A_636 = arith.constant 80 : i32
    "tpu.region"() ({
      %run_scoped3A = tpu.sem_alloc : memref<!tpu.dma_semaphore, #tpu.memory_space<semaphore_mem>>
      %dma_start3A = arith.constant 0 : i32
      %dma_start3A_637 = arith.constant 0 : i32
      %dma_start3A_638 = tpu.memref_slice %arg4[%add3A, %dma_start3A, %dma_start3A_637] : memref<32x160x64xf32, #tpu.memory_space<hbm>> -> memref<1x160x64xf32, #tpu.memory_space<hbm>>
      %dma_start3A_639 = tpu.memref_squeeze %dma_start3A_638 : memref<1x160x64xf32, #tpu.memory_space<hbm>> -> memref<160x64xf32, #tpu.memory_space<hbm>>
      %dma_start3A_640 = arith.constant 0 : i32
      %dma_start3A_641 = arith.constant 0 : i32
      %dma_start3A_642 = tpu.memref_slice %arg4[%add3A, %dma_start3A_640, %dma_start3A_641] : memref<32x160x64xf32, #tpu.memory_space<hbm>> -> memref<1x160x64xf32, #tpu.memory_space<hbm>>
      %dma_start3A_643 = tpu.memref_squeeze %dma_start3A_642 : memref<1x160x64xf32, #tpu.memory_space<hbm>> -> memref<160x64xf32, #tpu.memory_space<hbm>>
      tpu.enqueue_dma source(%arg16 : memref<160x64xf32, #tpu.memory_space<vmem>>) target(%dma_start3A_643 : memref<160x64xf32, #tpu.memory_space<hbm>>) target_semaphore(%run_scoped3A : memref<!tpu.dma_semaphore, #tpu.memory_space<semaphore_mem>>)
      %dma_wait3A_644 = arith.constant 0 : i32
      %dma_wait3A_645 = arith.constant 0 : i32
      %dma_wait3A_646 = tpu.memref_slice %arg4[%add3A, %dma_wait3A_644, %dma_wait3A_645] : memref<32x160x64xf32, #tpu.memory_space<hbm>> -> memref<1x160x64xf32, #tpu.memory_space<hbm>>
      %dma_wait3A_647 = tpu.memref_squeeze %dma_wait3A_646 : memref<1x160x64xf32, #tpu.memory_space<hbm>> -> memref<160x64xf32, #tpu.memory_space<hbm>>
      %dma_wait3A_648 = arith.constant 0 : i32
      %dma_wait3A_649 = arith.constant 0 : i32
      %dma_wait3A_650 = tpu.memref_slice %arg4[%add3A, %dma_wait3A_648, %dma_wait3A_649] : memref<32x160x64xf32, #tpu.memory_space<hbm>> -> memref<1x160x64xf32, #tpu.memory_space<hbm>>
      %dma_wait3A_651 = tpu.memref_squeeze %dma_wait3A_650 : memref<1x160x64xf32, #tpu.memory_space<hbm>> -> memref<160x64xf32, #tpu.memory_space<hbm>>
      tpu.wait_dma2 semaphore(%run_scoped3A : memref<!tpu.dma_semaphore, #tpu.memory_space<semaphore_mem>>) src(%arg16 : memref<160x64xf32, #tpu.memory_space<vmem>>) dst(%dma_wait3A_651 : memref<160x64xf32, #tpu.memory_space<hbm>>)
      tpu.yield
    }) : () -> ()
    return
  }
}

</mosaic_0001>

<sc_bundles>
// kernel: kernel.3.cloned.1.call-start
scs
__scs_entry_jumppad:
0x0: {  	(pc) =	sbr.rel $0x88, $3  }
0x1: {  	(tag) =	ssettag $0x0;
	lr =	simm.s32 $0x1  }
0x2: {  	[smem:$0x3F9F] =	sst lr;
	_ =	strace $0xD0000000  }
0x3: {  	_ = 	snop  }
0x4: {  	_ = 	snop  }
0x5: {  	_ = 	snop  }
0x6: {  	_ = 	snop  }
0x7: {  	_ = 	snop  }
__scs_overlays_trampoline_lowered:
0x8: {  	[smem:$0x3FAE] =	sst s0  }
0x9: {  	[smem:$0x3FAF] =	sst s1  }
0xa: {  	[smem:$0x3FB0] =	sst s2  }
0xb: {  	[smem:$0x3FB1] =	sst s3  }
0xc: {  	[smem:$0x3FB2] =	sst s4  }
0xd: {  	[smem:$0x3FB3] =	sst s5  }
0xe: {  	[smem:$0x3FB4] =	sst s6  }
0xf: {  	[smem:$0x3FB5] =	sst s7  }
0x10: {  	[smem:$0x3FB6] =	sst s8  }
0x11: {  	[smem:$0x3FB7] =	sst s9;
	s0 =	simm.s32 @!p0 $0x0  }
0x12: {  	s1 =	sld [smem:$0x3F9D];
	s0 =	simm.s32 @p0 $0x1  }
0x13: {  	[smem:$0x3FB8] =	sst s0;
	s0 =	simm.s32 @!p1 $0x0  }
0x14: {  	s2 =	sld [smem:$0x3F9C];
	s0 =	simm.s32 @p1 $0x1  }
0x15: {  	[smem:$0x3FB9] =	sst s0;
	s0 =	simm.s32 @!p2 $0x0  }
0x16: {  	s3 =	sld [smem:$0x3FDB];
	s0 =	simm.s32 @p2 $0x1  }
0x17: {  	s4 =	simm.s32 $0x1BF5;
	[smem:$0x3FBB] =	sst s0  }
0x18: {  	s0 =	sld [smem:$0x3F9E];
	_ =	swait.ge [sflag:s4], $0x0  }
0x19: {  	s7 =	sld [smem:$0x3F9F]  }
0x1a: {  	s8 =	sadd.s32 $0xFFFFE003, lr  }
0x1b: {  	s9 =	sadd.s32 $0xFFFFFEF7, lr;
	s5 =	simm.s32 $0xFFFFFFFF;
	p2 =	slt.u32 s8, $0xFFFFF086  }
0x1c: {  	p1 =	slt.u32 s9, $0xF7A;
	s5 =	simm.s32 @!p2 $0x0  }
0x1d: {  	s5 =	simm.s32 @p1 $0x1;
	p0 =	seq.s32 s7, s2  }
0x1e: {  	s7 =	smul.u32 @!p0 $0xF7A, s2;
	p2 =	seq.s32 @!p0 s5, $0x0  }
0x1f: {  	s9 =	smul.u32 $0xF7A, s1;
	s8 =	simm.s32 @!p0 $0x1BF5;
	p2 =	por !p2, p0  }
0x20: {  	[sflag:s8] =	ssyncset.s32 @!p0 $0xFFFFF086;
	s6 =	sadd.s32 @!p0 s3, s7;
	s7 =	simm.s32 @!p0 $0x108  }
0x21: {  	s3 =	sadd.s32 s3, s9;
	s6 =	sadd.s32 @!p0 $0x88, s6;
	s7 =	simm.s32 @p2 $0x1082  }
0x22: {  	[simem:s7], [sflag:s8] =	dma.local @!p0 [hbm:s6], $0xF7A  }
0x23: {  	s9 =	sor.u32 $0xD0000000, s2;
	s6 =	simm.s32 $0x108;
	_ =	swait.ge @!p0 [sflag:s8], $0x0  }
0x24: {  	s3 =	sadd.s32 $0x88, s3;
	s6 =	simm.s32 @!p1 $0x1082;
	[sflag:s4] =	ssyncset.s32 $0xFFFFF086  }
0x25: {  	[simem:s6], [sflag:s4] =	dma.local [hbm:s3], $0xF7A  }
0x26: {  	[smem:$0x3F9F] =	sst s1;
	(tag) =	ssettag s2;
	_ =	strace s9  }
0x27: {  	s1 =	sld [smem:$0x3FAF]  }
0x28: {  	s2 =	sld [smem:$0x3FB0]  }
0x29: {  	s4 =	sld [smem:$0x3FB2]  }
0x2a: {  	p0 =	seq.s32 s5, $0x0;
	s5 =	sld [smem:$0x3FB3]  }
0x2b: {  	s6 =	sld [smem:$0x3FB4]  }
0x2c: {  	s7 =	sld [smem:$0x3FB5]  }
0x2d: {  	s3 =	simm.s32 $0x108;
	s8 =	sld [smem:$0x3FB6]  }
0x2e: {  	s3 =	simm.s32 @!p0 $0x1082;
	s9 =	sld [smem:$0x3FB7]  }
0x2f: {  	lr =	sadd.s32 s0, s3;
	s0 =	sld [smem:$0x3FAE]  }
0x30: {  	s3 =	sld [smem:$0x3FB1]  }
0x31: {  	[smem:$0x3FBA] =	sst s10  }
0x32: {  	s10 =	sld [smem:$0x3FB8];
	_ =	sdelay $0x3  }
0x33: {  	p0 =	seq.s32 s10, $0x1;
	s10 =	sld [smem:$0x3FBA];
	_ =	sdelay $0x3  }
0x34: {  	[smem:$0x3FBA] =	sst s10  }
0x35: {  	s10 =	sld [smem:$0x3FB9];
	_ =	sdelay $0x3  }
0x36: {  	p1 =	seq.s32 s10, $0x1;
	s10 =	sld [smem:$0x3FBA];
	_ =	sdelay $0x3  }
0x37: {  	[smem:$0x3FBA] =	sst s10  }
0x38: {  	s10 =	sld [smem:$0x3FBB]  }
0x39: {  	_ = 	snop;
	(pc) =	sbr.ind lr, $3  }
0x3a: {  	_ = 	snop  }
0x3b: {  	_ = 	snop  }
0x3c: {  	p2 =	seq.s32 s10, $0x1;
	s10 =	sld [smem:$0x3FBA]  }
0x3d: {  	_ =	shalt  }
0x3e: {  	_ =	shalt  }
0x3f: {  	_ =	shalt  }
0x40: {  	_ =	shalt  }
0x41: {  	_ =	shalt  }
0x42: {  	_ =	shalt  }
0x43: {  	_ =	shalt  }
0x44: {  	_ =	shalt  }
0x45: {  	_ =	shalt  }
0x46: {  	_ =	shalt  }
0x47: {  	_ =	shalt  }
0x48: {  	_ =	shalt  }
0x49: {  	_ =	shalt  }
0x4a: {  	_ =	shalt  }
0x4b: {  	_ =	shalt  }
0x4c: {  	_ =	shalt  }
0x4d: {  	_ =	shalt  }
0x4e: {  	_ =	shalt  }
0x4f: {  	_ =	shalt  }
0x50: {  	_ =	shalt  }
0x51: {  	_ =	shalt  }
0x52: {  	_ =	shalt  }
0x53: {  	_ =	shalt  }
0x54: {  	_ =	shalt  }
0x55: {  	_ =	shalt  }
0x56: {  	_ =	shalt  }
0x57: {  	_ =	shalt  }
0x58: {  	_ =	shalt  }
0x59: {  	_ =	shalt  }
0x5a: {  	_ =	shalt  }
0x5b: {  	_ =	shalt  }
0x5c: {  	_ =	shalt  }
0x5d: {  	_ =	shalt  }
0x5e: {  	_ =	shalt  }
0x5f: {  	_ =	shalt  }
0x60: {  	_ =	shalt  }
0x61: {  	_ =	shalt  }
0x62: {  	_ =	shalt  }
0x63: {  	_ =	shalt  }
0x64: {  	_ =	shalt  }
0x65: {  	_ =	shalt  }
0x66: {  	_ =	shalt  }
0x67: {  	_ =	shalt  }
0x68: {  	_ =	shalt  }
0x69: {  	_ =	shalt  }
0x6a: {  	_ =	shalt  }
0x6b: {  	_ =	shalt  }
0x6c: {  	_ =	shalt  }
0x6d: {  	_ =	shalt  }
0x6e: {  	_ =	shalt  }
0x6f: {  	_ =	shalt  }
0x70: {  	_ =	shalt  }
0x71: {  	_ =	shalt  }
0x72: {  	_ =	shalt  }
0x73: {  	_ =	shalt  }
0x74: {  	_ =	shalt  }
0x75: {  	_ =	shalt  }
0x76: {  	_ =	shalt  }
0x77: {  	_ =	shalt  }
0x78: {  	_ =	shalt  }
0x79: {  	_ =	shalt  }
0x7a: {  	_ =	shalt  }
0x7b: {  	_ =	shalt  }
0x7c: {  	_ =	shalt  }
0x7d: {  	_ =	shalt  }
0x7e: {  	_ =	shalt  }
0x7f: {  	_ =	shalt  }
0x80: {  	_ =	shalt  }
0x81: {  	_ =	shalt  }
0x82: {  	_ =	shalt  }
0x83: {  	_ =	shalt  }
0x84: {  	_ =	shalt  }
0x85: {  	_ =	shalt  }
0x86: {  	_ =	shalt  }
0x87: {  	_ =	shalt  }
.Lfunc_end0:
.L_simem_size_0:
called_computation_lowered:
.L_overlay_start_0:
0x88: {  	s2 =	sld [smem:$0x3FD9]  }
0x89: {  	s3 =	sld [smem:$0x3FFE];
	_ =	sdelay $0x1  }
0x8a: {  	s1 =	srdreg.scid  }
0x8b: {  	s0 =	sand.u32 $0x1, s1  }
0x8c: {  	s17 =	sshll.u32 s0, $0xA;
	s2 =	sadd.s32 s3, s2  }
0x8d: {  	s2 =	sadd.s32 s2, s17  }
0x8e: {  	[smem:$0x3FC6] =	sst s2  }
0x8f: {  	_ = 	snop  }
0x90: {  	s2 =	sld [smem:$0x3FD0];
	(tm) =	ssettm $0x1  }
0x91: {  	s18 =	sld [smem:$0x3FFB];
	_ =	sdelay $0x3  }
0x92: {  	_ =	strace s18  }
0x93: {  	s3 =	sld [smem:$0x3FFC];
	_ =	sdelay $0x3  }
0x94: {  	_ =	strace s3  }
0x95: {  	s3 =	sld [smem:$0x3FFD];
	_ =	sdelay $0x3  }
0x96: {  	_ =	strace s3  }
0x97: {  	_ =	strace $0x8FFFFFFF  }
0x98: {  	s19 =	sld [smem:$0x3FDB];
	_ =	sdelay $0x1  }
0x99: {  	s4 =	simm.s32 $_scs_section_size  }
0x9a: {  	s5 =	simm.s32 $_size__tile_overlayer_lowered;
	s6 =	simm.s32 $_tile_overlayer_lowered  }
0x9b: {  	s22 =	simm.s32 $0x1BFF;
	s21 =	sshll.u32 s6, $0x1;
	s3 =	sadd.s32 s4, s19  }
0x9c: {  	s7 =	simm.s32 $0x0;
	s20 =	sshll.u32 s5, $0x1;
	s5 =	sadd.s32 s21, s3  }
0x9d: {  	[timem:s7], [sflag:s22] =	dma.local [hbm:s5], s20  }
0x9e: {  	_ =	swait.ge [sflag:s22], s20  }
0x9f: {  	s4 =	ssub.s32 $0x0, s20;
	[sflag:s22] =	ssyncset.done $0x0  }
0xa0: {  	[sflag:s22] =	ssyncadd.s32 s4;
	_ =	sdelay $0x1  }
0xa1: {  	s23 =	simm.s32 $0x1B8B  }
0xa2: {  	_ =	swait.ge [sflag:s23], $0x1  }
0xa3: {  	[sflag:s23] =	ssyncset.done $0x0  }
0xa4: {  	s25 =	simm.s32 $0x1B8E;
	s24 =	sld [smem:$0x3FFE];
	[sflag:s23] =	ssyncadd.s32 $0xFFFFFFFF  }
0xa5: {  	s26 =	simm.s32 $execute0_lowered;
	[smem:$0x3FD2] =	sst s25  }
0xa6: {  	s5 =	sshll.u32 s26, $0x1;
	_ =	strace $0x80000046;
	[dreg:$0x1] =	wrdreg $0xFFFFFFFF  }
0xa7: {  	s28 =	simm.s32 $_size_execute0_lowered;
	s3 =	sadd.s32 s3, s5;
	[dreg:$0x0] =	wrdreg $0x0  }
0xa8: {  	s5 =	sshll.u32 s28, $0x1;
	[dreg:$0x2] =	wrdreg s3  }
0xa9: {  	[dreg:$0x3] =	wrdreg s5  }
0xaa: {  	[dreg:$0x4] =	wrdreg $0xC0  }
0xab: {  	_ =	task [dreg:s7], $0x5FFFF  }
0xac: {  	[dreg:$0x1] =	wrdreg $0xFFFFFFFF  }
0xad: {  	[dreg:$0x0] =	wrdreg $0x60  }
0xae: {  	[dreg:$0x2] =	wrdreg s24  }
0xaf: {  	[dreg:$0x3] =	wrdreg s2  }
0xb0: {  	[dreg:$0x4] =	wrdreg $0x9  }
0xb1: {  	_ =	task.clear_ibuf [dreg:s7], $0x5FFFF;
	_ =	strace $0x90000046  }
0xb2: {  	s29 =	simm.s32 $0x9;
	_ =	strace $0x80000048  }
0xb3: {  	_ =	swait.ge [sflag:s29], $0x1  }
0xb4: {  	[sflag:s29] =	ssyncadd.s32 $0xFFFFFFFF  }
0xb5: {  	_ =	strace $0x90000048  }
0xb6: {  	_ =	sfence  }
0xb7: {  	s30 =	sld [smem:$0x0];
	_ =	sdelay $0x2  }
0xb8: {  	s31 =	sshll.u32 s1, $0xD;
	s1 =	sshrl.u32 s1, $0x2  }
0xb9: {  	s3 =	sand.u32 $0x4000, s31;
	s1 =	sadd.s32 s1, s30  }
0xba: {  	s0 =	sor.u32 s3, s0;
	s1 =	sshll.u32 s1, $0x11  }
0xbb: {  	s0 =	sor.u32 s1, s0  }
0xbc: {  	s0 =	sadd.s32 $0x8F2B, s0  }
0xbd: {  	[sflag:s0] =	ssyncadd.remote.s32 $0x1  }
0xbe: {  	_ =	sfence.sel $0xFFFF  }
0xbf: {  	[dreg:$0x0] =	wrdreg $0xFFFFFFFF;
	(pc) =	sbr.abs _section_cstart, $3  }
0xc0: {  	[dreg:$0x1] =	wrdreg $0xFFFFFFFF  }
0xc1: {  	_ =	task.clear_ibuf [dreg:s7], $0x2FFFF;
	_ =	strace $0x9FFFFFFF  }
0xc2: {  	(tm) =	ssettm $0x7FFFFFFF  }
0xc3: {  	_ =	shalt  }
tec
execute0_lowered:
.L_overlay_start_1:
0x0: {  	(tag) =	ssettag $0x1  }
0x1: {  	v0 =	vlaneseq.u32  }
0x2: {  	v1 =	vimm.s32 $0x0;
	v3 =	vimm.s32 $0x8;
	vm2 =	vcmask $0xF00  }
0x3: {  	vm0 =	vcmask $0x1F10;
	v4 =	vimm.s32 $0x11100100;
	vm1 =	vcmask $0x2F20  }
0x4: {  	v6 =	vimm.s32 $0x11;
	v7 =	vimm.s32 $0x1A;
	v8 =	vimm.s32 $0x10654321  }
0x5: {  	v11 =	vimm.s32 $0x6543210;
	vm11 =	vcmask $0x1B00;
	v12 =	vimm.s32 $0x32106543  }
0x6: {  	v13 =	vimm.s32 $0x21065432;
	v14 =	vimm.s32 $0x2;
	vm12 =	vcmask $0x371C  }
0x7: {  	v15 =	vimm.s32 $0x80;
	vm4 =	vcmask $0x1300;
	vm3 =	vcmask $0x2F14  }
0x8: {  	v16 =	vimm.s32 $0x54321065;
	v17 =	vimm.s32 $0x43210654;
	v18 =	vimm.s32 $0x5040404  }
0x9: {  	v20 =	vimm.s32 $0x121;
	vm13 =	vcmask $0x2710;
	vm14 =	vcmask $0xB00  }
0xa: {  	v22 =	vimm.s32 $0x1A1;
	v23 =	vimm.s32 $0x81;
	v24 =	vimm.s32 $0xA1  }
0xb: {  	vm15 =	vcmask $0x270C;
	v2 =	vshrl.u32 v0, $0x2;
	v3 =	vsel vm2, $0x4, v3  }
0xc: {  	v6 =	vsel vm2, $0xD, v6;
	v7 =	vsel vm2, $0x16, v7;
	v10 =	vunpack.c.l.s4.s8 v8  }
0xd: {  	v11 =	vunpack.c.l.s4.s8 v11;
	v12 =	vunpack.c.l.s4.s8 v12;
	v13 =	vunpack.c.l.s4.s8 v13  }
0xe: {  	v14 =	vsel vm11, $0x0, v14;
	v19 =	vsel vm11, $0x0, v15;
	v15 =	vimm.s32 $0x101  }
0xf: {  	v16 =	vunpack.c.l.s4.s8 v16;
	v17 =	vunpack.c.l.s4.s8 v17;
	v18 =	vunpack.c.0.s8.s32 v18  }
0x10: {  	v22 =	vsel vm14, $0x121, v22;
	v23 =	vsel vm11, $0x1, v23;
	v24 =	vsel vm11, $0x21, v24  }
0x11: {  	v5 =	vsel vm0, $0x5, v3;
	v3 =	vunpack.c.0.s8.s32 v4;
	v6 =	vsel vm0, $0xE, v6  }
0x12: {  	s4 =	rddreg [dreg:$0x0];
	v9 =	vsel vm0, $0x18, v7;
	v7 =	vadd.s32 $0x12, v2;
	v15 =	vsel vm4, $0x81, v15  }
0x13: {  	s1 =	srdreg.scid;
	s0 =	stileid.u32;
	v19 =	vsel vm12, $0x40, v19;
	v22 =	vsel vm15, $0x161, v22;
	v23 =	vsel vm12, $0x41, v23  }
0x14: {  	s5 =	rddreg [dreg:$0x1];
	s2 =	simm.s32 $0x0;
	s10 =	simm.s32 $0x1720;
	v24 =	vsel vm12, $0x61, v24;
	v4 =	vsel vm1, $0x6, v5;
	v5 =	vadd.s32 $0x9, v2  }
0x15: {  	s11 =	simm.s32 $0x2120;
	s12 =	simm.s32 $0xD20;
	s13 =	simm.s32 $0x1220;
	v6 =	vsel vm1, $0x10, v6;
	v8 =	vsel vm1, $0x19, v9;
	v9 =	vadd.s32 $0x1B, v2  }
0x16: {  	s14 =	simm.s32 $0x1C20;
	s15 =	simm.s32 $0x2620;
	s16 =	simm.s32 $0x70;
	v10 =	vunpack.c.0.s8.s32 v10;
	v11 =	vunpack.c.0.s8.s32 v11;
	v12 =	vunpack.c.0.s8.s32 v12  }
0x17: {  	s17 =	simm.s32 $0x1;
	s18 =	simm.s32 $0x3CA0;
	s19 =	simm.s32 $0x2;
	v13 =	vunpack.c.0.s8.s32 v13;
	v15 =	vsel vm3, $0xC1, v15;
	v21 =	vunpack.c.0.s8.s32 v16  }
0x18: {  	s20 =	simm.s32 $0x154A0;
	s3 =	sand.u32 $0x1, s1;
	s6 =	sshll.u32 s0, $0x1;
	v17 =	vunpack.c.0.s8.s32 v17;
	v16 =	vsel vm4, $0xA1, v20;
	v18 =	vnsel vm2, $0x6, v18  }
0x19: {  	s21 =	simm.s32 $0x0;
	s1 =	rddreg [dreg:$0x2];
	s6 =	sor.u32 s3, s6;
	v20 =	vimm.s32 $0x180;
	v16 =	vsel vm3, $0xE1, v16;
	v18 =	vsel vm13, $0x5, v18  }
0x1a: {  	[smem:$0x7FF] =	sst s2;
	s8 =	ssub.s32 $0x2, s3;
	s7 =	smul.u32 $0x500, s6;
	v20 =	vsel vm14, $0x100, v20;
	v10 =	vcombine.low v11, v10;
	v11 =	vsel vm12, $0x1, v14  }
0x1b: {  	_ =	strace $0x80000047;
	s9 =	sshrl.u32 s8, $0x1;
	s6 =	smul.u32 $0x64, s6;
	v12 =	vcombine.low v13, v12;
	v13 =	vimm.s32 $0x4;
	v14 =	vimm.s32 $0x100  }
0x1c: {  	s3 =	sadd.s32 $0x800, s4;
	s8 =	ssub.s32 s8, s9;
	s9 =	simm.s32 $0x820;
	v17 =	vcombine.low v17, v21;
	v21 =	vimm.s32 $0x181;
	v20 =	vsel vm15, $0x140, v20  }
0x1d: {  	s7 =	sadd.s32 s7, s4;
	s4 =	sadd.s32 s5, s6;
	s6 =	smax.u32 s8, $0x1;
	v13 =	vsel vm4, $0x2, v13;
	v14 =	vsel vm4, $0x80, v14;
	v21 =	vsel vm14, $0x101, v21  }
0x1e: {  	s8 =	simm.s32 $0x320;
	s5 =	sadd.s32 $0x10800, s7;
	s7 =	simm.s32 $0x3;
	v13 =	vsel vm3, $0x3, v13;
	v14 =	vsel vm3, $0xC0, v14;
	v21 =	vsel vm15, $0x141, v21  }
.LBB2_1:
0x1f: {  	[tilespmem:s2], [sflag:$0x3] =	stream.linear.gather [hbm4b:s4+s2], $0x320, $0x38;
	[tilespmem:$0x17CA0] =	vst v63  }
0x20: {  	_ =	swait.ge [sflag:s7], $0x320  }
0x21: {  	s23 =	simm.s32 $0x0;
	s24 =	simm.s32 $0x0;
	[sflag:s7] =	ssyncset.done $0x0  }
0x22: {  	s25 =	simm.s32 $0x3CA0;
	s26 =	simm.s32 $0x0;
	[sflag:s7] =	ssyncadd.s32 $0xFFFFFCE0  }
.LBB2_2:
0x23: {  	v27 =	vor.u32 s24, v0  }
0x24: {  	v25 =	vmul.u32 $0x5, v27;
	_ =	sdelay $0x1  }
0x25: {  	v26 =	vadd.s32 $0x1, v25  }
0x26: {  	v28 =	vadd.s32 $0x3, v25;
	_ =	sdelay $0x2  }
0x27: {  	s22 =	simm.s32 $0x0  }
0x28: {  	v30 =	vld.idx.msk [tilespmem:v26+s22+$0x0], $0xffff  }
0x29: {  	v26 =	vld.idx.msk [tilespmem:v28+s22+$0x0], $0xffff;
	_ =	sdelay $0x3  }
0x2a: {  	v31 =	vld.idx.msk [tilespmem:v25+s22+$0x0], $0xffff  }
0x2b: {  	v26 =	vadd.f32 v26, v30;
	_ =	sdelay $0x1  }
0x2c: {  	v29 =	vadd.s32 $0x4, v25;
	v35 =	vsub.f32 v26, v30  }
0x2d: {  	v62 =	vadd.s32 $0x2, v25  }
0x2e: {  	v31 =	vtrunc.f32 v31;
	v26 =	vmul.f32 $1.428571490e-01, v35  }
0x2f: {  	v51 =	vmul.f32 $0.0e+00, v35;
	v52 =	vmul.f32 $2.857142980e-01, v35  }
0x30: {  	v31 =	vcvt.f32.s32 v31;
	v42 =	vmul.f32 $4.285714630e-01, v35;
	v63 =	vadd.f32 v26, v30  }
0x31: {  	v53 =	vtrunc.f32 v30;
	v26 =	vld.idx.msk [tilespmem:v29+s22+$0x0], $0xffff;
	v29 =	vadd.f32 v51, v30;
	v38 =	vadd.f32 v52, v30  }
0x32: {  	v25 =	vld.idx.msk [tilespmem:v62+s22+$0x0], $0xffff;
	v56 =	vmul.f32 $5.714285970e-01, v35;
	v42 =	vadd.f32 v42, v30;
	v32 =	vtrunc.f32 v63  }
0x33: {  	v33 =	vtrunc.f32 v29;
	v34 =	vtrunc.f32 v38  }
0x34: {  	v46 =	vtrunc.f32 v42;
	v36 =	vcvt.f32.s32 v32  }
0x35: {  	v39 =	vcvt.f32.s32 v33;
	v32 =	vcvt.f32.s32 v53  }
0x36: {  	v48 =	vadd.f32 v56, v30;
	v41 =	vcvt.f32.s32 v34;
	v46 =	vcvt.f32.s32 v46  }
0x37: {  	v37 =	vcvt.s32.f32 v36;
	v26 =	vadd.f32 v26, v25;
	v40 =	vcvt.s32.f32 v39  }
0x38: {  	v34 =	vshll.u32 v31, $0xC;
	v43 =	vcvt.s32.f32 v41;
	v59 =	vcvt.s32.f32 v46  }
0x39: {  	vm0 =	vgt.f32 v63, v37;
	v26 =	vsub.f32 v26, v25;
	v40 =	vsub.f32 v29, v40  }
0x3a: {  	vm15 =	vgt.f32 v38, v43;
	v37 =	vsub.f32 v63, v37;
	vm4 =	vgt.f32 v42, v59  }
0x3b: {  	v43 =	vsub.f32 v38, v43;
	v54 =	vsel vm0, $0x1, v1;
	v57 =	vsel vm15, $0x1, v1  }
0x3c: {  	v60 =	vsel vm4, $0x1, v1;
	v33 =	vadd.s32 v36, v54;
	v47 =	vadd.s32 v41, v57  }
0x3d: {  	v28 =	vadd.s32 v46, v60;
	v54 =	vmul.f32 $8.571429250e-01, v35;
	v55 =	vcvt.s32.f32 v33  }
0x3e: {  	v33 =	vshra.s32 v32, $0x4;
	v32 =	vand.u32 $0xFFFFFFF0, v32;
	v58 =	vcvt.s32.f32 v47  }
0x3f: {  	v28 =	vcvt.s32.f32 v28;
	v39 =	vsub.s32 v39, v32;
	v54 =	vadd.f32 v54, v30  }
0x40: {  	v44 =	vsub.f32 v55, v29;
	v29 =	vshll.u32 v27, $0x3;
	v27 =	vtrunc.f32 v48  }
0x41: {  	v49 =	vsub.f32 v58, v63;
	v47 =	vcvt.f32.s32 v27;
	v27 =	vmul.f32 $7.142857310e-01, v35  }
0x42: {  	v38 =	vsub.f32 v28, v38;
	v55 =	vsub.s32 v36, v32;
	v35 =	vadd.f32 v35, v30  }
0x43: {  	v63 =	vtrunc.f32 v54;
	v45 =	vadd.f32 v44, v40;
	v51 =	vadd.f32 v27, v30  }
0x44: {  	v31 =	vadd.f32 v49, v37;
	v62 =	vadd.f32 v38, v43;
	v50 =	vcvt.s32.f32 v47  }
0x45: {  	v36 =	vcvt.f32.s32 v63;
	v27 =	vor.u32 $0x1, v29;
	v52 =	vtrunc.f32 v51  }
0x46: {  	(erf) = vrcp.f32 v45;
	vm5 =	vgt.f32 v48, v50;
	v52 =	vcvt.f32.s32 v52  }
0x47: {  	v45 =	vsub.f32 v42, v59;
	v58 =	vcvt.s32.f32 v36;
	v53 =	vsel vm5, $0x1, v1  }
0x48: {  	(erf) = vrcp.f32 v31;
	v61 =	vadd.s32 v47, v53;
	v53 =	vcvt.s32.f32 v52  }
0x49: {  	v31 =	vor.u32 $0x2, v29;
	v50 =	vsub.f32 v48, v50;
	v28 =	vcvt.s32.f32 v61  }
0x4a: {  	[tilespmem:v29+s8+$0x0] =	vst.idx.msk $0xffff, v40;
	v40 =	vsub.s32 v46, v32;
	(erf) = vrcp.f32 v62;
	vm6 =	vgt.f32 v51, v53  }
0x4b: {  	vm7 =	vgt.f32 v54, v58;
	v42 =	vsub.f32 v28, v42;
	v56 =	vsel vm6, $0x1, v1  }
0x4c: {  	v62 =	vmul.f32 $1.428571490e-01, v26;
	v61 =	vsel vm7, $0x1, v1;
	v60 =	vadd.s32 v52, v56  }
0x4d: {  	v46 =	vadd.s32 v36, v61;
	v57 =	vadd.f32 v42, v45;
	v56 =	vcvt.s32.f32 v60  }
0x4e: {  	[tilespmem:v29+s9+$0x0] =	vst.idx.msk $0xffff, v44;
	v61 =	vtrunc.f32 v35;
	v46 =	vcvt.s32.f32 v46;
	v44 =	vsub.f32 v51, v53  }
0x4f: {  	vm8 =	vgt.f32 v35, v61;
	(erf) = vrcp.f32 v57;
	v48 =	vsub.f32 v56, v48  }
0x50: {  	v53 =	vsel vm8, $0x1, v1;
	v57 =	vcvt.f32.s32 v61;
	v61 =	vmul.f32 $2.857142980e-01, v26;
	v60 =	vpop (erf)  }
0x51: {  	v56 =	vadd.f32 v62, v25;
	v62 =	vmul.f32 $0.0e+00, v26;
	[tilespmem:v29+s10+$0x0] =	vst.idx.msk $0xffff, v60;
	v63 =	vadd.f32 v48, v50  }
0x52: {  	v60 =	vadd.s32 v57, v53;
	v53 =	vadd.f32 v61, v25;
	v61 =	vmul.f32 $4.285714630e-01, v26;
	[tilespmem:v29+s11+$0x0] =	vst.idx.msk $0xffff, v39  }
0x53: {  	v41 =	vsub.s32 v41, v32;
	[tilespmem:v27+s8+$0x0] =	vst.idx.msk $0xffff, v37;
	(erf) = vrcp.f32 v63;
	v63 =	vtrunc.f32 v56  }
0x54: {  	v59 =	vpop (erf);
	v39 =	vsub.f32 v46, v51;
	v46 =	vadd.f32 v62, v25;
	[tilespmem:v27+s9+$0x0] =	vst.idx.msk $0xffff, v49;
	v51 =	vcvt.f32.s32 v63  }
0x55: {  	v28 =	vor.u32 $0x3, v29;
	v52 =	vsub.s32 v52, v32;
	v35 =	vcvt.s32.f32 v60;
	[tilespmem:v27+s10+$0x0] =	vst.idx.msk $0xffff, v59  }
0x56: {  	v57 =	vadd.f32 v61, v25;
	v62 =	vtrunc.f32 v46;
	[tilespmem:v27+s11+$0x0] =	vst.idx.msk $0xffff, v55;
	v37 =	vcvt.s32.f32 v51  }
0x57: {  	v49 =	vadd.f32 v39, v44;
	v55 =	vsub.f32 v54, v58;
	[tilespmem:v31+s8+$0x0] =	vst.idx.msk $0xffff, v43;
	v43 =	vcvt.f32.s32 v62  }
0x58: {  	v30 =	vor.u32 $0x4, v29;
	v54 =	vsub.f32 v35, v54;
	v63 =	vpop (erf);
	[tilespmem:v31+s9+$0x0] =	vst.idx.msk $0xffff, v38;
	vm9 =	vgt.f32 v56, v37  }
0x59: {  	[tilespmem:v31+s10+$0x0] =	vst.idx.msk $0xffff, v63;
	v62 =	vcvt.s32.f32 v43;
	v63 =	vtrunc.f32 v53;
	v60 =	vsel vm9, $0x1, v1  }
0x5a: {  	(erf) = vrcp.f32 v49;
	[tilespmem:v31+s11+$0x0] =	vst.idx.msk $0xffff, v41;
	v41 =	vcvt.f32.s32 v63;
	v35 =	vadd.s32 v51, v60  }
0x5b: {  	[tilespmem:v28+s8+$0x0] =	vst.idx.msk $0xffff, v45;
	v60 =	vadd.f32 v54, v55;
	v38 =	vsub.f32 v46, v62;
	v62 =	vtrunc.f32 v57  }
0x5c: {  	v61 =	vpop (erf);
	v37 =	vsub.f32 v56, v37;
	v35 =	vcvt.s32.f32 v35;
	[tilespmem:v28+s9+$0x0] =	vst.idx.msk $0xffff, v42;
	v49 =	vcvt.s32.f32 v41  }
0x5d: {  	v42 =	vsub.s32 v47, v32;
	v47 =	vcvt.f32.s32 v62;
	[tilespmem:v28+s10+$0x0] =	vst.idx.msk $0xffff, v61;
	(erf) = vrcp.f32 v60  }
0x5e: {  	v46 =	vsub.f32 v35, v46;
	v35 =	vor.u32 $0x5, v29;
	[tilespmem:v28+s11+$0x0] =	vst.idx.msk $0xffff, v40;
	vm10 =	vgt.f32 v53, v49  }
0x5f: {  	v61 =	vmul.f32 $5.714285970e-01, v26;
	[tilespmem:v30+s8+$0x0] =	vst.idx.msk $0xffff, v50;
	v60 =	vsel vm10, $0x1, v1;
	v50 =	vcvt.s32.f32 v47  }
0x60: {  	v62 =	vpop (erf);
	v40 =	vor.u32 $0x6, v29;
	v63 =	vadd.f32 v46, v38;
	[tilespmem:v30+s9+$0x0] =	vst.idx.msk $0xffff, v48;
	v45 =	vadd.s32 v41, v60  }
0x61: {  	v48 =	vadd.f32 v61, v25;
	[tilespmem:v30+s10+$0x0] =	vst.idx.msk $0xffff, v62;
	v45 =	vcvt.s32.f32 v45;
	vm11 =	vgt.f32 v57, v50  }
0x62: {  	v60 =	vmul.f32 $7.142857310e-01, v26;
	(erf) = vrcp.f32 v63;
	[tilespmem:v30+s11+$0x0] =	vst.idx.msk $0xffff, v42;
	v63 =	vsel vm11, $0x1, v1  }
0x63: {  	v61 =	vtrunc.f32 v48;
	[tilespmem:v35+s8+$0x0] =	vst.idx.msk $0xffff, v44;
	v44 =	vsub.f32 v45, v56;
	v42 =	vadd.s32 v47, v63  }
0x64: {  	v45 =	vadd.f32 v60, v25;
	v62 =	vcvt.s32.f32 v42;
	v42 =	vcvt.f32.s32 v61  }
0x65: {  	v49 =	vsub.f32 v53, v49;
	[tilespmem:v35+s9+$0x0] =	vst.idx.msk $0xffff, v39;
	v63 =	vpop (erf);
	v60 =	vadd.f32 v44, v37  }
0x66: {  	v61 =	vtrunc.f32 v45;
	[tilespmem:v35+s10+$0x0] =	vst.idx.msk $0xffff, v63;
	v39 =	vsub.f32 v62, v53;
	v53 =	vcvt.s32.f32 v42  }
0x67: {  	v33 =	vadd.s32 v34, v33;
	v34 =	vcvt.f32.s32 v61;
	v62 =	vmul.f32 $8.571429250e-01, v26;
	[tilespmem:v35+s11+$0x0] =	vst.idx.msk $0xffff, v52  }
0x68: {  	(erf) = vrcp.f32 v60;
	[tilespmem:v40+s8+$0x0] =	vst.idx.msk $0xffff, v55;
	v63 =	vadd.f32 v39, v49;
	vm12 =	vgt.f32 v48, v53  }
0x69: {  	v58 =	vcvt.s32.f32 v34;
	v52 =	vadd.f32 v62, v25;
	[tilespmem:v40+s9+$0x0] =	vst.idx.msk $0xffff, v54;
	v60 =	vpop (erf);
	v61 =	vsel vm12, $0x1, v1  }
0x6a: {  	v32 =	vsub.s32 v36, v32;
	[tilespmem:v40+s10+$0x0] =	vst.idx.msk $0xffff, v60;
	(erf) = vrcp.f32 v63;
	v62 =	vadd.s32 v42, v61  }
0x6b: {  	vm13 =	vgt.f32 v45, v58;
	v54 =	vtrunc.f32 v52;
	[tilespmem:v40+s11+$0x0] =	vst.idx.msk $0xffff, v32;
	v63 =	vcvt.s32.f32 v62  }
0x6c: {  	v55 =	vsel vm13, $0x1, v1;
	v36 =	vcvt.f32.s32 v54;
	[tilespmem:v29+s12+$0x0] =	vst.idx.msk $0xffff, v38;
	v38 =	vsub.f32 v57, v50  }
0x6d: {  	v43 =	vshll.u32 v43, $0x4;
	v56 =	vpop (erf);
	v50 =	vadd.s32 v34, v55;
	[tilespmem:v29+s13+$0x0] =	vst.idx.msk $0xffff, v46;
	v32 =	vsub.f32 v63, v57  }
0x6e: {  	v43 =	vadd.s32 v33, v43;
	v57 =	vcvt.s32.f32 v50;
	v59 =	vcvt.s32.f32 v36;
	[tilespmem:v29+s14+$0x0] =	vst.idx.msk $0xffff, v56  }
0x6f: {  	[tilespmem:v29+s15+$0x0] =	vst.idx.msk $0xffff, v43;
	v60 =	vadd.f32 v32, v38  }
0x70: {  	v43 =	vsub.f32 v48, v53;
	v46 =	vsub.f32 v57, v48;
	vm14 =	vgt.f32 v52, v59  }
0x71: {  	v25 =	vadd.f32 v26, v25;
	[tilespmem:v27+s12+$0x0] =	vst.idx.msk $0xffff, v37;
	v61 =	vsel vm14, $0x1, v1;
	(erf) = vrcp.f32 v60  }
0x72: {  	v62 =	vshll.u32 v51, $0x4;
	v26 =	vpop (erf);
	[tilespmem:v27+s13+$0x0] =	vst.idx.msk $0xffff, v44;
	v63 =	vadd.f32 v46, v43;
	v29 =	vadd.s32 v36, v61  }
0x73: {  	v48 =	vtrunc.f32 v25;
	[tilespmem:v27+s14+$0x0] =	vst.idx.msk $0xffff, v26;
	v26 =	vadd.s32 v33, v62;
	v29 =	vcvt.s32.f32 v29  }
0x74: {  	vm15 =	vgt.f32 v25, v48;
	v25 =	vcvt.f32.s32 v48;
	[tilespmem:v27+s15+$0x0] =	vst.idx.msk $0xffff, v26;
	(erf) = vrcp.f32 v63  }
0x75: {  	v26 =	vsub.f32 v45, v58;
	[tilespmem:v31+s12+$0x0] =	vst.idx.msk $0xffff, v49;
	v27 =	vsub.f32 v29, v45;
	v49 =	vsel vm15, $0x1, v1  }
0x76: {  	v53 =	vshll.u32 v41, $0x4;
	v51 =	vpop (erf);
	[tilespmem:v31+s13+$0x0] =	vst.idx.msk $0xffff, v39;
	v25 =	vadd.s32 v25, v49  }
0x77: {  	v54 =	vadd.s32 v33, v53;
	[tilespmem:v31+s14+$0x0] =	vst.idx.msk $0xffff, v51;
	v55 =	vadd.f32 v27, v26;
	v25 =	vcvt.s32.f32 v25  }
0x78: {  	[tilespmem:v31+s15+$0x0] =	vst.idx.msk $0xffff, v54  }
0x79: {  	v56 =	vsub.f32 v52, v59;
	[tilespmem:v28+s12+$0x0] =	vst.idx.msk $0xffff, v38;
	(erf) = vrcp.f32 v55;
	v25 =	vsub.f32 v25, v52  }
0x7a: {  	v58 =	vshll.u32 v47, $0x4;
	[tilespmem:v28+s13+$0x0] =	vst.idx.msk $0xffff, v32;
	v57 =	vpop (erf)  }
0x7b: {  	v59 =	vadd.s32 v33, v58;
	v60 =	vadd.f32 v25, v56;
	[tilespmem:v28+s14+$0x0] =	vst.idx.msk $0xffff, v57  }
0x7c: {  	[tilespmem:v28+s15+$0x0] =	vst.idx.msk $0xffff, v59  }
0x7d: {  	(erf) = vrcp.f32 v60;
	[tilespmem:v30+s12+$0x0] =	vst.idx.msk $0xffff, v43  }
0x7e: {  	v62 =	vshll.u32 v42, $0x4;
	v61 =	vpop (erf);
	[tilespmem:v30+s13+$0x0] =	vst.idx.msk $0xffff, v46  }
0x7f: {  	v63 =	vadd.s32 v33, v62;
	[tilespmem:v30+s14+$0x0] =	vst.idx.msk $0xffff, v61  }
0x80: {  	[tilespmem:v30+s15+$0x0] =	vst.idx.msk $0xffff, v63  }
0x81: {  	[tilespmem:v35+s12+$0x0] =	vst.idx.msk $0xffff, v26  }
0x82: {  	v26 =	vpop (erf);
	[tilespmem:v35+s13+$0x0] =	vst.idx.msk $0xffff, v27;
	v27 =	vshll.u32 v34, $0x4  }
0x83: {  	[tilespmem:v35+s14+$0x0] =	vst.idx.msk $0xffff, v26;
	v26 =	vadd.s32 v33, v27  }
0x84: {  	[tilespmem:v35+s15+$0x0] =	vst.idx.msk $0xffff, v26;
	v26 =	vor.u32 s23, v2  }
0x85: {  	[tilespmem:v40+s12+$0x0] =	vst.idx.msk $0xffff, v56  }
0x86: {  	v27 =	vshll.u32 v36, $0x4;
	[tilespmem:v40+s13+$0x0] =	vst.idx.msk $0xffff, v25;
	v25 =	vpop (erf)  }
0x87: {  	[tilespmem:v40+s14+$0x0] =	vst.idx.msk $0xffff, v25;
	v25 =	vadd.s32 v33, v27  }
0x88: {  	[tilespmem:v40+s15+$0x0] =	vst.idx.msk $0xffff, v25  }
0x89: {  	v25 =	vld.idx.msk [tilespmem:v26+s15+$0x0], $0xffff;
	_ =	sdelay $0x1  }
0x8a: {  	v26 =	vor.u32 s23, v4;
	_ =	sdelay $0x2  }
0x8b: {  	s28 =	sshra.s32 s26, $0x2;
	v25 =	vadd.s32 v3, v25  }
0x8c: {  	[tilespmem:s28+$0x2B20] =	vst v25  }
0x8d: {  	v25 =	vld.idx.msk [tilespmem:v26+s15+$0x0], $0xffff;
	_ =	sdelay $0x1  }
0x8e: {  	v26 =	vor.u32 s23, v5;
	_ =	sdelay $0x2  }
0x8f: {  	v25 =	vadd.s32 v3, v25  }
0x90: {  	[tilespmem:s28+$0x2B30] =	vst v25  }
0x91: {  	v25 =	vld.idx.msk [tilespmem:v26+s15+$0x0], $0xffff;
	_ =	sdelay $0x1  }
0x92: {  	v26 =	vor.u32 s23, v6;
	_ =	sdelay $0x2  }
0x93: {  	v25 =	vadd.s32 v3, v25  }
0x94: {  	[tilespmem:s28+$0x2B40] =	vst v25  }
0x95: {  	v25 =	vld.idx.msk [tilespmem:v26+s15+$0x0], $0xffff;
	_ =	sdelay $0x1  }
0x96: {  	v26 =	vor.u32 s23, v7;
	_ =	sdelay $0x2  }
0x97: {  	v25 =	vadd.s32 v3, v25  }
0x98: {  	[tilespmem:s28+$0x2B50] =	vst v25  }
0x99: {  	v25 =	vld.idx.msk [tilespmem:v26+s15+$0x0], $0xffff;
	_ =	sdelay $0x1  }
0x9a: {  	v26 =	vor.u32 s23, v8;
	_ =	sdelay $0x2  }
0x9b: {  	v25 =	vadd.s32 v3, v25  }
0x9c: {  	[tilespmem:s28+$0x2B60] =	vst v25  }
0x9d: {  	v25 =	vld.idx.msk [tilespmem:v26+s15+$0x0], $0xffff;
	_ =	sdelay $0x1  }
0x9e: {  	v26 =	vor.u32 s23, v9;
	_ =	sdelay $0x2  }
0x9f: {  	v25 =	vadd.s32 v3, v25  }
0xa0: {  	[tilespmem:s28+$0x2B70] =	vst v25  }
0xa1: {  	v25 =	vld.idx.msk [tilespmem:v26+s15+$0x0], $0xffff;
	_ =	sdelay $0x1  }
0xa2: {  	s29 =	sadd.s32 $0x20, s23  }
0xa3: {  	v26 =	vor.u32 s29, v2;
	_ =	sdelay $0x1  }
0xa4: {  	v25 =	vadd.s32 v3, v25  }
0xa5: {  	s30 =	sadd.s32 $0x2B20, s28;
	[tilespmem:s28+$0x2B80] =	vst v25  }
0xa6: {  	[tilespmem:s25], [sflag:$0x1] =	stream.indirect.gather [hbm4b:s3+s16], $0x10, s30, s16, $0xb8;
	[tilespmem:$0x17CA0] =	vst v63  }
0xa7: {  	v25 =	vld.idx.msk [tilespmem:v26+s15+$0x0], $0xffff;
	_ =	sdelay $0x1  }
0xa8: {  	v26 =	vor.u32 s29, v4;
	_ =	sdelay $0x2  }
0xa9: {  	v25 =	vadd.s32 v3, v25  }
0xaa: {  	[tilespmem:s28+$0x2B90] =	vst v25  }
0xab: {  	v25 =	vld.idx.msk [tilespmem:v26+s15+$0x0], $0xffff;
	_ =	sdelay $0x1  }
0xac: {  	v26 =	vor.u32 s29, v5;
	_ =	sdelay $0x2  }
0xad: {  	v25 =	vadd.s32 v3, v25  }
0xae: {  	[tilespmem:s28+$0x2BA0] =	vst v25  }
0xaf: {  	v25 =	vld.idx.msk [tilespmem:v26+s15+$0x0], $0xffff;
	_ =	sdelay $0x1  }
0xb0: {  	v26 =	vor.u32 s29, v6;
	_ =	sdelay $0x2  }
0xb1: {  	v25 =	vadd.s32 v3, v25  }
0xb2: {  	[tilespmem:s28+$0x2BB0] =	vst v25  }
0xb3: {  	v25 =	vld.idx.msk [tilespmem:v26+s15+$0x0], $0xffff;
	_ =	sdelay $0x1  }
0xb4: {  	v26 =	vor.u32 s29, v7;
	_ =	sdelay $0x2  }
0xb5: {  	v25 =	vadd.s32 v3, v25  }
0xb6: {  	[tilespmem:s28+$0x2BC0] =	vst v25  }
0xb7: {  	v25 =	vld.idx.msk [tilespmem:v26+s15+$0x0], $0xffff;
	_ =	sdelay $0x1  }
0xb8: {  	v26 =	vor.u32 s29, v8;
	_ =	sdelay $0x2  }
0xb9: {  	v25 =	vadd.s32 v3, v25  }
0xba: {  	[tilespmem:s28+$0x2BD0] =	vst v25  }
0xbb: {  	v25 =	vld.idx.msk [tilespmem:v26+s15+$0x0], $0xffff;
	_ =	sdelay $0x1  }
0xbc: {  	v26 =	vor.u32 s29, v9;
	_ =	sdelay $0x2  }
0xbd: {  	v25 =	vadd.s32 v3, v25  }
0xbe: {  	[tilespmem:s28+$0x2BE0] =	vst v25  }
0xbf: {  	v25 =	vld.idx.msk [tilespmem:v26+s15+$0x0], $0xffff;
	_ =	sdelay $0x1  }
0xc0: {  	s29 =	sadd.s32 $0x40, s23  }
0xc1: {  	v26 =	vor.u32 s29, v2;
	_ =	sdelay $0x1  }
0xc2: {  	v25 =	vadd.s32 v3, v25  }
0xc3: {  	s31 =	sadd.s32 $0x700, s25;
	s30 =	sadd.s32 $0x2B90, s28;
	[tilespmem:s28+$0x2BF0] =	vst v25  }
0xc4: {  	[tilespmem:s31], [sflag:$0x1] =	stream.indirect.gather [hbm4b:s3+s16], $0x10, s30, s16, $0xb8;
	[tilespmem:$0x17CA0] =	vst v63  }
0xc5: {  	v25 =	vld.idx.msk [tilespmem:v26+s15+$0x0], $0xffff;
	_ =	sdelay $0x1  }
0xc6: {  	v26 =	vor.u32 s29, v4;
	_ =	sdelay $0x2  }
0xc7: {  	v25 =	vadd.s32 v3, v25  }
0xc8: {  	[tilespmem:s28+$0x2C00] =	vst v25  }
0xc9: {  	v25 =	vld.idx.msk [tilespmem:v26+s15+$0x0], $0xffff;
	_ =	sdelay $0x1  }
0xca: {  	v26 =	vor.u32 s29, v5;
	_ =	sdelay $0x2  }
0xcb: {  	v25 =	vadd.s32 v3, v25  }
0xcc: {  	[tilespmem:s28+$0x2C10] =	vst v25  }
0xcd: {  	v25 =	vld.idx.msk [tilespmem:v26+s15+$0x0], $0xffff;
	_ =	sdelay $0x1  }
0xce: {  	v26 =	vor.u32 s29, v6;
	_ =	sdelay $0x2  }
0xcf: {  	v25 =	vadd.s32 v3, v25  }
0xd0: {  	[tilespmem:s28+$0x2C20] =	vst v25  }
0xd1: {  	v25 =	vld.idx.msk [tilespmem:v26+s15+$0x0], $0xffff;
	_ =	sdelay $0x1  }
0xd2: {  	v26 =	vor.u32 s29, v7;
	_ =	sdelay $0x2  }
0xd3: {  	v25 =	vadd.s32 v3, v25  }
0xd4: {  	[tilespmem:s28+$0x2C30] =	vst v25  }
0xd5: {  	v25 =	vld.idx.msk [tilespmem:v26+s15+$0x0], $0xffff;
	_ =	sdelay $0x1  }
0xd6: {  	v26 =	vor.u32 s29, v8;
	_ =	sdelay $0x2  }
0xd7: {  	v25 =	vadd.s32 v3, v25  }
0xd8: {  	[tilespmem:s28+$0x2C40] =	vst v25  }
0xd9: {  	v25 =	vld.idx.msk [tilespmem:v26+s15+$0x0], $0xffff;
	_ =	sdelay $0x1  }
0xda: {  	v26 =	vor.u32 s29, v9;
	_ =	sdelay $0x2  }
0xdb: {  	v25 =	vadd.s32 v3, v25  }
0xdc: {  	[tilespmem:s28+$0x2C50] =	vst v25  }
0xdd: {  	v25 =	vld.idx.msk [tilespmem:v26+s15+$0x0], $0xffff;
	_ =	sdelay $0x1  }
0xde: {  	s29 =	sadd.s32 $0x60, s23  }
0xdf: {  	v26 =	vor.u32 s29, v2;
	_ =	sdelay $0x1  }
0xe0: {  	v25 =	vadd.s32 v3, v25  }
0xe1: {  	s30 =	sadd.s32 $0x2C00, s28;
	s31 =	sadd.s32 $0xE00, s25;
	[tilespmem:s28+$0x2C60] =	vst v25  }
0xe2: {  	[tilespmem:s31], [sflag:$0x1] =	stream.indirect.gather [hbm4b:s3+s16], $0x10, s30, s16, $0xb8;
	[tilespmem:$0x17CA0] =	vst v63  }
0xe3: {  	v25 =	vld.idx.msk [tilespmem:v26+s15+$0x0], $0xffff;
	_ =	sdelay $0x1  }
0xe4: {  	v26 =	vor.u32 s29, v4;
	_ =	sdelay $0x2  }
0xe5: {  	v25 =	vadd.s32 v3, v25  }
0xe6: {  	[tilespmem:s28+$0x2C70] =	vst v25  }
0xe7: {  	v25 =	vld.idx.msk [tilespmem:v26+s15+$0x0], $0xffff;
	_ =	sdelay $0x1  }
0xe8: {  	v26 =	vor.u32 s29, v5;
	_ =	sdelay $0x2  }
0xe9: {  	v25 =	vadd.s32 v3, v25  }
0xea: {  	[tilespmem:s28+$0x2C80] =	vst v25  }
0xeb: {  	v25 =	vld.idx.msk [tilespmem:v26+s15+$0x0], $0xffff;
	_ =	sdelay $0x1  }
0xec: {  	v26 =	vor.u32 s29, v6;
	_ =	sdelay $0x2  }
0xed: {  	v25 =	vadd.s32 v3, v25  }
0xee: {  	[tilespmem:s28+$0x2C90] =	vst v25  }
0xef: {  	v25 =	vld.idx.msk [tilespmem:v26+s15+$0x0], $0xffff;
	_ =	sdelay $0x1  }
0xf0: {  	v26 =	vor.u32 s29, v7;
	_ =	sdelay $0x2  }
0xf1: {  	v25 =	vadd.s32 v3, v25  }
0xf2: {  	[tilespmem:s28+$0x2CA0] =	vst v25  }
0xf3: {  	v25 =	vld.idx.msk [tilespmem:v26+s15+$0x0], $0xffff;
	_ =	sdelay $0x1  }
0xf4: {  	v26 =	vor.u32 s29, v8;
	_ =	sdelay $0x2  }
0xf5: {  	v25 =	vadd.s32 v3, v25  }
0xf6: {  	[tilespmem:s28+$0x2CB0] =	vst v25  }
0xf7: {  	v25 =	vld.idx.msk [tilespmem:v26+s15+$0x0], $0xffff;
	_ =	sdelay $0x1  }
0xf8: {  	v26 =	vor.u32 s29, v9;
	_ =	sdelay $0x2  }
0xf9: {  	v25 =	vadd.s32 v3, v25  }
0xfa: {  	[tilespmem:s28+$0x2CC0] =	vst v25  }
0xfb: {  	v25 =	vld.idx.msk [tilespmem:v26+s15+$0x0], $0xffff;
	_ =	sdelay $0x1  }
0xfc: {  	p0 =	sne.s32 s26, $0x1C00  }
.Ltmp0:
0xfd: {  	_ = 	snop;
	(pc) =	sbr.rel @p0 .LBB2_2-.Ltmp0, $4  }
0xfe: {  	_ = 	snop  }
0xff: {  	s24 =	sadd.s32 $0x10, s24;
	s26 =	sadd.s32 $0x700, s26;
	s23 =	sadd.s32 $0x80, s23;
	v25 =	vadd.s32 v3, v25  }
0x100: {  	s30 =	sadd.s32 $0x2C70, s28;
	s31 =	sadd.s32 $0x1500, s25;
	s25 =	sadd.s32 $0x1C00, s25;
	[tilespmem:s28+$0x2CD0] =	vst v25  }
0x101: {  	[tilespmem:s31], [sflag:$0x1] =	stream.indirect.gather [hbm4b:s3+s16], $0x10, s30, s16, $0xb8;
	[tilespmem:$0x17CA0] =	vst v63  }
0x102: {  	s23 =	simm.s32 $0xC8A0;
	s24 =	simm.s32 $0x50;
	s25 =	simm.s32 $0x280  }
.LBB2_4:
0x103: {  	v27 =	vor.u32 s24, v0  }
0x104: {  	v25 =	vmul.u32 $0x5, v27;
	_ =	sdelay $0x1  }
0x105: {  	v26 =	vadd.s32 $0x1, v25  }
0x106: {  	v28 =	vadd.s32 $0x3, v25;
	_ =	sdelay $0x3  }
0x107: {  	v30 =	vld.idx.msk [tilespmem:v26+s2+$0x0], $0xffff  }
0x108: {  	v26 =	vld.idx.msk [tilespmem:v28+s2+$0x0], $0xffff;
	_ =	sdelay $0x3  }
0x109: {  	v31 =	vld.idx.msk [tilespmem:v25+s2+$0x0], $0xffff  }
0x10a: {  	v26 =	vadd.f32 v26, v30;
	_ =	sdelay $0x1  }
0x10b: {  	v29 =	vadd.s32 $0x4, v25;
	v35 =	vsub.f32 v26, v30  }
0x10c: {  	v62 =	vadd.s32 $0x2, v25  }
0x10d: {  	v31 =	vtrunc.f32 v31;
	v26 =	vmul.f32 $1.428571490e-01, v35  }
0x10e: {  	v51 =	vmul.f32 $0.0e+00, v35;
	v52 =	vmul.f32 $2.857142980e-01, v35  }
0x10f: {  	v31 =	vcvt.f32.s32 v31;
	v42 =	vmul.f32 $4.285714630e-01, v35;
	v63 =	vadd.f32 v26, v30  }
0x110: {  	v53 =	vtrunc.f32 v30;
	v26 =	vld.idx.msk [tilespmem:v29+s2+$0x0], $0xffff;
	v29 =	vadd.f32 v51, v30;
	v38 =	vadd.f32 v52, v30  }
0x111: {  	v25 =	vld.idx.msk [tilespmem:v62+s2+$0x0], $0xffff;
	v56 =	vmul.f32 $5.714285970e-01, v35;
	v42 =	vadd.f32 v42, v30;
	v32 =	vtrunc.f32 v63  }
0x112: {  	v33 =	vtrunc.f32 v29;
	v34 =	vtrunc.f32 v38  }
0x113: {  	v46 =	vtrunc.f32 v42;
	v36 =	vcvt.f32.s32 v32  }
0x114: {  	v39 =	vcvt.f32.s32 v33;
	v32 =	vcvt.f32.s32 v53  }
0x115: {  	v48 =	vadd.f32 v56, v30;
	v41 =	vcvt.f32.s32 v34;
	v46 =	vcvt.f32.s32 v46  }
0x116: {  	v37 =	vcvt.s32.f32 v36;
	v26 =	vadd.f32 v26, v25;
	v40 =	vcvt.s32.f32 v39  }
0x117: {  	v34 =	vshll.u32 v31, $0xC;
	v43 =	vcvt.s32.f32 v41;
	v59 =	vcvt.s32.f32 v46  }
0x118: {  	vm0 =	vgt.f32 v63, v37;
	v26 =	vsub.f32 v26, v25;
	v40 =	vsub.f32 v29, v40  }
0x119: {  	vm15 =	vgt.f32 v38, v43;
	v37 =	vsub.f32 v63, v37;
	vm4 =	vgt.f32 v42, v59  }
0x11a: {  	v43 =	vsub.f32 v38, v43;
	v54 =	vsel vm0, $0x1, v1;
	v57 =	vsel vm15, $0x1, v1  }
0x11b: {  	v60 =	vsel vm4, $0x1, v1;
	v33 =	vadd.s32 v36, v54;
	v47 =	vadd.s32 v41, v57  }
0x11c: {  	v28 =	vadd.s32 v46, v60;
	v54 =	vmul.f32 $8.571429250e-01, v35;
	v55 =	vcvt.s32.f32 v33  }
0x11d: {  	v33 =	vshra.s32 v32, $0x4;
	v32 =	vand.u32 $0xFFFFFFF0, v32;
	v58 =	vcvt.s32.f32 v47  }
0x11e: {  	v28 =	vcvt.s32.f32 v28;
	v39 =	vsub.s32 v39, v32;
	v54 =	vadd.f32 v54, v30  }
0x11f: {  	v44 =	vsub.f32 v55, v29;
	v29 =	vshll.u32 v27, $0x3;
	v27 =	vtrunc.f32 v48  }
0x120: {  	v49 =	vsub.f32 v58, v63;
	v47 =	vcvt.f32.s32 v27;
	v27 =	vmul.f32 $7.142857310e-01, v35  }
0x121: {  	v38 =	vsub.f32 v28, v38;
	v55 =	vsub.s32 v36, v32;
	v35 =	vadd.f32 v35, v30  }
0x122: {  	v63 =	vtrunc.f32 v54;
	v45 =	vadd.f32 v44, v40;
	v51 =	vadd.f32 v27, v30  }
0x123: {  	v31 =	vadd.f32 v49, v37;
	v62 =	vadd.f32 v38, v43;
	v50 =	vcvt.s32.f32 v47  }
0x124: {  	v36 =	vcvt.f32.s32 v63;
	v27 =	vor.u32 $0x1, v29;
	v52 =	vtrunc.f32 v51  }
0x125: {  	(erf) = vrcp.f32 v45;
	vm5 =	vgt.f32 v48, v50;
	v52 =	vcvt.f32.s32 v52  }
0x126: {  	v45 =	vsub.f32 v42, v59;
	v58 =	vcvt.s32.f32 v36;
	v53 =	vsel vm5, $0x1, v1  }
0x127: {  	(erf) = vrcp.f32 v31;
	v61 =	vadd.s32 v47, v53;
	v53 =	vcvt.s32.f32 v52  }
0x128: {  	v31 =	vor.u32 $0x2, v29;
	v50 =	vsub.f32 v48, v50;
	v28 =	vcvt.s32.f32 v61  }
0x129: {  	[tilespmem:v29+s8+$0x0] =	vst.idx.msk $0xffff, v40;
	v40 =	vsub.s32 v46, v32;
	(erf) = vrcp.f32 v62;
	vm6 =	vgt.f32 v51, v53  }
0x12a: {  	vm7 =	vgt.f32 v54, v58;
	v42 =	vsub.f32 v28, v42;
	v56 =	vsel vm6, $0x1, v1  }
0x12b: {  	v62 =	vmul.f32 $1.428571490e-01, v26;
	v61 =	vsel vm7, $0x1, v1;
	v60 =	vadd.s32 v52, v56  }
0x12c: {  	v46 =	vadd.s32 v36, v61;
	v57 =	vadd.f32 v42, v45;
	v56 =	vcvt.s32.f32 v60  }
0x12d: {  	[tilespmem:v29+s9+$0x0] =	vst.idx.msk $0xffff, v44;
	v61 =	vtrunc.f32 v35;
	v46 =	vcvt.s32.f32 v46;
	v44 =	vsub.f32 v51, v53  }
0x12e: {  	vm8 =	vgt.f32 v35, v61;
	(erf) = vrcp.f32 v57;
	v48 =	vsub.f32 v56, v48  }
0x12f: {  	v53 =	vsel vm8, $0x1, v1;
	v57 =	vcvt.f32.s32 v61;
	v61 =	vmul.f32 $2.857142980e-01, v26;
	v60 =	vpop (erf)  }
0x130: {  	v56 =	vadd.f32 v62, v25;
	v62 =	vmul.f32 $0.0e+00, v26;
	[tilespmem:v29+s10+$0x0] =	vst.idx.msk $0xffff, v60;
	v63 =	vadd.f32 v48, v50  }
0x131: {  	v60 =	vadd.s32 v57, v53;
	v53 =	vadd.f32 v61, v25;
	v61 =	vmul.f32 $4.285714630e-01, v26;
	[tilespmem:v29+s11+$0x0] =	vst.idx.msk $0xffff, v39  }
0x132: {  	v41 =	vsub.s32 v41, v32;
	[tilespmem:v27+s8+$0x0] =	vst.idx.msk $0xffff, v37;
	(erf) = vrcp.f32 v63;
	v63 =	vtrunc.f32 v56  }
0x133: {  	v59 =	vpop (erf);
	v39 =	vsub.f32 v46, v51;
	v46 =	vadd.f32 v62, v25;
	[tilespmem:v27+s9+$0x0] =	vst.idx.msk $0xffff, v49;
	v51 =	vcvt.f32.s32 v63  }
0x134: {  	v28 =	vor.u32 $0x3, v29;
	v52 =	vsub.s32 v52, v32;
	v35 =	vcvt.s32.f32 v60;
	[tilespmem:v27+s10+$0x0] =	vst.idx.msk $0xffff, v59  }
0x135: {  	v57 =	vadd.f32 v61, v25;
	v62 =	vtrunc.f32 v46;
	[tilespmem:v27+s11+$0x0] =	vst.idx.msk $0xffff, v55;
	v37 =	vcvt.s32.f32 v51  }
0x136: {  	v49 =	vadd.f32 v39, v44;
	v55 =	vsub.f32 v54, v58;
	[tilespmem:v31+s8+$0x0] =	vst.idx.msk $0xffff, v43;
	v43 =	vcvt.f32.s32 v62  }
0x137: {  	v30 =	vor.u32 $0x4, v29;
	v54 =	vsub.f32 v35, v54;
	v63 =	vpop (erf);
	[tilespmem:v31+s9+$0x0] =	vst.idx.msk $0xffff, v38;
	vm9 =	vgt.f32 v56, v37  }
0x138: {  	[tilespmem:v31+s10+$0x0] =	vst.idx.msk $0xffff, v63;
	v62 =	vcvt.s32.f32 v43;
	v63 =	vtrunc.f32 v53;
	v60 =	vsel vm9, $0x1, v1  }
0x139: {  	(erf) = vrcp.f32 v49;
	[tilespmem:v31+s11+$0x0] =	vst.idx.msk $0xffff, v41;
	v41 =	vcvt.f32.s32 v63;
	v35 =	vadd.s32 v51, v60  }
0x13a: {  	[tilespmem:v28+s8+$0x0] =	vst.idx.msk $0xffff, v45;
	v60 =	vadd.f32 v54, v55;
	v38 =	vsub.f32 v46, v62;
	v62 =	vtrunc.f32 v57  }
0x13b: {  	v61 =	vpop (erf);
	v37 =	vsub.f32 v56, v37;
	v35 =	vcvt.s32.f32 v35;
	[tilespmem:v28+s9+$0x0] =	vst.idx.msk $0xffff, v42;
	v49 =	vcvt.s32.f32 v41  }
0x13c: {  	v42 =	vsub.s32 v47, v32;
	v47 =	vcvt.f32.s32 v62;
	[tilespmem:v28+s10+$0x0] =	vst.idx.msk $0xffff, v61;
	(erf) = vrcp.f32 v60  }
0x13d: {  	v46 =	vsub.f32 v35, v46;
	v35 =	vor.u32 $0x5, v29;
	[tilespmem:v28+s11+$0x0] =	vst.idx.msk $0xffff, v40;
	vm10 =	vgt.f32 v53, v49  }
0x13e: {  	v61 =	vmul.f32 $5.714285970e-01, v26;
	[tilespmem:v30+s8+$0x0] =	vst.idx.msk $0xffff, v50;
	v60 =	vsel vm10, $0x1, v1;
	v50 =	vcvt.s32.f32 v47  }
0x13f: {  	v62 =	vpop (erf);
	v40 =	vor.u32 $0x6, v29;
	v63 =	vadd.f32 v46, v38;
	[tilespmem:v30+s9+$0x0] =	vst.idx.msk $0xffff, v48;
	v45 =	vadd.s32 v41, v60  }
0x140: {  	v48 =	vadd.f32 v61, v25;
	[tilespmem:v30+s10+$0x0] =	vst.idx.msk $0xffff, v62;
	v45 =	vcvt.s32.f32 v45;
	vm11 =	vgt.f32 v57, v50  }
0x141: {  	v60 =	vmul.f32 $7.142857310e-01, v26;
	(erf) = vrcp.f32 v63;
	[tilespmem:v30+s11+$0x0] =	vst.idx.msk $0xffff, v42;
	v63 =	vsel vm11, $0x1, v1  }
0x142: {  	v61 =	vtrunc.f32 v48;
	[tilespmem:v35+s8+$0x0] =	vst.idx.msk $0xffff, v44;
	v44 =	vsub.f32 v45, v56;
	v42 =	vadd.s32 v47, v63  }
0x143: {  	v45 =	vadd.f32 v60, v25;
	v62 =	vcvt.s32.f32 v42;
	v42 =	vcvt.f32.s32 v61  }
0x144: {  	v49 =	vsub.f32 v53, v49;
	[tilespmem:v35+s9+$0x0] =	vst.idx.msk $0xffff, v39;
	v63 =	vpop (erf);
	v60 =	vadd.f32 v44, v37  }
0x145: {  	v61 =	vtrunc.f32 v45;
	[tilespmem:v35+s10+$0x0] =	vst.idx.msk $0xffff, v63;
	v39 =	vsub.f32 v62, v53;
	v53 =	vcvt.s32.f32 v42  }
0x146: {  	v33 =	vadd.s32 v34, v33;
	v34 =	vcvt.f32.s32 v61;
	v62 =	vmul.f32 $8.571429250e-01, v26;
	[tilespmem:v35+s11+$0x0] =	vst.idx.msk $0xffff, v52  }
0x147: {  	(erf) = vrcp.f32 v60;
	[tilespmem:v40+s8+$0x0] =	vst.idx.msk $0xffff, v55;
	v63 =	vadd.f32 v39, v49;
	vm12 =	vgt.f32 v48, v53  }
0x148: {  	v58 =	vcvt.s32.f32 v34;
	v52 =	vadd.f32 v62, v25;
	[tilespmem:v40+s9+$0x0] =	vst.idx.msk $0xffff, v54;
	v60 =	vpop (erf);
	v61 =	vsel vm12, $0x1, v1  }
0x149: {  	v32 =	vsub.s32 v36, v32;
	[tilespmem:v40+s10+$0x0] =	vst.idx.msk $0xffff, v60;
	(erf) = vrcp.f32 v63;
	v62 =	vadd.s32 v42, v61  }
0x14a: {  	vm13 =	vgt.f32 v45, v58;
	v54 =	vtrunc.f32 v52;
	[tilespmem:v40+s11+$0x0] =	vst.idx.msk $0xffff, v32;
	v63 =	vcvt.s32.f32 v62  }
0x14b: {  	v55 =	vsel vm13, $0x1, v1;
	v36 =	vcvt.f32.s32 v54;
	[tilespmem:v29+s12+$0x0] =	vst.idx.msk $0xffff, v38;
	v38 =	vsub.f32 v57, v50  }
0x14c: {  	v43 =	vshll.u32 v43, $0x4;
	v56 =	vpop (erf);
	v50 =	vadd.s32 v34, v55;
	[tilespmem:v29+s13+$0x0] =	vst.idx.msk $0xffff, v46;
	v32 =	vsub.f32 v63, v57  }
0x14d: {  	v43 =	vadd.s32 v33, v43;
	v57 =	vcvt.s32.f32 v50;
	v59 =	vcvt.s32.f32 v36;
	[tilespmem:v29+s14+$0x0] =	vst.idx.msk $0xffff, v56  }
0x14e: {  	[tilespmem:v29+s15+$0x0] =	vst.idx.msk $0xffff, v43;
	v60 =	vadd.f32 v32, v38  }
0x14f: {  	v43 =	vsub.f32 v48, v53;
	v46 =	vsub.f32 v57, v48;
	vm14 =	vgt.f32 v52, v59  }
0x150: {  	v25 =	vadd.f32 v26, v25;
	[tilespmem:v27+s12+$0x0] =	vst.idx.msk $0xffff, v37;
	v61 =	vsel vm14, $0x1, v1;
	(erf) = vrcp.f32 v60  }
0x151: {  	v62 =	vshll.u32 v51, $0x4;
	v26 =	vpop (erf);
	[tilespmem:v27+s13+$0x0] =	vst.idx.msk $0xffff, v44;
	v63 =	vadd.f32 v46, v43;
	v29 =	vadd.s32 v36, v61  }
0x152: {  	v48 =	vtrunc.f32 v25;
	[tilespmem:v27+s14+$0x0] =	vst.idx.msk $0xffff, v26;
	v26 =	vadd.s32 v33, v62;
	v29 =	vcvt.s32.f32 v29  }
0x153: {  	vm15 =	vgt.f32 v25, v48;
	v25 =	vcvt.f32.s32 v48;
	[tilespmem:v27+s15+$0x0] =	vst.idx.msk $0xffff, v26;
	(erf) = vrcp.f32 v63  }
0x154: {  	v26 =	vsub.f32 v45, v58;
	[tilespmem:v31+s12+$0x0] =	vst.idx.msk $0xffff, v49;
	v27 =	vsub.f32 v29, v45;
	v49 =	vsel vm15, $0x1, v1  }
0x155: {  	v53 =	vshll.u32 v41, $0x4;
	v51 =	vpop (erf);
	[tilespmem:v31+s13+$0x0] =	vst.idx.msk $0xffff, v39;
	v25 =	vadd.s32 v25, v49  }
0x156: {  	v54 =	vadd.s32 v33, v53;
	[tilespmem:v31+s14+$0x0] =	vst.idx.msk $0xffff, v51;
	v55 =	vadd.f32 v27, v26;
	v25 =	vcvt.s32.f32 v25  }
0x157: {  	[tilespmem:v31+s15+$0x0] =	vst.idx.msk $0xffff, v54  }
0x158: {  	v56 =	vsub.f32 v52, v59;
	[tilespmem:v28+s12+$0x0] =	vst.idx.msk $0xffff, v38;
	(erf) = vrcp.f32 v55;
	v25 =	vsub.f32 v25, v52  }
0x159: {  	v58 =	vshll.u32 v47, $0x4;
	[tilespmem:v28+s13+$0x0] =	vst.idx.msk $0xffff, v32;
	v57 =	vpop (erf)  }
0x15a: {  	v59 =	vadd.s32 v33, v58;
	v60 =	vadd.f32 v25, v56;
	[tilespmem:v28+s14+$0x0] =	vst.idx.msk $0xffff, v57  }
0x15b: {  	[tilespmem:v28+s15+$0x0] =	vst.idx.msk $0xffff, v59  }
0x15c: {  	(erf) = vrcp.f32 v60;
	[tilespmem:v30+s12+$0x0] =	vst.idx.msk $0xffff, v43  }
0x15d: {  	v62 =	vshll.u32 v42, $0x4;
	v61 =	vpop (erf);
	[tilespmem:v30+s13+$0x0] =	vst.idx.msk $0xffff, v46  }
0x15e: {  	v63 =	vadd.s32 v33, v62;
	[tilespmem:v30+s14+$0x0] =	vst.idx.msk $0xffff, v61  }
0x15f: {  	[tilespmem:v30+s15+$0x0] =	vst.idx.msk $0xffff, v63  }
0x160: {  	[tilespmem:v35+s12+$0x0] =	vst.idx.msk $0xffff, v26  }
0x161: {  	v26 =	vpop (erf);
	[tilespmem:v35+s13+$0x0] =	vst.idx.msk $0xffff, v27;
	v27 =	vshll.u32 v34, $0x4  }
0x162: {  	[tilespmem:v35+s14+$0x0] =	vst.idx.msk $0xffff, v26;
	v26 =	vadd.s32 v33, v27  }
0x163: {  	[tilespmem:v35+s15+$0x0] =	vst.idx.msk $0xffff, v26;
	v26 =	vor.u32 s25, v2  }
0x164: {  	[tilespmem:v40+s12+$0x0] =	vst.idx.msk $0xffff, v56  }
0x165: {  	v27 =	vshll.u32 v36, $0x4;
	[tilespmem:v40+s13+$0x0] =	vst.idx.msk $0xffff, v25;
	v25 =	vpop (erf)  }
0x166: {  	[tilespmem:v40+s14+$0x0] =	vst.idx.msk $0xffff, v25;
	v25 =	vadd.s32 v33, v27  }
0x167: {  	[tilespmem:v40+s15+$0x0] =	vst.idx.msk $0xffff, v25  }
0x168: {  	v25 =	vld.idx.msk [tilespmem:v26+s15+$0x0], $0xffff;
	_ =	sdelay $0x1  }
0x169: {  	v26 =	vor.u32 s25, v4;
	_ =	sdelay $0x2  }
0x16a: {  	s26 =	sshra.s32 s22, $0x2;
	v25 =	vadd.s32 v3, v25  }
0x16b: {  	[tilespmem:s26+$0x33E0] =	vst v25  }
0x16c: {  	v25 =	vld.idx.msk [tilespmem:v26+s15+$0x0], $0xffff;
	_ =	sdelay $0x1  }
0x16d: {  	v26 =	vor.u32 s25, v5;
	_ =	sdelay $0x2  }
0x16e: {  	v25 =	vadd.s32 v3, v25  }
0x16f: {  	[tilespmem:s26+$0x33F0] =	vst v25  }
0x170: {  	v25 =	vld.idx.msk [tilespmem:v26+s15+$0x0], $0xffff;
	_ =	sdelay $0x1  }
0x171: {  	v26 =	vor.u32 s25, v6;
	_ =	sdelay $0x2  }
0x172: {  	v25 =	vadd.s32 v3, v25  }
0x173: {  	[tilespmem:s26+$0x3400] =	vst v25  }
0x174: {  	v25 =	vld.idx.msk [tilespmem:v26+s15+$0x0], $0xffff;
	_ =	sdelay $0x1  }
0x175: {  	v26 =	vor.u32 s25, v7;
	_ =	sdelay $0x2  }
0x176: {  	v25 =	vadd.s32 v3, v25  }
0x177: {  	[tilespmem:s26+$0x3410] =	vst v25  }
0x178: {  	v25 =	vld.idx.msk [tilespmem:v26+s15+$0x0], $0xffff;
	_ =	sdelay $0x1  }
0x179: {  	v26 =	vor.u32 s25, v8;
	_ =	sdelay $0x2  }
0x17a: {  	v25 =	vadd.s32 v3, v25  }
0x17b: {  	[tilespmem:s26+$0x3420] =	vst v25  }
0x17c: {  	v25 =	vld.idx.msk [tilespmem:v26+s15+$0x0], $0xffff;
	_ =	sdelay $0x1  }
0x17d: {  	v26 =	vor.u32 s25, v9;
	_ =	sdelay $0x2  }
0x17e: {  	v25 =	vadd.s32 v3, v25  }
0x17f: {  	[tilespmem:s26+$0x3430] =	vst v25  }
0x180: {  	v25 =	vld.idx.msk [tilespmem:v26+s15+$0x0], $0xffff;
	_ =	sdelay $0x1  }
0x181: {  	s28 =	sadd.s32 $0x20, s25  }
0x182: {  	v26 =	vor.u32 s28, v2;
	_ =	sdelay $0x1  }
0x183: {  	v25 =	vadd.s32 v3, v25  }
0x184: {  	s29 =	sadd.s32 $0x33E0, s26;
	[tilespmem:s26+$0x3440] =	vst v25  }
0x185: {  	[tilespmem:s23], [sflag:$0x2] =	stream.indirect.gather [hbm4b:s3+s16], $0x10, s29, s16, $0xb8;
	[tilespmem:$0x17CA0] =	vst v63  }
0x186: {  	v25 =	vld.idx.msk [tilespmem:v26+s15+$0x0], $0xffff;
	_ =	sdelay $0x1  }
0x187: {  	v26 =	vor.u32 s28, v4;
	_ =	sdelay $0x2  }
0x188: {  	v25 =	vadd.s32 v3, v25  }
0x189: {  	[tilespmem:s26+$0x3450] =	vst v25  }
0x18a: {  	v25 =	vld.idx.msk [tilespmem:v26+s15+$0x0], $0xffff;
	_ =	sdelay $0x1  }
0x18b: {  	v26 =	vor.u32 s28, v5;
	_ =	sdelay $0x2  }
0x18c: {  	v25 =	vadd.s32 v3, v25  }
0x18d: {  	[tilespmem:s26+$0x3460] =	vst v25  }
0x18e: {  	v25 =	vld.idx.msk [tilespmem:v26+s15+$0x0], $0xffff;
	_ =	sdelay $0x1  }
0x18f: {  	v26 =	vor.u32 s28, v6;
	_ =	sdelay $0x2  }
0x190: {  	v25 =	vadd.s32 v3, v25  }
0x191: {  	[tilespmem:s26+$0x3470] =	vst v25  }
0x192: {  	v25 =	vld.idx.msk [tilespmem:v26+s15+$0x0], $0xffff;
	_ =	sdelay $0x1  }
0x193: {  	v26 =	vor.u32 s28, v7;
	_ =	sdelay $0x2  }
0x194: {  	v25 =	vadd.s32 v3, v25  }
0x195: {  	[tilespmem:s26+$0x3480] =	vst v25  }
0x196: {  	v25 =	vld.idx.msk [tilespmem:v26+s15+$0x0], $0xffff;
	_ =	sdelay $0x1  }
0x197: {  	v26 =	vor.u32 s28, v8;
	_ =	sdelay $0x2  }
0x198: {  	v25 =	vadd.s32 v3, v25  }
0x199: {  	[tilespmem:s26+$0x3490] =	vst v25  }
0x19a: {  	v25 =	vld.idx.msk [tilespmem:v26+s15+$0x0], $0xffff;
	_ =	sdelay $0x1  }
0x19b: {  	v26 =	vor.u32 s28, v9;
	_ =	sdelay $0x2  }
0x19c: {  	v25 =	vadd.s32 v3, v25  }
0x19d: {  	[tilespmem:s26+$0x34A0] =	vst v25  }
0x19e: {  	v25 =	vld.idx.msk [tilespmem:v26+s15+$0x0], $0xffff;
	_ =	sdelay $0x1  }
0x19f: {  	s28 =	sadd.s32 $0x40, s25  }
0x1a0: {  	v26 =	vor.u32 s28, v2;
	_ =	sdelay $0x1  }
0x1a1: {  	v25 =	vadd.s32 v3, v25  }
0x1a2: {  	s30 =	sadd.s32 $0x700, s23;
	s31 =	sadd.s32 $0x3450, s26;
	[tilespmem:s26+$0x34B0] =	vst v25  }
0x1a3: {  	[tilespmem:s30], [sflag:$0x2] =	stream.indirect.gather [hbm4b:s3+s16], $0x10, s31, s16, $0xb8;
	[tilespmem:$0x17CA0] =	vst v63  }
0x1a4: {  	v25 =	vld.idx.msk [tilespmem:v26+s15+$0x0], $0xffff;
	_ =	sdelay $0x1  }
0x1a5: {  	v26 =	vor.u32 s28, v4;
	_ =	sdelay $0x2  }
0x1a6: {  	v25 =	vadd.s32 v3, v25  }
0x1a7: {  	[tilespmem:s26+$0x34C0] =	vst v25  }
0x1a8: {  	v25 =	vld.idx.msk [tilespmem:v26+s15+$0x0], $0xffff;
	_ =	sdelay $0x1  }
0x1a9: {  	v26 =	vor.u32 s28, v5;
	_ =	sdelay $0x2  }
0x1aa: {  	v25 =	vadd.s32 v3, v25  }
0x1ab: {  	[tilespmem:s26+$0x34D0] =	vst v25  }
0x1ac: {  	v25 =	vld.idx.msk [tilespmem:v26+s15+$0x0], $0xffff;
	_ =	sdelay $0x1  }
0x1ad: {  	v26 =	vor.u32 s28, v6;
	_ =	sdelay $0x2  }
0x1ae: {  	v25 =	vadd.s32 v3, v25  }
0x1af: {  	[tilespmem:s26+$0x34E0] =	vst v25  }
0x1b0: {  	v25 =	vld.idx.msk [tilespmem:v26+s15+$0x0], $0xffff;
	_ =	sdelay $0x1  }
0x1b1: {  	v26 =	vor.u32 s28, v7;
	_ =	sdelay $0x2  }
0x1b2: {  	v25 =	vadd.s32 v3, v25  }
0x1b3: {  	[tilespmem:s26+$0x34F0] =	vst v25  }
0x1b4: {  	v25 =	vld.idx.msk [tilespmem:v26+s15+$0x0], $0xffff;
	_ =	sdelay $0x1  }
0x1b5: {  	v26 =	vor.u32 s28, v8;
	_ =	sdelay $0x2  }
0x1b6: {  	v25 =	vadd.s32 v3, v25  }
0x1b7: {  	[tilespmem:s26+$0x3500] =	vst v25  }
0x1b8: {  	v25 =	vld.idx.msk [tilespmem:v26+s15+$0x0], $0xffff;
	_ =	sdelay $0x1  }
0x1b9: {  	v26 =	vor.u32 s28, v9;
	_ =	sdelay $0x2  }
0x1ba: {  	v25 =	vadd.s32 v3, v25  }
0x1bb: {  	[tilespmem:s26+$0x3510] =	vst v25  }
0x1bc: {  	v25 =	vld.idx.msk [tilespmem:v26+s15+$0x0], $0xffff;
	_ =	sdelay $0x1  }
0x1bd: {  	s28 =	sadd.s32 $0x60, s25  }
0x1be: {  	v26 =	vor.u32 s28, v2;
	_ =	sdelay $0x1  }
0x1bf: {  	v25 =	vadd.s32 v3, v25  }
0x1c0: {  	s29 =	sadd.s32 $0x34C0, s26;
	s31 =	sadd.s32 $0xE00, s23;
	[tilespmem:s26+$0x3520] =	vst v25  }
0x1c1: {  	[tilespmem:s31], [sflag:$0x2] =	stream.indirect.gather [hbm4b:s3+s16], $0x10, s29, s16, $0xb8;
	[tilespmem:$0x17CA0] =	vst v63  }
0x1c2: {  	v25 =	vld.idx.msk [tilespmem:v26+s15+$0x0], $0xffff;
	_ =	sdelay $0x1  }
0x1c3: {  	v26 =	vor.u32 s28, v4;
	_ =	sdelay $0x2  }
0x1c4: {  	v25 =	vadd.s32 v3, v25  }
0x1c5: {  	[tilespmem:s26+$0x3530] =	vst v25  }
0x1c6: {  	v25 =	vld.idx.msk [tilespmem:v26+s15+$0x0], $0xffff;
	_ =	sdelay $0x1  }
0x1c7: {  	v26 =	vor.u32 s28, v5;
	_ =	sdelay $0x2  }
0x1c8: {  	v25 =	vadd.s32 v3, v25  }
0x1c9: {  	[tilespmem:s26+$0x3540] =	vst v25  }
0x1ca: {  	v25 =	vld.idx.msk [tilespmem:v26+s15+$0x0], $0xffff;
	_ =	sdelay $0x1  }
0x1cb: {  	v26 =	vor.u32 s28, v6;
	_ =	sdelay $0x2  }
0x1cc: {  	v25 =	vadd.s32 v3, v25  }
0x1cd: {  	[tilespmem:s26+$0x3550] =	vst v25  }
0x1ce: {  	v25 =	vld.idx.msk [tilespmem:v26+s15+$0x0], $0xffff;
	_ =	sdelay $0x1  }
0x1cf: {  	v26 =	vor.u32 s28, v7;
	_ =	sdelay $0x2  }
0x1d0: {  	v25 =	vadd.s32 v3, v25  }
0x1d1: {  	[tilespmem:s26+$0x3560] =	vst v25  }
0x1d2: {  	v25 =	vld.idx.msk [tilespmem:v26+s15+$0x0], $0xffff;
	_ =	sdelay $0x1  }
0x1d3: {  	v26 =	vor.u32 s28, v8;
	_ =	sdelay $0x2  }
0x1d4: {  	v25 =	vadd.s32 v3, v25  }
0x1d5: {  	[tilespmem:s26+$0x3570] =	vst v25  }
0x1d6: {  	v25 =	vld.idx.msk [tilespmem:v26+s15+$0x0], $0xffff;
	_ =	sdelay $0x1  }
0x1d7: {  	v26 =	vor.u32 s28, v9;
	_ =	sdelay $0x2  }
0x1d8: {  	v25 =	vadd.s32 v3, v25  }
0x1d9: {  	[tilespmem:s26+$0x3580] =	vst v25  }
0x1da: {  	v25 =	vld.idx.msk [tilespmem:v26+s15+$0x0], $0xffff;
	_ =	sdelay $0x1  }
0x1db: {  	p0 =	sne.s32 s22, $0x1C00  }
.Ltmp1:
0x1dc: {  	_ = 	snop;
	(pc) =	sbr.rel @p0 .LBB2_4-.Ltmp1, $4  }
0x1dd: {  	_ = 	snop  }
0x1de: {  	s24 =	sadd.s32 $0x10, s24;
	s22 =	sadd.s32 $0x700, s22;
	s30 =	sadd.s32 $0x3530, s26;
	v25 =	vadd.s32 v3, v25  }
0x1df: {  	s25 =	sadd.s32 $0x80, s25;
	s31 =	sadd.s32 $0x1500, s23;
	s23 =	sadd.s32 $0x1C00, s23;
	[tilespmem:s26+$0x3590] =	vst v25  }
0x1e0: {  	[tilespmem:s31], [sflag:$0x2] =	stream.indirect.gather [hbm4b:s3+s16], $0x10, s30, s16, $0xb8;
	[tilespmem:$0x17CA0] =	vst v63  }
0x1e1: {  	_ =	swait.ge [sflag:s17], $0x8C00  }
0x1e2: {  	s22 =	simm.s32 $0xFFFFFFFE;
	s23 =	simm.s32 $0x0;
	[sflag:s17] =	ssyncset.done $0x0  }
0x1e3: {  	s24 =	simm.s32 $0x154E0;
	s25 =	simm.s32 $0x0;
	[sflag:s17] =	ssyncadd.s32 $0xFFFF7400  }
.LBB2_6:
0x1e4: {  	v25 =	vor.u32 s25, v10;
	_ =	sdelay $0x4  }
0x1e5: {  	v26 =	vld.idx.msk [tilespmem:v25+s11+$0x0], $0xffff;
	_ =	sdelay $0x3  }
0x1e6: {  	v27 =	vor.u32 s25, v11  }
0x1e7: {  	v28 =	vadd.s32 s23, v26  }
0x1e8: {  	v28 =	vadd.s32 v19, v28  }
0x1e9: {  	v29 =	vld.idx.msk [tilespmem:v25+s8+$0x0], $0xffff;
	v26 =	vand.u32 $0xF, v26;
	v30 =	vadd.s32 $0x1, v28;
	v31 =	vand.u32 $0xFFFFFFF0, v28  }
0x1ea: {  	v32 =	vld.idx.msk [tilespmem:v25+s9+$0x0], $0xffff;
	v26 =	vor.u32 v26, v31  }
0x1eb: {  	v53 =	vld.idx.msk [tilespmem:v27+s12+$0x0], $0xffff;
	v26 =	vadd.s32 $0x20, v26  }
0x1ec: {  	v33 =	vld.idx.msk [tilespmem:v27+s13+$0x0], $0xffff  }
0x1ed: {  	v34 =	vadd.s32 $0x21, v28;
	v28 =	vld.idx.msk [tilespmem:v28+s18+$0x0], $0xffff  }
0x1ee: {  	v30 =	vld.idx.msk [tilespmem:v30+s18+$0x0], $0xffff;
	_ =	sdelay $0x1  }
0x1ef: {  	v26 =	vld.idx.msk [tilespmem:v26+s18+$0x0], $0xffff  }
0x1f0: {  	v35 =	vmul.f32 v33, v32;
	v33 =	vmul.f32 v33, v29  }
0x1f1: {  	v32 =	vmul.f32 v53, v32;
	v34 =	vld.idx.msk [tilespmem:v34+s18+$0x0], $0xffff  }
0x1f2: {  	v28 =	vmul.f32 v28, v35;
	v30 =	vmul.f32 v30, v33;
	_ =	sdelay $0x1  }
0x1f3: {  	v29 =	vmul.f32 v53, v29;
	v28 =	vadd.f32 v30, v28;
	v26 =	vmul.f32 v26, v32  }
0x1f4: {  	v25 =	vld.idx.msk [tilespmem:v25+s10+$0x0], $0xffff  }
0x1f5: {  	v54 =	vmul.f32 v34, v29;
	v26 =	vadd.f32 v26, v28  }
0x1f6: {  	v27 =	vld.idx.msk [tilespmem:v27+s14+$0x0], $0xffff  }
0x1f7: {  	v26 =	vadd.f32 v54, v26;
	_ =	sdelay $0x1  }
0x1f8: {  	v25 =	vmul.f32 v26, v25;
	v26 =	vor.u32 s25, v12;
	_ =	sdelay $0x1  }
0x1f9: {  	v25 =	vmul.f32 v25, v27;
	_ =	sdelay $0x1  }
0x1fa: {  	[tilespmem:s24+$0xFFFFFFC0] =	vst v25  }
0x1fb: {  	v25 =	vld.idx.msk [tilespmem:v26+s11+$0x0], $0xffff;
	_ =	sdelay $0x3  }
0x1fc: {  	v27 =	vor.u32 s25, v13  }
0x1fd: {  	v55 =	vadd.s32 s23, v25  }
0x1fe: {  	v56 =	vadd.s32 v14, v55  }
0x1ff: {  	v57 =	vld.idx.msk [tilespmem:v26+s8+$0x0], $0xffff;
	v25 =	vand.u32 $0xF, v25;
	v58 =	vadd.s32 v15, v55;
	v59 =	vand.u32 $0xFFFFFFF0, v56  }
0x200: {  	v60 =	vld.idx.msk [tilespmem:v26+s9+$0x0], $0xffff;
	v25 =	vor.u32 v25, v59  }
0x201: {  	v61 =	vld.idx.msk [tilespmem:v27+s12+$0x0], $0xffff;
	v25 =	vadd.s32 $0x20, v25  }
0x202: {  	v62 =	vld.idx.msk [tilespmem:v27+s13+$0x0], $0xffff  }
0x203: {  	v28 =	vadd.s32 v16, v55;
	v29 =	vld.idx.msk [tilespmem:v56+s18+$0x0], $0xffff  }
0x204: {  	v31 =	vld.idx.msk [tilespmem:v58+s18+$0x0], $0xffff;
	_ =	sdelay $0x1  }
0x205: {  	v25 =	vld.idx.msk [tilespmem:v25+s18+$0x0], $0xffff  }
0x206: {  	v63 =	vmul.f32 v62, v60;
	v34 =	vmul.f32 v62, v57  }
0x207: {  	v33 =	vmul.f32 v61, v60;
	v28 =	vld.idx.msk [tilespmem:v28+s18+$0x0], $0xffff  }
0x208: {  	v29 =	vmul.f32 v29, v63;
	v31 =	vmul.f32 v31, v34;
	_ =	sdelay $0x1  }
0x209: {  	v30 =	vmul.f32 v61, v57;
	v29 =	vadd.f32 v31, v29;
	v25 =	vmul.f32 v25, v33  }
0x20a: {  	v26 =	vld.idx.msk [tilespmem:v26+s10+$0x0], $0xffff  }
0x20b: {  	v28 =	vmul.f32 v28, v30;
	v25 =	vadd.f32 v25, v29  }
0x20c: {  	v27 =	vld.idx.msk [tilespmem:v27+s14+$0x0], $0xffff  }
0x20d: {  	v25 =	vadd.f32 v28, v25;
	_ =	sdelay $0x1  }
0x20e: {  	v25 =	vmul.f32 v25, v26;
	v26 =	vor.u32 s25, v17;
	_ =	sdelay $0x1  }
0x20f: {  	v25 =	vmul.f32 v25, v27;
	_ =	sdelay $0x1  }
0x210: {  	[tilespmem:s24+$0xFFFFFFD0] =	vst v25  }
0x211: {  	v25 =	vld.idx.msk [tilespmem:v26+s11+$0x0], $0xffff;
	_ =	sdelay $0x3  }
0x212: {  	v27 =	vor.u32 s25, v18  }
0x213: {  	v36 =	vadd.s32 s23, v25  }
0x214: {  	v37 =	vadd.s32 v20, v36  }
0x215: {  	v38 =	vld.idx.msk [tilespmem:v26+s8+$0x0], $0xffff;
	v25 =	vand.u32 $0xF, v25;
	v39 =	vadd.s32 v21, v36;
	v40 =	vand.u32 $0xFFFFFFF0, v37  }
0x216: {  	v41 =	vld.idx.msk [tilespmem:v26+s9+$0x0], $0xffff;
	v25 =	vor.u32 v25, v40  }
0x217: {  	v42 =	vld.idx.msk [tilespmem:v27+s12+$0x0], $0xffff;
	v25 =	vadd.s32 $0x20, v25  }
0x218: {  	v43 =	vld.idx.msk [tilespmem:v27+s13+$0x0], $0xffff  }
0x219: {  	v28 =	vadd.s32 v22, v36;
	v29 =	vld.idx.msk [tilespmem:v37+s18+$0x0], $0xffff  }
0x21a: {  	v31 =	vld.idx.msk [tilespmem:v39+s18+$0x0], $0xffff;
	_ =	sdelay $0x1  }
0x21b: {  	v25 =	vld.idx.msk [tilespmem:v25+s18+$0x0], $0xffff  }
0x21c: {  	v44 =	vmul.f32 v43, v41;
	v34 =	vmul.f32 v43, v38  }
0x21d: {  	v33 =	vmul.f32 v42, v41;
	v28 =	vld.idx.msk [tilespmem:v28+s18+$0x0], $0xffff  }
0x21e: {  	v29 =	vmul.f32 v29, v44;
	v31 =	vmul.f32 v31, v34;
	_ =	sdelay $0x1  }
0x21f: {  	v30 =	vmul.f32 v42, v38;
	v29 =	vadd.f32 v31, v29;
	v25 =	vmul.f32 v25, v33  }
0x220: {  	v26 =	vld.idx.msk [tilespmem:v26+s10+$0x0], $0xffff  }
0x221: {  	v28 =	vmul.f32 v28, v30;
	v25 =	vadd.f32 v25, v29  }
0x222: {  	v27 =	vld.idx.msk [tilespmem:v27+s14+$0x0], $0xffff  }
0x223: {  	v25 =	vadd.f32 v28, v25  }
0x224: {  	v45 =	vmov s25  }
0x225: {  	v25 =	vmul.f32 v25, v26;
	v26 =	vor.u32 $0x6, v45;
	_ =	sdelay $0x1  }
0x226: {  	v25 =	vmul.f32 v25, v27;
	_ =	sdelay $0x1  }
0x227: {  	[tilespmem:s24+$0xFFFFFFE0] =	vst v25  }
0x228: {  	v25 =	vld.idx.msk [tilespmem:v26+s11+$0x0], $0xffff;
	_ =	sdelay $0x4  }
0x229: {  	v27 =	vadd.s32 s23, v25  }
0x22a: {  	v46 =	vadd.s32 $0x180, v27  }
0x22b: {  	v47 =	vld.idx.msk [tilespmem:v26+s8+$0x0], $0xffff;
	v25 =	vand.u32 $0xF, v25;
	v48 =	vadd.s32 $0x181, v27;
	v49 =	vand.u32 $0xFFFFFFF0, v46  }
0x22c: {  	v50 =	vld.idx.msk [tilespmem:v26+s9+$0x0], $0xffff;
	v25 =	vor.u32 v25, v49  }
0x22d: {  	v51 =	vld.idx.msk [tilespmem:v26+s12+$0x0], $0xffff;
	v25 =	vadd.s32 $0x20, v25  }
0x22e: {  	v52 =	vld.idx.msk [tilespmem:v26+s13+$0x0], $0xffff  }
0x22f: {  	v27 =	vadd.s32 $0x1A1, v27;
	v28 =	vld.idx.msk [tilespmem:v46+s18+$0x0], $0xffff  }
0x230: {  	v30 =	vld.idx.msk [tilespmem:v48+s18+$0x0], $0xffff;
	_ =	sdelay $0x1  }
0x231: {  	v25 =	vld.idx.msk [tilespmem:v25+s18+$0x0], $0xffff  }
0x232: {  	v53 =	vmul.f32 v52, v50;
	v33 =	vmul.f32 v52, v47  }
0x233: {  	v32 =	vmul.f32 v51, v50;
	v27 =	vld.idx.msk [tilespmem:v27+s18+$0x0], $0xffff  }
0x234: {  	v28 =	vmul.f32 v28, v53;
	v30 =	vmul.f32 v30, v33;
	_ =	sdelay $0x1  }
0x235: {  	v29 =	vmul.f32 v51, v47;
	v28 =	vadd.f32 v30, v28;
	v25 =	vmul.f32 v25, v32  }
0x236: {  	v54 =	vld.idx.msk [tilespmem:v26+s10+$0x0], $0xffff  }
0x237: {  	v27 =	vmul.f32 v27, v29;
	v25 =	vadd.f32 v25, v28  }
0x238: {  	v26 =	vld.idx.msk [tilespmem:v26+s14+$0x0], $0xffff  }
0x239: {  	v25 =	vadd.f32 v27, v25  }
0x23a: {  	s26 =	sadd.s32 $0x8, s25  }
0x23b: {  	v27 =	vor.u32 s26, v10;
	v25 =	vmul.f32 v25, v54;
	_ =	sdelay $0x1  }
0x23c: {  	v25 =	vmul.f32 v25, v26;
	_ =	sdelay $0x1  }
0x23d: {  	[tilespmem:s24+$0xFFFFFFF0] =	vst v25  }
0x23e: {  	v25 =	vld.idx.msk [tilespmem:v27+s11+$0x0], $0xffff;
	_ =	sdelay $0x3  }
0x23f: {  	s28 =	sadd.s32 $0x1C0, s23;
	v26 =	vor.u32 s26, v11  }
0x240: {  	v55 =	vadd.s32 s28, v25  }
0x241: {  	v56 =	vadd.s32 v19, v55  }
0x242: {  	v57 =	vld.idx.msk [tilespmem:v27+s8+$0x0], $0xffff;
	v25 =	vand.u32 $0xF, v25;
	v58 =	vadd.s32 v23, v55;
	v59 =	vand.u32 $0xFFFFFFF0, v56  }
0x243: {  	v60 =	vld.idx.msk [tilespmem:v27+s9+$0x0], $0xffff;
	v25 =	vor.u32 v25, v59  }
0x244: {  	v61 =	vld.idx.msk [tilespmem:v26+s12+$0x0], $0xffff;
	v25 =	vadd.s32 $0x20, v25  }
0x245: {  	v62 =	vld.idx.msk [tilespmem:v26+s13+$0x0], $0xffff  }
0x246: {  	v28 =	vadd.s32 v24, v55;
	v29 =	vld.idx.msk [tilespmem:v56+s18+$0x0], $0xffff  }
0x247: {  	v31 =	vld.idx.msk [tilespmem:v58+s18+$0x0], $0xffff;
	_ =	sdelay $0x1  }
0x248: {  	v25 =	vld.idx.msk [tilespmem:v25+s18+$0x0], $0xffff  }
0x249: {  	v63 =	vmul.f32 v62, v60;
	v34 =	vmul.f32 v62, v57  }
0x24a: {  	v33 =	vmul.f32 v61, v60;
	v28 =	vld.idx.msk [tilespmem:v28+s18+$0x0], $0xffff  }
0x24b: {  	v29 =	vmul.f32 v29, v63;
	v31 =	vmul.f32 v31, v34;
	_ =	sdelay $0x1  }
0x24c: {  	v30 =	vmul.f32 v61, v57;
	v29 =	vadd.f32 v31, v29;
	v25 =	vmul.f32 v25, v33  }
0x24d: {  	v27 =	vld.idx.msk [tilespmem:v27+s10+$0x0], $0xffff  }
0x24e: {  	v28 =	vmul.f32 v28, v30;
	v25 =	vadd.f32 v25, v29  }
0x24f: {  	v26 =	vld.idx.msk [tilespmem:v26+s14+$0x0], $0xffff  }
0x250: {  	v25 =	vadd.f32 v28, v25;
	_ =	sdelay $0x1  }
0x251: {  	v25 =	vmul.f32 v25, v27;
	v27 =	vor.u32 s26, v12;
	_ =	sdelay $0x1  }
0x252: {  	v25 =	vmul.f32 v25, v26;
	_ =	sdelay $0x1  }
0x253: {  	[tilespmem:s24+$0x0] =	vst v25  }
0x254: {  	v25 =	vld.idx.msk [tilespmem:v27+s11+$0x0], $0xffff;
	_ =	sdelay $0x3  }
0x255: {  	v26 =	vor.u32 s26, v13  }
0x256: {  	v36 =	vadd.s32 s28, v25  }
0x257: {  	v37 =	vadd.s32 v14, v36  }
0x258: {  	v38 =	vld.idx.msk [tilespmem:v27+s8+$0x0], $0xffff;
	v25 =	vand.u32 $0xF, v25;
	v39 =	vadd.s32 v15, v36;
	v40 =	vand.u32 $0xFFFFFFF0, v37  }
0x259: {  	v41 =	vld.idx.msk [tilespmem:v27+s9+$0x0], $0xffff;
	v25 =	vor.u32 v25, v40  }
0x25a: {  	v42 =	vld.idx.msk [tilespmem:v26+s12+$0x0], $0xffff;
	v25 =	vadd.s32 $0x20, v25  }
0x25b: {  	v43 =	vld.idx.msk [tilespmem:v26+s13+$0x0], $0xffff  }
0x25c: {  	v28 =	vadd.s32 v16, v36;
	v29 =	vld.idx.msk [tilespmem:v37+s18+$0x0], $0xffff  }
0x25d: {  	v31 =	vld.idx.msk [tilespmem:v39+s18+$0x0], $0xffff;
	_ =	sdelay $0x1  }
0x25e: {  	v25 =	vld.idx.msk [tilespmem:v25+s18+$0x0], $0xffff  }
0x25f: {  	v44 =	vmul.f32 v43, v41;
	v34 =	vmul.f32 v43, v38  }
0x260: {  	v33 =	vmul.f32 v42, v41;
	v28 =	vld.idx.msk [tilespmem:v28+s18+$0x0], $0xffff  }
0x261: {  	v29 =	vmul.f32 v29, v44;
	v31 =	vmul.f32 v31, v34;
	_ =	sdelay $0x1  }
0x262: {  	v30 =	vmul.f32 v42, v38;
	v29 =	vadd.f32 v31, v29;
	v25 =	vmul.f32 v25, v33  }
0x263: {  	v27 =	vld.idx.msk [tilespmem:v27+s10+$0x0], $0xffff  }
0x264: {  	v28 =	vmul.f32 v28, v30;
	v25 =	vadd.f32 v25, v29  }
0x265: {  	v26 =	vld.idx.msk [tilespmem:v26+s14+$0x0], $0xffff  }
0x266: {  	v25 =	vadd.f32 v28, v25;
	_ =	sdelay $0x1  }
0x267: {  	v25 =	vmul.f32 v25, v27;
	v27 =	vor.u32 s26, v17;
	_ =	sdelay $0x1  }
0x268: {  	v25 =	vmul.f32 v25, v26;
	_ =	sdelay $0x1  }
0x269: {  	[tilespmem:s24+$0x10] =	vst v25  }
0x26a: {  	v25 =	vld.idx.msk [tilespmem:v27+s11+$0x0], $0xffff;
	_ =	sdelay $0x3  }
0x26b: {  	v26 =	vor.u32 s26, v18  }
0x26c: {  	v45 =	vadd.s32 s28, v25  }
0x26d: {  	v46 =	vadd.s32 v20, v45  }
0x26e: {  	v47 =	vld.idx.msk [tilespmem:v27+s8+$0x0], $0xffff;
	v25 =	vand.u32 $0xF, v25;
	v48 =	vadd.s32 v21, v45;
	v49 =	vand.u32 $0xFFFFFFF0, v46  }
0x26f: {  	v50 =	vld.idx.msk [tilespmem:v27+s9+$0x0], $0xffff;
	v25 =	vor.u32 v25, v49  }
0x270: {  	v51 =	vld.idx.msk [tilespmem:v26+s12+$0x0], $0xffff;
	v25 =	vadd.s32 $0x20, v25  }
0x271: {  	v52 =	vld.idx.msk [tilespmem:v26+s13+$0x0], $0xffff  }
0x272: {  	v28 =	vadd.s32 v22, v45;
	v29 =	vld.idx.msk [tilespmem:v46+s18+$0x0], $0xffff  }
0x273: {  	v31 =	vld.idx.msk [tilespmem:v48+s18+$0x0], $0xffff;
	_ =	sdelay $0x1  }
0x274: {  	v25 =	vld.idx.msk [tilespmem:v25+s18+$0x0], $0xffff  }
0x275: {  	v53 =	vmul.f32 v52, v50;
	v34 =	vmul.f32 v52, v47  }
0x276: {  	v33 =	vmul.f32 v51, v50;
	v28 =	vld.idx.msk [tilespmem:v28+s18+$0x0], $0xffff  }
0x277: {  	v29 =	vmul.f32 v29, v53;
	v31 =	vmul.f32 v31, v34;
	_ =	sdelay $0x1  }
0x278: {  	v30 =	vmul.f32 v51, v47;
	v29 =	vadd.f32 v31, v29;
	v25 =	vmul.f32 v25, v33  }
0x279: {  	v27 =	vld.idx.msk [tilespmem:v27+s10+$0x0], $0xffff  }
0x27a: {  	v28 =	vmul.f32 v28, v30;
	v25 =	vadd.f32 v25, v29  }
0x27b: {  	v26 =	vld.idx.msk [tilespmem:v26+s14+$0x0], $0xffff  }
0x27c: {  	v25 =	vadd.f32 v28, v25  }
0x27d: {  	v54 =	vmov s26  }
0x27e: {  	v25 =	vmul.f32 v25, v27;
	v27 =	vor.u32 $0x6, v54;
	_ =	sdelay $0x1  }
0x27f: {  	v25 =	vmul.f32 v25, v26;
	_ =	sdelay $0x1  }
0x280: {  	[tilespmem:s24+$0x20] =	vst v25  }
0x281: {  	v25 =	vld.idx.msk [tilespmem:v27+s11+$0x0], $0xffff;
	_ =	sdelay $0x4  }
0x282: {  	v26 =	vadd.s32 s28, v25  }
0x283: {  	v55 =	vadd.s32 $0x180, v26  }
0x284: {  	v56 =	vld.idx.msk [tilespmem:v27+s8+$0x0], $0xffff;
	v25 =	vand.u32 $0xF, v25;
	v57 =	vadd.s32 $0x181, v26;
	v58 =	vand.u32 $0xFFFFFFF0, v55  }
0x285: {  	v59 =	vld.idx.msk [tilespmem:v27+s9+$0x0], $0xffff;
	v25 =	vor.u32 v25, v58  }
0x286: {  	v60 =	vld.idx.msk [tilespmem:v27+s12+$0x0], $0xffff;
	v25 =	vadd.s32 $0x20, v25  }
0x287: {  	v61 =	vld.idx.msk [tilespmem:v27+s13+$0x0], $0xffff  }
0x288: {  	v26 =	vadd.s32 $0x1A1, v26;
	v28 =	vld.idx.msk [tilespmem:v55+s18+$0x0], $0xffff  }
0x289: {  	v30 =	vld.idx.msk [tilespmem:v57+s18+$0x0], $0xffff;
	_ =	sdelay $0x1  }
0x28a: {  	v25 =	vld.idx.msk [tilespmem:v25+s18+$0x0], $0xffff  }
0x28b: {  	v62 =	vmul.f32 v61, v59;
	v33 =	vmul.f32 v61, v56  }
0x28c: {  	v32 =	vmul.f32 v60, v59;
	v26 =	vld.idx.msk [tilespmem:v26+s18+$0x0], $0xffff  }
0x28d: {  	v28 =	vmul.f32 v28, v62;
	v30 =	vmul.f32 v30, v33;
	_ =	sdelay $0x1  }
0x28e: {  	v29 =	vmul.f32 v60, v56;
	v28 =	vadd.f32 v30, v28;
	v25 =	vmul.f32 v25, v32  }
0x28f: {  	v63 =	vld.idx.msk [tilespmem:v27+s10+$0x0], $0xffff  }
0x290: {  	v26 =	vmul.f32 v26, v29;
	v25 =	vadd.f32 v25, v28  }
0x291: {  	v27 =	vld.idx.msk [tilespmem:v27+s14+$0x0], $0xffff  }
0x292: {  	s22 =	sadd.s32 $0x2, s22;
	v25 =	vadd.f32 v26, v25  }
0x293: {  	p0 =	slt.u32 s22, $0x4E  }
.Ltmp2:
0x294: {  	v25 =	vmul.f32 v25, v63;
	(pc) =	sbr.rel @p0 .LBB2_6-.Ltmp2, $3  }
0x295: {  	_ = 	snop  }
0x296: {  	v25 =	vmul.f32 v25, v27;
	_ =	sdelay $0x1  }
0x297: {  	s25 =	sadd.s32 $0x10, s25;
	s23 =	sadd.s32 $0x380, s23;
	[tilespmem:s24+$0x30] =	vst v25;
	s24 =	sadd.s32 $0x80, s24  }
0x298: {  	_ =	swait.ge [sflag:s19], $0x8C00  }
0x299: {  	s22 =	simm.s32 $0x4E;
	s23 =	simm.s32 $0x280;
	[sflag:s19] =	ssyncset.done $0x0  }
0x29a: {  	s24 =	simm.s32 $0x8C00;
	s25 =	simm.s32 $0x16910;
	[sflag:s19] =	ssyncadd.s32 $0xFFFF7400  }
.LBB2_8:
0x29b: {  	v25 =	vor.u32 s23, v10;
	_ =	sdelay $0x4  }
0x29c: {  	v26 =	vld.idx.msk [tilespmem:v25+s11+$0x0], $0xffff;
	_ =	sdelay $0x3  }
0x29d: {  	v27 =	vor.u32 s23, v11  }
0x29e: {  	v28 =	vadd.s32 s24, v26  }
0x29f: {  	v28 =	vadd.s32 v19, v28  }
0x2a0: {  	v29 =	vld.idx.msk [tilespmem:v25+s8+$0x0], $0xffff;
	v26 =	vand.u32 $0xF, v26;
	v30 =	vadd.s32 $0x1, v28;
	v31 =	vand.u32 $0xFFFFFFF0, v28  }
0x2a1: {  	v32 =	vld.idx.msk [tilespmem:v25+s9+$0x0], $0xffff;
	v26 =	vor.u32 v26, v31  }
0x2a2: {  	v53 =	vld.idx.msk [tilespmem:v27+s12+$0x0], $0xffff;
	v26 =	vadd.s32 $0x20, v26  }
0x2a3: {  	v33 =	vld.idx.msk [tilespmem:v27+s13+$0x0], $0xffff  }
0x2a4: {  	v34 =	vadd.s32 $0x21, v28;
	v28 =	vld.idx.msk [tilespmem:v28+s18+$0x0], $0xffff  }
0x2a5: {  	v30 =	vld.idx.msk [tilespmem:v30+s18+$0x0], $0xffff;
	_ =	sdelay $0x1  }
0x2a6: {  	v26 =	vld.idx.msk [tilespmem:v26+s18+$0x0], $0xffff  }
0x2a7: {  	v35 =	vmul.f32 v33, v32;
	v33 =	vmul.f32 v33, v29  }
0x2a8: {  	v32 =	vmul.f32 v53, v32;
	v34 =	vld.idx.msk [tilespmem:v34+s18+$0x0], $0xffff  }
0x2a9: {  	v28 =	vmul.f32 v28, v35;
	v30 =	vmul.f32 v30, v33;
	_ =	sdelay $0x1  }
0x2aa: {  	v29 =	vmul.f32 v53, v29;
	v28 =	vadd.f32 v30, v28;
	v26 =	vmul.f32 v26, v32  }
0x2ab: {  	v25 =	vld.idx.msk [tilespmem:v25+s10+$0x0], $0xffff  }
0x2ac: {  	v54 =	vmul.f32 v34, v29;
	v26 =	vadd.f32 v26, v28  }
0x2ad: {  	v27 =	vld.idx.msk [tilespmem:v27+s14+$0x0], $0xffff  }
0x2ae: {  	v26 =	vadd.f32 v54, v26;
	_ =	sdelay $0x1  }
0x2af: {  	v25 =	vmul.f32 v26, v25;
	v26 =	vor.u32 s23, v12;
	_ =	sdelay $0x1  }
0x2b0: {  	v25 =	vmul.f32 v25, v27;
	_ =	sdelay $0x1  }
0x2b1: {  	[tilespmem:s25+$0xFFFFFF90] =	vst v25  }
0x2b2: {  	v25 =	vld.idx.msk [tilespmem:v26+s11+$0x0], $0xffff;
	_ =	sdelay $0x3  }
0x2b3: {  	v27 =	vor.u32 s23, v13  }
0x2b4: {  	v55 =	vadd.s32 s24, v25  }
0x2b5: {  	v56 =	vadd.s32 v14, v55  }
0x2b6: {  	v57 =	vld.idx.msk [tilespmem:v26+s8+$0x0], $0xffff;
	v25 =	vand.u32 $0xF, v25;
	v58 =	vadd.s32 v15, v55;
	v59 =	vand.u32 $0xFFFFFFF0, v56  }
0x2b7: {  	v60 =	vld.idx.msk [tilespmem:v26+s9+$0x0], $0xffff;
	v25 =	vor.u32 v25, v59  }
0x2b8: {  	v61 =	vld.idx.msk [tilespmem:v27+s12+$0x0], $0xffff;
	v25 =	vadd.s32 $0x20, v25  }
0x2b9: {  	v62 =	vld.idx.msk [tilespmem:v27+s13+$0x0], $0xffff  }
0x2ba: {  	v28 =	vadd.s32 v16, v55;
	v29 =	vld.idx.msk [tilespmem:v56+s18+$0x0], $0xffff  }
0x2bb: {  	v31 =	vld.idx.msk [tilespmem:v58+s18+$0x0], $0xffff;
	_ =	sdelay $0x1  }
0x2bc: {  	v25 =	vld.idx.msk [tilespmem:v25+s18+$0x0], $0xffff  }
0x2bd: {  	v63 =	vmul.f32 v62, v60;
	v34 =	vmul.f32 v62, v57  }
0x2be: {  	v33 =	vmul.f32 v61, v60;
	v28 =	vld.idx.msk [tilespmem:v28+s18+$0x0], $0xffff  }
0x2bf: {  	v29 =	vmul.f32 v29, v63;
	v31 =	vmul.f32 v31, v34;
	_ =	sdelay $0x1  }
0x2c0: {  	v30 =	vmul.f32 v61, v57;
	v29 =	vadd.f32 v31, v29;
	v25 =	vmul.f32 v25, v33  }
0x2c1: {  	v26 =	vld.idx.msk [tilespmem:v26+s10+$0x0], $0xffff  }
0x2c2: {  	v28 =	vmul.f32 v28, v30;
	v25 =	vadd.f32 v25, v29  }
0x2c3: {  	v27 =	vld.idx.msk [tilespmem:v27+s14+$0x0], $0xffff  }
0x2c4: {  	v25 =	vadd.f32 v28, v25;
	_ =	sdelay $0x1  }
0x2c5: {  	v25 =	vmul.f32 v25, v26;
	v26 =	vor.u32 s23, v17;
	_ =	sdelay $0x1  }
0x2c6: {  	v25 =	vmul.f32 v25, v27;
	_ =	sdelay $0x1  }
0x2c7: {  	[tilespmem:s25+$0xFFFFFFA0] =	vst v25  }
0x2c8: {  	v25 =	vld.idx.msk [tilespmem:v26+s11+$0x0], $0xffff;
	_ =	sdelay $0x3  }
0x2c9: {  	v27 =	vor.u32 s23, v18  }
0x2ca: {  	v36 =	vadd.s32 s24, v25  }
0x2cb: {  	v37 =	vadd.s32 v20, v36  }
0x2cc: {  	v38 =	vld.idx.msk [tilespmem:v26+s8+$0x0], $0xffff;
	v25 =	vand.u32 $0xF, v25;
	v39 =	vadd.s32 v21, v36;
	v40 =	vand.u32 $0xFFFFFFF0, v37  }
0x2cd: {  	v41 =	vld.idx.msk [tilespmem:v26+s9+$0x0], $0xffff;
	v25 =	vor.u32 v25, v40  }
0x2ce: {  	v42 =	vld.idx.msk [tilespmem:v27+s12+$0x0], $0xffff;
	v25 =	vadd.s32 $0x20, v25  }
0x2cf: {  	v43 =	vld.idx.msk [tilespmem:v27+s13+$0x0], $0xffff  }
0x2d0: {  	v28 =	vadd.s32 v22, v36;
	v29 =	vld.idx.msk [tilespmem:v37+s18+$0x0], $0xffff  }
0x2d1: {  	v31 =	vld.idx.msk [tilespmem:v39+s18+$0x0], $0xffff;
	_ =	sdelay $0x1  }
0x2d2: {  	v25 =	vld.idx.msk [tilespmem:v25+s18+$0x0], $0xffff  }
0x2d3: {  	v44 =	vmul.f32 v43, v41;
	v34 =	vmul.f32 v43, v38  }
0x2d4: {  	v33 =	vmul.f32 v42, v41;
	v28 =	vld.idx.msk [tilespmem:v28+s18+$0x0], $0xffff  }
0x2d5: {  	v29 =	vmul.f32 v29, v44;
	v31 =	vmul.f32 v31, v34;
	_ =	sdelay $0x1  }
0x2d6: {  	v30 =	vmul.f32 v42, v38;
	v29 =	vadd.f32 v31, v29;
	v25 =	vmul.f32 v25, v33  }
0x2d7: {  	v26 =	vld.idx.msk [tilespmem:v26+s10+$0x0], $0xffff  }
0x2d8: {  	v28 =	vmul.f32 v28, v30;
	v25 =	vadd.f32 v25, v29  }
0x2d9: {  	v27 =	vld.idx.msk [tilespmem:v27+s14+$0x0], $0xffff  }
0x2da: {  	v25 =	vadd.f32 v28, v25  }
0x2db: {  	v45 =	vmov s23  }
0x2dc: {  	v25 =	vmul.f32 v25, v26;
	v26 =	vor.u32 $0x6, v45;
	_ =	sdelay $0x1  }
0x2dd: {  	v25 =	vmul.f32 v25, v27;
	_ =	sdelay $0x1  }
0x2de: {  	[tilespmem:s25+$0xFFFFFFB0] =	vst v25  }
0x2df: {  	v25 =	vld.idx.msk [tilespmem:v26+s11+$0x0], $0xffff;
	_ =	sdelay $0x4  }
0x2e0: {  	v27 =	vadd.s32 s24, v25  }
0x2e1: {  	v46 =	vadd.s32 $0x180, v27  }
0x2e2: {  	v47 =	vld.idx.msk [tilespmem:v26+s8+$0x0], $0xffff;
	v25 =	vand.u32 $0xF, v25;
	v48 =	vadd.s32 $0x181, v27;
	v49 =	vand.u32 $0xFFFFFFF0, v46  }
0x2e3: {  	v50 =	vld.idx.msk [tilespmem:v26+s9+$0x0], $0xffff;
	v25 =	vor.u32 v25, v49  }
0x2e4: {  	v51 =	vld.idx.msk [tilespmem:v26+s12+$0x0], $0xffff;
	v25 =	vadd.s32 $0x20, v25  }
0x2e5: {  	v52 =	vld.idx.msk [tilespmem:v26+s13+$0x0], $0xffff  }
0x2e6: {  	v27 =	vadd.s32 $0x1A1, v27;
	v28 =	vld.idx.msk [tilespmem:v46+s18+$0x0], $0xffff  }
0x2e7: {  	v30 =	vld.idx.msk [tilespmem:v48+s18+$0x0], $0xffff;
	_ =	sdelay $0x1  }
0x2e8: {  	v25 =	vld.idx.msk [tilespmem:v25+s18+$0x0], $0xffff  }
0x2e9: {  	v53 =	vmul.f32 v52, v50;
	v33 =	vmul.f32 v52, v47  }
0x2ea: {  	v32 =	vmul.f32 v51, v50;
	v27 =	vld.idx.msk [tilespmem:v27+s18+$0x0], $0xffff  }
0x2eb: {  	v28 =	vmul.f32 v28, v53;
	v30 =	vmul.f32 v30, v33;
	_ =	sdelay $0x1  }
0x2ec: {  	v29 =	vmul.f32 v51, v47;
	v28 =	vadd.f32 v30, v28;
	v25 =	vmul.f32 v25, v32  }
0x2ed: {  	v54 =	vld.idx.msk [tilespmem:v26+s10+$0x0], $0xffff  }
0x2ee: {  	v27 =	vmul.f32 v27, v29;
	v25 =	vadd.f32 v25, v28  }
0x2ef: {  	v26 =	vld.idx.msk [tilespmem:v26+s14+$0x0], $0xffff  }
0x2f0: {  	v25 =	vadd.f32 v27, v25  }
0x2f1: {  	s26 =	sadd.s32 $0x8, s23  }
0x2f2: {  	v27 =	vor.u32 s26, v10;
	v25 =	vmul.f32 v25, v54;
	_ =	sdelay $0x1  }
0x2f3: {  	v25 =	vmul.f32 v25, v26;
	_ =	sdelay $0x1  }
0x2f4: {  	[tilespmem:s25+$0xFFFFFFC0] =	vst v25  }
0x2f5: {  	v25 =	vld.idx.msk [tilespmem:v27+s11+$0x0], $0xffff;
	_ =	sdelay $0x3  }
0x2f6: {  	s28 =	sadd.s32 $0x1C0, s24;
	v26 =	vor.u32 s26, v11  }
0x2f7: {  	v55 =	vadd.s32 s28, v25  }
0x2f8: {  	v56 =	vadd.s32 v19, v55  }
0x2f9: {  	v57 =	vld.idx.msk [tilespmem:v27+s8+$0x0], $0xffff;
	v25 =	vand.u32 $0xF, v25;
	v58 =	vadd.s32 v23, v55;
	v59 =	vand.u32 $0xFFFFFFF0, v56  }
0x2fa: {  	v60 =	vld.idx.msk [tilespmem:v27+s9+$0x0], $0xffff;
	v25 =	vor.u32 v25, v59  }
0x2fb: {  	v61 =	vld.idx.msk [tilespmem:v26+s12+$0x0], $0xffff;
	v25 =	vadd.s32 $0x20, v25  }
0x2fc: {  	v62 =	vld.idx.msk [tilespmem:v26+s13+$0x0], $0xffff  }
0x2fd: {  	v28 =	vadd.s32 v24, v55;
	v29 =	vld.idx.msk [tilespmem:v56+s18+$0x0], $0xffff  }
0x2fe: {  	v31 =	vld.idx.msk [tilespmem:v58+s18+$0x0], $0xffff;
	_ =	sdelay $0x1  }
0x2ff: {  	v25 =	vld.idx.msk [tilespmem:v25+s18+$0x0], $0xffff  }
0x300: {  	v63 =	vmul.f32 v62, v60;
	v34 =	vmul.f32 v62, v57  }
0x301: {  	v33 =	vmul.f32 v61, v60;
	v28 =	vld.idx.msk [tilespmem:v28+s18+$0x0], $0xffff  }
0x302: {  	v29 =	vmul.f32 v29, v63;
	v31 =	vmul.f32 v31, v34;
	_ =	sdelay $0x1  }
0x303: {  	v30 =	vmul.f32 v61, v57;
	v29 =	vadd.f32 v31, v29;
	v25 =	vmul.f32 v25, v33  }
0x304: {  	v27 =	vld.idx.msk [tilespmem:v27+s10+$0x0], $0xffff  }
0x305: {  	v28 =	vmul.f32 v28, v30;
	v25 =	vadd.f32 v25, v29  }
0x306: {  	v26 =	vld.idx.msk [tilespmem:v26+s14+$0x0], $0xffff  }
0x307: {  	v25 =	vadd.f32 v28, v25;
	_ =	sdelay $0x1  }
0x308: {  	v25 =	vmul.f32 v25, v27;
	v27 =	vor.u32 s26, v12;
	_ =	sdelay $0x1  }
0x309: {  	v25 =	vmul.f32 v25, v26;
	_ =	sdelay $0x1  }
0x30a: {  	[tilespmem:s25+$0xFFFFFFD0] =	vst v25  }
0x30b: {  	v25 =	vld.idx.msk [tilespmem:v27+s11+$0x0], $0xffff;
	_ =	sdelay $0x3  }
0x30c: {  	v26 =	vor.u32 s26, v13  }
0x30d: {  	v36 =	vadd.s32 s28, v25  }
0x30e: {  	v37 =	vadd.s32 v14, v36  }
0x30f: {  	v38 =	vld.idx.msk [tilespmem:v27+s8+$0x0], $0xffff;
	v25 =	vand.u32 $0xF, v25;
	v39 =	vadd.s32 v15, v36;
	v40 =	vand.u32 $0xFFFFFFF0, v37  }
0x310: {  	v41 =	vld.idx.msk [tilespmem:v27+s9+$0x0], $0xffff;
	v25 =	vor.u32 v25, v40  }
0x311: {  	v42 =	vld.idx.msk [tilespmem:v26+s12+$0x0], $0xffff;
	v25 =	vadd.s32 $0x20, v25  }
0x312: {  	v43 =	vld.idx.msk [tilespmem:v26+s13+$0x0], $0xffff  }
0x313: {  	v28 =	vadd.s32 v16, v36;
	v29 =	vld.idx.msk [tilespmem:v37+s18+$0x0], $0xffff  }
0x314: {  	v31 =	vld.idx.msk [tilespmem:v39+s18+$0x0], $0xffff;
	_ =	sdelay $0x1  }
0x315: {  	v25 =	vld.idx.msk [tilespmem:v25+s18+$0x0], $0xffff  }
0x316: {  	v44 =	vmul.f32 v43, v41;
	v34 =	vmul.f32 v43, v38  }
0x317: {  	v33 =	vmul.f32 v42, v41;
	v28 =	vld.idx.msk [tilespmem:v28+s18+$0x0], $0xffff  }
0x318: {  	v29 =	vmul.f32 v29, v44;
	v31 =	vmul.f32 v31, v34;
	_ =	sdelay $0x1  }
0x319: {  	v30 =	vmul.f32 v42, v38;
	v29 =	vadd.f32 v31, v29;
	v25 =	vmul.f32 v25, v33  }
0x31a: {  	v27 =	vld.idx.msk [tilespmem:v27+s10+$0x0], $0xffff  }
0x31b: {  	v28 =	vmul.f32 v28, v30;
	v25 =	vadd.f32 v25, v29  }
0x31c: {  	v26 =	vld.idx.msk [tilespmem:v26+s14+$0x0], $0xffff  }
0x31d: {  	v25 =	vadd.f32 v28, v25;
	_ =	sdelay $0x1  }
0x31e: {  	v25 =	vmul.f32 v25, v27;
	v27 =	vor.u32 s26, v17;
	_ =	sdelay $0x1  }
0x31f: {  	v25 =	vmul.f32 v25, v26;
	_ =	sdelay $0x1  }
0x320: {  	[tilespmem:s25+$0xFFFFFFE0] =	vst v25  }
0x321: {  	v25 =	vld.idx.msk [tilespmem:v27+s11+$0x0], $0xffff;
	_ =	sdelay $0x3  }
0x322: {  	v26 =	vor.u32 s26, v18  }
0x323: {  	v45 =	vadd.s32 s28, v25  }
0x324: {  	v46 =	vadd.s32 v20, v45  }
0x325: {  	v47 =	vld.idx.msk [tilespmem:v27+s8+$0x0], $0xffff;
	v25 =	vand.u32 $0xF, v25;
	v48 =	vadd.s32 v21, v45;
	v49 =	vand.u32 $0xFFFFFFF0, v46  }
0x326: {  	v50 =	vld.idx.msk [tilespmem:v27+s9+$0x0], $0xffff;
	v25 =	vor.u32 v25, v49  }
0x327: {  	v51 =	vld.idx.msk [tilespmem:v26+s12+$0x0], $0xffff;
	v25 =	vadd.s32 $0x20, v25  }
0x328: {  	v52 =	vld.idx.msk [tilespmem:v26+s13+$0x0], $0xffff  }
0x329: {  	v28 =	vadd.s32 v22, v45;
	v29 =	vld.idx.msk [tilespmem:v46+s18+$0x0], $0xffff  }
0x32a: {  	v31 =	vld.idx.msk [tilespmem:v48+s18+$0x0], $0xffff;
	_ =	sdelay $0x1  }
0x32b: {  	v25 =	vld.idx.msk [tilespmem:v25+s18+$0x0], $0xffff  }
0x32c: {  	v53 =	vmul.f32 v52, v50;
	v34 =	vmul.f32 v52, v47  }
0x32d: {  	v33 =	vmul.f32 v51, v50;
	v28 =	vld.idx.msk [tilespmem:v28+s18+$0x0], $0xffff  }
0x32e: {  	v29 =	vmul.f32 v29, v53;
	v31 =	vmul.f32 v31, v34;
	_ =	sdelay $0x1  }
0x32f: {  	v30 =	vmul.f32 v51, v47;
	v29 =	vadd.f32 v31, v29;
	v25 =	vmul.f32 v25, v33  }
0x330: {  	v27 =	vld.idx.msk [tilespmem:v27+s10+$0x0], $0xffff  }
0x331: {  	v28 =	vmul.f32 v28, v30;
	v25 =	vadd.f32 v25, v29  }
0x332: {  	v26 =	vld.idx.msk [tilespmem:v26+s14+$0x0], $0xffff  }
0x333: {  	v25 =	vadd.f32 v28, v25  }
0x334: {  	v54 =	vmov s26  }
0x335: {  	v25 =	vmul.f32 v25, v27;
	v27 =	vor.u32 $0x6, v54;
	_ =	sdelay $0x1  }
0x336: {  	v25 =	vmul.f32 v25, v26;
	_ =	sdelay $0x1  }
0x337: {  	[tilespmem:s25+$0xFFFFFFF0] =	vst v25  }
0x338: {  	v25 =	vld.idx.msk [tilespmem:v27+s11+$0x0], $0xffff;
	_ =	sdelay $0x4  }
0x339: {  	v26 =	vadd.s32 s28, v25  }
0x33a: {  	v55 =	vadd.s32 $0x180, v26  }
0x33b: {  	v56 =	vld.idx.msk [tilespmem:v27+s8+$0x0], $0xffff;
	v25 =	vand.u32 $0xF, v25;
	v57 =	vadd.s32 $0x181, v26;
	v58 =	vand.u32 $0xFFFFFFF0, v55  }
0x33c: {  	v59 =	vld.idx.msk [tilespmem:v27+s9+$0x0], $0xffff;
	v25 =	vor.u32 v25, v58  }
0x33d: {  	v60 =	vld.idx.msk [tilespmem:v27+s12+$0x0], $0xffff;
	v25 =	vadd.s32 $0x20, v25  }
0x33e: {  	v61 =	vld.idx.msk [tilespmem:v27+s13+$0x0], $0xffff  }
0x33f: {  	v26 =	vadd.s32 $0x1A1, v26;
	v28 =	vld.idx.msk [tilespmem:v55+s18+$0x0], $0xffff  }
0x340: {  	v30 =	vld.idx.msk [tilespmem:v57+s18+$0x0], $0xffff;
	_ =	sdelay $0x1  }
0x341: {  	v25 =	vld.idx.msk [tilespmem:v25+s18+$0x0], $0xffff  }
0x342: {  	v62 =	vmul.f32 v61, v59;
	v33 =	vmul.f32 v61, v56  }
0x343: {  	v32 =	vmul.f32 v60, v59;
	v26 =	vld.idx.msk [tilespmem:v26+s18+$0x0], $0xffff  }
0x344: {  	v28 =	vmul.f32 v28, v62;
	v30 =	vmul.f32 v30, v33;
	_ =	sdelay $0x1  }
0x345: {  	v29 =	vmul.f32 v60, v56;
	v28 =	vadd.f32 v30, v28;
	v25 =	vmul.f32 v25, v32  }
0x346: {  	v63 =	vld.idx.msk [tilespmem:v27+s10+$0x0], $0xffff  }
0x347: {  	v26 =	vmul.f32 v26, v29;
	v25 =	vadd.f32 v25, v28  }
0x348: {  	v27 =	vld.idx.msk [tilespmem:v27+s14+$0x0], $0xffff  }
0x349: {  	s22 =	sadd.s32 $0x2, s22;
	v25 =	vadd.f32 v26, v25  }
0x34a: {  	p0 =	slt.u32 s22, $0x9E  }
.Ltmp3:
0x34b: {  	v25 =	vmul.f32 v25, v63;
	(pc) =	sbr.rel @p0 .LBB2_8-.Ltmp3, $3  }
0x34c: {  	_ = 	snop  }
0x34d: {  	v25 =	vmul.f32 v25, v27;
	_ =	sdelay $0x1  }
0x34e: {  	s23 =	sadd.s32 $0x10, s23;
	s24 =	sadd.s32 $0x380, s24;
	[tilespmem:s25+$0x0] =	vst v25;
	s25 =	sadd.s32 $0x80, s25  }
0x34f: {  	s21 =	sadd.s32 $0x1, s21  }
0x350: {  	p0 =	sne.s32 s21, s6  }
.Ltmp4:
0x351: {  	_ = 	snop;
	(pc) =	sbr.rel @p0 .LBB2_1-.Ltmp4, $4  }
0x352: {  	[hbm4b:s5+s2] =	stream.linear.scatter [tilespmem:s20], [sflag:$0x3], $0x2800, $0x38;
	[tilespmem:$0x17CA0] =	vst v63  }
0x353: {  	_ =	swait.ge [sflag:s7], $0x2800  }
0x354: {  	[sflag:s7] =	ssyncset.done $0x0  }
0x355: {  	[sflag:s7] =	ssyncadd.s32 $0xFFFFD800  }
0x356: {  	_ =	sfence.sel $0x180000  }
0x357: {  	[bflag:$0x0] =	sbarrier.arrive $0xFFFF  }
0x358: {  	p0 =	sne.s32 s0, $0x0;
	_ =	strace $0x90000047  }
0x359: {  	s0 =	sadd.s32 @!p0 $0x100000, s1;
	[bflag:$0x2] =	sbarrier.arrive $0xFFFF  }
0x35a: {  	[sflag:s0] =	ssyncadd.tile.s32 @!p0 $0x1;
	_ =	shalt  }
.Lfunc_end2:
_tile_overlayer_lowered:
.L_overlay_start_2:
0x35b: {  	(tag) =	ssettag $0x2  }
0x35c: {  	s0 =	rddreg [dreg:$0x0];
	s2 =	stileid.u32  }
0x35d: {  	s1 =	rddreg [dreg:$0x1];
	p0 =	sne.s32 s2, $0x0  }
0x35e: {  	s3 =	rddreg [dreg:$0x2];
	[bflag:$0x3] =	sbarrier.arrive $0xFFFF;
	s2 =	simm.s32 @!p0 $0x1C03  }
0x35f: {  	[timem:s3], [sflag:s2] =	dma.local @!p0 [hbm:s0], s1  }
0x360: {  	s0 =	simm.s32 @!p0 $0x3  }
0x361: {  	_ =	swait.ge @!p0 [sflag:s0], s1  }
0x362: {  	s1 =	ssub.s32 @!p0 $0x0, s1;
	[sflag:s0] =	ssyncset.done @!p0 $0x0  }
0x363: {  	[sflag:s0] =	ssyncadd.s32 @!p0 s1  }
0x364: {  	[bflag:$0x3] =	sbarrier.arrive $0xFFFF  }
0x365: {  	_ =	shalt  }

</sc_bundles>
